<compile_context>
chip_gen: v7x
topology: tpu7x:2x2x1
jax: 0.10.2.dev20260603
libtpu: 0.0.44.dev20260713+nightly
codegen_flags: <defaults>
</compile_context>

<pallas_src>
import jax
import jax.numpy as jnp
from jax import lax
from jax.experimental import pallas as pl
from jax.experimental.pallas import tpu as pltpu
from jax.experimental.pallas import tpu_sc as plsc

_NC = 2
_NS = 16
_NW = _NC * _NS
_D = 64
_R = 16
_SCALE = 2.0
_CHUNK = 128
_TW = 250


def _sc_body(x_hbm, w_hbm, a_hbm, bt_hbm, out_hbm, at_hbm,
             idx_all, w_rows0, w_rows1, a_rows0, a_rows1, bt_v,
             tbuf0, tbuf1, tout0, tout1,
             sem_w0, sem_w1, sem_a0, sem_a1, sem_o0, sem_o1,
             sem_ti0, sem_ti1, sem_to0, sem_to1):
  cid = lax.axis_index("c")
  tid = lax.axis_index("s")
  wid = tid * _NC + cid
  kt = a_hbm.shape[1] // _NS
  j0 = tid * kt
  g_total = idx_all.shape[0]
  n_w = g_total * _CHUNK
  lane_iota = lax.iota(jnp.int32, 16)

  tb = [tbuf0, tbuf1]
  to = [tout0, tout1]
  sti = [sem_ti0, sem_ti1]
  sto = [sem_to0, sem_to1]

  def ti_refs(k, s):
    return (a_hbm.at[:, j0 + k, :], tb[s], sti[s])

  def to_refs(k, s):
    return (to[s], at_hbm.at[cid, pl.ds((j0 + k) * _TW, _TW), :], sto[s])

  def ti_start(k, s):
    pltpu.async_copy(*ti_refs(k, s))

  def ti_wait(k, s):
    pltpu.make_async_copy(*ti_refs(k, s)).wait()

  def to_start(k, s):
    pltpu.async_copy(*to_refs(k, s))

  def to_wait(k, s):
    pltpu.make_async_copy(*to_refs(k, s)).wait()

  def t_cmp(s):
    tbuf, tout = tb[s], to[s]

    @plsc.parallel_loop(0, _TW, unroll=4)
    def body(i):
      vec = plsc.load_gather(tbuf, [lane_iota, jnp.full((16,), i, jnp.int32)])
      tout[i, :] = vec

  ti_start(0, 0)
  ti_start(1, 1)
  ti_wait(0, 0)
  t_cmp(0)
  to_start(0, 0)
  ti_start(2, 0)
  ti_wait(1, 1)
  t_cmp(1)
  to_start(1, 1)
  ti_start(3, 1)

  def t_pair(h, c):
    for off, s in ((2, 0), (3, 1)):
      k = 2 * h + off
      ti_wait(k, s)
      to_wait(k, s)
      t_cmp(s)
      to_start(k, s)
      ti_start(k + 2, s)
    return c

  lax.fori_loop(0, (kt - 4) // 2, t_pair, 0)
  for k, s in ((kt - 2, 0), (kt - 1, 1)):
    ti_wait(k, s)
    to_wait(k, s)
    t_cmp(s)
    to_start(k, s)
  to_wait(kt - 2, 0)
  to_wait(kt - 1, 1)

  plsc.subcore_barrier()

  pltpu.sync_copy(bt_hbm, bt_v)
  pltpu.sync_copy(x_hbm.at[wid], idx_all)
  bt_bf = []
  for r in range(_R):
    row = [bt_v[r, 16 * d:16 * (d + 1)] for d in range(4)]
    bt_bf.append((
        plsc.pack(row[0], row[1], format=plsc.PackFormat.INTERLEAVED),
        plsc.pack(row[2], row[3], format=plsc.PackFormat.INTERLEAVED),
    ))

  wr = [w_rows0, w_rows1]
  ar = [a_rows0, a_rows1]
  swg = [sem_w0, sem_w1]
  sag = [sem_a0, sem_a1]
  sou = [sem_o0, sem_o1]
  at_mine = at_hbm.at[cid]

  def gw_refs(k, s):
    return (w_hbm.at[idx_all.at[k]], wr[s], swg[s])

  def ga_refs(k, s):
    return (at_mine.at[idx_all.at[k]], ar[s], sag[s])

  def go_refs(k, s):
    base = wid * n_w + k * _CHUNK
    return (wr[s], out_hbm.at[pl.ds(base, _CHUNK)], sou[s])

  def g_start(k, s):
    pltpu.async_copy(*gw_refs(k, s))
    pltpu.async_copy(*ga_refs(k, s))

  def g_wait(k, s):
    pltpu.make_async_copy(*gw_refs(k, s)).wait()
    pltpu.make_async_copy(*ga_refs(k, s)).wait()

  def o_start(k, s):
    pltpu.async_copy(*go_refs(k, s))

  def o_wait(k, s):
    pltpu.make_async_copy(*go_refs(k, s)).wait()

  def b_cmp(s):
    w_rows, a_rows = wr[s], ar[s]

    @plsc.parallel_loop(0, _CHUNK, unroll=2)
    def per_index(i):
      a_vec = a_rows[i, :]
      acc0 = jnp.zeros((32,), jnp.bfloat16)
      acc1 = jnp.zeros((32,), jnp.bfloat16)
      for r in range(_R):
        s_f = jnp.broadcast_to(a_vec[r], (16,))
        s_bf = plsc.pack(s_f, s_f, format=plsc.PackFormat.INTERLEAVED)
        acc0 = acc0 + bt_bf[r][0] * s_bf
        acc1 = acc1 + bt_bf[r][1] * s_bf
      d0, d1 = plsc.unpack(acc0, format=plsc.PackFormat.INTERLEAVED)
      d2, d3 = plsc.unpack(acc1, format=plsc.PackFormat.INTERLEAVED)
      for d, dv in enumerate((d0, d1, d2, d3)):
        w_rows[i, 16 * d:16 * (d + 1)] = w_rows[i, 16 * d:16 * (d + 1)] + dv

  g_start(0, 0)
  g_start(1, 1)
  g_wait(0, 0)
  b_cmp(0)
  o_start(0, 0)
  g_start(2, 0)
  g_wait(1, 1)
  b_cmp(1)
  o_start(1, 1)
  g_start(3, 1)

  def b_pair(h, c):
    for off, s in ((2, 0), (3, 1)):
      k = 2 * h + off
      g_wait(k, s)
      o_wait(k, s)
      b_cmp(s)
      o_start(k, s)
      g_start(k + 2, s)
    return c

  lax.fori_loop(0, (g_total - 4) // 2, b_pair, 0)
  for k, s in ((g_total - 2, 0), (g_total - 1, 1)):
    g_wait(k, s)
    o_wait(k, s)
    b_cmp(s)
    o_start(k, s)
  o_wait(g_total - 2, 0)
  o_wait(g_total - 1, 1)


def kernel(x, weight, lora_a, lora_b):
  b, l = x.shape
  n = b * l
  v = weight.shape[0]
  g_total = n // (_NW * _CHUNK)
  xf = x.reshape(_NW, g_total, _CHUNK)
  a3 = lora_a.reshape(_R, v // _TW, _TW)
  bt = (lora_b * _SCALE).T

  mesh = plsc.VectorSubcoreMesh(core_axis_name="c", subcore_axis_name="s")
  f = pl.kernel(
      _sc_body,
      mesh=mesh,
      out_type=(
          jax.ShapeDtypeStruct((n, _D), jnp.float32),
          jax.ShapeDtypeStruct((_NC, v, _R), jnp.float32),
      ),
      scratch_types=[
          pltpu.VMEM((g_total, _CHUNK), jnp.int32),
          pltpu.VMEM((_CHUNK, _D), jnp.float32),
          pltpu.VMEM((_CHUNK, _D), jnp.float32),
          pltpu.VMEM((_CHUNK, _R), jnp.float32),
          pltpu.VMEM((_CHUNK, _R), jnp.float32),
          pltpu.VMEM((_R, _D), jnp.float32),
          pltpu.VMEM((_R, _TW), jnp.float32),
          pltpu.VMEM((_R, _TW), jnp.float32),
          pltpu.VMEM((_TW, _R), jnp.float32),
          pltpu.VMEM((_TW, _R), jnp.float32),
          pltpu.SemaphoreType.DMA,
          pltpu.SemaphoreType.DMA,
          pltpu.SemaphoreType.DMA,
          pltpu.SemaphoreType.DMA,
          pltpu.SemaphoreType.DMA,
          pltpu.SemaphoreType.DMA,
          pltpu.SemaphoreType.DMA,
          pltpu.SemaphoreType.DMA,
          pltpu.SemaphoreType.DMA,
          pltpu.SemaphoreType.DMA,
      ],
      compiler_params=pltpu.CompilerParams(use_tc_tiling_on_sc=False,
                                           needs_layout_passes=False),
  )
  out, _ = f(xf, weight, a3, bt)
  return out.reshape(b, l, _D)

# --- scband reference (transcript-rebuilt; emitter-appended) ---
"""Pipeline reference for scband-lora-embedding-17308718203632 (READ-ONLY COPY).

The authoritative reference and input builder live on the scoring server;
editing this copy changes nothing except your own understanding.
"""

import jax, jax.numpy as jnp
import numpy as np

NUM_EMBEDDINGS = 1000000
EMBEDDING_DIM = 64
R = 16
LORA_ALPHA = 32.0
SCALING = LORA_ALPHA / R


def setup_inputs(seed: int = 0) -> dict:
    key = jax.random.key(seed)
    k1, k2, k3, k4 = jax.random.split(key, 4)
    x = jax.random.randint(k1, (16384, 50), 0, NUM_EMBEDDINGS, dtype=jnp.int64 if jax.config.jax_enable_x64 else jnp.int32)
    # Base embedding table (N(0,1) init like nn.Embedding.reset_parameters)
    weight = jax.random.normal(k2, (NUM_EMBEDDINGS, EMBEDDING_DIM), dtype=jnp.float32)
    # LoRA A is initialized to zeros in the module; use small random values so the
    # low-rank path contributes non-trivially to the computation (math is identical).
    lora_a = jax.random.normal(k3, (R, NUM_EMBEDDINGS), dtype=jnp.float32) * 0.02
    lora_b = jax.random.normal(k4, (EMBEDDING_DIM, R), dtype=jnp.float32)
    return {"x": x, "weight": weight, "lora_a": lora_a, "lora_b": lora_b}


def reference(x, weight, lora_a, lora_b):
    # result = F.embedding(x, weight)
    result = jnp.take(weight, x, axis=0)                      # [B, L, D]
    # after_a = F.embedding(x, lora_a.T)  -> gather rows of lora_a^T [V, r]
    after_a = jnp.take(lora_a.T, x, axis=0)                   # [B, L, r]
    # result += after_a @ lora_b.T * scaling
    result = result + (after_a @ lora_b.T) * SCALING          # [B, L, D]
    return result

if __name__ == "__main__":
    import jax
    _d = setup_inputs()
    print(jax.jit(kernel)(*tuple(_d.values())))

</pallas_src>

<mosaic_0001>
#map = affine_map<(d0, d1) -> (0, 0, 0)>
#map1 = affine_map<(d0, d1) -> (0, 0)>
module attributes {stable_mosaic.version = 14 : i64} {
  func.func @_sc_body(%arg0: i32, %arg1: i32, %arg2: memref<32x200x128xi32, #tpu.memory_space<hbm>>, %arg3: memref<1000000x64xf32, #tpu.memory_space<hbm>>, %arg4: memref<16x4000x250xf32, #tpu.memory_space<hbm>>, %arg5: memref<16x64xf32, #tpu.memory_space<hbm>>, %arg6: memref<819200x64xf32, #tpu.memory_space<hbm>>, %arg7: memref<2x1000000x16xf32, #tpu.memory_space<hbm>>, %arg8: memref<200x128xi32, #tpu.memory_space<vmem>>, %arg9: memref<128x64xf32, #tpu.memory_space<vmem>>, %arg10: memref<128x64xf32, #tpu.memory_space<vmem>>, %arg11: memref<128x16xf32, #tpu.memory_space<vmem>>, %arg12: memref<128x16xf32, #tpu.memory_space<vmem>>, %arg13: memref<16x64xf32, #tpu.memory_space<vmem>>, %arg14: memref<16x250xf32, #tpu.memory_space<vmem>>, %arg15: memref<16x250xf32, #tpu.memory_space<vmem>>, %arg16: memref<250x16xf32, #tpu.memory_space<vmem>>, %arg17: memref<250x16xf32, #tpu.memory_space<vmem>>, %arg18: memref<!tpu.dma_semaphore, #tpu.memory_space<semaphore_mem>>, %arg19: memref<!tpu.dma_semaphore, #tpu.memory_space<semaphore_mem>>, %arg20: memref<!tpu.dma_semaphore, #tpu.memory_space<semaphore_mem>>, %arg21: memref<!tpu.dma_semaphore, #tpu.memory_space<semaphore_mem>>, %arg22: memref<!tpu.dma_semaphore, #tpu.memory_space<semaphore_mem>>, %arg23: memref<!tpu.dma_semaphore, #tpu.memory_space<semaphore_mem>>, %arg24: memref<!tpu.dma_semaphore, #tpu.memory_space<semaphore_mem>>, %arg25: memref<!tpu.dma_semaphore, #tpu.memory_space<semaphore_mem>>, %arg26: memref<!tpu.dma_semaphore, #tpu.memory_space<semaphore_mem>>, %arg27: memref<!tpu.dma_semaphore, #tpu.memory_space<semaphore_mem>>) attributes {dimension_semantics = [#tpu.dimension_semantics<core_parallel>, #tpu.dimension_semantics<subcore_parallel>], iteration_bounds = array<i64: 2, 16>, scalar_prefetch = 0 : i64, scratch_operands = 20 : i64, tpu.core_type = #tpu.core_type<sc_vector_subcore>, window_params = [{transform_indices = #map}, {transform_indices = #map1}, {transform_indices = #map}, {transform_indices = #map1}, {transform_indices = #map1}, {transform_indices = #map}]} {
    %mul3A = arith.constant 2 : i32
    %mul3A_0 = arith.muli %arg1, %mul3A : i32
    %add3A = arith.addi %mul3A_0, %arg0 : i32
    %mul3A_1 = arith.constant 250 : i32
    %mul3A_2 = arith.muli %arg1, %mul3A_1 : i32
    %iota3A = tpu.iota {dimensions = array<i32: 0>} : vector<16xi32>
    %add3A_3 = arith.constant 0 : i32
    %add3A_4 = arith.addi %mul3A_2, %add3A_3 : i32
    %dma_start3A = arith.constant 0 : i32
    %dma_start3A_5 = arith.constant 0 : i32
    %dma_start3A_6 = tpu.memref_slice %arg4[%dma_start3A, %add3A_4, %dma_start3A_5] : memref<16x4000x250xf32, #tpu.memory_space<hbm>> -> memref<16x1x250xf32, #tpu.memory_space<hbm>>
    %dma_start3A_7 = tpu.memref_squeeze %dma_start3A_6 : memref<16x1x250xf32, #tpu.memory_space<hbm>> -> memref<16x250xf32, #tpu.memory_space<hbm>>
    %dma_start3A_8 = arith.constant 0 : i32
    %dma_start3A_9 = arith.constant 0 : i32
    %dma_start3A_10 = tpu.memref_slice %arg4[%dma_start3A_8, %add3A_4, %dma_start3A_9] : memref<16x4000x250xf32, #tpu.memory_space<hbm>> -> memref<16x1x250xf32, #tpu.memory_space<hbm>>
    %dma_start3A_11 = tpu.memref_squeeze %dma_start3A_10 : memref<16x1x250xf32, #tpu.memory_space<hbm>> -> memref<16x250xf32, #tpu.memory_space<hbm>>
    tpu.enqueue_dma source(%dma_start3A_11 : memref<16x250xf32, #tpu.memory_space<hbm>>) target(%arg14 : memref<16x250xf32, #tpu.memory_space<vmem>>) target_semaphore(%arg24 : memref<!tpu.dma_semaphore, #tpu.memory_space<semaphore_mem>>)
    %add3A_12 = arith.constant 1 : i32
    %add3A_13 = arith.addi %mul3A_2, %add3A_12 : i32
    %dma_start3A_14 = arith.constant 0 : i32
    %dma_start3A_15 = arith.constant 0 : i32
    %dma_start3A_16 = tpu.memref_slice %arg4[%dma_start3A_14, %add3A_13, %dma_start3A_15] : memref<16x4000x250xf32, #tpu.memory_space<hbm>> -> memref<16x1x250xf32, #tpu.memory_space<hbm>>
    %dma_start3A_17 = tpu.memref_squeeze %dma_start3A_16 : memref<16x1x250xf32, #tpu.memory_space<hbm>> -> memref<16x250xf32, #tpu.memory_space<hbm>>
    %dma_start3A_18 = arith.constant 0 : i32
    %dma_start3A_19 = arith.constant 0 : i32
    %dma_start3A_20 = tpu.memref_slice %arg4[%dma_start3A_18, %add3A_13, %dma_start3A_19] : memref<16x4000x250xf32, #tpu.memory_space<hbm>> -> memref<16x1x250xf32, #tpu.memory_space<hbm>>
    %dma_start3A_21 = tpu.memref_squeeze %dma_start3A_20 : memref<16x1x250xf32, #tpu.memory_space<hbm>> -> memref<16x250xf32, #tpu.memory_space<hbm>>
    tpu.enqueue_dma source(%dma_start3A_21 : memref<16x250xf32, #tpu.memory_space<hbm>>) target(%arg15 : memref<16x250xf32, #tpu.memory_space<vmem>>) target_semaphore(%arg25 : memref<!tpu.dma_semaphore, #tpu.memory_space<semaphore_mem>>)
    %add3A_22 = arith.constant 0 : i32
    %add3A_23 = arith.addi %mul3A_2, %add3A_22 : i32
    %dma_wait3A = arith.constant 0 : i32
    %dma_wait3A_24 = arith.constant 0 : i32
    %dma_wait3A_25 = tpu.memref_slice %arg4[%dma_wait3A, %add3A_23, %dma_wait3A_24] : memref<16x4000x250xf32, #tpu.memory_space<hbm>> -> memref<16x1x250xf32, #tpu.memory_space<hbm>>
    %dma_wait3A_26 = tpu.memref_squeeze %dma_wait3A_25 : memref<16x1x250xf32, #tpu.memory_space<hbm>> -> memref<16x250xf32, #tpu.memory_space<hbm>>
    %dma_wait3A_27 = arith.constant 0 : i32
    %dma_wait3A_28 = arith.constant 0 : i32
    %dma_wait3A_29 = tpu.memref_slice %arg4[%dma_wait3A_27, %add3A_23, %dma_wait3A_28] : memref<16x4000x250xf32, #tpu.memory_space<hbm>> -> memref<16x1x250xf32, #tpu.memory_space<hbm>>
    %dma_wait3A_30 = tpu.memref_squeeze %dma_wait3A_29 : memref<16x1x250xf32, #tpu.memory_space<hbm>> -> memref<16x250xf32, #tpu.memory_space<hbm>>
    tpu.wait_dma2 semaphore(%arg24 : memref<!tpu.dma_semaphore, #tpu.memory_space<semaphore_mem>>) src(%dma_wait3A_30 : memref<16x250xf32, #tpu.memory_space<hbm>>) dst(%arg14 : memref<16x250xf32, #tpu.memory_space<vmem>>)
    %parallel_loop3A = arith.constant 0 : i32
    %parallel_loop3A_31 = arith.constant 250 : i32
    %parallel_loop3A_32 = arith.constant 1 : i32
    scf.for %parallel_loop3A_689 = %parallel_loop3A to %parallel_loop3A_31 step %parallel_loop3A_32  : i32 {
      %parallel_loop3A_690 = vector.broadcast %parallel_loop3A_689 : i32 to vector<16xi32>
      %parallel_loop3A_691 = tpu.vector_load_idx %arg14[%iota3A, %parallel_loop3A_690] : memref<16x250xf32, #tpu.memory_space<vmem>>[vector<16xi32>, vector<16xi32>], vector<16xf32>,
      %parallel_loop3A_692 = arith.index_cast %parallel_loop3A_689 : i32 to index
      %parallel_loop3A_693 = arith.constant 0 : index
      %parallel_loop3A_694 = tpu.vector_load %arg16[%parallel_loop3A_692, %parallel_loop3A_693] {strides = array<i32>} : memref<250x16xf32, #tpu.memory_space<vmem>>, vector<16xf32>,
      tpu.vector_store %arg16[%parallel_loop3A_692, %parallel_loop3A_693], %parallel_loop3A_691 {strides = array<i32>} : memref<250x16xf32, #tpu.memory_space<vmem>>, vector<16xf32>,
    } {sc.loop_unroll_factor = 4 : i64, sc.parallel_access}
    %add3A_33 = arith.constant 0 : i32
    %add3A_34 = arith.addi %mul3A_2, %add3A_33 : i32
    %mul3A_35 = arith.constant 250 : i32
    %mul3A_36 = arith.muli %add3A_34, %mul3A_35 : i32
    %dma_start3A_37 = arith.constant 0 : i32
    %dma_start3A_38 = tpu.memref_slice %arg7[%arg0, %mul3A_36, %dma_start3A_37] : memref<2x1000000x16xf32, #tpu.memory_space<hbm>> -> memref<1x250x16xf32, #tpu.memory_space<hbm>>
    %dma_start3A_39 = tpu.memref_squeeze %dma_start3A_38 : memref<1x250x16xf32, #tpu.memory_space<hbm>> -> memref<250x16xf32, #tpu.memory_space<hbm>>
    %dma_start3A_40 = arith.constant 0 : i32
    %dma_start3A_41 = tpu.memref_slice %arg7[%arg0, %mul3A_36, %dma_start3A_40] : memref<2x1000000x16xf32, #tpu.memory_space<hbm>> -> memref<1x250x16xf32, #tpu.memory_space<hbm>>
    %dma_start3A_42 = tpu.memref_squeeze %dma_start3A_41 : memref<1x250x16xf32, #tpu.memory_space<hbm>> -> memref<250x16xf32, #tpu.memory_space<hbm>>
    tpu.enqueue_dma source(%arg16 : memref<250x16xf32, #tpu.memory_space<vmem>>) target(%dma_start3A_42 : memref<250x16xf32, #tpu.memory_space<hbm>>) target_semaphore(%arg26 : memref<!tpu.dma_semaphore, #tpu.memory_space<semaphore_mem>>)
    %add3A_43 = arith.constant 2 : i32
    %add3A_44 = arith.addi %mul3A_2, %add3A_43 : i32
    %dma_start3A_45 = arith.constant 0 : i32
    %dma_start3A_46 = arith.constant 0 : i32
    %dma_start3A_47 = tpu.memref_slice %arg4[%dma_start3A_45, %add3A_44, %dma_start3A_46] : memref<16x4000x250xf32, #tpu.memory_space<hbm>> -> memref<16x1x250xf32, #tpu.memory_space<hbm>>
    %dma_start3A_48 = tpu.memref_squeeze %dma_start3A_47 : memref<16x1x250xf32, #tpu.memory_space<hbm>> -> memref<16x250xf32, #tpu.memory_space<hbm>>
    %dma_start3A_49 = arith.constant 0 : i32
    %dma_start3A_50 = arith.constant 0 : i32
    %dma_start3A_51 = tpu.memref_slice %arg4[%dma_start3A_49, %add3A_44, %dma_start3A_50] : memref<16x4000x250xf32, #tpu.memory_space<hbm>> -> memref<16x1x250xf32, #tpu.memory_space<hbm>>
    %dma_start3A_52 = tpu.memref_squeeze %dma_start3A_51 : memref<16x1x250xf32, #tpu.memory_space<hbm>> -> memref<16x250xf32, #tpu.memory_space<hbm>>
    tpu.enqueue_dma source(%dma_start3A_52 : memref<16x250xf32, #tpu.memory_space<hbm>>) target(%arg14 : memref<16x250xf32, #tpu.memory_space<vmem>>) target_semaphore(%arg24 : memref<!tpu.dma_semaphore, #tpu.memory_space<semaphore_mem>>)
    %add3A_53 = arith.constant 1 : i32
    %add3A_54 = arith.addi %mul3A_2, %add3A_53 : i32
    %dma_wait3A_55 = arith.constant 0 : i32
    %dma_wait3A_56 = arith.constant 0 : i32
    %dma_wait3A_57 = tpu.memref_slice %arg4[%dma_wait3A_55, %add3A_54, %dma_wait3A_56] : memref<16x4000x250xf32, #tpu.memory_space<hbm>> -> memref<16x1x250xf32, #tpu.memory_space<hbm>>
    %dma_wait3A_58 = tpu.memref_squeeze %dma_wait3A_57 : memref<16x1x250xf32, #tpu.memory_space<hbm>> -> memref<16x250xf32, #tpu.memory_space<hbm>>
    %dma_wait3A_59 = arith.constant 0 : i32
    %dma_wait3A_60 = arith.constant 0 : i32
    %dma_wait3A_61 = tpu.memref_slice %arg4[%dma_wait3A_59, %add3A_54, %dma_wait3A_60] : memref<16x4000x250xf32, #tpu.memory_space<hbm>> -> memref<16x1x250xf32, #tpu.memory_space<hbm>>
    %dma_wait3A_62 = tpu.memref_squeeze %dma_wait3A_61 : memref<16x1x250xf32, #tpu.memory_space<hbm>> -> memref<16x250xf32, #tpu.memory_space<hbm>>
    tpu.wait_dma2 semaphore(%arg25 : memref<!tpu.dma_semaphore, #tpu.memory_space<semaphore_mem>>) src(%dma_wait3A_62 : memref<16x250xf32, #tpu.memory_space<hbm>>) dst(%arg15 : memref<16x250xf32, #tpu.memory_space<vmem>>)
    %parallel_loop3A_63 = arith.constant 0 : i32
    %parallel_loop3A_64 = arith.constant 250 : i32
    %parallel_loop3A_65 = arith.constant 1 : i32
    scf.for %parallel_loop3A_689 = %parallel_loop3A_63 to %parallel_loop3A_64 step %parallel_loop3A_65  : i32 {
      %parallel_loop3A_690 = vector.broadcast %parallel_loop3A_689 : i32 to vector<16xi32>
      %parallel_loop3A_691 = tpu.vector_load_idx %arg15[%iota3A, %parallel_loop3A_690] : memref<16x250xf32, #tpu.memory_space<vmem>>[vector<16xi32>, vector<16xi32>], vector<16xf32>,
      %parallel_loop3A_692 = arith.index_cast %parallel_loop3A_689 : i32 to index
      %parallel_loop3A_693 = arith.constant 0 : index
      %parallel_loop3A_694 = tpu.vector_load %arg17[%parallel_loop3A_692, %parallel_loop3A_693] {strides = array<i32>} : memref<250x16xf32, #tpu.memory_space<vmem>>, vector<16xf32>,
      tpu.vector_store %arg17[%parallel_loop3A_692, %parallel_loop3A_693], %parallel_loop3A_691 {strides = array<i32>} : memref<250x16xf32, #tpu.memory_space<vmem>>, vector<16xf32>,
    } {sc.loop_unroll_factor = 4 : i64, sc.parallel_access}
    %add3A_66 = arith.constant 1 : i32
    %add3A_67 = arith.addi %mul3A_2, %add3A_66 : i32
    %mul3A_68 = arith.constant 250 : i32
    %mul3A_69 = arith.muli %add3A_67, %mul3A_68 : i32
    %dma_start3A_70 = arith.constant 0 : i32
    %dma_start3A_71 = tpu.memref_slice %arg7[%arg0, %mul3A_69, %dma_start3A_70] : memref<2x1000000x16xf32, #tpu.memory_space<hbm>> -> memref<1x250x16xf32, #tpu.memory_space<hbm>>
    %dma_start3A_72 = tpu.memref_squeeze %dma_start3A_71 : memref<1x250x16xf32, #tpu.memory_space<hbm>> -> memref<250x16xf32, #tpu.memory_space<hbm>>
    %dma_start3A_73 = arith.constant 0 : i32
    %dma_start3A_74 = tpu.memref_slice %arg7[%arg0, %mul3A_69, %dma_start3A_73] : memref<2x1000000x16xf32, #tpu.memory_space<hbm>> -> memref<1x250x16xf32, #tpu.memory_space<hbm>>
    %dma_start3A_75 = tpu.memref_squeeze %dma_start3A_74 : memref<1x250x16xf32, #tpu.memory_space<hbm>> -> memref<250x16xf32, #tpu.memory_space<hbm>>
    tpu.enqueue_dma source(%arg17 : memref<250x16xf32, #tpu.memory_space<vmem>>) target(%dma_start3A_75 : memref<250x16xf32, #tpu.memory_space<hbm>>) target_semaphore(%arg27 : memref<!tpu.dma_semaphore, #tpu.memory_space<semaphore_mem>>)
    %add3A_76 = arith.constant 3 : i32
    %add3A_77 = arith.addi %mul3A_2, %add3A_76 : i32
    %dma_start3A_78 = arith.constant 0 : i32
    %dma_start3A_79 = arith.constant 0 : i32
    %dma_start3A_80 = tpu.memref_slice %arg4[%dma_start3A_78, %add3A_77, %dma_start3A_79] : memref<16x4000x250xf32, #tpu.memory_space<hbm>> -> memref<16x1x250xf32, #tpu.memory_space<hbm>>
    %dma_start3A_81 = tpu.memref_squeeze %dma_start3A_80 : memref<16x1x250xf32, #tpu.memory_space<hbm>> -> memref<16x250xf32, #tpu.memory_space<hbm>>
    %dma_start3A_82 = arith.constant 0 : i32
    %dma_start3A_83 = arith.constant 0 : i32
    %dma_start3A_84 = tpu.memref_slice %arg4[%dma_start3A_82, %add3A_77, %dma_start3A_83] : memref<16x4000x250xf32, #tpu.memory_space<hbm>> -> memref<16x1x250xf32, #tpu.memory_space<hbm>>
    %dma_start3A_85 = tpu.memref_squeeze %dma_start3A_84 : memref<16x1x250xf32, #tpu.memory_space<hbm>> -> memref<16x250xf32, #tpu.memory_space<hbm>>
    tpu.enqueue_dma source(%dma_start3A_85 : memref<16x250xf32, #tpu.memory_space<hbm>>) target(%arg15 : memref<16x250xf32, #tpu.memory_space<vmem>>) target_semaphore(%arg25 : memref<!tpu.dma_semaphore, #tpu.memory_space<semaphore_mem>>)
    %scan3A = arith.constant 0 : i32
    %scan3A_86 = arith.constant 0 : i32
    %scan3A_87 = arith.constant 123 : i32
    %scan3A_88 = arith.addi %scan3A_86, %scan3A_87 : i32
    %scan3A_89 = arith.constant 1 : i32
    scf.for %scan3A_689 = %scan3A_86 to %scan3A_88 step %scan3A_89  : i32 {
      %mul3A_690 = arith.constant 2 : i32
      %mul3A_691 = arith.muli %mul3A_690, %scan3A_689 : i32
      %add3A_692 = arith.constant 2 : i32
      %add3A_693 = arith.addi %mul3A_691, %add3A_692 : i32
      %add3A_694 = arith.addi %mul3A_2, %add3A_693 : i32
      %dma_wait3A_695 = arith.constant 0 : i32
      %dma_wait3A_696 = arith.constant 0 : i32
      %dma_wait3A_697 = tpu.memref_slice %arg4[%dma_wait3A_695, %add3A_694, %dma_wait3A_696] : memref<16x4000x250xf32, #tpu.memory_space<hbm>> -> memref<16x1x250xf32, #tpu.memory_space<hbm>>
      %dma_wait3A_698 = tpu.memref_squeeze %dma_wait3A_697 : memref<16x1x250xf32, #tpu.memory_space<hbm>> -> memref<16x250xf32, #tpu.memory_space<hbm>>
      %dma_wait3A_699 = arith.constant 0 : i32
      %dma_wait3A_700 = arith.constant 0 : i32
      %dma_wait3A_701 = tpu.memref_slice %arg4[%dma_wait3A_699, %add3A_694, %dma_wait3A_700] : memref<16x4000x250xf32, #tpu.memory_space<hbm>> -> memref<16x1x250xf32, #tpu.memory_space<hbm>>
      %dma_wait3A_702 = tpu.memref_squeeze %dma_wait3A_701 : memref<16x1x250xf32, #tpu.memory_space<hbm>> -> memref<16x250xf32, #tpu.memory_space<hbm>>
      tpu.wait_dma2 semaphore(%arg24 : memref<!tpu.dma_semaphore, #tpu.memory_space<semaphore_mem>>) src(%dma_wait3A_702 : memref<16x250xf32, #tpu.memory_space<hbm>>) dst(%arg14 : memref<16x250xf32, #tpu.memory_space<vmem>>)
      %add3A_703 = arith.addi %mul3A_2, %add3A_693 : i32
      %mul3A_704 = arith.constant 250 : i32
      %mul3A_705 = arith.muli %add3A_703, %mul3A_704 : i32
      %dma_wait3A_706 = arith.constant 0 : i32
      %dma_wait3A_707 = tpu.memref_slice %arg7[%arg0, %mul3A_705, %dma_wait3A_706] : memref<2x1000000x16xf32, #tpu.memory_space<hbm>> -> memref<1x250x16xf32, #tpu.memory_space<hbm>>
      %dma_wait3A_708 = tpu.memref_squeeze %dma_wait3A_707 : memref<1x250x16xf32, #tpu.memory_space<hbm>> -> memref<250x16xf32, #tpu.memory_space<hbm>>
      %dma_wait3A_709 = arith.constant 0 : i32
      %dma_wait3A_710 = tpu.memref_slice %arg7[%arg0, %mul3A_705, %dma_wait3A_709] : memref<2x1000000x16xf32, #tpu.memory_space<hbm>> -> memref<1x250x16xf32, #tpu.memory_space<hbm>>
      %dma_wait3A_711 = tpu.memref_squeeze %dma_wait3A_710 : memref<1x250x16xf32, #tpu.memory_space<hbm>> -> memref<250x16xf32, #tpu.memory_space<hbm>>
      tpu.wait_dma2 semaphore(%arg26 : memref<!tpu.dma_semaphore, #tpu.memory_space<semaphore_mem>>) src(%arg16 : memref<250x16xf32, #tpu.memory_space<vmem>>) dst(%dma_wait3A_711 : memref<250x16xf32, #tpu.memory_space<hbm>>)
      %parallel_loop3A_712 = arith.constant 0 : i32
      %parallel_loop3A_713 = arith.constant 250 : i32
      %parallel_loop3A_714 = arith.constant 1 : i32
      scf.for %parallel_loop3A_780 = %parallel_loop3A_712 to %parallel_loop3A_713 step %parallel_loop3A_714  : i32 {
        %parallel_loop3A_781 = vector.broadcast %parallel_loop3A_780 : i32 to vector<16xi32>
        %parallel_loop3A_782 = tpu.vector_load_idx %arg14[%iota3A, %parallel_loop3A_781] : memref<16x250xf32, #tpu.memory_space<vmem>>[vector<16xi32>, vector<16xi32>], vector<16xf32>,
        %parallel_loop3A_783 = arith.index_cast %parallel_loop3A_780 : i32 to index
        %parallel_loop3A_784 = arith.constant 0 : index
        %parallel_loop3A_785 = tpu.vector_load %arg16[%parallel_loop3A_783, %parallel_loop3A_784] {strides = array<i32>} : memref<250x16xf32, #tpu.memory_space<vmem>>, vector<16xf32>,
        tpu.vector_store %arg16[%parallel_loop3A_783, %parallel_loop3A_784], %parallel_loop3A_782 {strides = array<i32>} : memref<250x16xf32, #tpu.memory_space<vmem>>, vector<16xf32>,
      } {sc.loop_unroll_factor = 4 : i64, sc.parallel_access}
      %add3A_715 = arith.addi %mul3A_2, %add3A_693 : i32
      %mul3A_716 = arith.constant 250 : i32
      %mul3A_717 = arith.muli %add3A_715, %mul3A_716 : i32
      %dma_start3A_718 = arith.constant 0 : i32
      %dma_start3A_719 = tpu.memref_slice %arg7[%arg0, %mul3A_717, %dma_start3A_718] : memref<2x1000000x16xf32, #tpu.memory_space<hbm>> -> memref<1x250x16xf32, #tpu.memory_space<hbm>>
      %dma_start3A_720 = tpu.memref_squeeze %dma_start3A_719 : memref<1x250x16xf32, #tpu.memory_space<hbm>> -> memref<250x16xf32, #tpu.memory_space<hbm>>
      %dma_start3A_721 = arith.constant 0 : i32
      %dma_start3A_722 = tpu.memref_slice %arg7[%arg0, %mul3A_717, %dma_start3A_721] : memref<2x1000000x16xf32, #tpu.memory_space<hbm>> -> memref<1x250x16xf32, #tpu.memory_space<hbm>>
      %dma_start3A_723 = tpu.memref_squeeze %dma_start3A_722 : memref<1x250x16xf32, #tpu.memory_space<hbm>> -> memref<250x16xf32, #tpu.memory_space<hbm>>
      tpu.enqueue_dma source(%arg16 : memref<250x16xf32, #tpu.memory_space<vmem>>) target(%dma_start3A_723 : memref<250x16xf32, #tpu.memory_space<hbm>>) target_semaphore(%arg26 : memref<!tpu.dma_semaphore, #tpu.memory_space<semaphore_mem>>)
      %add3A_724 = arith.constant 2 : i32
      %add3A_725 = arith.addi %add3A_693, %add3A_724 : i32
      %add3A_726 = arith.addi %mul3A_2, %add3A_725 : i32
      %dma_start3A_727 = arith.constant 0 : i32
      %dma_start3A_728 = arith.constant 0 : i32
      %dma_start3A_729 = tpu.memref_slice %arg4[%dma_start3A_727, %add3A_726, %dma_start3A_728] : memref<16x4000x250xf32, #tpu.memory_space<hbm>> -> memref<16x1x250xf32, #tpu.memory_space<hbm>>
      %dma_start3A_730 = tpu.memref_squeeze %dma_start3A_729 : memref<16x1x250xf32, #tpu.memory_space<hbm>> -> memref<16x250xf32, #tpu.memory_space<hbm>>
      %dma_start3A_731 = arith.constant 0 : i32
      %dma_start3A_732 = arith.constant 0 : i32
      %dma_start3A_733 = tpu.memref_slice %arg4[%dma_start3A_731, %add3A_726, %dma_start3A_732] : memref<16x4000x250xf32, #tpu.memory_space<hbm>> -> memref<16x1x250xf32, #tpu.memory_space<hbm>>
      %dma_start3A_734 = tpu.memref_squeeze %dma_start3A_733 : memref<16x1x250xf32, #tpu.memory_space<hbm>> -> memref<16x250xf32, #tpu.memory_space<hbm>>
      tpu.enqueue_dma source(%dma_start3A_734 : memref<16x250xf32, #tpu.memory_space<hbm>>) target(%arg14 : memref<16x250xf32, #tpu.memory_space<vmem>>) target_semaphore(%arg24 : memref<!tpu.dma_semaphore, #tpu.memory_space<semaphore_mem>>)
      %mul3A_735 = arith.constant 2 : i32
      %mul3A_736 = arith.muli %mul3A_735, %scan3A_689 : i32
      %add3A_737 = arith.constant 3 : i32
      %add3A_738 = arith.addi %mul3A_736, %add3A_737 : i32
      %add3A_739 = arith.addi %mul3A_2, %add3A_738 : i32
      %dma_wait3A_740 = arith.constant 0 : i32
      %dma_wait3A_741 = arith.constant 0 : i32
      %dma_wait3A_742 = tpu.memref_slice %arg4[%dma_wait3A_740, %add3A_739, %dma_wait3A_741] : memref<16x4000x250xf32, #tpu.memory_space<hbm>> -> memref<16x1x250xf32, #tpu.memory_space<hbm>>
      %dma_wait3A_743 = tpu.memref_squeeze %dma_wait3A_742 : memref<16x1x250xf32, #tpu.memory_space<hbm>> -> memref<16x250xf32, #tpu.memory_space<hbm>>
      %dma_wait3A_744 = arith.constant 0 : i32
      %dma_wait3A_745 = arith.constant 0 : i32
      %dma_wait3A_746 = tpu.memref_slice %arg4[%dma_wait3A_744, %add3A_739, %dma_wait3A_745] : memref<16x4000x250xf32, #tpu.memory_space<hbm>> -> memref<16x1x250xf32, #tpu.memory_space<hbm>>
      %dma_wait3A_747 = tpu.memref_squeeze %dma_wait3A_746 : memref<16x1x250xf32, #tpu.memory_space<hbm>> -> memref<16x250xf32, #tpu.memory_space<hbm>>
      tpu.wait_dma2 semaphore(%arg25 : memref<!tpu.dma_semaphore, #tpu.memory_space<semaphore_mem>>) src(%dma_wait3A_747 : memref<16x250xf32, #tpu.memory_space<hbm>>) dst(%arg15 : memref<16x250xf32, #tpu.memory_space<vmem>>)
      %add3A_748 = arith.addi %mul3A_2, %add3A_738 : i32
      %mul3A_749 = arith.constant 250 : i32
      %mul3A_750 = arith.muli %add3A_748, %mul3A_749 : i32
      %dma_wait3A_751 = arith.constant 0 : i32
      %dma_wait3A_752 = tpu.memref_slice %arg7[%arg0, %mul3A_750, %dma_wait3A_751] : memref<2x1000000x16xf32, #tpu.memory_space<hbm>> -> memref<1x250x16xf32, #tpu.memory_space<hbm>>
      %dma_wait3A_753 = tpu.memref_squeeze %dma_wait3A_752 : memref<1x250x16xf32, #tpu.memory_space<hbm>> -> memref<250x16xf32, #tpu.memory_space<hbm>>
      %dma_wait3A_754 = arith.constant 0 : i32
      %dma_wait3A_755 = tpu.memref_slice %arg7[%arg0, %mul3A_750, %dma_wait3A_754] : memref<2x1000000x16xf32, #tpu.memory_space<hbm>> -> memref<1x250x16xf32, #tpu.memory_space<hbm>>
      %dma_wait3A_756 = tpu.memref_squeeze %dma_wait3A_755 : memref<1x250x16xf32, #tpu.memory_space<hbm>> -> memref<250x16xf32, #tpu.memory_space<hbm>>
      tpu.wait_dma2 semaphore(%arg27 : memref<!tpu.dma_semaphore, #tpu.memory_space<semaphore_mem>>) src(%arg17 : memref<250x16xf32, #tpu.memory_space<vmem>>) dst(%dma_wait3A_756 : memref<250x16xf32, #tpu.memory_space<hbm>>)
      %parallel_loop3A_757 = arith.constant 0 : i32
      %parallel_loop3A_758 = arith.constant 250 : i32
      %parallel_loop3A_759 = arith.constant 1 : i32
      scf.for %parallel_loop3A_780 = %parallel_loop3A_757 to %parallel_loop3A_758 step %parallel_loop3A_759  : i32 {
        %parallel_loop3A_781 = vector.broadcast %parallel_loop3A_780 : i32 to vector<16xi32>
        %parallel_loop3A_782 = tpu.vector_load_idx %arg15[%iota3A, %parallel_loop3A_781] : memref<16x250xf32, #tpu.memory_space<vmem>>[vector<16xi32>, vector<16xi32>], vector<16xf32>,
        %parallel_loop3A_783 = arith.index_cast %parallel_loop3A_780 : i32 to index
        %parallel_loop3A_784 = arith.constant 0 : index
        %parallel_loop3A_785 = tpu.vector_load %arg17[%parallel_loop3A_783, %parallel_loop3A_784] {strides = array<i32>} : memref<250x16xf32, #tpu.memory_space<vmem>>, vector<16xf32>,
        tpu.vector_store %arg17[%parallel_loop3A_783, %parallel_loop3A_784], %parallel_loop3A_782 {strides = array<i32>} : memref<250x16xf32, #tpu.memory_space<vmem>>, vector<16xf32>,
      } {sc.loop_unroll_factor = 4 : i64, sc.parallel_access}
      %add3A_760 = arith.addi %mul3A_2, %add3A_738 : i32
      %mul3A_761 = arith.constant 250 : i32
      %mul3A_762 = arith.muli %add3A_760, %mul3A_761 : i32
      %dma_start3A_763 = arith.constant 0 : i32
      %dma_start3A_764 = tpu.memref_slice %arg7[%arg0, %mul3A_762, %dma_start3A_763] : memref<2x1000000x16xf32, #tpu.memory_space<hbm>> -> memref<1x250x16xf32, #tpu.memory_space<hbm>>
      %dma_start3A_765 = tpu.memref_squeeze %dma_start3A_764 : memref<1x250x16xf32, #tpu.memory_space<hbm>> -> memref<250x16xf32, #tpu.memory_space<hbm>>
      %dma_start3A_766 = arith.constant 0 : i32
      %dma_start3A_767 = tpu.memref_slice %arg7[%arg0, %mul3A_762, %dma_start3A_766] : memref<2x1000000x16xf32, #tpu.memory_space<hbm>> -> memref<1x250x16xf32, #tpu.memory_space<hbm>>
      %dma_start3A_768 = tpu.memref_squeeze %dma_start3A_767 : memref<1x250x16xf32, #tpu.memory_space<hbm>> -> memref<250x16xf32, #tpu.memory_space<hbm>>
      tpu.enqueue_dma source(%arg17 : memref<250x16xf32, #tpu.memory_space<vmem>>) target(%dma_start3A_768 : memref<250x16xf32, #tpu.memory_space<hbm>>) target_semaphore(%arg27 : memref<!tpu.dma_semaphore, #tpu.memory_space<semaphore_mem>>)
      %add3A_769 = arith.constant 2 : i32
      %add3A_770 = arith.addi %add3A_738, %add3A_769 : i32
      %add3A_771 = arith.addi %mul3A_2, %add3A_770 : i32
      %dma_start3A_772 = arith.constant 0 : i32
      %dma_start3A_773 = arith.constant 0 : i32
      %dma_start3A_774 = tpu.memref_slice %arg4[%dma_start3A_772, %add3A_771, %dma_start3A_773] : memref<16x4000x250xf32, #tpu.memory_space<hbm>> -> memref<16x1x250xf32, #tpu.memory_space<hbm>>
      %dma_start3A_775 = tpu.memref_squeeze %dma_start3A_774 : memref<16x1x250xf32, #tpu.memory_space<hbm>> -> memref<16x250xf32, #tpu.memory_space<hbm>>
      %dma_start3A_776 = arith.constant 0 : i32
      %dma_start3A_777 = arith.constant 0 : i32
      %dma_start3A_778 = tpu.memref_slice %arg4[%dma_start3A_776, %add3A_771, %dma_start3A_777] : memref<16x4000x250xf32, #tpu.memory_space<hbm>> -> memref<16x1x250xf32, #tpu.memory_space<hbm>>
      %dma_start3A_779 = tpu.memref_squeeze %dma_start3A_778 : memref<16x1x250xf32, #tpu.memory_space<hbm>> -> memref<16x250xf32, #tpu.memory_space<hbm>>
      tpu.enqueue_dma source(%dma_start3A_779 : memref<16x250xf32, #tpu.memory_space<hbm>>) target(%arg15 : memref<16x250xf32, #tpu.memory_space<vmem>>) target_semaphore(%arg25 : memref<!tpu.dma_semaphore, #tpu.memory_space<semaphore_mem>>)
    }
    %scan3A_90 = arith.constant 123 : i32
    %add3A_91 = arith.constant 248 : i32
    %add3A_92 = arith.addi %mul3A_2, %add3A_91 : i32
    %dma_wait3A_93 = arith.constant 0 : i32
    %dma_wait3A_94 = arith.constant 0 : i32
    %dma_wait3A_95 = tpu.memref_slice %arg4[%dma_wait3A_93, %add3A_92, %dma_wait3A_94] : memref<16x4000x250xf32, #tpu.memory_space<hbm>> -> memref<16x1x250xf32, #tpu.memory_space<hbm>>
    %dma_wait3A_96 = tpu.memref_squeeze %dma_wait3A_95 : memref<16x1x250xf32, #tpu.memory_space<hbm>> -> memref<16x250xf32, #tpu.memory_space<hbm>>
    %dma_wait3A_97 = arith.constant 0 : i32
    %dma_wait3A_98 = arith.constant 0 : i32
    %dma_wait3A_99 = tpu.memref_slice %arg4[%dma_wait3A_97, %add3A_92, %dma_wait3A_98] : memref<16x4000x250xf32, #tpu.memory_space<hbm>> -> memref<16x1x250xf32, #tpu.memory_space<hbm>>
    %dma_wait3A_100 = tpu.memref_squeeze %dma_wait3A_99 : memref<16x1x250xf32, #tpu.memory_space<hbm>> -> memref<16x250xf32, #tpu.memory_space<hbm>>
    tpu.wait_dma2 semaphore(%arg24 : memref<!tpu.dma_semaphore, #tpu.memory_space<semaphore_mem>>) src(%dma_wait3A_100 : memref<16x250xf32, #tpu.memory_space<hbm>>) dst(%arg14 : memref<16x250xf32, #tpu.memory_space<vmem>>)
    %add3A_101 = arith.constant 248 : i32
    %add3A_102 = arith.addi %mul3A_2, %add3A_101 : i32
    %mul3A_103 = arith.constant 250 : i32
    %mul3A_104 = arith.muli %add3A_102, %mul3A_103 : i32
    %dma_wait3A_105 = arith.constant 0 : i32
    %dma_wait3A_106 = tpu.memref_slice %arg7[%arg0, %mul3A_104, %dma_wait3A_105] : memref<2x1000000x16xf32, #tpu.memory_space<hbm>> -> memref<1x250x16xf32, #tpu.memory_space<hbm>>
    %dma_wait3A_107 = tpu.memref_squeeze %dma_wait3A_106 : memref<1x250x16xf32, #tpu.memory_space<hbm>> -> memref<250x16xf32, #tpu.memory_space<hbm>>
    %dma_wait3A_108 = arith.constant 0 : i32
    %dma_wait3A_109 = tpu.memref_slice %arg7[%arg0, %mul3A_104, %dma_wait3A_108] : memref<2x1000000x16xf32, #tpu.memory_space<hbm>> -> memref<1x250x16xf32, #tpu.memory_space<hbm>>
    %dma_wait3A_110 = tpu.memref_squeeze %dma_wait3A_109 : memref<1x250x16xf32, #tpu.memory_space<hbm>> -> memref<250x16xf32, #tpu.memory_space<hbm>>
    tpu.wait_dma2 semaphore(%arg26 : memref<!tpu.dma_semaphore, #tpu.memory_space<semaphore_mem>>) src(%arg16 : memref<250x16xf32, #tpu.memory_space<vmem>>) dst(%dma_wait3A_110 : memref<250x16xf32, #tpu.memory_space<hbm>>)
    %parallel_loop3A_111 = arith.constant 0 : i32
    %parallel_loop3A_112 = arith.constant 250 : i32
    %parallel_loop3A_113 = arith.constant 1 : i32
    scf.for %parallel_loop3A_689 = %parallel_loop3A_111 to %parallel_loop3A_112 step %parallel_loop3A_113  : i32 {
      %parallel_loop3A_690 = vector.broadcast %parallel_loop3A_689 : i32 to vector<16xi32>
      %parallel_loop3A_691 = tpu.vector_load_idx %arg14[%iota3A, %parallel_loop3A_690] : memref<16x250xf32, #tpu.memory_space<vmem>>[vector<16xi32>, vector<16xi32>], vector<16xf32>,
      %parallel_loop3A_692 = arith.index_cast %parallel_loop3A_689 : i32 to index
      %parallel_loop3A_693 = arith.constant 0 : index
      %parallel_loop3A_694 = tpu.vector_load %arg16[%parallel_loop3A_692, %parallel_loop3A_693] {strides = array<i32>} : memref<250x16xf32, #tpu.memory_space<vmem>>, vector<16xf32>,
      tpu.vector_store %arg16[%parallel_loop3A_692, %parallel_loop3A_693], %parallel_loop3A_691 {strides = array<i32>} : memref<250x16xf32, #tpu.memory_space<vmem>>, vector<16xf32>,
    } {sc.loop_unroll_factor = 4 : i64, sc.parallel_access}
    %add3A_114 = arith.constant 248 : i32
    %add3A_115 = arith.addi %mul3A_2, %add3A_114 : i32
    %mul3A_116 = arith.constant 250 : i32
    %mul3A_117 = arith.muli %add3A_115, %mul3A_116 : i32
    %dma_start3A_118 = arith.constant 0 : i32
    %dma_start3A_119 = tpu.memref_slice %arg7[%arg0, %mul3A_117, %dma_start3A_118] : memref<2x1000000x16xf32, #tpu.memory_space<hbm>> -> memref<1x250x16xf32, #tpu.memory_space<hbm>>
    %dma_start3A_120 = tpu.memref_squeeze %dma_start3A_119 : memref<1x250x16xf32, #tpu.memory_space<hbm>> -> memref<250x16xf32, #tpu.memory_space<hbm>>
    %dma_start3A_121 = arith.constant 0 : i32
    %dma_start3A_122 = tpu.memref_slice %arg7[%arg0, %mul3A_117, %dma_start3A_121] : memref<2x1000000x16xf32, #tpu.memory_space<hbm>> -> memref<1x250x16xf32, #tpu.memory_space<hbm>>
    %dma_start3A_123 = tpu.memref_squeeze %dma_start3A_122 : memref<1x250x16xf32, #tpu.memory_space<hbm>> -> memref<250x16xf32, #tpu.memory_space<hbm>>
    tpu.enqueue_dma source(%arg16 : memref<250x16xf32, #tpu.memory_space<vmem>>) target(%dma_start3A_123 : memref<250x16xf32, #tpu.memory_space<hbm>>) target_semaphore(%arg26 : memref<!tpu.dma_semaphore, #tpu.memory_space<semaphore_mem>>)
    %add3A_124 = arith.constant 249 : i32
    %add3A_125 = arith.addi %mul3A_2, %add3A_124 : i32
    %dma_wait3A_126 = arith.constant 0 : i32
    %dma_wait3A_127 = arith.constant 0 : i32
    %dma_wait3A_128 = tpu.memref_slice %arg4[%dma_wait3A_126, %add3A_125, %dma_wait3A_127] : memref<16x4000x250xf32, #tpu.memory_space<hbm>> -> memref<16x1x250xf32, #tpu.memory_space<hbm>>
    %dma_wait3A_129 = tpu.memref_squeeze %dma_wait3A_128 : memref<16x1x250xf32, #tpu.memory_space<hbm>> -> memref<16x250xf32, #tpu.memory_space<hbm>>
    %dma_wait3A_130 = arith.constant 0 : i32
    %dma_wait3A_131 = arith.constant 0 : i32
    %dma_wait3A_132 = tpu.memref_slice %arg4[%dma_wait3A_130, %add3A_125, %dma_wait3A_131] : memref<16x4000x250xf32, #tpu.memory_space<hbm>> -> memref<16x1x250xf32, #tpu.memory_space<hbm>>
    %dma_wait3A_133 = tpu.memref_squeeze %dma_wait3A_132 : memref<16x1x250xf32, #tpu.memory_space<hbm>> -> memref<16x250xf32, #tpu.memory_space<hbm>>
    tpu.wait_dma2 semaphore(%arg25 : memref<!tpu.dma_semaphore, #tpu.memory_space<semaphore_mem>>) src(%dma_wait3A_133 : memref<16x250xf32, #tpu.memory_space<hbm>>) dst(%arg15 : memref<16x250xf32, #tpu.memory_space<vmem>>)
    %add3A_134 = arith.constant 249 : i32
    %add3A_135 = arith.addi %mul3A_2, %add3A_134 : i32
    %mul3A_136 = arith.constant 250 : i32
    %mul3A_137 = arith.muli %add3A_135, %mul3A_136 : i32
    %dma_wait3A_138 = arith.constant 0 : i32
    %dma_wait3A_139 = tpu.memref_slice %arg7[%arg0, %mul3A_137, %dma_wait3A_138] : memref<2x1000000x16xf32, #tpu.memory_space<hbm>> -> memref<1x250x16xf32, #tpu.memory_space<hbm>>
    %dma_wait3A_140 = tpu.memref_squeeze %dma_wait3A_139 : memref<1x250x16xf32, #tpu.memory_space<hbm>> -> memref<250x16xf32, #tpu.memory_space<hbm>>
    %dma_wait3A_141 = arith.constant 0 : i32
    %dma_wait3A_142 = tpu.memref_slice %arg7[%arg0, %mul3A_137, %dma_wait3A_141] : memref<2x1000000x16xf32, #tpu.memory_space<hbm>> -> memref<1x250x16xf32, #tpu.memory_space<hbm>>
    %dma_wait3A_143 = tpu.memref_squeeze %dma_wait3A_142 : memref<1x250x16xf32, #tpu.memory_space<hbm>> -> memref<250x16xf32, #tpu.memory_space<hbm>>
    tpu.wait_dma2 semaphore(%arg27 : memref<!tpu.dma_semaphore, #tpu.memory_space<semaphore_mem>>) src(%arg17 : memref<250x16xf32, #tpu.memory_space<vmem>>) dst(%dma_wait3A_143 : memref<250x16xf32, #tpu.memory_space<hbm>>)
    %parallel_loop3A_144 = arith.constant 0 : i32
    %parallel_loop3A_145 = arith.constant 250 : i32
    %parallel_loop3A_146 = arith.constant 1 : i32
    scf.for %parallel_loop3A_689 = %parallel_loop3A_144 to %parallel_loop3A_145 step %parallel_loop3A_146  : i32 {
      %parallel_loop3A_690 = vector.broadcast %parallel_loop3A_689 : i32 to vector<16xi32>
      %parallel_loop3A_691 = tpu.vector_load_idx %arg15[%iota3A, %parallel_loop3A_690] : memref<16x250xf32, #tpu.memory_space<vmem>>[vector<16xi32>, vector<16xi32>], vector<16xf32>,
      %parallel_loop3A_692 = arith.index_cast %parallel_loop3A_689 : i32 to index
      %parallel_loop3A_693 = arith.constant 0 : index
      %parallel_loop3A_694 = tpu.vector_load %arg17[%parallel_loop3A_692, %parallel_loop3A_693] {strides = array<i32>} : memref<250x16xf32, #tpu.memory_space<vmem>>, vector<16xf32>,
      tpu.vector_store %arg17[%parallel_loop3A_692, %parallel_loop3A_693], %parallel_loop3A_691 {strides = array<i32>} : memref<250x16xf32, #tpu.memory_space<vmem>>, vector<16xf32>,
    } {sc.loop_unroll_factor = 4 : i64, sc.parallel_access}
    %add3A_147 = arith.constant 249 : i32
    %add3A_148 = arith.addi %mul3A_2, %add3A_147 : i32
    %mul3A_149 = arith.constant 250 : i32
    %mul3A_150 = arith.muli %add3A_148, %mul3A_149 : i32
    %dma_start3A_151 = arith.constant 0 : i32
    %dma_start3A_152 = tpu.memref_slice %arg7[%arg0, %mul3A_150, %dma_start3A_151] : memref<2x1000000x16xf32, #tpu.memory_space<hbm>> -> memref<1x250x16xf32, #tpu.memory_space<hbm>>
    %dma_start3A_153 = tpu.memref_squeeze %dma_start3A_152 : memref<1x250x16xf32, #tpu.memory_space<hbm>> -> memref<250x16xf32, #tpu.memory_space<hbm>>
    %dma_start3A_154 = arith.constant 0 : i32
    %dma_start3A_155 = tpu.memref_slice %arg7[%arg0, %mul3A_150, %dma_start3A_154] : memref<2x1000000x16xf32, #tpu.memory_space<hbm>> -> memref<1x250x16xf32, #tpu.memory_space<hbm>>
    %dma_start3A_156 = tpu.memref_squeeze %dma_start3A_155 : memref<1x250x16xf32, #tpu.memory_space<hbm>> -> memref<250x16xf32, #tpu.memory_space<hbm>>
    tpu.enqueue_dma source(%arg17 : memref<250x16xf32, #tpu.memory_space<vmem>>) target(%dma_start3A_156 : memref<250x16xf32, #tpu.memory_space<hbm>>) target_semaphore(%arg27 : memref<!tpu.dma_semaphore, #tpu.memory_space<semaphore_mem>>)
    %add3A_157 = arith.constant 248 : i32
    %add3A_158 = arith.addi %mul3A_2, %add3A_157 : i32
    %mul3A_159 = arith.constant 250 : i32
    %mul3A_160 = arith.muli %add3A_158, %mul3A_159 : i32
    %dma_wait3A_161 = arith.constant 0 : i32
    %dma_wait3A_162 = tpu.memref_slice %arg7[%arg0, %mul3A_160, %dma_wait3A_161] : memref<2x1000000x16xf32, #tpu.memory_space<hbm>> -> memref<1x250x16xf32, #tpu.memory_space<hbm>>
    %dma_wait3A_163 = tpu.memref_squeeze %dma_wait3A_162 : memref<1x250x16xf32, #tpu.memory_space<hbm>> -> memref<250x16xf32, #tpu.memory_space<hbm>>
    %dma_wait3A_164 = arith.constant 0 : i32
    %dma_wait3A_165 = tpu.memref_slice %arg7[%arg0, %mul3A_160, %dma_wait3A_164] : memref<2x1000000x16xf32, #tpu.memory_space<hbm>> -> memref<1x250x16xf32, #tpu.memory_space<hbm>>
    %dma_wait3A_166 = tpu.memref_squeeze %dma_wait3A_165 : memref<1x250x16xf32, #tpu.memory_space<hbm>> -> memref<250x16xf32, #tpu.memory_space<hbm>>
    tpu.wait_dma2 semaphore(%arg26 : memref<!tpu.dma_semaphore, #tpu.memory_space<semaphore_mem>>) src(%arg16 : memref<250x16xf32, #tpu.memory_space<vmem>>) dst(%dma_wait3A_166 : memref<250x16xf32, #tpu.memory_space<hbm>>)
    %add3A_167 = arith.constant 249 : i32
    %add3A_168 = arith.addi %mul3A_2, %add3A_167 : i32
    %mul3A_169 = arith.constant 250 : i32
    %mul3A_170 = arith.muli %add3A_168, %mul3A_169 : i32
    %dma_wait3A_171 = arith.constant 0 : i32
    %dma_wait3A_172 = tpu.memref_slice %arg7[%arg0, %mul3A_170, %dma_wait3A_171] : memref<2x1000000x16xf32, #tpu.memory_space<hbm>> -> memref<1x250x16xf32, #tpu.memory_space<hbm>>
    %dma_wait3A_173 = tpu.memref_squeeze %dma_wait3A_172 : memref<1x250x16xf32, #tpu.memory_space<hbm>> -> memref<250x16xf32, #tpu.memory_space<hbm>>
    %dma_wait3A_174 = arith.constant 0 : i32
    %dma_wait3A_175 = tpu.memref_slice %arg7[%arg0, %mul3A_170, %dma_wait3A_174] : memref<2x1000000x16xf32, #tpu.memory_space<hbm>> -> memref<1x250x16xf32, #tpu.memory_space<hbm>>
    %dma_wait3A_176 = tpu.memref_squeeze %dma_wait3A_175 : memref<1x250x16xf32, #tpu.memory_space<hbm>> -> memref<250x16xf32, #tpu.memory_space<hbm>>
    tpu.wait_dma2 semaphore(%arg27 : memref<!tpu.dma_semaphore, #tpu.memory_space<semaphore_mem>>) src(%arg17 : memref<250x16xf32, #tpu.memory_space<vmem>>) dst(%dma_wait3A_176 : memref<250x16xf32, #tpu.memory_space<hbm>>)
    %barrier3A = arith.constant 0 : index
    tpu.barrier barrier_id(%barrier3A)
    "tpu.region"() ({
      %run_scoped3A = tpu.sem_alloc : memref<!tpu.dma_semaphore, #tpu.memory_space<semaphore_mem>>
      tpu.enqueue_dma source(%arg5 : memref<16x64xf32, #tpu.memory_space<hbm>>) target(%arg13 : memref<16x64xf32, #tpu.memory_space<vmem>>) target_semaphore(%run_scoped3A : memref<!tpu.dma_semaphore, #tpu.memory_space<semaphore_mem>>)
      tpu.wait_dma2 semaphore(%run_scoped3A : memref<!tpu.dma_semaphore, #tpu.memory_space<semaphore_mem>>) src(%arg5 : memref<16x64xf32, #tpu.memory_space<hbm>>) dst(%arg13 : memref<16x64xf32, #tpu.memory_space<vmem>>)
      tpu.yield
    }) : () -> ()
    "tpu.region"() ({
      %run_scoped3A = tpu.sem_alloc : memref<!tpu.dma_semaphore, #tpu.memory_space<semaphore_mem>>
      %dma_start3A_689 = arith.constant 0 : i32
      %dma_start3A_690 = arith.constant 0 : i32
      %dma_start3A_691 = tpu.memref_slice %arg2[%add3A, %dma_start3A_689, %dma_start3A_690] : memref<32x200x128xi32, #tpu.memory_space<hbm>> -> memref<1x200x128xi32, #tpu.memory_space<hbm>>
      %dma_start3A_692 = tpu.memref_squeeze %dma_start3A_691 : memref<1x200x128xi32, #tpu.memory_space<hbm>> -> memref<200x128xi32, #tpu.memory_space<hbm>>
      %dma_start3A_693 = arith.constant 0 : i32
      %dma_start3A_694 = arith.constant 0 : i32
      %dma_start3A_695 = tpu.memref_slice %arg2[%add3A, %dma_start3A_693, %dma_start3A_694] : memref<32x200x128xi32, #tpu.memory_space<hbm>> -> memref<1x200x128xi32, #tpu.memory_space<hbm>>
      %dma_start3A_696 = tpu.memref_squeeze %dma_start3A_695 : memref<1x200x128xi32, #tpu.memory_space<hbm>> -> memref<200x128xi32, #tpu.memory_space<hbm>>
      tpu.enqueue_dma source(%dma_start3A_696 : memref<200x128xi32, #tpu.memory_space<hbm>>) target(%arg8 : memref<200x128xi32, #tpu.memory_space<vmem>>) target_semaphore(%run_scoped3A : memref<!tpu.dma_semaphore, #tpu.memory_space<semaphore_mem>>)
      %dma_wait3A_697 = arith.constant 0 : i32
      %dma_wait3A_698 = arith.constant 0 : i32
      %dma_wait3A_699 = tpu.memref_slice %arg2[%add3A, %dma_wait3A_697, %dma_wait3A_698] : memref<32x200x128xi32, #tpu.memory_space<hbm>> -> memref<1x200x128xi32, #tpu.memory_space<hbm>>
      %dma_wait3A_700 = tpu.memref_squeeze %dma_wait3A_699 : memref<1x200x128xi32, #tpu.memory_space<hbm>> -> memref<200x128xi32, #tpu.memory_space<hbm>>
      %dma_wait3A_701 = arith.constant 0 : i32
      %dma_wait3A_702 = arith.constant 0 : i32
      %dma_wait3A_703 = tpu.memref_slice %arg2[%add3A, %dma_wait3A_701, %dma_wait3A_702] : memref<32x200x128xi32, #tpu.memory_space<hbm>> -> memref<1x200x128xi32, #tpu.memory_space<hbm>>
      %dma_wait3A_704 = tpu.memref_squeeze %dma_wait3A_703 : memref<1x200x128xi32, #tpu.memory_space<hbm>> -> memref<200x128xi32, #tpu.memory_space<hbm>>
      tpu.wait_dma2 semaphore(%run_scoped3A : memref<!tpu.dma_semaphore, #tpu.memory_space<semaphore_mem>>) src(%dma_wait3A_704 : memref<200x128xi32, #tpu.memory_space<hbm>>) dst(%arg8 : memref<200x128xi32, #tpu.memory_space<vmem>>)
      tpu.yield
    }) : () -> ()
    %get3A = arith.constant 0 : i32
    %get3A_177 = arith.index_cast %get3A : i32 to index
    %get3A_178 = arith.constant 0 : index
    %get3A_179 = tpu.vector_load %arg13[%get3A_177, %get3A_178] {strides = array<i32>} : memref<16x64xf32, #tpu.memory_space<vmem>>, vector<16xf32>,
    %get3A_180 = arith.constant 0 : i32
    %get3A_181 = arith.index_cast %get3A_180 : i32 to index
    %get3A_182 = arith.constant 16 : index
    %get3A_183 = tpu.vector_load %arg13[%get3A_181, %get3A_182] {strides = array<i32>} : memref<16x64xf32, #tpu.memory_space<vmem>>, vector<16xf32>,
    %get3A_184 = arith.constant 0 : i32
    %get3A_185 = arith.index_cast %get3A_184 : i32 to index
    %get3A_186 = arith.constant 32 : index
    %get3A_187 = tpu.vector_load %arg13[%get3A_185, %get3A_186] {strides = array<i32>} : memref<16x64xf32, #tpu.memory_space<vmem>>, vector<16xf32>,
    %get3A_188 = arith.constant 0 : i32
    %get3A_189 = arith.index_cast %get3A_188 : i32 to index
    %get3A_190 = arith.constant 48 : index
    %get3A_191 = tpu.vector_load %arg13[%get3A_189, %get3A_190] {strides = array<i32>} : memref<16x64xf32, #tpu.memory_space<vmem>>, vector<16xf32>,
    %pack3A = tpu.pack_subelements %get3A_179, %get3A_183 {pack_format = #tpu.pack_format<interleaved>, positions = array<i32: 0, 1>} : vector<16xf32>, vector<16xf32> -> vector<32xbf16>
    %pack3A_192 = tpu.pack_subelements %get3A_187, %get3A_191 {pack_format = #tpu.pack_format<interleaved>, positions = array<i32: 0, 1>} : vector<16xf32>, vector<16xf32> -> vector<32xbf16>
    %get3A_193 = arith.constant 1 : i32
    %get3A_194 = arith.index_cast %get3A_193 : i32 to index
    %get3A_195 = arith.constant 0 : index
    %get3A_196 = tpu.vector_load %arg13[%get3A_194, %get3A_195] {strides = array<i32>} : memref<16x64xf32, #tpu.memory_space<vmem>>, vector<16xf32>,
    %get3A_197 = arith.constant 1 : i32
    %get3A_198 = arith.index_cast %get3A_197 : i32 to index
    %get3A_199 = arith.constant 16 : index
    %get3A_200 = tpu.vector_load %arg13[%get3A_198, %get3A_199] {strides = array<i32>} : memref<16x64xf32, #tpu.memory_space<vmem>>, vector<16xf32>,
    %get3A_201 = arith.constant 1 : i32
    %get3A_202 = arith.index_cast %get3A_201 : i32 to index
    %get3A_203 = arith.constant 32 : index
    %get3A_204 = tpu.vector_load %arg13[%get3A_202, %get3A_203] {strides = array<i32>} : memref<16x64xf32, #tpu.memory_space<vmem>>, vector<16xf32>,
    %get3A_205 = arith.constant 1 : i32
    %get3A_206 = arith.index_cast %get3A_205 : i32 to index
    %get3A_207 = arith.constant 48 : index
    %get3A_208 = tpu.vector_load %arg13[%get3A_206, %get3A_207] {strides = array<i32>} : memref<16x64xf32, #tpu.memory_space<vmem>>, vector<16xf32>,
    %pack3A_209 = tpu.pack_subelements %get3A_196, %get3A_200 {pack_format = #tpu.pack_format<interleaved>, positions = array<i32: 0, 1>} : vector<16xf32>, vector<16xf32> -> vector<32xbf16>
    %pack3A_210 = tpu.pack_subelements %get3A_204, %get3A_208 {pack_format = #tpu.pack_format<interleaved>, positions = array<i32: 0, 1>} : vector<16xf32>, vector<16xf32> -> vector<32xbf16>
    %get3A_211 = arith.constant 2 : i32
    %get3A_212 = arith.index_cast %get3A_211 : i32 to index
    %get3A_213 = arith.constant 0 : index
    %get3A_214 = tpu.vector_load %arg13[%get3A_212, %get3A_213] {strides = array<i32>} : memref<16x64xf32, #tpu.memory_space<vmem>>, vector<16xf32>,
    %get3A_215 = arith.constant 2 : i32
    %get3A_216 = arith.index_cast %get3A_215 : i32 to index
    %get3A_217 = arith.constant 16 : index
    %get3A_218 = tpu.vector_load %arg13[%get3A_216, %get3A_217] {strides = array<i32>} : memref<16x64xf32, #tpu.memory_space<vmem>>, vector<16xf32>,
    %get3A_219 = arith.constant 2 : i32
    %get3A_220 = arith.index_cast %get3A_219 : i32 to index
    %get3A_221 = arith.constant 32 : index
    %get3A_222 = tpu.vector_load %arg13[%get3A_220, %get3A_221] {strides = array<i32>} : memref<16x64xf32, #tpu.memory_space<vmem>>, vector<16xf32>,
    %get3A_223 = arith.constant 2 : i32
    %get3A_224 = arith.index_cast %get3A_223 : i32 to index
    %get3A_225 = arith.constant 48 : index
    %get3A_226 = tpu.vector_load %arg13[%get3A_224, %get3A_225] {strides = array<i32>} : memref<16x64xf32, #tpu.memory_space<vmem>>, vector<16xf32>,
    %pack3A_227 = tpu.pack_subelements %get3A_214, %get3A_218 {pack_format = #tpu.pack_format<interleaved>, positions = array<i32: 0, 1>} : vector<16xf32>, vector<16xf32> -> vector<32xbf16>
    %pack3A_228 = tpu.pack_subelements %get3A_222, %get3A_226 {pack_format = #tpu.pack_format<interleaved>, positions = array<i32: 0, 1>} : vector<16xf32>, vector<16xf32> -> vector<32xbf16>
    %get3A_229 = arith.constant 3 : i32
    %get3A_230 = arith.index_cast %get3A_229 : i32 to index
    %get3A_231 = arith.constant 0 : index
    %get3A_232 = tpu.vector_load %arg13[%get3A_230, %get3A_231] {strides = array<i32>} : memref<16x64xf32, #tpu.memory_space<vmem>>, vector<16xf32>,
    %get3A_233 = arith.constant 3 : i32
    %get3A_234 = arith.index_cast %get3A_233 : i32 to index
    %get3A_235 = arith.constant 16 : index
    %get3A_236 = tpu.vector_load %arg13[%get3A_234, %get3A_235] {strides = array<i32>} : memref<16x64xf32, #tpu.memory_space<vmem>>, vector<16xf32>,
    %get3A_237 = arith.constant 3 : i32
    %get3A_238 = arith.index_cast %get3A_237 : i32 to index
    %get3A_239 = arith.constant 32 : index
    %get3A_240 = tpu.vector_load %arg13[%get3A_238, %get3A_239] {strides = array<i32>} : memref<16x64xf32, #tpu.memory_space<vmem>>, vector<16xf32>,
    %get3A_241 = arith.constant 3 : i32
    %get3A_242 = arith.index_cast %get3A_241 : i32 to index
    %get3A_243 = arith.constant 48 : index
    %get3A_244 = tpu.vector_load %arg13[%get3A_242, %get3A_243] {strides = array<i32>} : memref<16x64xf32, #tpu.memory_space<vmem>>, vector<16xf32>,
    %pack3A_245 = tpu.pack_subelements %get3A_232, %get3A_236 {pack_format = #tpu.pack_format<interleaved>, positions = array<i32: 0, 1>} : vector<16xf32>, vector<16xf32> -> vector<32xbf16>
    %pack3A_246 = tpu.pack_subelements %get3A_240, %get3A_244 {pack_format = #tpu.pack_format<interleaved>, positions = array<i32: 0, 1>} : vector<16xf32>, vector<16xf32> -> vector<32xbf16>
    %get3A_247 = arith.constant 4 : i32
    %get3A_248 = arith.index_cast %get3A_247 : i32 to index
    %get3A_249 = arith.constant 0 : index
    %get3A_250 = tpu.vector_load %arg13[%get3A_248, %get3A_249] {strides = array<i32>} : memref<16x64xf32, #tpu.memory_space<vmem>>, vector<16xf32>,
    %get3A_251 = arith.constant 4 : i32
    %get3A_252 = arith.index_cast %get3A_251 : i32 to index
    %get3A_253 = arith.constant 16 : index
    %get3A_254 = tpu.vector_load %arg13[%get3A_252, %get3A_253] {strides = array<i32>} : memref<16x64xf32, #tpu.memory_space<vmem>>, vector<16xf32>,
    %get3A_255 = arith.constant 4 : i32
    %get3A_256 = arith.index_cast %get3A_255 : i32 to index
    %get3A_257 = arith.constant 32 : index
    %get3A_258 = tpu.vector_load %arg13[%get3A_256, %get3A_257] {strides = array<i32>} : memref<16x64xf32, #tpu.memory_space<vmem>>, vector<16xf32>,
    %get3A_259 = arith.constant 4 : i32
    %get3A_260 = arith.index_cast %get3A_259 : i32 to index
    %get3A_261 = arith.constant 48 : index
    %get3A_262 = tpu.vector_load %arg13[%get3A_260, %get3A_261] {strides = array<i32>} : memref<16x64xf32, #tpu.memory_space<vmem>>, vector<16xf32>,
    %pack3A_263 = tpu.pack_subelements %get3A_250, %get3A_254 {pack_format = #tpu.pack_format<interleaved>, positions = array<i32: 0, 1>} : vector<16xf32>, vector<16xf32> -> vector<32xbf16>
    %pack3A_264 = tpu.pack_subelements %get3A_258, %get3A_262 {pack_format = #tpu.pack_format<interleaved>, positions = array<i32: 0, 1>} : vector<16xf32>, vector<16xf32> -> vector<32xbf16>
    %get3A_265 = arith.constant 5 : i32
    %get3A_266 = arith.index_cast %get3A_265 : i32 to index
    %get3A_267 = arith.constant 0 : index
    %get3A_268 = tpu.vector_load %arg13[%get3A_266, %get3A_267] {strides = array<i32>} : memref<16x64xf32, #tpu.memory_space<vmem>>, vector<16xf32>,
    %get3A_269 = arith.constant 5 : i32
    %get3A_270 = arith.index_cast %get3A_269 : i32 to index
    %get3A_271 = arith.constant 16 : index
    %get3A_272 = tpu.vector_load %arg13[%get3A_270, %get3A_271] {strides = array<i32>} : memref<16x64xf32, #tpu.memory_space<vmem>>, vector<16xf32>,
    %get3A_273 = arith.constant 5 : i32
    %get3A_274 = arith.index_cast %get3A_273 : i32 to index
    %get3A_275 = arith.constant 32 : index
    %get3A_276 = tpu.vector_load %arg13[%get3A_274, %get3A_275] {strides = array<i32>} : memref<16x64xf32, #tpu.memory_space<vmem>>, vector<16xf32>,
    %get3A_277 = arith.constant 5 : i32
    %get3A_278 = arith.index_cast %get3A_277 : i32 to index
    %get3A_279 = arith.constant 48 : index
    %get3A_280 = tpu.vector_load %arg13[%get3A_278, %get3A_279] {strides = array<i32>} : memref<16x64xf32, #tpu.memory_space<vmem>>, vector<16xf32>,
    %pack3A_281 = tpu.pack_subelements %get3A_268, %get3A_272 {pack_format = #tpu.pack_format<interleaved>, positions = array<i32: 0, 1>} : vector<16xf32>, vector<16xf32> -> vector<32xbf16>
    %pack3A_282 = tpu.pack_subelements %get3A_276, %get3A_280 {pack_format = #tpu.pack_format<interleaved>, positions = array<i32: 0, 1>} : vector<16xf32>, vector<16xf32> -> vector<32xbf16>
    %get3A_283 = arith.constant 6 : i32
    %get3A_284 = arith.index_cast %get3A_283 : i32 to index
    %get3A_285 = arith.constant 0 : index
    %get3A_286 = tpu.vector_load %arg13[%get3A_284, %get3A_285] {strides = array<i32>} : memref<16x64xf32, #tpu.memory_space<vmem>>, vector<16xf32>,
    %get3A_287 = arith.constant 6 : i32
    %get3A_288 = arith.index_cast %get3A_287 : i32 to index
    %get3A_289 = arith.constant 16 : index
    %get3A_290 = tpu.vector_load %arg13[%get3A_288, %get3A_289] {strides = array<i32>} : memref<16x64xf32, #tpu.memory_space<vmem>>, vector<16xf32>,
    %get3A_291 = arith.constant 6 : i32
    %get3A_292 = arith.index_cast %get3A_291 : i32 to index
    %get3A_293 = arith.constant 32 : index
    %get3A_294 = tpu.vector_load %arg13[%get3A_292, %get3A_293] {strides = array<i32>} : memref<16x64xf32, #tpu.memory_space<vmem>>, vector<16xf32>,
    %get3A_295 = arith.constant 6 : i32
    %get3A_296 = arith.index_cast %get3A_295 : i32 to index
    %get3A_297 = arith.constant 48 : index
    %get3A_298 = tpu.vector_load %arg13[%get3A_296, %get3A_297] {strides = array<i32>} : memref<16x64xf32, #tpu.memory_space<vmem>>, vector<16xf32>,
    %pack3A_299 = tpu.pack_subelements %get3A_286, %get3A_290 {pack_format = #tpu.pack_format<interleaved>, positions = array<i32: 0, 1>} : vector<16xf32>, vector<16xf32> -> vector<32xbf16>
    %pack3A_300 = tpu.pack_subelements %get3A_294, %get3A_298 {pack_format = #tpu.pack_format<interleaved>, positions = array<i32: 0, 1>} : vector<16xf32>, vector<16xf32> -> vector<32xbf16>
    %get3A_301 = arith.constant 7 : i32
    %get3A_302 = arith.index_cast %get3A_301 : i32 to index
    %get3A_303 = arith.constant 0 : index
    %get3A_304 = tpu.vector_load %arg13[%get3A_302, %get3A_303] {strides = array<i32>} : memref<16x64xf32, #tpu.memory_space<vmem>>, vector<16xf32>,
    %get3A_305 = arith.constant 7 : i32
    %get3A_306 = arith.index_cast %get3A_305 : i32 to index
    %get3A_307 = arith.constant 16 : index
    %get3A_308 = tpu.vector_load %arg13[%get3A_306, %get3A_307] {strides = array<i32>} : memref<16x64xf32, #tpu.memory_space<vmem>>, vector<16xf32>,
    %get3A_309 = arith.constant 7 : i32
    %get3A_310 = arith.index_cast %get3A_309 : i32 to index
    %get3A_311 = arith.constant 32 : index
    %get3A_312 = tpu.vector_load %arg13[%get3A_310, %get3A_311] {strides = array<i32>} : memref<16x64xf32, #tpu.memory_space<vmem>>, vector<16xf32>,
    %get3A_313 = arith.constant 7 : i32
    %get3A_314 = arith.index_cast %get3A_313 : i32 to index
    %get3A_315 = arith.constant 48 : index
    %get3A_316 = tpu.vector_load %arg13[%get3A_314, %get3A_315] {strides = array<i32>} : memref<16x64xf32, #tpu.memory_space<vmem>>, vector<16xf32>,
    %pack3A_317 = tpu.pack_subelements %get3A_304, %get3A_308 {pack_format = #tpu.pack_format<interleaved>, positions = array<i32: 0, 1>} : vector<16xf32>, vector<16xf32> -> vector<32xbf16>
    %pack3A_318 = tpu.pack_subelements %get3A_312, %get3A_316 {pack_format = #tpu.pack_format<interleaved>, positions = array<i32: 0, 1>} : vector<16xf32>, vector<16xf32> -> vector<32xbf16>
    %get3A_319 = arith.constant 8 : i32
    %get3A_320 = arith.index_cast %get3A_319 : i32 to index
    %get3A_321 = arith.constant 0 : index
    %get3A_322 = tpu.vector_load %arg13[%get3A_320, %get3A_321] {strides = array<i32>} : memref<16x64xf32, #tpu.memory_space<vmem>>, vector<16xf32>,
    %get3A_323 = arith.constant 8 : i32
    %get3A_324 = arith.index_cast %get3A_323 : i32 to index
    %get3A_325 = arith.constant 16 : index
    %get3A_326 = tpu.vector_load %arg13[%get3A_324, %get3A_325] {strides = array<i32>} : memref<16x64xf32, #tpu.memory_space<vmem>>, vector<16xf32>,
    %get3A_327 = arith.constant 8 : i32
    %get3A_328 = arith.index_cast %get3A_327 : i32 to index
    %get3A_329 = arith.constant 32 : index
    %get3A_330 = tpu.vector_load %arg13[%get3A_328, %get3A_329] {strides = array<i32>} : memref<16x64xf32, #tpu.memory_space<vmem>>, vector<16xf32>,
    %get3A_331 = arith.constant 8 : i32
    %get3A_332 = arith.index_cast %get3A_331 : i32 to index
    %get3A_333 = arith.constant 48 : index
    %get3A_334 = tpu.vector_load %arg13[%get3A_332, %get3A_333] {strides = array<i32>} : memref<16x64xf32, #tpu.memory_space<vmem>>, vector<16xf32>,
    %pack3A_335 = tpu.pack_subelements %get3A_322, %get3A_326 {pack_format = #tpu.pack_format<interleaved>, positions = array<i32: 0, 1>} : vector<16xf32>, vector<16xf32> -> vector<32xbf16>
    %pack3A_336 = tpu.pack_subelements %get3A_330, %get3A_334 {pack_format = #tpu.pack_format<interleaved>, positions = array<i32: 0, 1>} : vector<16xf32>, vector<16xf32> -> vector<32xbf16>
    %get3A_337 = arith.constant 9 : i32
    %get3A_338 = arith.index_cast %get3A_337 : i32 to index
    %get3A_339 = arith.constant 0 : index
    %get3A_340 = tpu.vector_load %arg13[%get3A_338, %get3A_339] {strides = array<i32>} : memref<16x64xf32, #tpu.memory_space<vmem>>, vector<16xf32>,
    %get3A_341 = arith.constant 9 : i32
    %get3A_342 = arith.index_cast %get3A_341 : i32 to index
    %get3A_343 = arith.constant 16 : index
    %get3A_344 = tpu.vector_load %arg13[%get3A_342, %get3A_343] {strides = array<i32>} : memref<16x64xf32, #tpu.memory_space<vmem>>, vector<16xf32>,
    %get3A_345 = arith.constant 9 : i32
    %get3A_346 = arith.index_cast %get3A_345 : i32 to index
    %get3A_347 = arith.constant 32 : index
    %get3A_348 = tpu.vector_load %arg13[%get3A_346, %get3A_347] {strides = array<i32>} : memref<16x64xf32, #tpu.memory_space<vmem>>, vector<16xf32>,
    %get3A_349 = arith.constant 9 : i32
    %get3A_350 = arith.index_cast %get3A_349 : i32 to index
    %get3A_351 = arith.constant 48 : index
    %get3A_352 = tpu.vector_load %arg13[%get3A_350, %get3A_351] {strides = array<i32>} : memref<16x64xf32, #tpu.memory_space<vmem>>, vector<16xf32>,
    %pack3A_353 = tpu.pack_subelements %get3A_340, %get3A_344 {pack_format = #tpu.pack_format<interleaved>, positions = array<i32: 0, 1>} : vector<16xf32>, vector<16xf32> -> vector<32xbf16>
    %pack3A_354 = tpu.pack_subelements %get3A_348, %get3A_352 {pack_format = #tpu.pack_format<interleaved>, positions = array<i32: 0, 1>} : vector<16xf32>, vector<16xf32> -> vector<32xbf16>
    %get3A_355 = arith.constant 10 : i32
    %get3A_356 = arith.index_cast %get3A_355 : i32 to index
    %get3A_357 = arith.constant 0 : index
    %get3A_358 = tpu.vector_load %arg13[%get3A_356, %get3A_357] {strides = array<i32>} : memref<16x64xf32, #tpu.memory_space<vmem>>, vector<16xf32>,
    %get3A_359 = arith.constant 10 : i32
    %get3A_360 = arith.index_cast %get3A_359 : i32 to index
    %get3A_361 = arith.constant 16 : index
    %get3A_362 = tpu.vector_load %arg13[%get3A_360, %get3A_361] {strides = array<i32>} : memref<16x64xf32, #tpu.memory_space<vmem>>, vector<16xf32>,
    %get3A_363 = arith.constant 10 : i32
    %get3A_364 = arith.index_cast %get3A_363 : i32 to index
    %get3A_365 = arith.constant 32 : index
    %get3A_366 = tpu.vector_load %arg13[%get3A_364, %get3A_365] {strides = array<i32>} : memref<16x64xf32, #tpu.memory_space<vmem>>, vector<16xf32>,
    %get3A_367 = arith.constant 10 : i32
    %get3A_368 = arith.index_cast %get3A_367 : i32 to index
    %get3A_369 = arith.constant 48 : index
    %get3A_370 = tpu.vector_load %arg13[%get3A_368, %get3A_369] {strides = array<i32>} : memref<16x64xf32, #tpu.memory_space<vmem>>, vector<16xf32>,
    %pack3A_371 = tpu.pack_subelements %get3A_358, %get3A_362 {pack_format = #tpu.pack_format<interleaved>, positions = array<i32: 0, 1>} : vector<16xf32>, vector<16xf32> -> vector<32xbf16>
    %pack3A_372 = tpu.pack_subelements %get3A_366, %get3A_370 {pack_format = #tpu.pack_format<interleaved>, positions = array<i32: 0, 1>} : vector<16xf32>, vector<16xf32> -> vector<32xbf16>
    %get3A_373 = arith.constant 11 : i32
    %get3A_374 = arith.index_cast %get3A_373 : i32 to index
    %get3A_375 = arith.constant 0 : index
    %get3A_376 = tpu.vector_load %arg13[%get3A_374, %get3A_375] {strides = array<i32>} : memref<16x64xf32, #tpu.memory_space<vmem>>, vector<16xf32>,
    %get3A_377 = arith.constant 11 : i32
    %get3A_378 = arith.index_cast %get3A_377 : i32 to index
    %get3A_379 = arith.constant 16 : index
    %get3A_380 = tpu.vector_load %arg13[%get3A_378, %get3A_379] {strides = array<i32>} : memref<16x64xf32, #tpu.memory_space<vmem>>, vector<16xf32>,
    %get3A_381 = arith.constant 11 : i32
    %get3A_382 = arith.index_cast %get3A_381 : i32 to index
    %get3A_383 = arith.constant 32 : index
    %get3A_384 = tpu.vector_load %arg13[%get3A_382, %get3A_383] {strides = array<i32>} : memref<16x64xf32, #tpu.memory_space<vmem>>, vector<16xf32>,
    %get3A_385 = arith.constant 11 : i32
    %get3A_386 = arith.index_cast %get3A_385 : i32 to index
    %get3A_387 = arith.constant 48 : index
    %get3A_388 = tpu.vector_load %arg13[%get3A_386, %get3A_387] {strides = array<i32>} : memref<16x64xf32, #tpu.memory_space<vmem>>, vector<16xf32>,
    %pack3A_389 = tpu.pack_subelements %get3A_376, %get3A_380 {pack_format = #tpu.pack_format<interleaved>, positions = array<i32: 0, 1>} : vector<16xf32>, vector<16xf32> -> vector<32xbf16>
    %pack3A_390 = tpu.pack_subelements %get3A_384, %get3A_388 {pack_format = #tpu.pack_format<interleaved>, positions = array<i32: 0, 1>} : vector<16xf32>, vector<16xf32> -> vector<32xbf16>
    %get3A_391 = arith.constant 12 : i32
    %get3A_392 = arith.index_cast %get3A_391 : i32 to index
    %get3A_393 = arith.constant 0 : index
    %get3A_394 = tpu.vector_load %arg13[%get3A_392, %get3A_393] {strides = array<i32>} : memref<16x64xf32, #tpu.memory_space<vmem>>, vector<16xf32>,
    %get3A_395 = arith.constant 12 : i32
    %get3A_396 = arith.index_cast %get3A_395 : i32 to index
    %get3A_397 = arith.constant 16 : index
    %get3A_398 = tpu.vector_load %arg13[%get3A_396, %get3A_397] {strides = array<i32>} : memref<16x64xf32, #tpu.memory_space<vmem>>, vector<16xf32>,
    %get3A_399 = arith.constant 12 : i32
    %get3A_400 = arith.index_cast %get3A_399 : i32 to index
    %get3A_401 = arith.constant 32 : index
    %get3A_402 = tpu.vector_load %arg13[%get3A_400, %get3A_401] {strides = array<i32>} : memref<16x64xf32, #tpu.memory_space<vmem>>, vector<16xf32>,
    %get3A_403 = arith.constant 12 : i32
    %get3A_404 = arith.index_cast %get3A_403 : i32 to index
    %get3A_405 = arith.constant 48 : index
    %get3A_406 = tpu.vector_load %arg13[%get3A_404, %get3A_405] {strides = array<i32>} : memref<16x64xf32, #tpu.memory_space<vmem>>, vector<16xf32>,
    %pack3A_407 = tpu.pack_subelements %get3A_394, %get3A_398 {pack_format = #tpu.pack_format<interleaved>, positions = array<i32: 0, 1>} : vector<16xf32>, vector<16xf32> -> vector<32xbf16>
    %pack3A_408 = tpu.pack_subelements %get3A_402, %get3A_406 {pack_format = #tpu.pack_format<interleaved>, positions = array<i32: 0, 1>} : vector<16xf32>, vector<16xf32> -> vector<32xbf16>
    %get3A_409 = arith.constant 13 : i32
    %get3A_410 = arith.index_cast %get3A_409 : i32 to index
    %get3A_411 = arith.constant 0 : index
    %get3A_412 = tpu.vector_load %arg13[%get3A_410, %get3A_411] {strides = array<i32>} : memref<16x64xf32, #tpu.memory_space<vmem>>, vector<16xf32>,
    %get3A_413 = arith.constant 13 : i32
    %get3A_414 = arith.index_cast %get3A_413 : i32 to index
    %get3A_415 = arith.constant 16 : index
    %get3A_416 = tpu.vector_load %arg13[%get3A_414, %get3A_415] {strides = array<i32>} : memref<16x64xf32, #tpu.memory_space<vmem>>, vector<16xf32>,
    %get3A_417 = arith.constant 13 : i32
    %get3A_418 = arith.index_cast %get3A_417 : i32 to index
    %get3A_419 = arith.constant 32 : index
    %get3A_420 = tpu.vector_load %arg13[%get3A_418, %get3A_419] {strides = array<i32>} : memref<16x64xf32, #tpu.memory_space<vmem>>, vector<16xf32>,
    %get3A_421 = arith.constant 13 : i32
    %get3A_422 = arith.index_cast %get3A_421 : i32 to index
    %get3A_423 = arith.constant 48 : index
    %get3A_424 = tpu.vector_load %arg13[%get3A_422, %get3A_423] {strides = array<i32>} : memref<16x64xf32, #tpu.memory_space<vmem>>, vector<16xf32>,
    %pack3A_425 = tpu.pack_subelements %get3A_412, %get3A_416 {pack_format = #tpu.pack_format<interleaved>, positions = array<i32: 0, 1>} : vector<16xf32>, vector<16xf32> -> vector<32xbf16>
    %pack3A_426 = tpu.pack_subelements %get3A_420, %get3A_424 {pack_format = #tpu.pack_format<interleaved>, positions = array<i32: 0, 1>} : vector<16xf32>, vector<16xf32> -> vector<32xbf16>
    %get3A_427 = arith.constant 14 : i32
    %get3A_428 = arith.index_cast %get3A_427 : i32 to index
    %get3A_429 = arith.constant 0 : index
    %get3A_430 = tpu.vector_load %arg13[%get3A_428, %get3A_429] {strides = array<i32>} : memref<16x64xf32, #tpu.memory_space<vmem>>, vector<16xf32>,
    %get3A_431 = arith.constant 14 : i32
    %get3A_432 = arith.index_cast %get3A_431 : i32 to index
    %get3A_433 = arith.constant 16 : index
    %get3A_434 = tpu.vector_load %arg13[%get3A_432, %get3A_433] {strides = array<i32>} : memref<16x64xf32, #tpu.memory_space<vmem>>, vector<16xf32>,
    %get3A_435 = arith.constant 14 : i32
    %get3A_436 = arith.index_cast %get3A_435 : i32 to index
    %get3A_437 = arith.constant 32 : index
    %get3A_438 = tpu.vector_load %arg13[%get3A_436, %get3A_437] {strides = array<i32>} : memref<16x64xf32, #tpu.memory_space<vmem>>, vector<16xf32>,
    %get3A_439 = arith.constant 14 : i32
    %get3A_440 = arith.index_cast %get3A_439 : i32 to index
    %get3A_441 = arith.constant 48 : index
    %get3A_442 = tpu.vector_load %arg13[%get3A_440, %get3A_441] {strides = array<i32>} : memref<16x64xf32, #tpu.memory_space<vmem>>, vector<16xf32>,
    %pack3A_443 = tpu.pack_subelements %get3A_430, %get3A_434 {pack_format = #tpu.pack_format<interleaved>, positions = array<i32: 0, 1>} : vector<16xf32>, vector<16xf32> -> vector<32xbf16>
    %pack3A_444 = tpu.pack_subelements %get3A_438, %get3A_442 {pack_format = #tpu.pack_format<interleaved>, positions = array<i32: 0, 1>} : vector<16xf32>, vector<16xf32> -> vector<32xbf16>
    %get3A_445 = arith.constant 15 : i32
    %get3A_446 = arith.index_cast %get3A_445 : i32 to index
    %get3A_447 = arith.constant 0 : index
    %get3A_448 = tpu.vector_load %arg13[%get3A_446, %get3A_447] {strides = array<i32>} : memref<16x64xf32, #tpu.memory_space<vmem>>, vector<16xf32>,
    %get3A_449 = arith.constant 15 : i32
    %get3A_450 = arith.index_cast %get3A_449 : i32 to index
    %get3A_451 = arith.constant 16 : index
    %get3A_452 = tpu.vector_load %arg13[%get3A_450, %get3A_451] {strides = array<i32>} : memref<16x64xf32, #tpu.memory_space<vmem>>, vector<16xf32>,
    %get3A_453 = arith.constant 15 : i32
    %get3A_454 = arith.index_cast %get3A_453 : i32 to index
    %get3A_455 = arith.constant 32 : index
    %get3A_456 = tpu.vector_load %arg13[%get3A_454, %get3A_455] {strides = array<i32>} : memref<16x64xf32, #tpu.memory_space<vmem>>, vector<16xf32>,
    %get3A_457 = arith.constant 15 : i32
    %get3A_458 = arith.index_cast %get3A_457 : i32 to index
    %get3A_459 = arith.constant 48 : index
    %get3A_460 = tpu.vector_load %arg13[%get3A_458, %get3A_459] {strides = array<i32>} : memref<16x64xf32, #tpu.memory_space<vmem>>, vector<16xf32>,
    %pack3A_461 = tpu.pack_subelements %get3A_448, %get3A_452 {pack_format = #tpu.pack_format<interleaved>, positions = array<i32: 0, 1>} : vector<16xf32>, vector<16xf32> -> vector<32xbf16>
    %pack3A_462 = tpu.pack_subelements %get3A_456, %get3A_460 {pack_format = #tpu.pack_format<interleaved>, positions = array<i32: 0, 1>} : vector<16xf32>, vector<16xf32> -> vector<32xbf16>
    %dma_start3A_463 = arith.constant 0 : i32
    %dma_start3A_464 = arith.constant 0 : i32
    %dma_start3A_465 = tpu.memref_slice %arg8[%dma_start3A_463, %dma_start3A_464] : memref<200x128xi32, #tpu.memory_space<vmem>> -> memref<1x128xi32, #tpu.memory_space<vmem>>
    %dma_start3A_466 = tpu.memref_squeeze %dma_start3A_465 : memref<1x128xi32, #tpu.memory_space<vmem>> -> memref<128xi32, #tpu.memory_space<vmem>>
    %dma_start3A_467 = arith.constant 0 : i32
    %dma_start3A_468 = arith.constant 0 : i32
    %dma_start3A_469 = tpu.memref_slice %arg3[%dma_start3A_467, %dma_start3A_468] : memref<1000000x64xf32, #tpu.memory_space<hbm>> -> memref<1000000x64xf32, #tpu.memory_space<hbm>>
    tpu.enqueue_indirect_dma source(%dma_start3A_469 : memref<1000000x64xf32, #tpu.memory_space<hbm>>) target(%arg9 : memref<128x64xf32, #tpu.memory_space<vmem>>) offsets(%dma_start3A_466 : memref<128xi32, #tpu.memory_space<vmem>>) semaphore(%arg18 : memref<!tpu.dma_semaphore, #tpu.memory_space<semaphore_mem>>)
    %dma_start3A_470 = arith.constant 0 : i32
    %dma_start3A_471 = arith.constant 0 : i32
    %dma_start3A_472 = tpu.memref_slice %arg8[%dma_start3A_470, %dma_start3A_471] : memref<200x128xi32, #tpu.memory_space<vmem>> -> memref<1x128xi32, #tpu.memory_space<vmem>>
    %dma_start3A_473 = tpu.memref_squeeze %dma_start3A_472 : memref<1x128xi32, #tpu.memory_space<vmem>> -> memref<128xi32, #tpu.memory_space<vmem>>
    %dma_start3A_474 = arith.constant 0 : i32
    %dma_start3A_475 = arith.constant 0 : i32
    %dma_start3A_476 = tpu.memref_slice %arg7[%arg0, %dma_start3A_474, %dma_start3A_475] : memref<2x1000000x16xf32, #tpu.memory_space<hbm>> -> memref<1x1000000x16xf32, #tpu.memory_space<hbm>>
    %dma_start3A_477 = tpu.memref_squeeze %dma_start3A_476 : memref<1x1000000x16xf32, #tpu.memory_space<hbm>> -> memref<1000000x16xf32, #tpu.memory_space<hbm>>
    %dma_start3A_478 = arith.constant 0 : i32
    %dma_start3A_479 = arith.constant 0 : i32
    %dma_start3A_480 = tpu.memref_slice %dma_start3A_477[%dma_start3A_478, %dma_start3A_479] : memref<1000000x16xf32, #tpu.memory_space<hbm>> -> memref<1000000x16xf32, #tpu.memory_space<hbm>>
    tpu.enqueue_indirect_dma source(%dma_start3A_480 : memref<1000000x16xf32, #tpu.memory_space<hbm>>) target(%arg11 : memref<128x16xf32, #tpu.memory_space<vmem>>) offsets(%dma_start3A_473 : memref<128xi32, #tpu.memory_space<vmem>>) semaphore(%arg20 : memref<!tpu.dma_semaphore, #tpu.memory_space<semaphore_mem>>)
    %dma_start3A_481 = arith.constant 1 : i32
    %dma_start3A_482 = arith.constant 0 : i32
    %dma_start3A_483 = tpu.memref_slice %arg8[%dma_start3A_481, %dma_start3A_482] : memref<200x128xi32, #tpu.memory_space<vmem>> -> memref<1x128xi32, #tpu.memory_space<vmem>>
    %dma_start3A_484 = tpu.memref_squeeze %dma_start3A_483 : memref<1x128xi32, #tpu.memory_space<vmem>> -> memref<128xi32, #tpu.memory_space<vmem>>
    %dma_start3A_485 = arith.constant 0 : i32
    %dma_start3A_486 = arith.constant 0 : i32
    %dma_start3A_487 = tpu.memref_slice %arg3[%dma_start3A_485, %dma_start3A_486] : memref<1000000x64xf32, #tpu.memory_space<hbm>> -> memref<1000000x64xf32, #tpu.memory_space<hbm>>
    tpu.enqueue_indirect_dma source(%dma_start3A_487 : memref<1000000x64xf32, #tpu.memory_space<hbm>>) target(%arg10 : memref<128x64xf32, #tpu.memory_space<vmem>>) offsets(%dma_start3A_484 : memref<128xi32, #tpu.memory_space<vmem>>) semaphore(%arg19 : memref<!tpu.dma_semaphore, #tpu.memory_space<semaphore_mem>>)
    %dma_start3A_488 = arith.constant 1 : i32
    %dma_start3A_489 = arith.constant 0 : i32
    %dma_start3A_490 = tpu.memref_slice %arg8[%dma_start3A_488, %dma_start3A_489] : memref<200x128xi32, #tpu.memory_space<vmem>> -> memref<1x128xi32, #tpu.memory_space<vmem>>
    %dma_start3A_491 = tpu.memref_squeeze %dma_start3A_490 : memref<1x128xi32, #tpu.memory_space<vmem>> -> memref<128xi32, #tpu.memory_space<vmem>>
    %dma_start3A_492 = arith.constant 0 : i32
    %dma_start3A_493 = arith.constant 0 : i32
    %dma_start3A_494 = tpu.memref_slice %arg7[%arg0, %dma_start3A_492, %dma_start3A_493] : memref<2x1000000x16xf32, #tpu.memory_space<hbm>> -> memref<1x1000000x16xf32, #tpu.memory_space<hbm>>
    %dma_start3A_495 = tpu.memref_squeeze %dma_start3A_494 : memref<1x1000000x16xf32, #tpu.memory_space<hbm>> -> memref<1000000x16xf32, #tpu.memory_space<hbm>>
    %dma_start3A_496 = arith.constant 0 : i32
    %dma_start3A_497 = arith.constant 0 : i32
    %dma_start3A_498 = tpu.memref_slice %dma_start3A_495[%dma_start3A_496, %dma_start3A_497] : memref<1000000x16xf32, #tpu.memory_space<hbm>> -> memref<1000000x16xf32, #tpu.memory_space<hbm>>
    tpu.enqueue_indirect_dma source(%dma_start3A_498 : memref<1000000x16xf32, #tpu.memory_space<hbm>>) target(%arg12 : memref<128x16xf32, #tpu.memory_space<vmem>>) offsets(%dma_start3A_491 : memref<128xi32, #tpu.memory_space<vmem>>) semaphore(%arg21 : memref<!tpu.dma_semaphore, #tpu.memory_space<semaphore_mem>>)
    %dma_wait3A_499 = arith.constant 0 : i32
    %dma_wait3A_500 = arith.constant 0 : i32
    %dma_wait3A_501 = tpu.memref_slice %arg8[%dma_wait3A_499, %dma_wait3A_500] : memref<200x128xi32, #tpu.memory_space<vmem>> -> memref<1x128xi32, #tpu.memory_space<vmem>>
    %dma_wait3A_502 = tpu.memref_squeeze %dma_wait3A_501 : memref<1x128xi32, #tpu.memory_space<vmem>> -> memref<128xi32, #tpu.memory_space<vmem>>
    %dma_wait3A_503 = arith.constant 0 : i32
    %dma_wait3A_504 = arith.constant 0 : i32
    %dma_wait3A_505 = tpu.memref_slice %arg3[%dma_wait3A_503, %dma_wait3A_504] : memref<1000000x64xf32, #tpu.memory_space<hbm>> -> memref<1000000x64xf32, #tpu.memory_space<hbm>>
    tpu.wait_indirect_dma semaphore(%arg18 : memref<!tpu.dma_semaphore, #tpu.memory_space<semaphore_mem>>) src(%dma_wait3A_505 : memref<1000000x64xf32, #tpu.memory_space<hbm>>) dst(%arg9 : memref<128x64xf32, #tpu.memory_space<vmem>>)
    %dma_wait3A_506 = arith.constant 0 : i32
    %dma_wait3A_507 = arith.constant 0 : i32
    %dma_wait3A_508 = tpu.memref_slice %arg8[%dma_wait3A_506, %dma_wait3A_507] : memref<200x128xi32, #tpu.memory_space<vmem>> -> memref<1x128xi32, #tpu.memory_space<vmem>>
    %dma_wait3A_509 = tpu.memref_squeeze %dma_wait3A_508 : memref<1x128xi32, #tpu.memory_space<vmem>> -> memref<128xi32, #tpu.memory_space<vmem>>
    %dma_wait3A_510 = arith.constant 0 : i32
    %dma_wait3A_511 = arith.constant 0 : i32
    %dma_wait3A_512 = tpu.memref_slice %arg7[%arg0, %dma_wait3A_510, %dma_wait3A_511] : memref<2x1000000x16xf32, #tpu.memory_space<hbm>> -> memref<1x1000000x16xf32, #tpu.memory_space<hbm>>
    %dma_wait3A_513 = tpu.memref_squeeze %dma_wait3A_512 : memref<1x1000000x16xf32, #tpu.memory_space<hbm>> -> memref<1000000x16xf32, #tpu.memory_space<hbm>>
    %dma_wait3A_514 = arith.constant 0 : i32
    %dma_wait3A_515 = arith.constant 0 : i32
    %dma_wait3A_516 = tpu.memref_slice %dma_wait3A_513[%dma_wait3A_514, %dma_wait3A_515] : memref<1000000x16xf32, #tpu.memory_space<hbm>> -> memref<1000000x16xf32, #tpu.memory_space<hbm>>
    tpu.wait_indirect_dma semaphore(%arg20 : memref<!tpu.dma_semaphore, #tpu.memory_space<semaphore_mem>>) src(%dma_wait3A_516 : memref<1000000x16xf32, #tpu.memory_space<hbm>>) dst(%arg11 : memref<128x16xf32, #tpu.memory_space<vmem>>)
    %parallel_loop3A_517 = arith.constant 0 : i32
    %parallel_loop3A_518 = arith.constant 128 : i32
    %parallel_loop3A_519 = arith.constant 1 : i32
    scf.for %parallel_loop3A_689 = %parallel_loop3A_517 to %parallel_loop3A_518 step %parallel_loop3A_519  : i32 {
      %parallel_loop3A_690 = arith.index_cast %parallel_loop3A_689 : i32 to index
      %parallel_loop3A_691 = arith.constant 0 : index
      %parallel_loop3A_692 = tpu.vector_load %arg11[%parallel_loop3A_690, %parallel_loop3A_691] {strides = array<i32>} : memref<128x16xf32, #tpu.memory_space<vmem>>, vector<16xf32>,
      %parallel_loop3A_693 = arith.constant 0.000000e+00 : bf16
      %parallel_loop3A_694 = vector.broadcast %parallel_loop3A_693 : bf16 to vector<32xbf16>
      %parallel_loop3A_695 = arith.constant 0.000000e+00 : bf16
      %parallel_loop3A_696 = vector.broadcast %parallel_loop3A_695 : bf16 to vector<32xbf16>
      %parallel_loop3A_697 = vector.extract_strided_slice %parallel_loop3A_692 {offsets = [0], sizes = [1], strides = [1]} : vector<16xf32> to vector<1xf32>
      %parallel_loop3A_698 = vector.extract %parallel_loop3A_697[0] : f32 from vector<1xf32>
      %parallel_loop3A_699 = vector.broadcast %parallel_loop3A_698 : f32 to vector<16xf32>
      %parallel_loop3A_700 = tpu.pack_subelements %parallel_loop3A_699, %parallel_loop3A_699 {pack_format = #tpu.pack_format<interleaved>, positions = array<i32: 0, 1>} : vector<16xf32>, vector<16xf32> -> vector<32xbf16>
      %parallel_loop3A_701 = arith.mulf %pack3A, %parallel_loop3A_700 : vector<32xbf16>
      %parallel_loop3A_702 = arith.addf %parallel_loop3A_694, %parallel_loop3A_701 : vector<32xbf16>
      %parallel_loop3A_703 = arith.mulf %pack3A_192, %parallel_loop3A_700 : vector<32xbf16>
      %parallel_loop3A_704 = arith.addf %parallel_loop3A_696, %parallel_loop3A_703 : vector<32xbf16>
      %parallel_loop3A_705 = vector.extract_strided_slice %parallel_loop3A_692 {offsets = [1], sizes = [1], strides = [1]} : vector<16xf32> to vector<1xf32>
      %parallel_loop3A_706 = vector.extract %parallel_loop3A_705[0] : f32 from vector<1xf32>
      %parallel_loop3A_707 = vector.broadcast %parallel_loop3A_706 : f32 to vector<16xf32>
      %parallel_loop3A_708 = tpu.pack_subelements %parallel_loop3A_707, %parallel_loop3A_707 {pack_format = #tpu.pack_format<interleaved>, positions = array<i32: 0, 1>} : vector<16xf32>, vector<16xf32> -> vector<32xbf16>
      %parallel_loop3A_709 = arith.mulf %pack3A_209, %parallel_loop3A_708 : vector<32xbf16>
      %parallel_loop3A_710 = arith.addf %parallel_loop3A_702, %parallel_loop3A_709 : vector<32xbf16>
      %parallel_loop3A_711 = arith.mulf %pack3A_210, %parallel_loop3A_708 : vector<32xbf16>
      %parallel_loop3A_712 = arith.addf %parallel_loop3A_704, %parallel_loop3A_711 : vector<32xbf16>
      %parallel_loop3A_713 = vector.extract_strided_slice %parallel_loop3A_692 {offsets = [2], sizes = [1], strides = [1]} : vector<16xf32> to vector<1xf32>
      %parallel_loop3A_714 = vector.extract %parallel_loop3A_713[0] : f32 from vector<1xf32>
      %parallel_loop3A_715 = vector.broadcast %parallel_loop3A_714 : f32 to vector<16xf32>
      %parallel_loop3A_716 = tpu.pack_subelements %parallel_loop3A_715, %parallel_loop3A_715 {pack_format = #tpu.pack_format<interleaved>, positions = array<i32: 0, 1>} : vector<16xf32>, vector<16xf32> -> vector<32xbf16>
      %parallel_loop3A_717 = arith.mulf %pack3A_227, %parallel_loop3A_716 : vector<32xbf16>
      %parallel_loop3A_718 = arith.addf %parallel_loop3A_710, %parallel_loop3A_717 : vector<32xbf16>
      %parallel_loop3A_719 = arith.mulf %pack3A_228, %parallel_loop3A_716 : vector<32xbf16>
      %parallel_loop3A_720 = arith.addf %parallel_loop3A_712, %parallel_loop3A_719 : vector<32xbf16>
      %parallel_loop3A_721 = vector.extract_strided_slice %parallel_loop3A_692 {offsets = [3], sizes = [1], strides = [1]} : vector<16xf32> to vector<1xf32>
      %parallel_loop3A_722 = vector.extract %parallel_loop3A_721[0] : f32 from vector<1xf32>
      %parallel_loop3A_723 = vector.broadcast %parallel_loop3A_722 : f32 to vector<16xf32>
      %parallel_loop3A_724 = tpu.pack_subelements %parallel_loop3A_723, %parallel_loop3A_723 {pack_format = #tpu.pack_format<interleaved>, positions = array<i32: 0, 1>} : vector<16xf32>, vector<16xf32> -> vector<32xbf16>
      %parallel_loop3A_725 = arith.mulf %pack3A_245, %parallel_loop3A_724 : vector<32xbf16>
      %parallel_loop3A_726 = arith.addf %parallel_loop3A_718, %parallel_loop3A_725 : vector<32xbf16>
      %parallel_loop3A_727 = arith.mulf %pack3A_246, %parallel_loop3A_724 : vector<32xbf16>
      %parallel_loop3A_728 = arith.addf %parallel_loop3A_720, %parallel_loop3A_727 : vector<32xbf16>
      %parallel_loop3A_729 = vector.extract_strided_slice %parallel_loop3A_692 {offsets = [4], sizes = [1], strides = [1]} : vector<16xf32> to vector<1xf32>
      %parallel_loop3A_730 = vector.extract %parallel_loop3A_729[0] : f32 from vector<1xf32>
      %parallel_loop3A_731 = vector.broadcast %parallel_loop3A_730 : f32 to vector<16xf32>
      %parallel_loop3A_732 = tpu.pack_subelements %parallel_loop3A_731, %parallel_loop3A_731 {pack_format = #tpu.pack_format<interleaved>, positions = array<i32: 0, 1>} : vector<16xf32>, vector<16xf32> -> vector<32xbf16>
      %parallel_loop3A_733 = arith.mulf %pack3A_263, %parallel_loop3A_732 : vector<32xbf16>
      %parallel_loop3A_734 = arith.addf %parallel_loop3A_726, %parallel_loop3A_733 : vector<32xbf16>
      %parallel_loop3A_735 = arith.mulf %pack3A_264, %parallel_loop3A_732 : vector<32xbf16>
      %parallel_loop3A_736 = arith.addf %parallel_loop3A_728, %parallel_loop3A_735 : vector<32xbf16>
      %parallel_loop3A_737 = vector.extract_strided_slice %parallel_loop3A_692 {offsets = [5], sizes = [1], strides = [1]} : vector<16xf32> to vector<1xf32>
      %parallel_loop3A_738 = vector.extract %parallel_loop3A_737[0] : f32 from vector<1xf32>
      %parallel_loop3A_739 = vector.broadcast %parallel_loop3A_738 : f32 to vector<16xf32>
      %parallel_loop3A_740 = tpu.pack_subelements %parallel_loop3A_739, %parallel_loop3A_739 {pack_format = #tpu.pack_format<interleaved>, positions = array<i32: 0, 1>} : vector<16xf32>, vector<16xf32> -> vector<32xbf16>
      %parallel_loop3A_741 = arith.mulf %pack3A_281, %parallel_loop3A_740 : vector<32xbf16>
      %parallel_loop3A_742 = arith.addf %parallel_loop3A_734, %parallel_loop3A_741 : vector<32xbf16>
      %parallel_loop3A_743 = arith.mulf %pack3A_282, %parallel_loop3A_740 : vector<32xbf16>
      %parallel_loop3A_744 = arith.addf %parallel_loop3A_736, %parallel_loop3A_743 : vector<32xbf16>
      %parallel_loop3A_745 = vector.extract_strided_slice %parallel_loop3A_692 {offsets = [6], sizes = [1], strides = [1]} : vector<16xf32> to vector<1xf32>
      %parallel_loop3A_746 = vector.extract %parallel_loop3A_745[0] : f32 from vector<1xf32>
      %parallel_loop3A_747 = vector.broadcast %parallel_loop3A_746 : f32 to vector<16xf32>
      %parallel_loop3A_748 = tpu.pack_subelements %parallel_loop3A_747, %parallel_loop3A_747 {pack_format = #tpu.pack_format<interleaved>, positions = array<i32: 0, 1>} : vector<16xf32>, vector<16xf32> -> vector<32xbf16>
      %parallel_loop3A_749 = arith.mulf %pack3A_299, %parallel_loop3A_748 : vector<32xbf16>
      %parallel_loop3A_750 = arith.addf %parallel_loop3A_742, %parallel_loop3A_749 : vector<32xbf16>
      %parallel_loop3A_751 = arith.mulf %pack3A_300, %parallel_loop3A_748 : vector<32xbf16>
      %parallel_loop3A_752 = arith.addf %parallel_loop3A_744, %parallel_loop3A_751 : vector<32xbf16>
      %parallel_loop3A_753 = vector.extract_strided_slice %parallel_loop3A_692 {offsets = [7], sizes = [1], strides = [1]} : vector<16xf32> to vector<1xf32>
      %parallel_loop3A_754 = vector.extract %parallel_loop3A_753[0] : f32 from vector<1xf32>
      %parallel_loop3A_755 = vector.broadcast %parallel_loop3A_754 : f32 to vector<16xf32>
      %parallel_loop3A_756 = tpu.pack_subelements %parallel_loop3A_755, %parallel_loop3A_755 {pack_format = #tpu.pack_format<interleaved>, positions = array<i32: 0, 1>} : vector<16xf32>, vector<16xf32> -> vector<32xbf16>
      %parallel_loop3A_757 = arith.mulf %pack3A_317, %parallel_loop3A_756 : vector<32xbf16>
      %parallel_loop3A_758 = arith.addf %parallel_loop3A_750, %parallel_loop3A_757 : vector<32xbf16>
      %parallel_loop3A_759 = arith.mulf %pack3A_318, %parallel_loop3A_756 : vector<32xbf16>
      %parallel_loop3A_760 = arith.addf %parallel_loop3A_752, %parallel_loop3A_759 : vector<32xbf16>
      %parallel_loop3A_761 = vector.extract_strided_slice %parallel_loop3A_692 {offsets = [8], sizes = [1], strides = [1]} : vector<16xf32> to vector<1xf32>
      %parallel_loop3A_762 = vector.extract %parallel_loop3A_761[0] : f32 from vector<1xf32>
      %parallel_loop3A_763 = vector.broadcast %parallel_loop3A_762 : f32 to vector<16xf32>
      %parallel_loop3A_764 = tpu.pack_subelements %parallel_loop3A_763, %parallel_loop3A_763 {pack_format = #tpu.pack_format<interleaved>, positions = array<i32: 0, 1>} : vector<16xf32>, vector<16xf32> -> vector<32xbf16>
      %parallel_loop3A_765 = arith.mulf %pack3A_335, %parallel_loop3A_764 : vector<32xbf16>
      %parallel_loop3A_766 = arith.addf %parallel_loop3A_758, %parallel_loop3A_765 : vector<32xbf16>
      %parallel_loop3A_767 = arith.mulf %pack3A_336, %parallel_loop3A_764 : vector<32xbf16>
      %parallel_loop3A_768 = arith.addf %parallel_loop3A_760, %parallel_loop3A_767 : vector<32xbf16>
      %parallel_loop3A_769 = vector.extract_strided_slice %parallel_loop3A_692 {offsets = [9], sizes = [1], strides = [1]} : vector<16xf32> to vector<1xf32>
      %parallel_loop3A_770 = vector.extract %parallel_loop3A_769[0] : f32 from vector<1xf32>
      %parallel_loop3A_771 = vector.broadcast %parallel_loop3A_770 : f32 to vector<16xf32>
      %parallel_loop3A_772 = tpu.pack_subelements %parallel_loop3A_771, %parallel_loop3A_771 {pack_format = #tpu.pack_format<interleaved>, positions = array<i32: 0, 1>} : vector<16xf32>, vector<16xf32> -> vector<32xbf16>
      %parallel_loop3A_773 = arith.mulf %pack3A_353, %parallel_loop3A_772 : vector<32xbf16>
      %parallel_loop3A_774 = arith.addf %parallel_loop3A_766, %parallel_loop3A_773 : vector<32xbf16>
      %parallel_loop3A_775 = arith.mulf %pack3A_354, %parallel_loop3A_772 : vector<32xbf16>
      %parallel_loop3A_776 = arith.addf %parallel_loop3A_768, %parallel_loop3A_775 : vector<32xbf16>
      %parallel_loop3A_777 = vector.extract_strided_slice %parallel_loop3A_692 {offsets = [10], sizes = [1], strides = [1]} : vector<16xf32> to vector<1xf32>
      %parallel_loop3A_778 = vector.extract %parallel_loop3A_777[0] : f32 from vector<1xf32>
      %parallel_loop3A_779 = vector.broadcast %parallel_loop3A_778 : f32 to vector<16xf32>
      %parallel_loop3A_780 = tpu.pack_subelements %parallel_loop3A_779, %parallel_loop3A_779 {pack_format = #tpu.pack_format<interleaved>, positions = array<i32: 0, 1>} : vector<16xf32>, vector<16xf32> -> vector<32xbf16>
      %parallel_loop3A_781 = arith.mulf %pack3A_371, %parallel_loop3A_780 : vector<32xbf16>
      %parallel_loop3A_782 = arith.addf %parallel_loop3A_774, %parallel_loop3A_781 : vector<32xbf16>
      %parallel_loop3A_783 = arith.mulf %pack3A_372, %parallel_loop3A_780 : vector<32xbf16>
      %parallel_loop3A_784 = arith.addf %parallel_loop3A_776, %parallel_loop3A_783 : vector<32xbf16>
      %parallel_loop3A_785 = vector.extract_strided_slice %parallel_loop3A_692 {offsets = [11], sizes = [1], strides = [1]} : vector<16xf32> to vector<1xf32>
      %parallel_loop3A_786 = vector.extract %parallel_loop3A_785[0] : f32 from vector<1xf32>
      %parallel_loop3A_787 = vector.broadcast %parallel_loop3A_786 : f32 to vector<16xf32>
      %parallel_loop3A_788 = tpu.pack_subelements %parallel_loop3A_787, %parallel_loop3A_787 {pack_format = #tpu.pack_format<interleaved>, positions = array<i32: 0, 1>} : vector<16xf32>, vector<16xf32> -> vector<32xbf16>
      %parallel_loop3A_789 = arith.mulf %pack3A_389, %parallel_loop3A_788 : vector<32xbf16>
      %parallel_loop3A_790 = arith.addf %parallel_loop3A_782, %parallel_loop3A_789 : vector<32xbf16>
      %parallel_loop3A_791 = arith.mulf %pack3A_390, %parallel_loop3A_788 : vector<32xbf16>
      %parallel_loop3A_792 = arith.addf %parallel_loop3A_784, %parallel_loop3A_791 : vector<32xbf16>
      %parallel_loop3A_793 = vector.extract_strided_slice %parallel_loop3A_692 {offsets = [12], sizes = [1], strides = [1]} : vector<16xf32> to vector<1xf32>
      %parallel_loop3A_794 = vector.extract %parallel_loop3A_793[0] : f32 from vector<1xf32>
      %parallel_loop3A_795 = vector.broadcast %parallel_loop3A_794 : f32 to vector<16xf32>
      %parallel_loop3A_796 = tpu.pack_subelements %parallel_loop3A_795, %parallel_loop3A_795 {pack_format = #tpu.pack_format<interleaved>, positions = array<i32: 0, 1>} : vector<16xf32>, vector<16xf32> -> vector<32xbf16>
      %parallel_loop3A_797 = arith.mulf %pack3A_407, %parallel_loop3A_796 : vector<32xbf16>
      %parallel_loop3A_798 = arith.addf %parallel_loop3A_790, %parallel_loop3A_797 : vector<32xbf16>
      %parallel_loop3A_799 = arith.mulf %pack3A_408, %parallel_loop3A_796 : vector<32xbf16>
      %parallel_loop3A_800 = arith.addf %parallel_loop3A_792, %parallel_loop3A_799 : vector<32xbf16>
      %parallel_loop3A_801 = vector.extract_strided_slice %parallel_loop3A_692 {offsets = [13], sizes = [1], strides = [1]} : vector<16xf32> to vector<1xf32>
      %parallel_loop3A_802 = vector.extract %parallel_loop3A_801[0] : f32 from vector<1xf32>
      %parallel_loop3A_803 = vector.broadcast %parallel_loop3A_802 : f32 to vector<16xf32>
      %parallel_loop3A_804 = tpu.pack_subelements %parallel_loop3A_803, %parallel_loop3A_803 {pack_format = #tpu.pack_format<interleaved>, positions = array<i32: 0, 1>} : vector<16xf32>, vector<16xf32> -> vector<32xbf16>
      %parallel_loop3A_805 = arith.mulf %pack3A_425, %parallel_loop3A_804 : vector<32xbf16>
      %parallel_loop3A_806 = arith.addf %parallel_loop3A_798, %parallel_loop3A_805 : vector<32xbf16>
      %parallel_loop3A_807 = arith.mulf %pack3A_426, %parallel_loop3A_804 : vector<32xbf16>
      %parallel_loop3A_808 = arith.addf %parallel_loop3A_800, %parallel_loop3A_807 : vector<32xbf16>
      %parallel_loop3A_809 = vector.extract_strided_slice %parallel_loop3A_692 {offsets = [14], sizes = [1], strides = [1]} : vector<16xf32> to vector<1xf32>
      %parallel_loop3A_810 = vector.extract %parallel_loop3A_809[0] : f32 from vector<1xf32>
      %parallel_loop3A_811 = vector.broadcast %parallel_loop3A_810 : f32 to vector<16xf32>
      %parallel_loop3A_812 = tpu.pack_subelements %parallel_loop3A_811, %parallel_loop3A_811 {pack_format = #tpu.pack_format<interleaved>, positions = array<i32: 0, 1>} : vector<16xf32>, vector<16xf32> -> vector<32xbf16>
      %parallel_loop3A_813 = arith.mulf %pack3A_443, %parallel_loop3A_812 : vector<32xbf16>
      %parallel_loop3A_814 = arith.addf %parallel_loop3A_806, %parallel_loop3A_813 : vector<32xbf16>
      %parallel_loop3A_815 = arith.mulf %pack3A_444, %parallel_loop3A_812 : vector<32xbf16>
      %parallel_loop3A_816 = arith.addf %parallel_loop3A_808, %parallel_loop3A_815 : vector<32xbf16>
      %parallel_loop3A_817 = vector.extract_strided_slice %parallel_loop3A_692 {offsets = [15], sizes = [1], strides = [1]} : vector<16xf32> to vector<1xf32>
      %parallel_loop3A_818 = vector.extract %parallel_loop3A_817[0] : f32 from vector<1xf32>
      %parallel_loop3A_819 = vector.broadcast %parallel_loop3A_818 : f32 to vector<16xf32>
      %parallel_loop3A_820 = tpu.pack_subelements %parallel_loop3A_819, %parallel_loop3A_819 {pack_format = #tpu.pack_format<interleaved>, positions = array<i32: 0, 1>} : vector<16xf32>, vector<16xf32> -> vector<32xbf16>
      %parallel_loop3A_821 = arith.mulf %pack3A_461, %parallel_loop3A_820 : vector<32xbf16>
      %parallel_loop3A_822 = arith.addf %parallel_loop3A_814, %parallel_loop3A_821 : vector<32xbf16>
      %parallel_loop3A_823 = arith.mulf %pack3A_462, %parallel_loop3A_820 : vector<32xbf16>
      %parallel_loop3A_824 = arith.addf %parallel_loop3A_816, %parallel_loop3A_823 : vector<32xbf16>
      %parallel_loop3A_825 = tpu.unpack_subelements %parallel_loop3A_822, 0 {pack_format = #tpu.pack_format<interleaved>} : vector<32xbf16> -> vector<16xf32>
      %parallel_loop3A_826 = tpu.unpack_subelements %parallel_loop3A_822, 1 {pack_format = #tpu.pack_format<interleaved>} : vector<32xbf16> -> vector<16xf32>
      %parallel_loop3A_827 = tpu.unpack_subelements %parallel_loop3A_824, 0 {pack_format = #tpu.pack_format<interleaved>} : vector<32xbf16> -> vector<16xf32>
      %parallel_loop3A_828 = tpu.unpack_subelements %parallel_loop3A_824, 1 {pack_format = #tpu.pack_format<interleaved>} : vector<32xbf16> -> vector<16xf32>
      %parallel_loop3A_829 = arith.index_cast %parallel_loop3A_689 : i32 to index
      %parallel_loop3A_830 = arith.constant 0 : index
      %parallel_loop3A_831 = tpu.vector_load %arg9[%parallel_loop3A_829, %parallel_loop3A_830] {strides = array<i32>} : memref<128x64xf32, #tpu.memory_space<vmem>>, vector<16xf32>,
      %parallel_loop3A_832 = arith.addf %parallel_loop3A_831, %parallel_loop3A_825 : vector<16xf32>
      %parallel_loop3A_833 = arith.index_cast %parallel_loop3A_689 : i32 to index
      %parallel_loop3A_834 = arith.constant 0 : index
      %parallel_loop3A_835 = tpu.vector_load %arg9[%parallel_loop3A_833, %parallel_loop3A_834] {strides = array<i32>} : memref<128x64xf32, #tpu.memory_space<vmem>>, vector<16xf32>,
      tpu.vector_store %arg9[%parallel_loop3A_833, %parallel_loop3A_834], %parallel_loop3A_832 {strides = array<i32>} : memref<128x64xf32, #tpu.memory_space<vmem>>, vector<16xf32>,
      %parallel_loop3A_836 = arith.index_cast %parallel_loop3A_689 : i32 to index
      %parallel_loop3A_837 = arith.constant 16 : index
      %parallel_loop3A_838 = tpu.vector_load %arg9[%parallel_loop3A_836, %parallel_loop3A_837] {strides = array<i32>} : memref<128x64xf32, #tpu.memory_space<vmem>>, vector<16xf32>,
      %parallel_loop3A_839 = arith.addf %parallel_loop3A_838, %parallel_loop3A_826 : vector<16xf32>
      %parallel_loop3A_840 = arith.index_cast %parallel_loop3A_689 : i32 to index
      %parallel_loop3A_841 = arith.constant 16 : index
      %parallel_loop3A_842 = tpu.vector_load %arg9[%parallel_loop3A_840, %parallel_loop3A_841] {strides = array<i32>} : memref<128x64xf32, #tpu.memory_space<vmem>>, vector<16xf32>,
      tpu.vector_store %arg9[%parallel_loop3A_840, %parallel_loop3A_841], %parallel_loop3A_839 {strides = array<i32>} : memref<128x64xf32, #tpu.memory_space<vmem>>, vector<16xf32>,
      %parallel_loop3A_843 = arith.index_cast %parallel_loop3A_689 : i32 to index
      %parallel_loop3A_844 = arith.constant 32 : index
      %parallel_loop3A_845 = tpu.vector_load %arg9[%parallel_loop3A_843, %parallel_loop3A_844] {strides = array<i32>} : memref<128x64xf32, #tpu.memory_space<vmem>>, vector<16xf32>,
      %parallel_loop3A_846 = arith.addf %parallel_loop3A_845, %parallel_loop3A_827 : vector<16xf32>
      %parallel_loop3A_847 = arith.index_cast %parallel_loop3A_689 : i32 to index
      %parallel_loop3A_848 = arith.constant 32 : index
      %parallel_loop3A_849 = tpu.vector_load %arg9[%parallel_loop3A_847, %parallel_loop3A_848] {strides = array<i32>} : memref<128x64xf32, #tpu.memory_space<vmem>>, vector<16xf32>,
      tpu.vector_store %arg9[%parallel_loop3A_847, %parallel_loop3A_848], %parallel_loop3A_846 {strides = array<i32>} : memref<128x64xf32, #tpu.memory_space<vmem>>, vector<16xf32>,
      %parallel_loop3A_850 = arith.index_cast %parallel_loop3A_689 : i32 to index
      %parallel_loop3A_851 = arith.constant 48 : index
      %parallel_loop3A_852 = tpu.vector_load %arg9[%parallel_loop3A_850, %parallel_loop3A_851] {strides = array<i32>} : memref<128x64xf32, #tpu.memory_space<vmem>>, vector<16xf32>,
      %parallel_loop3A_853 = arith.addf %parallel_loop3A_852, %parallel_loop3A_828 : vector<16xf32>
      %parallel_loop3A_854 = arith.index_cast %parallel_loop3A_689 : i32 to index
      %parallel_loop3A_855 = arith.constant 48 : index
      %parallel_loop3A_856 = tpu.vector_load %arg9[%parallel_loop3A_854, %parallel_loop3A_855] {strides = array<i32>} : memref<128x64xf32, #tpu.memory_space<vmem>>, vector<16xf32>,
      tpu.vector_store %arg9[%parallel_loop3A_854, %parallel_loop3A_855], %parallel_loop3A_853 {strides = array<i32>} : memref<128x64xf32, #tpu.memory_space<vmem>>, vector<16xf32>,
    } {sc.loop_unroll_factor = 2 : i64, sc.parallel_access}
    %mul3A_520 = arith.constant 25600 : i32
    %mul3A_521 = arith.muli %add3A, %mul3A_520 : i32
    %add3A_522 = arith.constant 0 : i32
    %add3A_523 = arith.addi %mul3A_521, %add3A_522 : i32
    %dma_start3A_524 = arith.constant 0 : i32
    %dma_start3A_525 = tpu.memref_slice %arg6[%add3A_523, %dma_start3A_524] : memref<819200x64xf32, #tpu.memory_space<hbm>> -> memref<128x64xf32, #tpu.memory_space<hbm>>
    %dma_start3A_526 = arith.constant 0 : i32
    %dma_start3A_527 = tpu.memref_slice %arg6[%add3A_523, %dma_start3A_526] : memref<819200x64xf32, #tpu.memory_space<hbm>> -> memref<128x64xf32, #tpu.memory_space<hbm>>
    tpu.enqueue_dma source(%arg9 : memref<128x64xf32, #tpu.memory_space<vmem>>) target(%dma_start3A_527 : memref<128x64xf32, #tpu.memory_space<hbm>>) target_semaphore(%arg22 : memref<!tpu.dma_semaphore, #tpu.memory_space<semaphore_mem>>)
    %dma_start3A_528 = arith.constant 2 : i32
    %dma_start3A_529 = arith.constant 0 : i32
    %dma_start3A_530 = tpu.memref_slice %arg8[%dma_start3A_528, %dma_start3A_529] : memref<200x128xi32, #tpu.memory_space<vmem>> -> memref<1x128xi32, #tpu.memory_space<vmem>>
    %dma_start3A_531 = tpu.memref_squeeze %dma_start3A_530 : memref<1x128xi32, #tpu.memory_space<vmem>> -> memref<128xi32, #tpu.memory_space<vmem>>
    %dma_start3A_532 = arith.constant 0 : i32
    %dma_start3A_533 = arith.constant 0 : i32
    %dma_start3A_534 = tpu.memref_slice %arg3[%dma_start3A_532, %dma_start3A_533] : memref<1000000x64xf32, #tpu.memory_space<hbm>> -> memref<1000000x64xf32, #tpu.memory_space<hbm>>
    tpu.enqueue_indirect_dma source(%dma_start3A_534 : memref<1000000x64xf32, #tpu.memory_space<hbm>>) target(%arg9 : memref<128x64xf32, #tpu.memory_space<vmem>>) offsets(%dma_start3A_531 : memref<128xi32, #tpu.memory_space<vmem>>) semaphore(%arg18 : memref<!tpu.dma_semaphore, #tpu.memory_space<semaphore_mem>>)
    %dma_start3A_535 = arith.constant 2 : i32
    %dma_start3A_536 = arith.constant 0 : i32
    %dma_start3A_537 = tpu.memref_slice %arg8[%dma_start3A_535, %dma_start3A_536] : memref<200x128xi32, #tpu.memory_space<vmem>> -> memref<1x128xi32, #tpu.memory_space<vmem>>
    %dma_start3A_538 = tpu.memref_squeeze %dma_start3A_537 : memref<1x128xi32, #tpu.memory_space<vmem>> -> memref<128xi32, #tpu.memory_space<vmem>>
    %dma_start3A_539 = arith.constant 0 : i32
    %dma_start3A_540 = arith.constant 0 : i32
    %dma_start3A_541 = tpu.memref_slice %arg7[%arg0, %dma_start3A_539, %dma_start3A_540] : memref<2x1000000x16xf32, #tpu.memory_space<hbm>> -> memref<1x1000000x16xf32, #tpu.memory_space<hbm>>
    %dma_start3A_542 = tpu.memref_squeeze %dma_start3A_541 : memref<1x1000000x16xf32, #tpu.memory_space<hbm>> -> memref<1000000x16xf32, #tpu.memory_space<hbm>>
    %dma_start3A_543 = arith.constant 0 : i32
    %dma_start3A_544 = arith.constant 0 : i32
    %dma_start3A_545 = tpu.memref_slice %dma_start3A_542[%dma_start3A_543, %dma_start3A_544] : memref<1000000x16xf32, #tpu.memory_space<hbm>> -> memref<1000000x16xf32, #tpu.memory_space<hbm>>
    tpu.enqueue_indirect_dma source(%dma_start3A_545 : memref<1000000x16xf32, #tpu.memory_space<hbm>>) target(%arg11 : memref<128x16xf32, #tpu.memory_space<vmem>>) offsets(%dma_start3A_538 : memref<128xi32, #tpu.memory_space<vmem>>) semaphore(%arg20 : memref<!tpu.dma_semaphore, #tpu.memory_space<semaphore_mem>>)
    %dma_wait3A_546 = arith.constant 1 : i32
    %dma_wait3A_547 = arith.constant 0 : i32
    %dma_wait3A_548 = tpu.memref_slice %arg8[%dma_wait3A_546, %dma_wait3A_547] : memref<200x128xi32, #tpu.memory_space<vmem>> -> memref<1x128xi32, #tpu.memory_space<vmem>>
    %dma_wait3A_549 = tpu.memref_squeeze %dma_wait3A_548 : memref<1x128xi32, #tpu.memory_space<vmem>> -> memref<128xi32, #tpu.memory_space<vmem>>
    %dma_wait3A_550 = arith.constant 0 : i32
    %dma_wait3A_551 = arith.constant 0 : i32
    %dma_wait3A_552 = tpu.memref_slice %arg3[%dma_wait3A_550, %dma_wait3A_551] : memref<1000000x64xf32, #tpu.memory_space<hbm>> -> memref<1000000x64xf32, #tpu.memory_space<hbm>>
    tpu.wait_indirect_dma semaphore(%arg19 : memref<!tpu.dma_semaphore, #tpu.memory_space<semaphore_mem>>) src(%dma_wait3A_552 : memref<1000000x64xf32, #tpu.memory_space<hbm>>) dst(%arg10 : memref<128x64xf32, #tpu.memory_space<vmem>>)
    %dma_wait3A_553 = arith.constant 1 : i32
    %dma_wait3A_554 = arith.constant 0 : i32
    %dma_wait3A_555 = tpu.memref_slice %arg8[%dma_wait3A_553, %dma_wait3A_554] : memref<200x128xi32, #tpu.memory_space<vmem>> -> memref<1x128xi32, #tpu.memory_space<vmem>>
    %dma_wait3A_556 = tpu.memref_squeeze %dma_wait3A_555 : memref<1x128xi32, #tpu.memory_space<vmem>> -> memref<128xi32, #tpu.memory_space<vmem>>
    %dma_wait3A_557 = arith.constant 0 : i32
    %dma_wait3A_558 = arith.constant 0 : i32
    %dma_wait3A_559 = tpu.memref_slice %arg7[%arg0, %dma_wait3A_557, %dma_wait3A_558] : memref<2x1000000x16xf32, #tpu.memory_space<hbm>> -> memref<1x1000000x16xf32, #tpu.memory_space<hbm>>
    %dma_wait3A_560 = tpu.memref_squeeze %dma_wait3A_559 : memref<1x1000000x16xf32, #tpu.memory_space<hbm>> -> memref<1000000x16xf32, #tpu.memory_space<hbm>>
    %dma_wait3A_561 = arith.constant 0 : i32
    %dma_wait3A_562 = arith.constant 0 : i32
    %dma_wait3A_563 = tpu.memref_slice %dma_wait3A_560[%dma_wait3A_561, %dma_wait3A_562] : memref<1000000x16xf32, #tpu.memory_space<hbm>> -> memref<1000000x16xf32, #tpu.memory_space<hbm>>
    tpu.wait_indirect_dma semaphore(%arg21 : memref<!tpu.dma_semaphore, #tpu.memory_space<semaphore_mem>>) src(%dma_wait3A_563 : memref<1000000x16xf32, #tpu.memory_space<hbm>>) dst(%arg12 : memref<128x16xf32, #tpu.memory_space<vmem>>)
    %parallel_loop3A_564 = arith.constant 0 : i32
    %parallel_loop3A_565 = arith.constant 128 : i32
    %parallel_loop3A_566 = arith.constant 1 : i32
    scf.for %parallel_loop3A_689 = %parallel_loop3A_564 to %parallel_loop3A_565 step %parallel_loop3A_566  : i32 {
      %parallel_loop3A_690 = arith.index_cast %parallel_loop3A_689 : i32 to index
      %parallel_loop3A_691 = arith.constant 0 : index
      %parallel_loop3A_692 = tpu.vector_load %arg12[%parallel_loop3A_690, %parallel_loop3A_691] {strides = array<i32>} : memref<128x16xf32, #tpu.memory_space<vmem>>, vector<16xf32>,
      %parallel_loop3A_693 = arith.constant 0.000000e+00 : bf16
      %parallel_loop3A_694 = vector.broadcast %parallel_loop3A_693 : bf16 to vector<32xbf16>
      %parallel_loop3A_695 = arith.constant 0.000000e+00 : bf16
      %parallel_loop3A_696 = vector.broadcast %parallel_loop3A_695 : bf16 to vector<32xbf16>
      %parallel_loop3A_697 = vector.extract_strided_slice %parallel_loop3A_692 {offsets = [0], sizes = [1], strides = [1]} : vector<16xf32> to vector<1xf32>
      %parallel_loop3A_698 = vector.extract %parallel_loop3A_697[0] : f32 from vector<1xf32>
      %parallel_loop3A_699 = vector.broadcast %parallel_loop3A_698 : f32 to vector<16xf32>
      %parallel_loop3A_700 = tpu.pack_subelements %parallel_loop3A_699, %parallel_loop3A_699 {pack_format = #tpu.pack_format<interleaved>, positions = array<i32: 0, 1>} : vector<16xf32>, vector<16xf32> -> vector<32xbf16>
      %parallel_loop3A_701 = arith.mulf %pack3A, %parallel_loop3A_700 : vector<32xbf16>
      %parallel_loop3A_702 = arith.addf %parallel_loop3A_694, %parallel_loop3A_701 : vector<32xbf16>
      %parallel_loop3A_703 = arith.mulf %pack3A_192, %parallel_loop3A_700 : vector<32xbf16>
      %parallel_loop3A_704 = arith.addf %parallel_loop3A_696, %parallel_loop3A_703 : vector<32xbf16>
      %parallel_loop3A_705 = vector.extract_strided_slice %parallel_loop3A_692 {offsets = [1], sizes = [1], strides = [1]} : vector<16xf32> to vector<1xf32>
      %parallel_loop3A_706 = vector.extract %parallel_loop3A_705[0] : f32 from vector<1xf32>
      %parallel_loop3A_707 = vector.broadcast %parallel_loop3A_706 : f32 to vector<16xf32>
      %parallel_loop3A_708 = tpu.pack_subelements %parallel_loop3A_707, %parallel_loop3A_707 {pack_format = #tpu.pack_format<interleaved>, positions = array<i32: 0, 1>} : vector<16xf32>, vector<16xf32> -> vector<32xbf16>
      %parallel_loop3A_709 = arith.mulf %pack3A_209, %parallel_loop3A_708 : vector<32xbf16>
      %parallel_loop3A_710 = arith.addf %parallel_loop3A_702, %parallel_loop3A_709 : vector<32xbf16>
      %parallel_loop3A_711 = arith.mulf %pack3A_210, %parallel_loop3A_708 : vector<32xbf16>
      %parallel_loop3A_712 = arith.addf %parallel_loop3A_704, %parallel_loop3A_711 : vector<32xbf16>
      %parallel_loop3A_713 = vector.extract_strided_slice %parallel_loop3A_692 {offsets = [2], sizes = [1], strides = [1]} : vector<16xf32> to vector<1xf32>
      %parallel_loop3A_714 = vector.extract %parallel_loop3A_713[0] : f32 from vector<1xf32>
      %parallel_loop3A_715 = vector.broadcast %parallel_loop3A_714 : f32 to vector<16xf32>
      %parallel_loop3A_716 = tpu.pack_subelements %parallel_loop3A_715, %parallel_loop3A_715 {pack_format = #tpu.pack_format<interleaved>, positions = array<i32: 0, 1>} : vector<16xf32>, vector<16xf32> -> vector<32xbf16>
      %parallel_loop3A_717 = arith.mulf %pack3A_227, %parallel_loop3A_716 : vector<32xbf16>
      %parallel_loop3A_718 = arith.addf %parallel_loop3A_710, %parallel_loop3A_717 : vector<32xbf16>
      %parallel_loop3A_719 = arith.mulf %pack3A_228, %parallel_loop3A_716 : vector<32xbf16>
      %parallel_loop3A_720 = arith.addf %parallel_loop3A_712, %parallel_loop3A_719 : vector<32xbf16>
      %parallel_loop3A_721 = vector.extract_strided_slice %parallel_loop3A_692 {offsets = [3], sizes = [1], strides = [1]} : vector<16xf32> to vector<1xf32>
      %parallel_loop3A_722 = vector.extract %parallel_loop3A_721[0] : f32 from vector<1xf32>
      %parallel_loop3A_723 = vector.broadcast %parallel_loop3A_722 : f32 to vector<16xf32>
      %parallel_loop3A_724 = tpu.pack_subelements %parallel_loop3A_723, %parallel_loop3A_723 {pack_format = #tpu.pack_format<interleaved>, positions = array<i32: 0, 1>} : vector<16xf32>, vector<16xf32> -> vector<32xbf16>
      %parallel_loop3A_725 = arith.mulf %pack3A_245, %parallel_loop3A_724 : vector<32xbf16>
      %parallel_loop3A_726 = arith.addf %parallel_loop3A_718, %parallel_loop3A_725 : vector<32xbf16>
      %parallel_loop3A_727 = arith.mulf %pack3A_246, %parallel_loop3A_724 : vector<32xbf16>
      %parallel_loop3A_728 = arith.addf %parallel_loop3A_720, %parallel_loop3A_727 : vector<32xbf16>
      %parallel_loop3A_729 = vector.extract_strided_slice %parallel_loop3A_692 {offsets = [4], sizes = [1], strides = [1]} : vector<16xf32> to vector<1xf32>
      %parallel_loop3A_730 = vector.extract %parallel_loop3A_729[0] : f32 from vector<1xf32>
      %parallel_loop3A_731 = vector.broadcast %parallel_loop3A_730 : f32 to vector<16xf32>
      %parallel_loop3A_732 = tpu.pack_subelements %parallel_loop3A_731, %parallel_loop3A_731 {pack_format = #tpu.pack_format<interleaved>, positions = array<i32: 0, 1>} : vector<16xf32>, vector<16xf32> -> vector<32xbf16>
      %parallel_loop3A_733 = arith.mulf %pack3A_263, %parallel_loop3A_732 : vector<32xbf16>
      %parallel_loop3A_734 = arith.addf %parallel_loop3A_726, %parallel_loop3A_733 : vector<32xbf16>
      %parallel_loop3A_735 = arith.mulf %pack3A_264, %parallel_loop3A_732 : vector<32xbf16>
      %parallel_loop3A_736 = arith.addf %parallel_loop3A_728, %parallel_loop3A_735 : vector<32xbf16>
      %parallel_loop3A_737 = vector.extract_strided_slice %parallel_loop3A_692 {offsets = [5], sizes = [1], strides = [1]} : vector<16xf32> to vector<1xf32>
      %parallel_loop3A_738 = vector.extract %parallel_loop3A_737[0] : f32 from vector<1xf32>
      %parallel_loop3A_739 = vector.broadcast %parallel_loop3A_738 : f32 to vector<16xf32>
      %parallel_loop3A_740 = tpu.pack_subelements %parallel_loop3A_739, %parallel_loop3A_739 {pack_format = #tpu.pack_format<interleaved>, positions = array<i32: 0, 1>} : vector<16xf32>, vector<16xf32> -> vector<32xbf16>
      %parallel_loop3A_741 = arith.mulf %pack3A_281, %parallel_loop3A_740 : vector<32xbf16>
      %parallel_loop3A_742 = arith.addf %parallel_loop3A_734, %parallel_loop3A_741 : vector<32xbf16>
      %parallel_loop3A_743 = arith.mulf %pack3A_282, %parallel_loop3A_740 : vector<32xbf16>
      %parallel_loop3A_744 = arith.addf %parallel_loop3A_736, %parallel_loop3A_743 : vector<32xbf16>
      %parallel_loop3A_745 = vector.extract_strided_slice %parallel_loop3A_692 {offsets = [6], sizes = [1], strides = [1]} : vector<16xf32> to vector<1xf32>
      %parallel_loop3A_746 = vector.extract %parallel_loop3A_745[0] : f32 from vector<1xf32>
      %parallel_loop3A_747 = vector.broadcast %parallel_loop3A_746 : f32 to vector<16xf32>
      %parallel_loop3A_748 = tpu.pack_subelements %parallel_loop3A_747, %parallel_loop3A_747 {pack_format = #tpu.pack_format<interleaved>, positions = array<i32: 0, 1>} : vector<16xf32>, vector<16xf32> -> vector<32xbf16>
      %parallel_loop3A_749 = arith.mulf %pack3A_299, %parallel_loop3A_748 : vector<32xbf16>
      %parallel_loop3A_750 = arith.addf %parallel_loop3A_742, %parallel_loop3A_749 : vector<32xbf16>
      %parallel_loop3A_751 = arith.mulf %pack3A_300, %parallel_loop3A_748 : vector<32xbf16>
      %parallel_loop3A_752 = arith.addf %parallel_loop3A_744, %parallel_loop3A_751 : vector<32xbf16>
      %parallel_loop3A_753 = vector.extract_strided_slice %parallel_loop3A_692 {offsets = [7], sizes = [1], strides = [1]} : vector<16xf32> to vector<1xf32>
      %parallel_loop3A_754 = vector.extract %parallel_loop3A_753[0] : f32 from vector<1xf32>
      %parallel_loop3A_755 = vector.broadcast %parallel_loop3A_754 : f32 to vector<16xf32>
      %parallel_loop3A_756 = tpu.pack_subelements %parallel_loop3A_755, %parallel_loop3A_755 {pack_format = #tpu.pack_format<interleaved>, positions = array<i32: 0, 1>} : vector<16xf32>, vector<16xf32> -> vector<32xbf16>
      %parallel_loop3A_757 = arith.mulf %pack3A_317, %parallel_loop3A_756 : vector<32xbf16>
      %parallel_loop3A_758 = arith.addf %parallel_loop3A_750, %parallel_loop3A_757 : vector<32xbf16>
      %parallel_loop3A_759 = arith.mulf %pack3A_318, %parallel_loop3A_756 : vector<32xbf16>
      %parallel_loop3A_760 = arith.addf %parallel_loop3A_752, %parallel_loop3A_759 : vector<32xbf16>
      %parallel_loop3A_761 = vector.extract_strided_slice %parallel_loop3A_692 {offsets = [8], sizes = [1], strides = [1]} : vector<16xf32> to vector<1xf32>
      %parallel_loop3A_762 = vector.extract %parallel_loop3A_761[0] : f32 from vector<1xf32>
      %parallel_loop3A_763 = vector.broadcast %parallel_loop3A_762 : f32 to vector<16xf32>
      %parallel_loop3A_764 = tpu.pack_subelements %parallel_loop3A_763, %parallel_loop3A_763 {pack_format = #tpu.pack_format<interleaved>, positions = array<i32: 0, 1>} : vector<16xf32>, vector<16xf32> -> vector<32xbf16>
      %parallel_loop3A_765 = arith.mulf %pack3A_335, %parallel_loop3A_764 : vector<32xbf16>
      %parallel_loop3A_766 = arith.addf %parallel_loop3A_758, %parallel_loop3A_765 : vector<32xbf16>
      %parallel_loop3A_767 = arith.mulf %pack3A_336, %parallel_loop3A_764 : vector<32xbf16>
      %parallel_loop3A_768 = arith.addf %parallel_loop3A_760, %parallel_loop3A_767 : vector<32xbf16>
      %parallel_loop3A_769 = vector.extract_strided_slice %parallel_loop3A_692 {offsets = [9], sizes = [1], strides = [1]} : vector<16xf32> to vector<1xf32>
      %parallel_loop3A_770 = vector.extract %parallel_loop3A_769[0] : f32 from vector<1xf32>
      %parallel_loop3A_771 = vector.broadcast %parallel_loop3A_770 : f32 to vector<16xf32>
      %parallel_loop3A_772 = tpu.pack_subelements %parallel_loop3A_771, %parallel_loop3A_771 {pack_format = #tpu.pack_format<interleaved>, positions = array<i32: 0, 1>} : vector<16xf32>, vector<16xf32> -> vector<32xbf16>
      %parallel_loop3A_773 = arith.mulf %pack3A_353, %parallel_loop3A_772 : vector<32xbf16>
      %parallel_loop3A_774 = arith.addf %parallel_loop3A_766, %parallel_loop3A_773 : vector<32xbf16>
      %parallel_loop3A_775 = arith.mulf %pack3A_354, %parallel_loop3A_772 : vector<32xbf16>
      %parallel_loop3A_776 = arith.addf %parallel_loop3A_768, %parallel_loop3A_775 : vector<32xbf16>
      %parallel_loop3A_777 = vector.extract_strided_slice %parallel_loop3A_692 {offsets = [10], sizes = [1], strides = [1]} : vector<16xf32> to vector<1xf32>
      %parallel_loop3A_778 = vector.extract %parallel_loop3A_777[0] : f32 from vector<1xf32>
      %parallel_loop3A_779 = vector.broadcast %parallel_loop3A_778 : f32 to vector<16xf32>
      %parallel_loop3A_780 = tpu.pack_subelements %parallel_loop3A_779, %parallel_loop3A_779 {pack_format = #tpu.pack_format<interleaved>, positions = array<i32: 0, 1>} : vector<16xf32>, vector<16xf32> -> vector<32xbf16>
      %parallel_loop3A_781 = arith.mulf %pack3A_371, %parallel_loop3A_780 : vector<32xbf16>
      %parallel_loop3A_782 = arith.addf %parallel_loop3A_774, %parallel_loop3A_781 : vector<32xbf16>
      %parallel_loop3A_783 = arith.mulf %pack3A_372, %parallel_loop3A_780 : vector<32xbf16>
      %parallel_loop3A_784 = arith.addf %parallel_loop3A_776, %parallel_loop3A_783 : vector<32xbf16>
      %parallel_loop3A_785 = vector.extract_strided_slice %parallel_loop3A_692 {offsets = [11], sizes = [1], strides = [1]} : vector<16xf32> to vector<1xf32>
      %parallel_loop3A_786 = vector.extract %parallel_loop3A_785[0] : f32 from vector<1xf32>
      %parallel_loop3A_787 = vector.broadcast %parallel_loop3A_786 : f32 to vector<16xf32>
      %parallel_loop3A_788 = tpu.pack_subelements %parallel_loop3A_787, %parallel_loop3A_787 {pack_format = #tpu.pack_format<interleaved>, positions = array<i32: 0, 1>} : vector<16xf32>, vector<16xf32> -> vector<32xbf16>
      %parallel_loop3A_789 = arith.mulf %pack3A_389, %parallel_loop3A_788 : vector<32xbf16>
      %parallel_loop3A_790 = arith.addf %parallel_loop3A_782, %parallel_loop3A_789 : vector<32xbf16>
      %parallel_loop3A_791 = arith.mulf %pack3A_390, %parallel_loop3A_788 : vector<32xbf16>
      %parallel_loop3A_792 = arith.addf %parallel_loop3A_784, %parallel_loop3A_791 : vector<32xbf16>
      %parallel_loop3A_793 = vector.extract_strided_slice %parallel_loop3A_692 {offsets = [12], sizes = [1], strides = [1]} : vector<16xf32> to vector<1xf32>
      %parallel_loop3A_794 = vector.extract %parallel_loop3A_793[0] : f32 from vector<1xf32>
      %parallel_loop3A_795 = vector.broadcast %parallel_loop3A_794 : f32 to vector<16xf32>
      %parallel_loop3A_796 = tpu.pack_subelements %parallel_loop3A_795, %parallel_loop3A_795 {pack_format = #tpu.pack_format<interleaved>, positions = array<i32: 0, 1>} : vector<16xf32>, vector<16xf32> -> vector<32xbf16>
      %parallel_loop3A_797 = arith.mulf %pack3A_407, %parallel_loop3A_796 : vector<32xbf16>
      %parallel_loop3A_798 = arith.addf %parallel_loop3A_790, %parallel_loop3A_797 : vector<32xbf16>
      %parallel_loop3A_799 = arith.mulf %pack3A_408, %parallel_loop3A_796 : vector<32xbf16>
      %parallel_loop3A_800 = arith.addf %parallel_loop3A_792, %parallel_loop3A_799 : vector<32xbf16>
      %parallel_loop3A_801 = vector.extract_strided_slice %parallel_loop3A_692 {offsets = [13], sizes = [1], strides = [1]} : vector<16xf32> to vector<1xf32>
      %parallel_loop3A_802 = vector.extract %parallel_loop3A_801[0] : f32 from vector<1xf32>
      %parallel_loop3A_803 = vector.broadcast %parallel_loop3A_802 : f32 to vector<16xf32>
      %parallel_loop3A_804 = tpu.pack_subelements %parallel_loop3A_803, %parallel_loop3A_803 {pack_format = #tpu.pack_format<interleaved>, positions = array<i32: 0, 1>} : vector<16xf32>, vector<16xf32> -> vector<32xbf16>
      %parallel_loop3A_805 = arith.mulf %pack3A_425, %parallel_loop3A_804 : vector<32xbf16>
      %parallel_loop3A_806 = arith.addf %parallel_loop3A_798, %parallel_loop3A_805 : vector<32xbf16>
      %parallel_loop3A_807 = arith.mulf %pack3A_426, %parallel_loop3A_804 : vector<32xbf16>
      %parallel_loop3A_808 = arith.addf %parallel_loop3A_800, %parallel_loop3A_807 : vector<32xbf16>
      %parallel_loop3A_809 = vector.extract_strided_slice %parallel_loop3A_692 {offsets = [14], sizes = [1], strides = [1]} : vector<16xf32> to vector<1xf32>
      %parallel_loop3A_810 = vector.extract %parallel_loop3A_809[0] : f32 from vector<1xf32>
      %parallel_loop3A_811 = vector.broadcast %parallel_loop3A_810 : f32 to vector<16xf32>
      %parallel_loop3A_812 = tpu.pack_subelements %parallel_loop3A_811, %parallel_loop3A_811 {pack_format = #tpu.pack_format<interleaved>, positions = array<i32: 0, 1>} : vector<16xf32>, vector<16xf32> -> vector<32xbf16>
      %parallel_loop3A_813 = arith.mulf %pack3A_443, %parallel_loop3A_812 : vector<32xbf16>
      %parallel_loop3A_814 = arith.addf %parallel_loop3A_806, %parallel_loop3A_813 : vector<32xbf16>
      %parallel_loop3A_815 = arith.mulf %pack3A_444, %parallel_loop3A_812 : vector<32xbf16>
      %parallel_loop3A_816 = arith.addf %parallel_loop3A_808, %parallel_loop3A_815 : vector<32xbf16>
      %parallel_loop3A_817 = vector.extract_strided_slice %parallel_loop3A_692 {offsets = [15], sizes = [1], strides = [1]} : vector<16xf32> to vector<1xf32>
      %parallel_loop3A_818 = vector.extract %parallel_loop3A_817[0] : f32 from vector<1xf32>
      %parallel_loop3A_819 = vector.broadcast %parallel_loop3A_818 : f32 to vector<16xf32>
      %parallel_loop3A_820 = tpu.pack_subelements %parallel_loop3A_819, %parallel_loop3A_819 {pack_format = #tpu.pack_format<interleaved>, positions = array<i32: 0, 1>} : vector<16xf32>, vector<16xf32> -> vector<32xbf16>
      %parallel_loop3A_821 = arith.mulf %pack3A_461, %parallel_loop3A_820 : vector<32xbf16>
      %parallel_loop3A_822 = arith.addf %parallel_loop3A_814, %parallel_loop3A_821 : vector<32xbf16>
      %parallel_loop3A_823 = arith.mulf %pack3A_462, %parallel_loop3A_820 : vector<32xbf16>
      %parallel_loop3A_824 = arith.addf %parallel_loop3A_816, %parallel_loop3A_823 : vector<32xbf16>
      %parallel_loop3A_825 = tpu.unpack_subelements %parallel_loop3A_822, 0 {pack_format = #tpu.pack_format<interleaved>} : vector<32xbf16> -> vector<16xf32>
      %parallel_loop3A_826 = tpu.unpack_subelements %parallel_loop3A_822, 1 {pack_format = #tpu.pack_format<interleaved>} : vector<32xbf16> -> vector<16xf32>
      %parallel_loop3A_827 = tpu.unpack_subelements %parallel_loop3A_824, 0 {pack_format = #tpu.pack_format<interleaved>} : vector<32xbf16> -> vector<16xf32>
      %parallel_loop3A_828 = tpu.unpack_subelements %parallel_loop3A_824, 1 {pack_format = #tpu.pack_format<interleaved>} : vector<32xbf16> -> vector<16xf32>
      %parallel_loop3A_829 = arith.index_cast %parallel_loop3A_689 : i32 to index
      %parallel_loop3A_830 = arith.constant 0 : index
      %parallel_loop3A_831 = tpu.vector_load %arg10[%parallel_loop3A_829, %parallel_loop3A_830] {strides = array<i32>} : memref<128x64xf32, #tpu.memory_space<vmem>>, vector<16xf32>,
      %parallel_loop3A_832 = arith.addf %parallel_loop3A_831, %parallel_loop3A_825 : vector<16xf32>
      %parallel_loop3A_833 = arith.index_cast %parallel_loop3A_689 : i32 to index
      %parallel_loop3A_834 = arith.constant 0 : index
      %parallel_loop3A_835 = tpu.vector_load %arg10[%parallel_loop3A_833, %parallel_loop3A_834] {strides = array<i32>} : memref<128x64xf32, #tpu.memory_space<vmem>>, vector<16xf32>,
      tpu.vector_store %arg10[%parallel_loop3A_833, %parallel_loop3A_834], %parallel_loop3A_832 {strides = array<i32>} : memref<128x64xf32, #tpu.memory_space<vmem>>, vector<16xf32>,
      %parallel_loop3A_836 = arith.index_cast %parallel_loop3A_689 : i32 to index
      %parallel_loop3A_837 = arith.constant 16 : index
      %parallel_loop3A_838 = tpu.vector_load %arg10[%parallel_loop3A_836, %parallel_loop3A_837] {strides = array<i32>} : memref<128x64xf32, #tpu.memory_space<vmem>>, vector<16xf32>,
      %parallel_loop3A_839 = arith.addf %parallel_loop3A_838, %parallel_loop3A_826 : vector<16xf32>
      %parallel_loop3A_840 = arith.index_cast %parallel_loop3A_689 : i32 to index
      %parallel_loop3A_841 = arith.constant 16 : index
      %parallel_loop3A_842 = tpu.vector_load %arg10[%parallel_loop3A_840, %parallel_loop3A_841] {strides = array<i32>} : memref<128x64xf32, #tpu.memory_space<vmem>>, vector<16xf32>,
      tpu.vector_store %arg10[%parallel_loop3A_840, %parallel_loop3A_841], %parallel_loop3A_839 {strides = array<i32>} : memref<128x64xf32, #tpu.memory_space<vmem>>, vector<16xf32>,
      %parallel_loop3A_843 = arith.index_cast %parallel_loop3A_689 : i32 to index
      %parallel_loop3A_844 = arith.constant 32 : index
      %parallel_loop3A_845 = tpu.vector_load %arg10[%parallel_loop3A_843, %parallel_loop3A_844] {strides = array<i32>} : memref<128x64xf32, #tpu.memory_space<vmem>>, vector<16xf32>,
      %parallel_loop3A_846 = arith.addf %parallel_loop3A_845, %parallel_loop3A_827 : vector<16xf32>
      %parallel_loop3A_847 = arith.index_cast %parallel_loop3A_689 : i32 to index
      %parallel_loop3A_848 = arith.constant 32 : index
      %parallel_loop3A_849 = tpu.vector_load %arg10[%parallel_loop3A_847, %parallel_loop3A_848] {strides = array<i32>} : memref<128x64xf32, #tpu.memory_space<vmem>>, vector<16xf32>,
      tpu.vector_store %arg10[%parallel_loop3A_847, %parallel_loop3A_848], %parallel_loop3A_846 {strides = array<i32>} : memref<128x64xf32, #tpu.memory_space<vmem>>, vector<16xf32>,
      %parallel_loop3A_850 = arith.index_cast %parallel_loop3A_689 : i32 to index
      %parallel_loop3A_851 = arith.constant 48 : index
      %parallel_loop3A_852 = tpu.vector_load %arg10[%parallel_loop3A_850, %parallel_loop3A_851] {strides = array<i32>} : memref<128x64xf32, #tpu.memory_space<vmem>>, vector<16xf32>,
      %parallel_loop3A_853 = arith.addf %parallel_loop3A_852, %parallel_loop3A_828 : vector<16xf32>
      %parallel_loop3A_854 = arith.index_cast %parallel_loop3A_689 : i32 to index
      %parallel_loop3A_855 = arith.constant 48 : index
      %parallel_loop3A_856 = tpu.vector_load %arg10[%parallel_loop3A_854, %parallel_loop3A_855] {strides = array<i32>} : memref<128x64xf32, #tpu.memory_space<vmem>>, vector<16xf32>,
      tpu.vector_store %arg10[%parallel_loop3A_854, %parallel_loop3A_855], %parallel_loop3A_853 {strides = array<i32>} : memref<128x64xf32, #tpu.memory_space<vmem>>, vector<16xf32>,
    } {sc.loop_unroll_factor = 2 : i64, sc.parallel_access}
    %mul3A_567 = arith.constant 25600 : i32
    %mul3A_568 = arith.muli %add3A, %mul3A_567 : i32
    %add3A_569 = arith.constant 128 : i32
    %add3A_570 = arith.addi %mul3A_568, %add3A_569 : i32
    %dma_start3A_571 = arith.constant 0 : i32
    %dma_start3A_572 = tpu.memref_slice %arg6[%add3A_570, %dma_start3A_571] : memref<819200x64xf32, #tpu.memory_space<hbm>> -> memref<128x64xf32, #tpu.memory_space<hbm>>
    %dma_start3A_573 = arith.constant 0 : i32
    %dma_start3A_574 = tpu.memref_slice %arg6[%add3A_570, %dma_start3A_573] : memref<819200x64xf32, #tpu.memory_space<hbm>> -> memref<128x64xf32, #tpu.memory_space<hbm>>
    tpu.enqueue_dma source(%arg10 : memref<128x64xf32, #tpu.memory_space<vmem>>) target(%dma_start3A_574 : memref<128x64xf32, #tpu.memory_space<hbm>>) target_semaphore(%arg23 : memref<!tpu.dma_semaphore, #tpu.memory_space<semaphore_mem>>)
    %dma_start3A_575 = arith.constant 3 : i32
    %dma_start3A_576 = arith.constant 0 : i32
    %dma_start3A_577 = tpu.memref_slice %arg8[%dma_start3A_575, %dma_start3A_576] : memref<200x128xi32, #tpu.memory_space<vmem>> -> memref<1x128xi32, #tpu.memory_space<vmem>>
    %dma_start3A_578 = tpu.memref_squeeze %dma_start3A_577 : memref<1x128xi32, #tpu.memory_space<vmem>> -> memref<128xi32, #tpu.memory_space<vmem>>
    %dma_start3A_579 = arith.constant 0 : i32
    %dma_start3A_580 = arith.constant 0 : i32
    %dma_start3A_581 = tpu.memref_slice %arg3[%dma_start3A_579, %dma_start3A_580] : memref<1000000x64xf32, #tpu.memory_space<hbm>> -> memref<1000000x64xf32, #tpu.memory_space<hbm>>
    tpu.enqueue_indirect_dma source(%dma_start3A_581 : memref<1000000x64xf32, #tpu.memory_space<hbm>>) target(%arg10 : memref<128x64xf32, #tpu.memory_space<vmem>>) offsets(%dma_start3A_578 : memref<128xi32, #tpu.memory_space<vmem>>) semaphore(%arg19 : memref<!tpu.dma_semaphore, #tpu.memory_space<semaphore_mem>>)
    %dma_start3A_582 = arith.constant 3 : i32
    %dma_start3A_583 = arith.constant 0 : i32
    %dma_start3A_584 = tpu.memref_slice %arg8[%dma_start3A_582, %dma_start3A_583] : memref<200x128xi32, #tpu.memory_space<vmem>> -> memref<1x128xi32, #tpu.memory_space<vmem>>
    %dma_start3A_585 = tpu.memref_squeeze %dma_start3A_584 : memref<1x128xi32, #tpu.memory_space<vmem>> -> memref<128xi32, #tpu.memory_space<vmem>>
    %dma_start3A_586 = arith.constant 0 : i32
    %dma_start3A_587 = arith.constant 0 : i32
    %dma_start3A_588 = tpu.memref_slice %arg7[%arg0, %dma_start3A_586, %dma_start3A_587] : memref<2x1000000x16xf32, #tpu.memory_space<hbm>> -> memref<1x1000000x16xf32, #tpu.memory_space<hbm>>
    %dma_start3A_589 = tpu.memref_squeeze %dma_start3A_588 : memref<1x1000000x16xf32, #tpu.memory_space<hbm>> -> memref<1000000x16xf32, #tpu.memory_space<hbm>>
    %dma_start3A_590 = arith.constant 0 : i32
    %dma_start3A_591 = arith.constant 0 : i32
    %dma_start3A_592 = tpu.memref_slice %dma_start3A_589[%dma_start3A_590, %dma_start3A_591] : memref<1000000x16xf32, #tpu.memory_space<hbm>> -> memref<1000000x16xf32, #tpu.memory_space<hbm>>
    tpu.enqueue_indirect_dma source(%dma_start3A_592 : memref<1000000x16xf32, #tpu.memory_space<hbm>>) target(%arg12 : memref<128x16xf32, #tpu.memory_space<vmem>>) offsets(%dma_start3A_585 : memref<128xi32, #tpu.memory_space<vmem>>) semaphore(%arg21 : memref<!tpu.dma_semaphore, #tpu.memory_space<semaphore_mem>>)
    %scan3A_593 = arith.constant 0 : i32
    %scan3A_594 = arith.constant 0 : i32
    %scan3A_595 = arith.constant 98 : i32
    %scan3A_596 = arith.addi %scan3A_594, %scan3A_595 : i32
    %scan3A_597 = arith.constant 1 : i32
    scf.for %scan3A_689 = %scan3A_594 to %scan3A_596 step %scan3A_597  : i32 {
      %mul3A_690 = arith.constant 2 : i32
      %mul3A_691 = arith.muli %mul3A_690, %scan3A_689 : i32
      %add3A_692 = arith.constant 2 : i32
      %add3A_693 = arith.addi %mul3A_691, %add3A_692 : i32
      %dma_wait3A_694 = arith.constant 0 : i32
      %dma_wait3A_695 = tpu.memref_slice %arg8[%add3A_693, %dma_wait3A_694] : memref<200x128xi32, #tpu.memory_space<vmem>> -> memref<1x128xi32, #tpu.memory_space<vmem>>
      %dma_wait3A_696 = tpu.memref_squeeze %dma_wait3A_695 : memref<1x128xi32, #tpu.memory_space<vmem>> -> memref<128xi32, #tpu.memory_space<vmem>>
      %dma_wait3A_697 = arith.constant 0 : i32
      %dma_wait3A_698 = arith.constant 0 : i32
      %dma_wait3A_699 = tpu.memref_slice %arg3[%dma_wait3A_697, %dma_wait3A_698] : memref<1000000x64xf32, #tpu.memory_space<hbm>> -> memref<1000000x64xf32, #tpu.memory_space<hbm>>
      tpu.wait_indirect_dma semaphore(%arg18 : memref<!tpu.dma_semaphore, #tpu.memory_space<semaphore_mem>>) src(%dma_wait3A_699 : memref<1000000x64xf32, #tpu.memory_space<hbm>>) dst(%arg9 : memref<128x64xf32, #tpu.memory_space<vmem>>)
      %dma_wait3A_700 = arith.constant 0 : i32
      %dma_wait3A_701 = tpu.memref_slice %arg8[%add3A_693, %dma_wait3A_700] : memref<200x128xi32, #tpu.memory_space<vmem>> -> memref<1x128xi32, #tpu.memory_space<vmem>>
      %dma_wait3A_702 = tpu.memref_squeeze %dma_wait3A_701 : memref<1x128xi32, #tpu.memory_space<vmem>> -> memref<128xi32, #tpu.memory_space<vmem>>
      %dma_wait3A_703 = arith.constant 0 : i32
      %dma_wait3A_704 = arith.constant 0 : i32
      %dma_wait3A_705 = tpu.memref_slice %arg7[%arg0, %dma_wait3A_703, %dma_wait3A_704] : memref<2x1000000x16xf32, #tpu.memory_space<hbm>> -> memref<1x1000000x16xf32, #tpu.memory_space<hbm>>
      %dma_wait3A_706 = tpu.memref_squeeze %dma_wait3A_705 : memref<1x1000000x16xf32, #tpu.memory_space<hbm>> -> memref<1000000x16xf32, #tpu.memory_space<hbm>>
      %dma_wait3A_707 = arith.constant 0 : i32
      %dma_wait3A_708 = arith.constant 0 : i32
      %dma_wait3A_709 = tpu.memref_slice %dma_wait3A_706[%dma_wait3A_707, %dma_wait3A_708] : memref<1000000x16xf32, #tpu.memory_space<hbm>> -> memref<1000000x16xf32, #tpu.memory_space<hbm>>
      tpu.wait_indirect_dma semaphore(%arg20 : memref<!tpu.dma_semaphore, #tpu.memory_space<semaphore_mem>>) src(%dma_wait3A_709 : memref<1000000x16xf32, #tpu.memory_space<hbm>>) dst(%arg11 : memref<128x16xf32, #tpu.memory_space<vmem>>)
      %mul3A_710 = arith.constant 25600 : i32
      %mul3A_711 = arith.muli %add3A, %mul3A_710 : i32
      %mul3A_712 = arith.constant 128 : i32
      %mul3A_713 = arith.muli %add3A_693, %mul3A_712 : i32
      %add3A_714 = arith.addi %mul3A_711, %mul3A_713 : i32
      %dma_wait3A_715 = arith.constant 0 : i32
      %dma_wait3A_716 = tpu.memref_slice %arg6[%add3A_714, %dma_wait3A_715] : memref<819200x64xf32, #tpu.memory_space<hbm>> -> memref<128x64xf32, #tpu.memory_space<hbm>>
      %dma_wait3A_717 = arith.constant 0 : i32
      %dma_wait3A_718 = tpu.memref_slice %arg6[%add3A_714, %dma_wait3A_717] : memref<819200x64xf32, #tpu.memory_space<hbm>> -> memref<128x64xf32, #tpu.memory_space<hbm>>
      tpu.wait_dma2 semaphore(%arg22 : memref<!tpu.dma_semaphore, #tpu.memory_space<semaphore_mem>>) src(%arg9 : memref<128x64xf32, #tpu.memory_space<vmem>>) dst(%dma_wait3A_718 : memref<128x64xf32, #tpu.memory_space<hbm>>)
      %parallel_loop3A_719 = arith.constant 0 : i32
      %parallel_loop3A_720 = arith.constant 128 : i32
      %parallel_loop3A_721 = arith.constant 1 : i32
      scf.for %parallel_loop3A_808 = %parallel_loop3A_719 to %parallel_loop3A_720 step %parallel_loop3A_721  : i32 {
        %parallel_loop3A_809 = arith.index_cast %parallel_loop3A_808 : i32 to index
        %parallel_loop3A_810 = arith.constant 0 : index
        %parallel_loop3A_811 = tpu.vector_load %arg11[%parallel_loop3A_809, %parallel_loop3A_810] {strides = array<i32>} : memref<128x16xf32, #tpu.memory_space<vmem>>, vector<16xf32>,
        %parallel_loop3A_812 = arith.constant 0.000000e+00 : bf16
        %parallel_loop3A_813 = vector.broadcast %parallel_loop3A_812 : bf16 to vector<32xbf16>
        %parallel_loop3A_814 = arith.constant 0.000000e+00 : bf16
        %parallel_loop3A_815 = vector.broadcast %parallel_loop3A_814 : bf16 to vector<32xbf16>
        %parallel_loop3A_816 = vector.extract_strided_slice %parallel_loop3A_811 {offsets = [0], sizes = [1], strides = [1]} : vector<16xf32> to vector<1xf32>
        %parallel_loop3A_817 = vector.extract %parallel_loop3A_816[0] : f32 from vector<1xf32>
        %parallel_loop3A_818 = vector.broadcast %parallel_loop3A_817 : f32 to vector<16xf32>
        %parallel_loop3A_819 = tpu.pack_subelements %parallel_loop3A_818, %parallel_loop3A_818 {pack_format = #tpu.pack_format<interleaved>, positions = array<i32: 0, 1>} : vector<16xf32>, vector<16xf32> -> vector<32xbf16>
        %parallel_loop3A_820 = arith.mulf %pack3A, %parallel_loop3A_819 : vector<32xbf16>
        %parallel_loop3A_821 = arith.addf %parallel_loop3A_813, %parallel_loop3A_820 : vector<32xbf16>
        %parallel_loop3A_822 = arith.mulf %pack3A_192, %parallel_loop3A_819 : vector<32xbf16>
        %parallel_loop3A_823 = arith.addf %parallel_loop3A_815, %parallel_loop3A_822 : vector<32xbf16>
        %parallel_loop3A_824 = vector.extract_strided_slice %parallel_loop3A_811 {offsets = [1], sizes = [1], strides = [1]} : vector<16xf32> to vector<1xf32>
        %parallel_loop3A_825 = vector.extract %parallel_loop3A_824[0] : f32 from vector<1xf32>
        %parallel_loop3A_826 = vector.broadcast %parallel_loop3A_825 : f32 to vector<16xf32>
        %parallel_loop3A_827 = tpu.pack_subelements %parallel_loop3A_826, %parallel_loop3A_826 {pack_format = #tpu.pack_format<interleaved>, positions = array<i32: 0, 1>} : vector<16xf32>, vector<16xf32> -> vector<32xbf16>
        %parallel_loop3A_828 = arith.mulf %pack3A_209, %parallel_loop3A_827 : vector<32xbf16>
        %parallel_loop3A_829 = arith.addf %parallel_loop3A_821, %parallel_loop3A_828 : vector<32xbf16>
        %parallel_loop3A_830 = arith.mulf %pack3A_210, %parallel_loop3A_827 : vector<32xbf16>
        %parallel_loop3A_831 = arith.addf %parallel_loop3A_823, %parallel_loop3A_830 : vector<32xbf16>
        %parallel_loop3A_832 = vector.extract_strided_slice %parallel_loop3A_811 {offsets = [2], sizes = [1], strides = [1]} : vector<16xf32> to vector<1xf32>
        %parallel_loop3A_833 = vector.extract %parallel_loop3A_832[0] : f32 from vector<1xf32>
        %parallel_loop3A_834 = vector.broadcast %parallel_loop3A_833 : f32 to vector<16xf32>
        %parallel_loop3A_835 = tpu.pack_subelements %parallel_loop3A_834, %parallel_loop3A_834 {pack_format = #tpu.pack_format<interleaved>, positions = array<i32: 0, 1>} : vector<16xf32>, vector<16xf32> -> vector<32xbf16>
        %parallel_loop3A_836 = arith.mulf %pack3A_227, %parallel_loop3A_835 : vector<32xbf16>
        %parallel_loop3A_837 = arith.addf %parallel_loop3A_829, %parallel_loop3A_836 : vector<32xbf16>
        %parallel_loop3A_838 = arith.mulf %pack3A_228, %parallel_loop3A_835 : vector<32xbf16>
        %parallel_loop3A_839 = arith.addf %parallel_loop3A_831, %parallel_loop3A_838 : vector<32xbf16>
        %parallel_loop3A_840 = vector.extract_strided_slice %parallel_loop3A_811 {offsets = [3], sizes = [1], strides = [1]} : vector<16xf32> to vector<1xf32>
        %parallel_loop3A_841 = vector.extract %parallel_loop3A_840[0] : f32 from vector<1xf32>
        %parallel_loop3A_842 = vector.broadcast %parallel_loop3A_841 : f32 to vector<16xf32>
        %parallel_loop3A_843 = tpu.pack_subelements %parallel_loop3A_842, %parallel_loop3A_842 {pack_format = #tpu.pack_format<interleaved>, positions = array<i32: 0, 1>} : vector<16xf32>, vector<16xf32> -> vector<32xbf16>
        %parallel_loop3A_844 = arith.mulf %pack3A_245, %parallel_loop3A_843 : vector<32xbf16>
        %parallel_loop3A_845 = arith.addf %parallel_loop3A_837, %parallel_loop3A_844 : vector<32xbf16>
        %parallel_loop3A_846 = arith.mulf %pack3A_246, %parallel_loop3A_843 : vector<32xbf16>
        %parallel_loop3A_847 = arith.addf %parallel_loop3A_839, %parallel_loop3A_846 : vector<32xbf16>
        %parallel_loop3A_848 = vector.extract_strided_slice %parallel_loop3A_811 {offsets = [4], sizes = [1], strides = [1]} : vector<16xf32> to vector<1xf32>
        %parallel_loop3A_849 = vector.extract %parallel_loop3A_848[0] : f32 from vector<1xf32>
        %parallel_loop3A_850 = vector.broadcast %parallel_loop3A_849 : f32 to vector<16xf32>
        %parallel_loop3A_851 = tpu.pack_subelements %parallel_loop3A_850, %parallel_loop3A_850 {pack_format = #tpu.pack_format<interleaved>, positions = array<i32: 0, 1>} : vector<16xf32>, vector<16xf32> -> vector<32xbf16>
        %parallel_loop3A_852 = arith.mulf %pack3A_263, %parallel_loop3A_851 : vector<32xbf16>
        %parallel_loop3A_853 = arith.addf %parallel_loop3A_845, %parallel_loop3A_852 : vector<32xbf16>
        %parallel_loop3A_854 = arith.mulf %pack3A_264, %parallel_loop3A_851 : vector<32xbf16>
        %parallel_loop3A_855 = arith.addf %parallel_loop3A_847, %parallel_loop3A_854 : vector<32xbf16>
        %parallel_loop3A_856 = vector.extract_strided_slice %parallel_loop3A_811 {offsets = [5], sizes = [1], strides = [1]} : vector<16xf32> to vector<1xf32>
        %parallel_loop3A_857 = vector.extract %parallel_loop3A_856[0] : f32 from vector<1xf32>
        %parallel_loop3A_858 = vector.broadcast %parallel_loop3A_857 : f32 to vector<16xf32>
        %parallel_loop3A_859 = tpu.pack_subelements %parallel_loop3A_858, %parallel_loop3A_858 {pack_format = #tpu.pack_format<interleaved>, positions = array<i32: 0, 1>} : vector<16xf32>, vector<16xf32> -> vector<32xbf16>
        %parallel_loop3A_860 = arith.mulf %pack3A_281, %parallel_loop3A_859 : vector<32xbf16>
        %parallel_loop3A_861 = arith.addf %parallel_loop3A_853, %parallel_loop3A_860 : vector<32xbf16>
        %parallel_loop3A_862 = arith.mulf %pack3A_282, %parallel_loop3A_859 : vector<32xbf16>
        %parallel_loop3A_863 = arith.addf %parallel_loop3A_855, %parallel_loop3A_862 : vector<32xbf16>
        %parallel_loop3A_864 = vector.extract_strided_slice %parallel_loop3A_811 {offsets = [6], sizes = [1], strides = [1]} : vector<16xf32> to vector<1xf32>
        %parallel_loop3A_865 = vector.extract %parallel_loop3A_864[0] : f32 from vector<1xf32>
        %parallel_loop3A_866 = vector.broadcast %parallel_loop3A_865 : f32 to vector<16xf32>
        %parallel_loop3A_867 = tpu.pack_subelements %parallel_loop3A_866, %parallel_loop3A_866 {pack_format = #tpu.pack_format<interleaved>, positions = array<i32: 0, 1>} : vector<16xf32>, vector<16xf32> -> vector<32xbf16>
        %parallel_loop3A_868 = arith.mulf %pack3A_299, %parallel_loop3A_867 : vector<32xbf16>
        %parallel_loop3A_869 = arith.addf %parallel_loop3A_861, %parallel_loop3A_868 : vector<32xbf16>
        %parallel_loop3A_870 = arith.mulf %pack3A_300, %parallel_loop3A_867 : vector<32xbf16>
        %parallel_loop3A_871 = arith.addf %parallel_loop3A_863, %parallel_loop3A_870 : vector<32xbf16>
        %parallel_loop3A_872 = vector.extract_strided_slice %parallel_loop3A_811 {offsets = [7], sizes = [1], strides = [1]} : vector<16xf32> to vector<1xf32>
        %parallel_loop3A_873 = vector.extract %parallel_loop3A_872[0] : f32 from vector<1xf32>
        %parallel_loop3A_874 = vector.broadcast %parallel_loop3A_873 : f32 to vector<16xf32>
        %parallel_loop3A_875 = tpu.pack_subelements %parallel_loop3A_874, %parallel_loop3A_874 {pack_format = #tpu.pack_format<interleaved>, positions = array<i32: 0, 1>} : vector<16xf32>, vector<16xf32> -> vector<32xbf16>
        %parallel_loop3A_876 = arith.mulf %pack3A_317, %parallel_loop3A_875 : vector<32xbf16>
        %parallel_loop3A_877 = arith.addf %parallel_loop3A_869, %parallel_loop3A_876 : vector<32xbf16>
        %parallel_loop3A_878 = arith.mulf %pack3A_318, %parallel_loop3A_875 : vector<32xbf16>
        %parallel_loop3A_879 = arith.addf %parallel_loop3A_871, %parallel_loop3A_878 : vector<32xbf16>
        %parallel_loop3A_880 = vector.extract_strided_slice %parallel_loop3A_811 {offsets = [8], sizes = [1], strides = [1]} : vector<16xf32> to vector<1xf32>
        %parallel_loop3A_881 = vector.extract %parallel_loop3A_880[0] : f32 from vector<1xf32>
        %parallel_loop3A_882 = vector.broadcast %parallel_loop3A_881 : f32 to vector<16xf32>
        %parallel_loop3A_883 = tpu.pack_subelements %parallel_loop3A_882, %parallel_loop3A_882 {pack_format = #tpu.pack_format<interleaved>, positions = array<i32: 0, 1>} : vector<16xf32>, vector<16xf32> -> vector<32xbf16>
        %parallel_loop3A_884 = arith.mulf %pack3A_335, %parallel_loop3A_883 : vector<32xbf16>
        %parallel_loop3A_885 = arith.addf %parallel_loop3A_877, %parallel_loop3A_884 : vector<32xbf16>
        %parallel_loop3A_886 = arith.mulf %pack3A_336, %parallel_loop3A_883 : vector<32xbf16>
        %parallel_loop3A_887 = arith.addf %parallel_loop3A_879, %parallel_loop3A_886 : vector<32xbf16>
        %parallel_loop3A_888 = vector.extract_strided_slice %parallel_loop3A_811 {offsets = [9], sizes = [1], strides = [1]} : vector<16xf32> to vector<1xf32>
        %parallel_loop3A_889 = vector.extract %parallel_loop3A_888[0] : f32 from vector<1xf32>
        %parallel_loop3A_890 = vector.broadcast %parallel_loop3A_889 : f32 to vector<16xf32>
        %parallel_loop3A_891 = tpu.pack_subelements %parallel_loop3A_890, %parallel_loop3A_890 {pack_format = #tpu.pack_format<interleaved>, positions = array<i32: 0, 1>} : vector<16xf32>, vector<16xf32> -> vector<32xbf16>
        %parallel_loop3A_892 = arith.mulf %pack3A_353, %parallel_loop3A_891 : vector<32xbf16>
        %parallel_loop3A_893 = arith.addf %parallel_loop3A_885, %parallel_loop3A_892 : vector<32xbf16>
        %parallel_loop3A_894 = arith.mulf %pack3A_354, %parallel_loop3A_891 : vector<32xbf16>
        %parallel_loop3A_895 = arith.addf %parallel_loop3A_887, %parallel_loop3A_894 : vector<32xbf16>
        %parallel_loop3A_896 = vector.extract_strided_slice %parallel_loop3A_811 {offsets = [10], sizes = [1], strides = [1]} : vector<16xf32> to vector<1xf32>
        %parallel_loop3A_897 = vector.extract %parallel_loop3A_896[0] : f32 from vector<1xf32>
        %parallel_loop3A_898 = vector.broadcast %parallel_loop3A_897 : f32 to vector<16xf32>
        %parallel_loop3A_899 = tpu.pack_subelements %parallel_loop3A_898, %parallel_loop3A_898 {pack_format = #tpu.pack_format<interleaved>, positions = array<i32: 0, 1>} : vector<16xf32>, vector<16xf32> -> vector<32xbf16>
        %parallel_loop3A_900 = arith.mulf %pack3A_371, %parallel_loop3A_899 : vector<32xbf16>
        %parallel_loop3A_901 = arith.addf %parallel_loop3A_893, %parallel_loop3A_900 : vector<32xbf16>
        %parallel_loop3A_902 = arith.mulf %pack3A_372, %parallel_loop3A_899 : vector<32xbf16>
        %parallel_loop3A_903 = arith.addf %parallel_loop3A_895, %parallel_loop3A_902 : vector<32xbf16>
        %parallel_loop3A_904 = vector.extract_strided_slice %parallel_loop3A_811 {offsets = [11], sizes = [1], strides = [1]} : vector<16xf32> to vector<1xf32>
        %parallel_loop3A_905 = vector.extract %parallel_loop3A_904[0] : f32 from vector<1xf32>
        %parallel_loop3A_906 = vector.broadcast %parallel_loop3A_905 : f32 to vector<16xf32>
        %parallel_loop3A_907 = tpu.pack_subelements %parallel_loop3A_906, %parallel_loop3A_906 {pack_format = #tpu.pack_format<interleaved>, positions = array<i32: 0, 1>} : vector<16xf32>, vector<16xf32> -> vector<32xbf16>
        %parallel_loop3A_908 = arith.mulf %pack3A_389, %parallel_loop3A_907 : vector<32xbf16>
        %parallel_loop3A_909 = arith.addf %parallel_loop3A_901, %parallel_loop3A_908 : vector<32xbf16>
        %parallel_loop3A_910 = arith.mulf %pack3A_390, %parallel_loop3A_907 : vector<32xbf16>
        %parallel_loop3A_911 = arith.addf %parallel_loop3A_903, %parallel_loop3A_910 : vector<32xbf16>
        %parallel_loop3A_912 = vector.extract_strided_slice %parallel_loop3A_811 {offsets = [12], sizes = [1], strides = [1]} : vector<16xf32> to vector<1xf32>
        %parallel_loop3A_913 = vector.extract %parallel_loop3A_912[0] : f32 from vector<1xf32>
        %parallel_loop3A_914 = vector.broadcast %parallel_loop3A_913 : f32 to vector<16xf32>
        %parallel_loop3A_915 = tpu.pack_subelements %parallel_loop3A_914, %parallel_loop3A_914 {pack_format = #tpu.pack_format<interleaved>, positions = array<i32: 0, 1>} : vector<16xf32>, vector<16xf32> -> vector<32xbf16>
        %parallel_loop3A_916 = arith.mulf %pack3A_407, %parallel_loop3A_915 : vector<32xbf16>
        %parallel_loop3A_917 = arith.addf %parallel_loop3A_909, %parallel_loop3A_916 : vector<32xbf16>
        %parallel_loop3A_918 = arith.mulf %pack3A_408, %parallel_loop3A_915 : vector<32xbf16>
        %parallel_loop3A_919 = arith.addf %parallel_loop3A_911, %parallel_loop3A_918 : vector<32xbf16>
        %parallel_loop3A_920 = vector.extract_strided_slice %parallel_loop3A_811 {offsets = [13], sizes = [1], strides = [1]} : vector<16xf32> to vector<1xf32>
        %parallel_loop3A_921 = vector.extract %parallel_loop3A_920[0] : f32 from vector<1xf32>
        %parallel_loop3A_922 = vector.broadcast %parallel_loop3A_921 : f32 to vector<16xf32>
        %parallel_loop3A_923 = tpu.pack_subelements %parallel_loop3A_922, %parallel_loop3A_922 {pack_format = #tpu.pack_format<interleaved>, positions = array<i32: 0, 1>} : vector<16xf32>, vector<16xf32> -> vector<32xbf16>
        %parallel_loop3A_924 = arith.mulf %pack3A_425, %parallel_loop3A_923 : vector<32xbf16>
        %parallel_loop3A_925 = arith.addf %parallel_loop3A_917, %parallel_loop3A_924 : vector<32xbf16>
        %parallel_loop3A_926 = arith.mulf %pack3A_426, %parallel_loop3A_923 : vector<32xbf16>
        %parallel_loop3A_927 = arith.addf %parallel_loop3A_919, %parallel_loop3A_926 : vector<32xbf16>
        %parallel_loop3A_928 = vector.extract_strided_slice %parallel_loop3A_811 {offsets = [14], sizes = [1], strides = [1]} : vector<16xf32> to vector<1xf32>
        %parallel_loop3A_929 = vector.extract %parallel_loop3A_928[0] : f32 from vector<1xf32>
        %parallel_loop3A_930 = vector.broadcast %parallel_loop3A_929 : f32 to vector<16xf32>
        %parallel_loop3A_931 = tpu.pack_subelements %parallel_loop3A_930, %parallel_loop3A_930 {pack_format = #tpu.pack_format<interleaved>, positions = array<i32: 0, 1>} : vector<16xf32>, vector<16xf32> -> vector<32xbf16>
        %parallel_loop3A_932 = arith.mulf %pack3A_443, %parallel_loop3A_931 : vector<32xbf16>
        %parallel_loop3A_933 = arith.addf %parallel_loop3A_925, %parallel_loop3A_932 : vector<32xbf16>
        %parallel_loop3A_934 = arith.mulf %pack3A_444, %parallel_loop3A_931 : vector<32xbf16>
        %parallel_loop3A_935 = arith.addf %parallel_loop3A_927, %parallel_loop3A_934 : vector<32xbf16>
        %parallel_loop3A_936 = vector.extract_strided_slice %parallel_loop3A_811 {offsets = [15], sizes = [1], strides = [1]} : vector<16xf32> to vector<1xf32>
        %parallel_loop3A_937 = vector.extract %parallel_loop3A_936[0] : f32 from vector<1xf32>
        %parallel_loop3A_938 = vector.broadcast %parallel_loop3A_937 : f32 to vector<16xf32>
        %parallel_loop3A_939 = tpu.pack_subelements %parallel_loop3A_938, %parallel_loop3A_938 {pack_format = #tpu.pack_format<interleaved>, positions = array<i32: 0, 1>} : vector<16xf32>, vector<16xf32> -> vector<32xbf16>
        %parallel_loop3A_940 = arith.mulf %pack3A_461, %parallel_loop3A_939 : vector<32xbf16>
        %parallel_loop3A_941 = arith.addf %parallel_loop3A_933, %parallel_loop3A_940 : vector<32xbf16>
        %parallel_loop3A_942 = arith.mulf %pack3A_462, %parallel_loop3A_939 : vector<32xbf16>
        %parallel_loop3A_943 = arith.addf %parallel_loop3A_935, %parallel_loop3A_942 : vector<32xbf16>
        %parallel_loop3A_944 = tpu.unpack_subelements %parallel_loop3A_941, 0 {pack_format = #tpu.pack_format<interleaved>} : vector<32xbf16> -> vector<16xf32>
        %parallel_loop3A_945 = tpu.unpack_subelements %parallel_loop3A_941, 1 {pack_format = #tpu.pack_format<interleaved>} : vector<32xbf16> -> vector<16xf32>
        %parallel_loop3A_946 = tpu.unpack_subelements %parallel_loop3A_943, 0 {pack_format = #tpu.pack_format<interleaved>} : vector<32xbf16> -> vector<16xf32>
        %parallel_loop3A_947 = tpu.unpack_subelements %parallel_loop3A_943, 1 {pack_format = #tpu.pack_format<interleaved>} : vector<32xbf16> -> vector<16xf32>
        %parallel_loop3A_948 = arith.index_cast %parallel_loop3A_808 : i32 to index
        %parallel_loop3A_949 = arith.constant 0 : index
        %parallel_loop3A_950 = tpu.vector_load %arg9[%parallel_loop3A_948, %parallel_loop3A_949] {strides = array<i32>} : memref<128x64xf32, #tpu.memory_space<vmem>>, vector<16xf32>,
        %parallel_loop3A_951 = arith.addf %parallel_loop3A_950, %parallel_loop3A_944 : vector<16xf32>
        %parallel_loop3A_952 = arith.index_cast %parallel_loop3A_808 : i32 to index
        %parallel_loop3A_953 = arith.constant 0 : index
        %parallel_loop3A_954 = tpu.vector_load %arg9[%parallel_loop3A_952, %parallel_loop3A_953] {strides = array<i32>} : memref<128x64xf32, #tpu.memory_space<vmem>>, vector<16xf32>,
        tpu.vector_store %arg9[%parallel_loop3A_952, %parallel_loop3A_953], %parallel_loop3A_951 {strides = array<i32>} : memref<128x64xf32, #tpu.memory_space<vmem>>, vector<16xf32>,
        %parallel_loop3A_955 = arith.index_cast %parallel_loop3A_808 : i32 to index
        %parallel_loop3A_956 = arith.constant 16 : index
        %parallel_loop3A_957 = tpu.vector_load %arg9[%parallel_loop3A_955, %parallel_loop3A_956] {strides = array<i32>} : memref<128x64xf32, #tpu.memory_space<vmem>>, vector<16xf32>,
        %parallel_loop3A_958 = arith.addf %parallel_loop3A_957, %parallel_loop3A_945 : vector<16xf32>
        %parallel_loop3A_959 = arith.index_cast %parallel_loop3A_808 : i32 to index
        %parallel_loop3A_960 = arith.constant 16 : index
        %parallel_loop3A_961 = tpu.vector_load %arg9[%parallel_loop3A_959, %parallel_loop3A_960] {strides = array<i32>} : memref<128x64xf32, #tpu.memory_space<vmem>>, vector<16xf32>,
        tpu.vector_store %arg9[%parallel_loop3A_959, %parallel_loop3A_960], %parallel_loop3A_958 {strides = array<i32>} : memref<128x64xf32, #tpu.memory_space<vmem>>, vector<16xf32>,
        %parallel_loop3A_962 = arith.index_cast %parallel_loop3A_808 : i32 to index
        %parallel_loop3A_963 = arith.constant 32 : index
        %parallel_loop3A_964 = tpu.vector_load %arg9[%parallel_loop3A_962, %parallel_loop3A_963] {strides = array<i32>} : memref<128x64xf32, #tpu.memory_space<vmem>>, vector<16xf32>,
        %parallel_loop3A_965 = arith.addf %parallel_loop3A_964, %parallel_loop3A_946 : vector<16xf32>
        %parallel_loop3A_966 = arith.index_cast %parallel_loop3A_808 : i32 to index
        %parallel_loop3A_967 = arith.constant 32 : index
        %parallel_loop3A_968 = tpu.vector_load %arg9[%parallel_loop3A_966, %parallel_loop3A_967] {strides = array<i32>} : memref<128x64xf32, #tpu.memory_space<vmem>>, vector<16xf32>,
        tpu.vector_store %arg9[%parallel_loop3A_966, %parallel_loop3A_967], %parallel_loop3A_965 {strides = array<i32>} : memref<128x64xf32, #tpu.memory_space<vmem>>, vector<16xf32>,
        %parallel_loop3A_969 = arith.index_cast %parallel_loop3A_808 : i32 to index
        %parallel_loop3A_970 = arith.constant 48 : index
        %parallel_loop3A_971 = tpu.vector_load %arg9[%parallel_loop3A_969, %parallel_loop3A_970] {strides = array<i32>} : memref<128x64xf32, #tpu.memory_space<vmem>>, vector<16xf32>,
        %parallel_loop3A_972 = arith.addf %parallel_loop3A_971, %parallel_loop3A_947 : vector<16xf32>
        %parallel_loop3A_973 = arith.index_cast %parallel_loop3A_808 : i32 to index
        %parallel_loop3A_974 = arith.constant 48 : index
        %parallel_loop3A_975 = tpu.vector_load %arg9[%parallel_loop3A_973, %parallel_loop3A_974] {strides = array<i32>} : memref<128x64xf32, #tpu.memory_space<vmem>>, vector<16xf32>,
        tpu.vector_store %arg9[%parallel_loop3A_973, %parallel_loop3A_974], %parallel_loop3A_972 {strides = array<i32>} : memref<128x64xf32, #tpu.memory_space<vmem>>, vector<16xf32>,
      } {sc.loop_unroll_factor = 2 : i64, sc.parallel_access}
      %mul3A_722 = arith.constant 25600 : i32
      %mul3A_723 = arith.muli %add3A, %mul3A_722 : i32
      %mul3A_724 = arith.constant 128 : i32
      %mul3A_725 = arith.muli %add3A_693, %mul3A_724 : i32
      %add3A_726 = arith.addi %mul3A_723, %mul3A_725 : i32
      %dma_start3A_727 = arith.constant 0 : i32
      %dma_start3A_728 = tpu.memref_slice %arg6[%add3A_726, %dma_start3A_727] : memref<819200x64xf32, #tpu.memory_space<hbm>> -> memref<128x64xf32, #tpu.memory_space<hbm>>
      %dma_start3A_729 = arith.constant 0 : i32
      %dma_start3A_730 = tpu.memref_slice %arg6[%add3A_726, %dma_start3A_729] : memref<819200x64xf32, #tpu.memory_space<hbm>> -> memref<128x64xf32, #tpu.memory_space<hbm>>
      tpu.enqueue_dma source(%arg9 : memref<128x64xf32, #tpu.memory_space<vmem>>) target(%dma_start3A_730 : memref<128x64xf32, #tpu.memory_space<hbm>>) target_semaphore(%arg22 : memref<!tpu.dma_semaphore, #tpu.memory_space<semaphore_mem>>)
      %add3A_731 = arith.constant 2 : i32
      %add3A_732 = arith.addi %add3A_693, %add3A_731 : i32
      %dma_start3A_733 = arith.constant 0 : i32
      %dma_start3A_734 = tpu.memref_slice %arg8[%add3A_732, %dma_start3A_733] : memref<200x128xi32, #tpu.memory_space<vmem>> -> memref<1x128xi32, #tpu.memory_space<vmem>>
      %dma_start3A_735 = tpu.memref_squeeze %dma_start3A_734 : memref<1x128xi32, #tpu.memory_space<vmem>> -> memref<128xi32, #tpu.memory_space<vmem>>
      %dma_start3A_736 = arith.constant 0 : i32
      %dma_start3A_737 = arith.constant 0 : i32
      %dma_start3A_738 = tpu.memref_slice %arg3[%dma_start3A_736, %dma_start3A_737] : memref<1000000x64xf32, #tpu.memory_space<hbm>> -> memref<1000000x64xf32, #tpu.memory_space<hbm>>
      tpu.enqueue_indirect_dma source(%dma_start3A_738 : memref<1000000x64xf32, #tpu.memory_space<hbm>>) target(%arg9 : memref<128x64xf32, #tpu.memory_space<vmem>>) offsets(%dma_start3A_735 : memref<128xi32, #tpu.memory_space<vmem>>) semaphore(%arg18 : memref<!tpu.dma_semaphore, #tpu.memory_space<semaphore_mem>>)
      %dma_start3A_739 = arith.constant 0 : i32
      %dma_start3A_740 = tpu.memref_slice %arg8[%add3A_732, %dma_start3A_739] : memref<200x128xi32, #tpu.memory_space<vmem>> -> memref<1x128xi32, #tpu.memory_space<vmem>>
      %dma_start3A_741 = tpu.memref_squeeze %dma_start3A_740 : memref<1x128xi32, #tpu.memory_space<vmem>> -> memref<128xi32, #tpu.memory_space<vmem>>
      %dma_start3A_742 = arith.constant 0 : i32
      %dma_start3A_743 = arith.constant 0 : i32
      %dma_start3A_744 = tpu.memref_slice %arg7[%arg0, %dma_start3A_742, %dma_start3A_743] : memref<2x1000000x16xf32, #tpu.memory_space<hbm>> -> memref<1x1000000x16xf32, #tpu.memory_space<hbm>>
      %dma_start3A_745 = tpu.memref_squeeze %dma_start3A_744 : memref<1x1000000x16xf32, #tpu.memory_space<hbm>> -> memref<1000000x16xf32, #tpu.memory_space<hbm>>
      %dma_start3A_746 = arith.constant 0 : i32
      %dma_start3A_747 = arith.constant 0 : i32
      %dma_start3A_748 = tpu.memref_slice %dma_start3A_745[%dma_start3A_746, %dma_start3A_747] : memref<1000000x16xf32, #tpu.memory_space<hbm>> -> memref<1000000x16xf32, #tpu.memory_space<hbm>>
      tpu.enqueue_indirect_dma source(%dma_start3A_748 : memref<1000000x16xf32, #tpu.memory_space<hbm>>) target(%arg11 : memref<128x16xf32, #tpu.memory_space<vmem>>) offsets(%dma_start3A_741 : memref<128xi32, #tpu.memory_space<vmem>>) semaphore(%arg20 : memref<!tpu.dma_semaphore, #tpu.memory_space<semaphore_mem>>)
      %mul3A_749 = arith.constant 2 : i32
      %mul3A_750 = arith.muli %mul3A_749, %scan3A_689 : i32
      %add3A_751 = arith.constant 3 : i32
      %add3A_752 = arith.addi %mul3A_750, %add3A_751 : i32
      %dma_wait3A_753 = arith.constant 0 : i32
      %dma_wait3A_754 = tpu.memref_slice %arg8[%add3A_752, %dma_wait3A_753] : memref<200x128xi32, #tpu.memory_space<vmem>> -> memref<1x128xi32, #tpu.memory_space<vmem>>
      %dma_wait3A_755 = tpu.memref_squeeze %dma_wait3A_754 : memref<1x128xi32, #tpu.memory_space<vmem>> -> memref<128xi32, #tpu.memory_space<vmem>>
      %dma_wait3A_756 = arith.constant 0 : i32
      %dma_wait3A_757 = arith.constant 0 : i32
      %dma_wait3A_758 = tpu.memref_slice %arg3[%dma_wait3A_756, %dma_wait3A_757] : memref<1000000x64xf32, #tpu.memory_space<hbm>> -> memref<1000000x64xf32, #tpu.memory_space<hbm>>
      tpu.wait_indirect_dma semaphore(%arg19 : memref<!tpu.dma_semaphore, #tpu.memory_space<semaphore_mem>>) src(%dma_wait3A_758 : memref<1000000x64xf32, #tpu.memory_space<hbm>>) dst(%arg10 : memref<128x64xf32, #tpu.memory_space<vmem>>)
      %dma_wait3A_759 = arith.constant 0 : i32
      %dma_wait3A_760 = tpu.memref_slice %arg8[%add3A_752, %dma_wait3A_759] : memref<200x128xi32, #tpu.memory_space<vmem>> -> memref<1x128xi32, #tpu.memory_space<vmem>>
      %dma_wait3A_761 = tpu.memref_squeeze %dma_wait3A_760 : memref<1x128xi32, #tpu.memory_space<vmem>> -> memref<128xi32, #tpu.memory_space<vmem>>
      %dma_wait3A_762 = arith.constant 0 : i32
      %dma_wait3A_763 = arith.constant 0 : i32
      %dma_wait3A_764 = tpu.memref_slice %arg7[%arg0, %dma_wait3A_762, %dma_wait3A_763] : memref<2x1000000x16xf32, #tpu.memory_space<hbm>> -> memref<1x1000000x16xf32, #tpu.memory_space<hbm>>
      %dma_wait3A_765 = tpu.memref_squeeze %dma_wait3A_764 : memref<1x1000000x16xf32, #tpu.memory_space<hbm>> -> memref<1000000x16xf32, #tpu.memory_space<hbm>>
      %dma_wait3A_766 = arith.constant 0 : i32
      %dma_wait3A_767 = arith.constant 0 : i32
      %dma_wait3A_768 = tpu.memref_slice %dma_wait3A_765[%dma_wait3A_766, %dma_wait3A_767] : memref<1000000x16xf32, #tpu.memory_space<hbm>> -> memref<1000000x16xf32, #tpu.memory_space<hbm>>
      tpu.wait_indirect_dma semaphore(%arg21 : memref<!tpu.dma_semaphore, #tpu.memory_space<semaphore_mem>>) src(%dma_wait3A_768 : memref<1000000x16xf32, #tpu.memory_space<hbm>>) dst(%arg12 : memref<128x16xf32, #tpu.memory_space<vmem>>)
      %mul3A_769 = arith.constant 25600 : i32
      %mul3A_770 = arith.muli %add3A, %mul3A_769 : i32
      %mul3A_771 = arith.constant 128 : i32
      %mul3A_772 = arith.muli %add3A_752, %mul3A_771 : i32
      %add3A_773 = arith.addi %mul3A_770, %mul3A_772 : i32
      %dma_wait3A_774 = arith.constant 0 : i32
      %dma_wait3A_775 = tpu.memref_slice %arg6[%add3A_773, %dma_wait3A_774] : memref<819200x64xf32, #tpu.memory_space<hbm>> -> memref<128x64xf32, #tpu.memory_space<hbm>>
      %dma_wait3A_776 = arith.constant 0 : i32
      %dma_wait3A_777 = tpu.memref_slice %arg6[%add3A_773, %dma_wait3A_776] : memref<819200x64xf32, #tpu.memory_space<hbm>> -> memref<128x64xf32, #tpu.memory_space<hbm>>
      tpu.wait_dma2 semaphore(%arg23 : memref<!tpu.dma_semaphore, #tpu.memory_space<semaphore_mem>>) src(%arg10 : memref<128x64xf32, #tpu.memory_space<vmem>>) dst(%dma_wait3A_777 : memref<128x64xf32, #tpu.memory_space<hbm>>)
      %parallel_loop3A_778 = arith.constant 0 : i32
      %parallel_loop3A_779 = arith.constant 128 : i32
      %parallel_loop3A_780 = arith.constant 1 : i32
      scf.for %parallel_loop3A_808 = %parallel_loop3A_778 to %parallel_loop3A_779 step %parallel_loop3A_780  : i32 {
        %parallel_loop3A_809 = arith.index_cast %parallel_loop3A_808 : i32 to index
        %parallel_loop3A_810 = arith.constant 0 : index
        %parallel_loop3A_811 = tpu.vector_load %arg12[%parallel_loop3A_809, %parallel_loop3A_810] {strides = array<i32>} : memref<128x16xf32, #tpu.memory_space<vmem>>, vector<16xf32>,
        %parallel_loop3A_812 = arith.constant 0.000000e+00 : bf16
        %parallel_loop3A_813 = vector.broadcast %parallel_loop3A_812 : bf16 to vector<32xbf16>
        %parallel_loop3A_814 = arith.constant 0.000000e+00 : bf16
        %parallel_loop3A_815 = vector.broadcast %parallel_loop3A_814 : bf16 to vector<32xbf16>
        %parallel_loop3A_816 = vector.extract_strided_slice %parallel_loop3A_811 {offsets = [0], sizes = [1], strides = [1]} : vector<16xf32> to vector<1xf32>
        %parallel_loop3A_817 = vector.extract %parallel_loop3A_816[0] : f32 from vector<1xf32>
        %parallel_loop3A_818 = vector.broadcast %parallel_loop3A_817 : f32 to vector<16xf32>
        %parallel_loop3A_819 = tpu.pack_subelements %parallel_loop3A_818, %parallel_loop3A_818 {pack_format = #tpu.pack_format<interleaved>, positions = array<i32: 0, 1>} : vector<16xf32>, vector<16xf32> -> vector<32xbf16>
        %parallel_loop3A_820 = arith.mulf %pack3A, %parallel_loop3A_819 : vector<32xbf16>
        %parallel_loop3A_821 = arith.addf %parallel_loop3A_813, %parallel_loop3A_820 : vector<32xbf16>
        %parallel_loop3A_822 = arith.mulf %pack3A_192, %parallel_loop3A_819 : vector<32xbf16>
        %parallel_loop3A_823 = arith.addf %parallel_loop3A_815, %parallel_loop3A_822 : vector<32xbf16>
        %parallel_loop3A_824 = vector.extract_strided_slice %parallel_loop3A_811 {offsets = [1], sizes = [1], strides = [1]} : vector<16xf32> to vector<1xf32>
        %parallel_loop3A_825 = vector.extract %parallel_loop3A_824[0] : f32 from vector<1xf32>
        %parallel_loop3A_826 = vector.broadcast %parallel_loop3A_825 : f32 to vector<16xf32>
        %parallel_loop3A_827 = tpu.pack_subelements %parallel_loop3A_826, %parallel_loop3A_826 {pack_format = #tpu.pack_format<interleaved>, positions = array<i32: 0, 1>} : vector<16xf32>, vector<16xf32> -> vector<32xbf16>
        %parallel_loop3A_828 = arith.mulf %pack3A_209, %parallel_loop3A_827 : vector<32xbf16>
        %parallel_loop3A_829 = arith.addf %parallel_loop3A_821, %parallel_loop3A_828 : vector<32xbf16>
        %parallel_loop3A_830 = arith.mulf %pack3A_210, %parallel_loop3A_827 : vector<32xbf16>
        %parallel_loop3A_831 = arith.addf %parallel_loop3A_823, %parallel_loop3A_830 : vector<32xbf16>
        %parallel_loop3A_832 = vector.extract_strided_slice %parallel_loop3A_811 {offsets = [2], sizes = [1], strides = [1]} : vector<16xf32> to vector<1xf32>
        %parallel_loop3A_833 = vector.extract %parallel_loop3A_832[0] : f32 from vector<1xf32>
        %parallel_loop3A_834 = vector.broadcast %parallel_loop3A_833 : f32 to vector<16xf32>
        %parallel_loop3A_835 = tpu.pack_subelements %parallel_loop3A_834, %parallel_loop3A_834 {pack_format = #tpu.pack_format<interleaved>, positions = array<i32: 0, 1>} : vector<16xf32>, vector<16xf32> -> vector<32xbf16>
        %parallel_loop3A_836 = arith.mulf %pack3A_227, %parallel_loop3A_835 : vector<32xbf16>
        %parallel_loop3A_837 = arith.addf %parallel_loop3A_829, %parallel_loop3A_836 : vector<32xbf16>
        %parallel_loop3A_838 = arith.mulf %pack3A_228, %parallel_loop3A_835 : vector<32xbf16>
        %parallel_loop3A_839 = arith.addf %parallel_loop3A_831, %parallel_loop3A_838 : vector<32xbf16>
        %parallel_loop3A_840 = vector.extract_strided_slice %parallel_loop3A_811 {offsets = [3], sizes = [1], strides = [1]} : vector<16xf32> to vector<1xf32>
        %parallel_loop3A_841 = vector.extract %parallel_loop3A_840[0] : f32 from vector<1xf32>
        %parallel_loop3A_842 = vector.broadcast %parallel_loop3A_841 : f32 to vector<16xf32>
        %parallel_loop3A_843 = tpu.pack_subelements %parallel_loop3A_842, %parallel_loop3A_842 {pack_format = #tpu.pack_format<interleaved>, positions = array<i32: 0, 1>} : vector<16xf32>, vector<16xf32> -> vector<32xbf16>
        %parallel_loop3A_844 = arith.mulf %pack3A_245, %parallel_loop3A_843 : vector<32xbf16>
        %parallel_loop3A_845 = arith.addf %parallel_loop3A_837, %parallel_loop3A_844 : vector<32xbf16>
        %parallel_loop3A_846 = arith.mulf %pack3A_246, %parallel_loop3A_843 : vector<32xbf16>
        %parallel_loop3A_847 = arith.addf %parallel_loop3A_839, %parallel_loop3A_846 : vector<32xbf16>
        %parallel_loop3A_848 = vector.extract_strided_slice %parallel_loop3A_811 {offsets = [4], sizes = [1], strides = [1]} : vector<16xf32> to vector<1xf32>
        %parallel_loop3A_849 = vector.extract %parallel_loop3A_848[0] : f32 from vector<1xf32>
        %parallel_loop3A_850 = vector.broadcast %parallel_loop3A_849 : f32 to vector<16xf32>
        %parallel_loop3A_851 = tpu.pack_subelements %parallel_loop3A_850, %parallel_loop3A_850 {pack_format = #tpu.pack_format<interleaved>, positions = array<i32: 0, 1>} : vector<16xf32>, vector<16xf32> -> vector<32xbf16>
        %parallel_loop3A_852 = arith.mulf %pack3A_263, %parallel_loop3A_851 : vector<32xbf16>
        %parallel_loop3A_853 = arith.addf %parallel_loop3A_845, %parallel_loop3A_852 : vector<32xbf16>
        %parallel_loop3A_854 = arith.mulf %pack3A_264, %parallel_loop3A_851 : vector<32xbf16>
        %parallel_loop3A_855 = arith.addf %parallel_loop3A_847, %parallel_loop3A_854 : vector<32xbf16>
        %parallel_loop3A_856 = vector.extract_strided_slice %parallel_loop3A_811 {offsets = [5], sizes = [1], strides = [1]} : vector<16xf32> to vector<1xf32>
        %parallel_loop3A_857 = vector.extract %parallel_loop3A_856[0] : f32 from vector<1xf32>
        %parallel_loop3A_858 = vector.broadcast %parallel_loop3A_857 : f32 to vector<16xf32>
        %parallel_loop3A_859 = tpu.pack_subelements %parallel_loop3A_858, %parallel_loop3A_858 {pack_format = #tpu.pack_format<interleaved>, positions = array<i32: 0, 1>} : vector<16xf32>, vector<16xf32> -> vector<32xbf16>
        %parallel_loop3A_860 = arith.mulf %pack3A_281, %parallel_loop3A_859 : vector<32xbf16>
        %parallel_loop3A_861 = arith.addf %parallel_loop3A_853, %parallel_loop3A_860 : vector<32xbf16>
        %parallel_loop3A_862 = arith.mulf %pack3A_282, %parallel_loop3A_859 : vector<32xbf16>
        %parallel_loop3A_863 = arith.addf %parallel_loop3A_855, %parallel_loop3A_862 : vector<32xbf16>
        %parallel_loop3A_864 = vector.extract_strided_slice %parallel_loop3A_811 {offsets = [6], sizes = [1], strides = [1]} : vector<16xf32> to vector<1xf32>
        %parallel_loop3A_865 = vector.extract %parallel_loop3A_864[0] : f32 from vector<1xf32>
        %parallel_loop3A_866 = vector.broadcast %parallel_loop3A_865 : f32 to vector<16xf32>
        %parallel_loop3A_867 = tpu.pack_subelements %parallel_loop3A_866, %parallel_loop3A_866 {pack_format = #tpu.pack_format<interleaved>, positions = array<i32: 0, 1>} : vector<16xf32>, vector<16xf32> -> vector<32xbf16>
        %parallel_loop3A_868 = arith.mulf %pack3A_299, %parallel_loop3A_867 : vector<32xbf16>
        %parallel_loop3A_869 = arith.addf %parallel_loop3A_861, %parallel_loop3A_868 : vector<32xbf16>
        %parallel_loop3A_870 = arith.mulf %pack3A_300, %parallel_loop3A_867 : vector<32xbf16>
        %parallel_loop3A_871 = arith.addf %parallel_loop3A_863, %parallel_loop3A_870 : vector<32xbf16>
        %parallel_loop3A_872 = vector.extract_strided_slice %parallel_loop3A_811 {offsets = [7], sizes = [1], strides = [1]} : vector<16xf32> to vector<1xf32>
        %parallel_loop3A_873 = vector.extract %parallel_loop3A_872[0] : f32 from vector<1xf32>
        %parallel_loop3A_874 = vector.broadcast %parallel_loop3A_873 : f32 to vector<16xf32>
        %parallel_loop3A_875 = tpu.pack_subelements %parallel_loop3A_874, %parallel_loop3A_874 {pack_format = #tpu.pack_format<interleaved>, positions = array<i32: 0, 1>} : vector<16xf32>, vector<16xf32> -> vector<32xbf16>
        %parallel_loop3A_876 = arith.mulf %pack3A_317, %parallel_loop3A_875 : vector<32xbf16>
        %parallel_loop3A_877 = arith.addf %parallel_loop3A_869, %parallel_loop3A_876 : vector<32xbf16>
        %parallel_loop3A_878 = arith.mulf %pack3A_318, %parallel_loop3A_875 : vector<32xbf16>
        %parallel_loop3A_879 = arith.addf %parallel_loop3A_871, %parallel_loop3A_878 : vector<32xbf16>
        %parallel_loop3A_880 = vector.extract_strided_slice %parallel_loop3A_811 {offsets = [8], sizes = [1], strides = [1]} : vector<16xf32> to vector<1xf32>
        %parallel_loop3A_881 = vector.extract %parallel_loop3A_880[0] : f32 from vector<1xf32>
        %parallel_loop3A_882 = vector.broadcast %parallel_loop3A_881 : f32 to vector<16xf32>
        %parallel_loop3A_883 = tpu.pack_subelements %parallel_loop3A_882, %parallel_loop3A_882 {pack_format = #tpu.pack_format<interleaved>, positions = array<i32: 0, 1>} : vector<16xf32>, vector<16xf32> -> vector<32xbf16>
        %parallel_loop3A_884 = arith.mulf %pack3A_335, %parallel_loop3A_883 : vector<32xbf16>
        %parallel_loop3A_885 = arith.addf %parallel_loop3A_877, %parallel_loop3A_884 : vector<32xbf16>
        %parallel_loop3A_886 = arith.mulf %pack3A_336, %parallel_loop3A_883 : vector<32xbf16>
        %parallel_loop3A_887 = arith.addf %parallel_loop3A_879, %parallel_loop3A_886 : vector<32xbf16>
        %parallel_loop3A_888 = vector.extract_strided_slice %parallel_loop3A_811 {offsets = [9], sizes = [1], strides = [1]} : vector<16xf32> to vector<1xf32>
        %parallel_loop3A_889 = vector.extract %parallel_loop3A_888[0] : f32 from vector<1xf32>
        %parallel_loop3A_890 = vector.broadcast %parallel_loop3A_889 : f32 to vector<16xf32>
        %parallel_loop3A_891 = tpu.pack_subelements %parallel_loop3A_890, %parallel_loop3A_890 {pack_format = #tpu.pack_format<interleaved>, positions = array<i32: 0, 1>} : vector<16xf32>, vector<16xf32> -> vector<32xbf16>
        %parallel_loop3A_892 = arith.mulf %pack3A_353, %parallel_loop3A_891 : vector<32xbf16>
        %parallel_loop3A_893 = arith.addf %parallel_loop3A_885, %parallel_loop3A_892 : vector<32xbf16>
        %parallel_loop3A_894 = arith.mulf %pack3A_354, %parallel_loop3A_891 : vector<32xbf16>
        %parallel_loop3A_895 = arith.addf %parallel_loop3A_887, %parallel_loop3A_894 : vector<32xbf16>
        %parallel_loop3A_896 = vector.extract_strided_slice %parallel_loop3A_811 {offsets = [10], sizes = [1], strides = [1]} : vector<16xf32> to vector<1xf32>
        %parallel_loop3A_897 = vector.extract %parallel_loop3A_896[0] : f32 from vector<1xf32>
        %parallel_loop3A_898 = vector.broadcast %parallel_loop3A_897 : f32 to vector<16xf32>
        %parallel_loop3A_899 = tpu.pack_subelements %parallel_loop3A_898, %parallel_loop3A_898 {pack_format = #tpu.pack_format<interleaved>, positions = array<i32: 0, 1>} : vector<16xf32>, vector<16xf32> -> vector<32xbf16>
        %parallel_loop3A_900 = arith.mulf %pack3A_371, %parallel_loop3A_899 : vector<32xbf16>
        %parallel_loop3A_901 = arith.addf %parallel_loop3A_893, %parallel_loop3A_900 : vector<32xbf16>
        %parallel_loop3A_902 = arith.mulf %pack3A_372, %parallel_loop3A_899 : vector<32xbf16>
        %parallel_loop3A_903 = arith.addf %parallel_loop3A_895, %parallel_loop3A_902 : vector<32xbf16>
        %parallel_loop3A_904 = vector.extract_strided_slice %parallel_loop3A_811 {offsets = [11], sizes = [1], strides = [1]} : vector<16xf32> to vector<1xf32>
        %parallel_loop3A_905 = vector.extract %parallel_loop3A_904[0] : f32 from vector<1xf32>
        %parallel_loop3A_906 = vector.broadcast %parallel_loop3A_905 : f32 to vector<16xf32>
        %parallel_loop3A_907 = tpu.pack_subelements %parallel_loop3A_906, %parallel_loop3A_906 {pack_format = #tpu.pack_format<interleaved>, positions = array<i32: 0, 1>} : vector<16xf32>, vector<16xf32> -> vector<32xbf16>
        %parallel_loop3A_908 = arith.mulf %pack3A_389, %parallel_loop3A_907 : vector<32xbf16>
        %parallel_loop3A_909 = arith.addf %parallel_loop3A_901, %parallel_loop3A_908 : vector<32xbf16>
        %parallel_loop3A_910 = arith.mulf %pack3A_390, %parallel_loop3A_907 : vector<32xbf16>
        %parallel_loop3A_911 = arith.addf %parallel_loop3A_903, %parallel_loop3A_910 : vector<32xbf16>
        %parallel_loop3A_912 = vector.extract_strided_slice %parallel_loop3A_811 {offsets = [12], sizes = [1], strides = [1]} : vector<16xf32> to vector<1xf32>
        %parallel_loop3A_913 = vector.extract %parallel_loop3A_912[0] : f32 from vector<1xf32>
        %parallel_loop3A_914 = vector.broadcast %parallel_loop3A_913 : f32 to vector<16xf32>
        %parallel_loop3A_915 = tpu.pack_subelements %parallel_loop3A_914, %parallel_loop3A_914 {pack_format = #tpu.pack_format<interleaved>, positions = array<i32: 0, 1>} : vector<16xf32>, vector<16xf32> -> vector<32xbf16>
        %parallel_loop3A_916 = arith.mulf %pack3A_407, %parallel_loop3A_915 : vector<32xbf16>
        %parallel_loop3A_917 = arith.addf %parallel_loop3A_909, %parallel_loop3A_916 : vector<32xbf16>
        %parallel_loop3A_918 = arith.mulf %pack3A_408, %parallel_loop3A_915 : vector<32xbf16>
        %parallel_loop3A_919 = arith.addf %parallel_loop3A_911, %parallel_loop3A_918 : vector<32xbf16>
        %parallel_loop3A_920 = vector.extract_strided_slice %parallel_loop3A_811 {offsets = [13], sizes = [1], strides = [1]} : vector<16xf32> to vector<1xf32>
        %parallel_loop3A_921 = vector.extract %parallel_loop3A_920[0] : f32 from vector<1xf32>
        %parallel_loop3A_922 = vector.broadcast %parallel_loop3A_921 : f32 to vector<16xf32>
        %parallel_loop3A_923 = tpu.pack_subelements %parallel_loop3A_922, %parallel_loop3A_922 {pack_format = #tpu.pack_format<interleaved>, positions = array<i32: 0, 1>} : vector<16xf32>, vector<16xf32> -> vector<32xbf16>
        %parallel_loop3A_924 = arith.mulf %pack3A_425, %parallel_loop3A_923 : vector<32xbf16>
        %parallel_loop3A_925 = arith.addf %parallel_loop3A_917, %parallel_loop3A_924 : vector<32xbf16>
        %parallel_loop3A_926 = arith.mulf %pack3A_426, %parallel_loop3A_923 : vector<32xbf16>
        %parallel_loop3A_927 = arith.addf %parallel_loop3A_919, %parallel_loop3A_926 : vector<32xbf16>
        %parallel_loop3A_928 = vector.extract_strided_slice %parallel_loop3A_811 {offsets = [14], sizes = [1], strides = [1]} : vector<16xf32> to vector<1xf32>
        %parallel_loop3A_929 = vector.extract %parallel_loop3A_928[0] : f32 from vector<1xf32>
        %parallel_loop3A_930 = vector.broadcast %parallel_loop3A_929 : f32 to vector<16xf32>
        %parallel_loop3A_931 = tpu.pack_subelements %parallel_loop3A_930, %parallel_loop3A_930 {pack_format = #tpu.pack_format<interleaved>, positions = array<i32: 0, 1>} : vector<16xf32>, vector<16xf32> -> vector<32xbf16>
        %parallel_loop3A_932 = arith.mulf %pack3A_443, %parallel_loop3A_931 : vector<32xbf16>
        %parallel_loop3A_933 = arith.addf %parallel_loop3A_925, %parallel_loop3A_932 : vector<32xbf16>
        %parallel_loop3A_934 = arith.mulf %pack3A_444, %parallel_loop3A_931 : vector<32xbf16>
        %parallel_loop3A_935 = arith.addf %parallel_loop3A_927, %parallel_loop3A_934 : vector<32xbf16>
        %parallel_loop3A_936 = vector.extract_strided_slice %parallel_loop3A_811 {offsets = [15], sizes = [1], strides = [1]} : vector<16xf32> to vector<1xf32>
        %parallel_loop3A_937 = vector.extract %parallel_loop3A_936[0] : f32 from vector<1xf32>
        %parallel_loop3A_938 = vector.broadcast %parallel_loop3A_937 : f32 to vector<16xf32>
        %parallel_loop3A_939 = tpu.pack_subelements %parallel_loop3A_938, %parallel_loop3A_938 {pack_format = #tpu.pack_format<interleaved>, positions = array<i32: 0, 1>} : vector<16xf32>, vector<16xf32> -> vector<32xbf16>
        %parallel_loop3A_940 = arith.mulf %pack3A_461, %parallel_loop3A_939 : vector<32xbf16>
        %parallel_loop3A_941 = arith.addf %parallel_loop3A_933, %parallel_loop3A_940 : vector<32xbf16>
        %parallel_loop3A_942 = arith.mulf %pack3A_462, %parallel_loop3A_939 : vector<32xbf16>
        %parallel_loop3A_943 = arith.addf %parallel_loop3A_935, %parallel_loop3A_942 : vector<32xbf16>
        %parallel_loop3A_944 = tpu.unpack_subelements %parallel_loop3A_941, 0 {pack_format = #tpu.pack_format<interleaved>} : vector<32xbf16> -> vector<16xf32>
        %parallel_loop3A_945 = tpu.unpack_subelements %parallel_loop3A_941, 1 {pack_format = #tpu.pack_format<interleaved>} : vector<32xbf16> -> vector<16xf32>
        %parallel_loop3A_946 = tpu.unpack_subelements %parallel_loop3A_943, 0 {pack_format = #tpu.pack_format<interleaved>} : vector<32xbf16> -> vector<16xf32>
        %parallel_loop3A_947 = tpu.unpack_subelements %parallel_loop3A_943, 1 {pack_format = #tpu.pack_format<interleaved>} : vector<32xbf16> -> vector<16xf32>
        %parallel_loop3A_948 = arith.index_cast %parallel_loop3A_808 : i32 to index
        %parallel_loop3A_949 = arith.constant 0 : index
        %parallel_loop3A_950 = tpu.vector_load %arg10[%parallel_loop3A_948, %parallel_loop3A_949] {strides = array<i32>} : memref<128x64xf32, #tpu.memory_space<vmem>>, vector<16xf32>,
        %parallel_loop3A_951 = arith.addf %parallel_loop3A_950, %parallel_loop3A_944 : vector<16xf32>
        %parallel_loop3A_952 = arith.index_cast %parallel_loop3A_808 : i32 to index
        %parallel_loop3A_953 = arith.constant 0 : index
        %parallel_loop3A_954 = tpu.vector_load %arg10[%parallel_loop3A_952, %parallel_loop3A_953] {strides = array<i32>} : memref<128x64xf32, #tpu.memory_space<vmem>>, vector<16xf32>,
        tpu.vector_store %arg10[%parallel_loop3A_952, %parallel_loop3A_953], %parallel_loop3A_951 {strides = array<i32>} : memref<128x64xf32, #tpu.memory_space<vmem>>, vector<16xf32>,
        %parallel_loop3A_955 = arith.index_cast %parallel_loop3A_808 : i32 to index
        %parallel_loop3A_956 = arith.constant 16 : index
        %parallel_loop3A_957 = tpu.vector_load %arg10[%parallel_loop3A_955, %parallel_loop3A_956] {strides = array<i32>} : memref<128x64xf32, #tpu.memory_space<vmem>>, vector<16xf32>,
        %parallel_loop3A_958 = arith.addf %parallel_loop3A_957, %parallel_loop3A_945 : vector<16xf32>
        %parallel_loop3A_959 = arith.index_cast %parallel_loop3A_808 : i32 to index
        %parallel_loop3A_960 = arith.constant 16 : index
        %parallel_loop3A_961 = tpu.vector_load %arg10[%parallel_loop3A_959, %parallel_loop3A_960] {strides = array<i32>} : memref<128x64xf32, #tpu.memory_space<vmem>>, vector<16xf32>,
        tpu.vector_store %arg10[%parallel_loop3A_959, %parallel_loop3A_960], %parallel_loop3A_958 {strides = array<i32>} : memref<128x64xf32, #tpu.memory_space<vmem>>, vector<16xf32>,
        %parallel_loop3A_962 = arith.index_cast %parallel_loop3A_808 : i32 to index
        %parallel_loop3A_963 = arith.constant 32 : index
        %parallel_loop3A_964 = tpu.vector_load %arg10[%parallel_loop3A_962, %parallel_loop3A_963] {strides = array<i32>} : memref<128x64xf32, #tpu.memory_space<vmem>>, vector<16xf32>,
        %parallel_loop3A_965 = arith.addf %parallel_loop3A_964, %parallel_loop3A_946 : vector<16xf32>
        %parallel_loop3A_966 = arith.index_cast %parallel_loop3A_808 : i32 to index
        %parallel_loop3A_967 = arith.constant 32 : index
        %parallel_loop3A_968 = tpu.vector_load %arg10[%parallel_loop3A_966, %parallel_loop3A_967] {strides = array<i32>} : memref<128x64xf32, #tpu.memory_space<vmem>>, vector<16xf32>,
        tpu.vector_store %arg10[%parallel_loop3A_966, %parallel_loop3A_967], %parallel_loop3A_965 {strides = array<i32>} : memref<128x64xf32, #tpu.memory_space<vmem>>, vector<16xf32>,
        %parallel_loop3A_969 = arith.index_cast %parallel_loop3A_808 : i32 to index
        %parallel_loop3A_970 = arith.constant 48 : index
        %parallel_loop3A_971 = tpu.vector_load %arg10[%parallel_loop3A_969, %parallel_loop3A_970] {strides = array<i32>} : memref<128x64xf32, #tpu.memory_space<vmem>>, vector<16xf32>,
        %parallel_loop3A_972 = arith.addf %parallel_loop3A_971, %parallel_loop3A_947 : vector<16xf32>
        %parallel_loop3A_973 = arith.index_cast %parallel_loop3A_808 : i32 to index
        %parallel_loop3A_974 = arith.constant 48 : index
        %parallel_loop3A_975 = tpu.vector_load %arg10[%parallel_loop3A_973, %parallel_loop3A_974] {strides = array<i32>} : memref<128x64xf32, #tpu.memory_space<vmem>>, vector<16xf32>,
        tpu.vector_store %arg10[%parallel_loop3A_973, %parallel_loop3A_974], %parallel_loop3A_972 {strides = array<i32>} : memref<128x64xf32, #tpu.memory_space<vmem>>, vector<16xf32>,
      } {sc.loop_unroll_factor = 2 : i64, sc.parallel_access}
      %mul3A_781 = arith.constant 25600 : i32
      %mul3A_782 = arith.muli %add3A, %mul3A_781 : i32
      %mul3A_783 = arith.constant 128 : i32
      %mul3A_784 = arith.muli %add3A_752, %mul3A_783 : i32
      %add3A_785 = arith.addi %mul3A_782, %mul3A_784 : i32
      %dma_start3A_786 = arith.constant 0 : i32
      %dma_start3A_787 = tpu.memref_slice %arg6[%add3A_785, %dma_start3A_786] : memref<819200x64xf32, #tpu.memory_space<hbm>> -> memref<128x64xf32, #tpu.memory_space<hbm>>
      %dma_start3A_788 = arith.constant 0 : i32
      %dma_start3A_789 = tpu.memref_slice %arg6[%add3A_785, %dma_start3A_788] : memref<819200x64xf32, #tpu.memory_space<hbm>> -> memref<128x64xf32, #tpu.memory_space<hbm>>
      tpu.enqueue_dma source(%arg10 : memref<128x64xf32, #tpu.memory_space<vmem>>) target(%dma_start3A_789 : memref<128x64xf32, #tpu.memory_space<hbm>>) target_semaphore(%arg23 : memref<!tpu.dma_semaphore, #tpu.memory_space<semaphore_mem>>)
      %add3A_790 = arith.constant 2 : i32
      %add3A_791 = arith.addi %add3A_752, %add3A_790 : i32
      %dma_start3A_792 = arith.constant 0 : i32
      %dma_start3A_793 = tpu.memref_slice %arg8[%add3A_791, %dma_start3A_792] : memref<200x128xi32, #tpu.memory_space<vmem>> -> memref<1x128xi32, #tpu.memory_space<vmem>>
      %dma_start3A_794 = tpu.memref_squeeze %dma_start3A_793 : memref<1x128xi32, #tpu.memory_space<vmem>> -> memref<128xi32, #tpu.memory_space<vmem>>
      %dma_start3A_795 = arith.constant 0 : i32
      %dma_start3A_796 = arith.constant 0 : i32
      %dma_start3A_797 = tpu.memref_slice %arg3[%dma_start3A_795, %dma_start3A_796] : memref<1000000x64xf32, #tpu.memory_space<hbm>> -> memref<1000000x64xf32, #tpu.memory_space<hbm>>
      tpu.enqueue_indirect_dma source(%dma_start3A_797 : memref<1000000x64xf32, #tpu.memory_space<hbm>>) target(%arg10 : memref<128x64xf32, #tpu.memory_space<vmem>>) offsets(%dma_start3A_794 : memref<128xi32, #tpu.memory_space<vmem>>) semaphore(%arg19 : memref<!tpu.dma_semaphore, #tpu.memory_space<semaphore_mem>>)
      %dma_start3A_798 = arith.constant 0 : i32
      %dma_start3A_799 = tpu.memref_slice %arg8[%add3A_791, %dma_start3A_798] : memref<200x128xi32, #tpu.memory_space<vmem>> -> memref<1x128xi32, #tpu.memory_space<vmem>>
      %dma_start3A_800 = tpu.memref_squeeze %dma_start3A_799 : memref<1x128xi32, #tpu.memory_space<vmem>> -> memref<128xi32, #tpu.memory_space<vmem>>
      %dma_start3A_801 = arith.constant 0 : i32
      %dma_start3A_802 = arith.constant 0 : i32
      %dma_start3A_803 = tpu.memref_slice %arg7[%arg0, %dma_start3A_801, %dma_start3A_802] : memref<2x1000000x16xf32, #tpu.memory_space<hbm>> -> memref<1x1000000x16xf32, #tpu.memory_space<hbm>>
      %dma_start3A_804 = tpu.memref_squeeze %dma_start3A_803 : memref<1x1000000x16xf32, #tpu.memory_space<hbm>> -> memref<1000000x16xf32, #tpu.memory_space<hbm>>
      %dma_start3A_805 = arith.constant 0 : i32
      %dma_start3A_806 = arith.constant 0 : i32
      %dma_start3A_807 = tpu.memref_slice %dma_start3A_804[%dma_start3A_805, %dma_start3A_806] : memref<1000000x16xf32, #tpu.memory_space<hbm>> -> memref<1000000x16xf32, #tpu.memory_space<hbm>>
      tpu.enqueue_indirect_dma source(%dma_start3A_807 : memref<1000000x16xf32, #tpu.memory_space<hbm>>) target(%arg12 : memref<128x16xf32, #tpu.memory_space<vmem>>) offsets(%dma_start3A_800 : memref<128xi32, #tpu.memory_space<vmem>>) semaphore(%arg21 : memref<!tpu.dma_semaphore, #tpu.memory_space<semaphore_mem>>)
    }
    %scan3A_598 = arith.constant 98 : i32
    %dma_wait3A_599 = arith.constant 198 : i32
    %dma_wait3A_600 = arith.constant 0 : i32
    %dma_wait3A_601 = tpu.memref_slice %arg8[%dma_wait3A_599, %dma_wait3A_600] : memref<200x128xi32, #tpu.memory_space<vmem>> -> memref<1x128xi32, #tpu.memory_space<vmem>>
    %dma_wait3A_602 = tpu.memref_squeeze %dma_wait3A_601 : memref<1x128xi32, #tpu.memory_space<vmem>> -> memref<128xi32, #tpu.memory_space<vmem>>
    %dma_wait3A_603 = arith.constant 0 : i32
    %dma_wait3A_604 = arith.constant 0 : i32
    %dma_wait3A_605 = tpu.memref_slice %arg3[%dma_wait3A_603, %dma_wait3A_604] : memref<1000000x64xf32, #tpu.memory_space<hbm>> -> memref<1000000x64xf32, #tpu.memory_space<hbm>>
    tpu.wait_indirect_dma semaphore(%arg18 : memref<!tpu.dma_semaphore, #tpu.memory_space<semaphore_mem>>) src(%dma_wait3A_605 : memref<1000000x64xf32, #tpu.memory_space<hbm>>) dst(%arg9 : memref<128x64xf32, #tpu.memory_space<vmem>>)
    %dma_wait3A_606 = arith.constant 198 : i32
    %dma_wait3A_607 = arith.constant 0 : i32
    %dma_wait3A_608 = tpu.memref_slice %arg8[%dma_wait3A_606, %dma_wait3A_607] : memref<200x128xi32, #tpu.memory_space<vmem>> -> memref<1x128xi32, #tpu.memory_space<vmem>>
    %dma_wait3A_609 = tpu.memref_squeeze %dma_wait3A_608 : memref<1x128xi32, #tpu.memory_space<vmem>> -> memref<128xi32, #tpu.memory_space<vmem>>
    %dma_wait3A_610 = arith.constant 0 : i32
    %dma_wait3A_611 = arith.constant 0 : i32
    %dma_wait3A_612 = tpu.memref_slice %arg7[%arg0, %dma_wait3A_610, %dma_wait3A_611] : memref<2x1000000x16xf32, #tpu.memory_space<hbm>> -> memref<1x1000000x16xf32, #tpu.memory_space<hbm>>
    %dma_wait3A_613 = tpu.memref_squeeze %dma_wait3A_612 : memref<1x1000000x16xf32, #tpu.memory_space<hbm>> -> memref<1000000x16xf32, #tpu.memory_space<hbm>>
    %dma_wait3A_614 = arith.constant 0 : i32
    %dma_wait3A_615 = arith.constant 0 : i32
    %dma_wait3A_616 = tpu.memref_slice %dma_wait3A_613[%dma_wait3A_614, %dma_wait3A_615] : memref<1000000x16xf32, #tpu.memory_space<hbm>> -> memref<1000000x16xf32, #tpu.memory_space<hbm>>
    tpu.wait_indirect_dma semaphore(%arg20 : memref<!tpu.dma_semaphore, #tpu.memory_space<semaphore_mem>>) src(%dma_wait3A_616 : memref<1000000x16xf32, #tpu.memory_space<hbm>>) dst(%arg11 : memref<128x16xf32, #tpu.memory_space<vmem>>)
    %mul3A_617 = arith.constant 25600 : i32
    %mul3A_618 = arith.muli %add3A, %mul3A_617 : i32
    %add3A_619 = arith.constant 25344 : i32
    %add3A_620 = arith.addi %mul3A_618, %add3A_619 : i32
    %dma_wait3A_621 = arith.constant 0 : i32
    %dma_wait3A_622 = tpu.memref_slice %arg6[%add3A_620, %dma_wait3A_621] : memref<819200x64xf32, #tpu.memory_space<hbm>> -> memref<128x64xf32, #tpu.memory_space<hbm>>
    %dma_wait3A_623 = arith.constant 0 : i32
    %dma_wait3A_624 = tpu.memref_slice %arg6[%add3A_620, %dma_wait3A_623] : memref<819200x64xf32, #tpu.memory_space<hbm>> -> memref<128x64xf32, #tpu.memory_space<hbm>>
    tpu.wait_dma2 semaphore(%arg22 : memref<!tpu.dma_semaphore, #tpu.memory_space<semaphore_mem>>) src(%arg9 : memref<128x64xf32, #tpu.memory_space<vmem>>) dst(%dma_wait3A_624 : memref<128x64xf32, #tpu.memory_space<hbm>>)
    %parallel_loop3A_625 = arith.constant 0 : i32
    %parallel_loop3A_626 = arith.constant 128 : i32
    %parallel_loop3A_627 = arith.constant 1 : i32
    scf.for %parallel_loop3A_689 = %parallel_loop3A_625 to %parallel_loop3A_626 step %parallel_loop3A_627  : i32 {
      %parallel_loop3A_690 = arith.index_cast %parallel_loop3A_689 : i32 to index
      %parallel_loop3A_691 = arith.constant 0 : index
      %parallel_loop3A_692 = tpu.vector_load %arg11[%parallel_loop3A_690, %parallel_loop3A_691] {strides = array<i32>} : memref<128x16xf32, #tpu.memory_space<vmem>>, vector<16xf32>,
      %parallel_loop3A_693 = arith.constant 0.000000e+00 : bf16
      %parallel_loop3A_694 = vector.broadcast %parallel_loop3A_693 : bf16 to vector<32xbf16>
      %parallel_loop3A_695 = arith.constant 0.000000e+00 : bf16
      %parallel_loop3A_696 = vector.broadcast %parallel_loop3A_695 : bf16 to vector<32xbf16>
      %parallel_loop3A_697 = vector.extract_strided_slice %parallel_loop3A_692 {offsets = [0], sizes = [1], strides = [1]} : vector<16xf32> to vector<1xf32>
      %parallel_loop3A_698 = vector.extract %parallel_loop3A_697[0] : f32 from vector<1xf32>
      %parallel_loop3A_699 = vector.broadcast %parallel_loop3A_698 : f32 to vector<16xf32>
      %parallel_loop3A_700 = tpu.pack_subelements %parallel_loop3A_699, %parallel_loop3A_699 {pack_format = #tpu.pack_format<interleaved>, positions = array<i32: 0, 1>} : vector<16xf32>, vector<16xf32> -> vector<32xbf16>
      %parallel_loop3A_701 = arith.mulf %pack3A, %parallel_loop3A_700 : vector<32xbf16>
      %parallel_loop3A_702 = arith.addf %parallel_loop3A_694, %parallel_loop3A_701 : vector<32xbf16>
      %parallel_loop3A_703 = arith.mulf %pack3A_192, %parallel_loop3A_700 : vector<32xbf16>
      %parallel_loop3A_704 = arith.addf %parallel_loop3A_696, %parallel_loop3A_703 : vector<32xbf16>
      %parallel_loop3A_705 = vector.extract_strided_slice %parallel_loop3A_692 {offsets = [1], sizes = [1], strides = [1]} : vector<16xf32> to vector<1xf32>
      %parallel_loop3A_706 = vector.extract %parallel_loop3A_705[0] : f32 from vector<1xf32>
      %parallel_loop3A_707 = vector.broadcast %parallel_loop3A_706 : f32 to vector<16xf32>
      %parallel_loop3A_708 = tpu.pack_subelements %parallel_loop3A_707, %parallel_loop3A_707 {pack_format = #tpu.pack_format<interleaved>, positions = array<i32: 0, 1>} : vector<16xf32>, vector<16xf32> -> vector<32xbf16>
      %parallel_loop3A_709 = arith.mulf %pack3A_209, %parallel_loop3A_708 : vector<32xbf16>
      %parallel_loop3A_710 = arith.addf %parallel_loop3A_702, %parallel_loop3A_709 : vector<32xbf16>
      %parallel_loop3A_711 = arith.mulf %pack3A_210, %parallel_loop3A_708 : vector<32xbf16>
      %parallel_loop3A_712 = arith.addf %parallel_loop3A_704, %parallel_loop3A_711 : vector<32xbf16>
      %parallel_loop3A_713 = vector.extract_strided_slice %parallel_loop3A_692 {offsets = [2], sizes = [1], strides = [1]} : vector<16xf32> to vector<1xf32>
      %parallel_loop3A_714 = vector.extract %parallel_loop3A_713[0] : f32 from vector<1xf32>
      %parallel_loop3A_715 = vector.broadcast %parallel_loop3A_714 : f32 to vector<16xf32>
      %parallel_loop3A_716 = tpu.pack_subelements %parallel_loop3A_715, %parallel_loop3A_715 {pack_format = #tpu.pack_format<interleaved>, positions = array<i32: 0, 1>} : vector<16xf32>, vector<16xf32> -> vector<32xbf16>
      %parallel_loop3A_717 = arith.mulf %pack3A_227, %parallel_loop3A_716 : vector<32xbf16>
      %parallel_loop3A_718 = arith.addf %parallel_loop3A_710, %parallel_loop3A_717 : vector<32xbf16>
      %parallel_loop3A_719 = arith.mulf %pack3A_228, %parallel_loop3A_716 : vector<32xbf16>
      %parallel_loop3A_720 = arith.addf %parallel_loop3A_712, %parallel_loop3A_719 : vector<32xbf16>
      %parallel_loop3A_721 = vector.extract_strided_slice %parallel_loop3A_692 {offsets = [3], sizes = [1], strides = [1]} : vector<16xf32> to vector<1xf32>
      %parallel_loop3A_722 = vector.extract %parallel_loop3A_721[0] : f32 from vector<1xf32>
      %parallel_loop3A_723 = vector.broadcast %parallel_loop3A_722 : f32 to vector<16xf32>
      %parallel_loop3A_724 = tpu.pack_subelements %parallel_loop3A_723, %parallel_loop3A_723 {pack_format = #tpu.pack_format<interleaved>, positions = array<i32: 0, 1>} : vector<16xf32>, vector<16xf32> -> vector<32xbf16>
      %parallel_loop3A_725 = arith.mulf %pack3A_245, %parallel_loop3A_724 : vector<32xbf16>
      %parallel_loop3A_726 = arith.addf %parallel_loop3A_718, %parallel_loop3A_725 : vector<32xbf16>
      %parallel_loop3A_727 = arith.mulf %pack3A_246, %parallel_loop3A_724 : vector<32xbf16>
      %parallel_loop3A_728 = arith.addf %parallel_loop3A_720, %parallel_loop3A_727 : vector<32xbf16>
      %parallel_loop3A_729 = vector.extract_strided_slice %parallel_loop3A_692 {offsets = [4], sizes = [1], strides = [1]} : vector<16xf32> to vector<1xf32>
      %parallel_loop3A_730 = vector.extract %parallel_loop3A_729[0] : f32 from vector<1xf32>
      %parallel_loop3A_731 = vector.broadcast %parallel_loop3A_730 : f32 to vector<16xf32>
      %parallel_loop3A_732 = tpu.pack_subelements %parallel_loop3A_731, %parallel_loop3A_731 {pack_format = #tpu.pack_format<interleaved>, positions = array<i32: 0, 1>} : vector<16xf32>, vector<16xf32> -> vector<32xbf16>
      %parallel_loop3A_733 = arith.mulf %pack3A_263, %parallel_loop3A_732 : vector<32xbf16>
      %parallel_loop3A_734 = arith.addf %parallel_loop3A_726, %parallel_loop3A_733 : vector<32xbf16>
      %parallel_loop3A_735 = arith.mulf %pack3A_264, %parallel_loop3A_732 : vector<32xbf16>
      %parallel_loop3A_736 = arith.addf %parallel_loop3A_728, %parallel_loop3A_735 : vector<32xbf16>
      %parallel_loop3A_737 = vector.extract_strided_slice %parallel_loop3A_692 {offsets = [5], sizes = [1], strides = [1]} : vector<16xf32> to vector<1xf32>
      %parallel_loop3A_738 = vector.extract %parallel_loop3A_737[0] : f32 from vector<1xf32>
      %parallel_loop3A_739 = vector.broadcast %parallel_loop3A_738 : f32 to vector<16xf32>
      %parallel_loop3A_740 = tpu.pack_subelements %parallel_loop3A_739, %parallel_loop3A_739 {pack_format = #tpu.pack_format<interleaved>, positions = array<i32: 0, 1>} : vector<16xf32>, vector<16xf32> -> vector<32xbf16>
      %parallel_loop3A_741 = arith.mulf %pack3A_281, %parallel_loop3A_740 : vector<32xbf16>
      %parallel_loop3A_742 = arith.addf %parallel_loop3A_734, %parallel_loop3A_741 : vector<32xbf16>
      %parallel_loop3A_743 = arith.mulf %pack3A_282, %parallel_loop3A_740 : vector<32xbf16>
      %parallel_loop3A_744 = arith.addf %parallel_loop3A_736, %parallel_loop3A_743 : vector<32xbf16>
      %parallel_loop3A_745 = vector.extract_strided_slice %parallel_loop3A_692 {offsets = [6], sizes = [1], strides = [1]} : vector<16xf32> to vector<1xf32>
      %parallel_loop3A_746 = vector.extract %parallel_loop3A_745[0] : f32 from vector<1xf32>
      %parallel_loop3A_747 = vector.broadcast %parallel_loop3A_746 : f32 to vector<16xf32>
      %parallel_loop3A_748 = tpu.pack_subelements %parallel_loop3A_747, %parallel_loop3A_747 {pack_format = #tpu.pack_format<interleaved>, positions = array<i32: 0, 1>} : vector<16xf32>, vector<16xf32> -> vector<32xbf16>
      %parallel_loop3A_749 = arith.mulf %pack3A_299, %parallel_loop3A_748 : vector<32xbf16>
      %parallel_loop3A_750 = arith.addf %parallel_loop3A_742, %parallel_loop3A_749 : vector<32xbf16>
      %parallel_loop3A_751 = arith.mulf %pack3A_300, %parallel_loop3A_748 : vector<32xbf16>
      %parallel_loop3A_752 = arith.addf %parallel_loop3A_744, %parallel_loop3A_751 : vector<32xbf16>
      %parallel_loop3A_753 = vector.extract_strided_slice %parallel_loop3A_692 {offsets = [7], sizes = [1], strides = [1]} : vector<16xf32> to vector<1xf32>
      %parallel_loop3A_754 = vector.extract %parallel_loop3A_753[0] : f32 from vector<1xf32>
      %parallel_loop3A_755 = vector.broadcast %parallel_loop3A_754 : f32 to vector<16xf32>
      %parallel_loop3A_756 = tpu.pack_subelements %parallel_loop3A_755, %parallel_loop3A_755 {pack_format = #tpu.pack_format<interleaved>, positions = array<i32: 0, 1>} : vector<16xf32>, vector<16xf32> -> vector<32xbf16>
      %parallel_loop3A_757 = arith.mulf %pack3A_317, %parallel_loop3A_756 : vector<32xbf16>
      %parallel_loop3A_758 = arith.addf %parallel_loop3A_750, %parallel_loop3A_757 : vector<32xbf16>
      %parallel_loop3A_759 = arith.mulf %pack3A_318, %parallel_loop3A_756 : vector<32xbf16>
      %parallel_loop3A_760 = arith.addf %parallel_loop3A_752, %parallel_loop3A_759 : vector<32xbf16>
      %parallel_loop3A_761 = vector.extract_strided_slice %parallel_loop3A_692 {offsets = [8], sizes = [1], strides = [1]} : vector<16xf32> to vector<1xf32>
      %parallel_loop3A_762 = vector.extract %parallel_loop3A_761[0] : f32 from vector<1xf32>
      %parallel_loop3A_763 = vector.broadcast %parallel_loop3A_762 : f32 to vector<16xf32>
      %parallel_loop3A_764 = tpu.pack_subelements %parallel_loop3A_763, %parallel_loop3A_763 {pack_format = #tpu.pack_format<interleaved>, positions = array<i32: 0, 1>} : vector<16xf32>, vector<16xf32> -> vector<32xbf16>
      %parallel_loop3A_765 = arith.mulf %pack3A_335, %parallel_loop3A_764 : vector<32xbf16>
      %parallel_loop3A_766 = arith.addf %parallel_loop3A_758, %parallel_loop3A_765 : vector<32xbf16>
      %parallel_loop3A_767 = arith.mulf %pack3A_336, %parallel_loop3A_764 : vector<32xbf16>
      %parallel_loop3A_768 = arith.addf %parallel_loop3A_760, %parallel_loop3A_767 : vector<32xbf16>
      %parallel_loop3A_769 = vector.extract_strided_slice %parallel_loop3A_692 {offsets = [9], sizes = [1], strides = [1]} : vector<16xf32> to vector<1xf32>
      %parallel_loop3A_770 = vector.extract %parallel_loop3A_769[0] : f32 from vector<1xf32>
      %parallel_loop3A_771 = vector.broadcast %parallel_loop3A_770 : f32 to vector<16xf32>
      %parallel_loop3A_772 = tpu.pack_subelements %parallel_loop3A_771, %parallel_loop3A_771 {pack_format = #tpu.pack_format<interleaved>, positions = array<i32: 0, 1>} : vector<16xf32>, vector<16xf32> -> vector<32xbf16>
      %parallel_loop3A_773 = arith.mulf %pack3A_353, %parallel_loop3A_772 : vector<32xbf16>
      %parallel_loop3A_774 = arith.addf %parallel_loop3A_766, %parallel_loop3A_773 : vector<32xbf16>
      %parallel_loop3A_775 = arith.mulf %pack3A_354, %parallel_loop3A_772 : vector<32xbf16>
      %parallel_loop3A_776 = arith.addf %parallel_loop3A_768, %parallel_loop3A_775 : vector<32xbf16>
      %parallel_loop3A_777 = vector.extract_strided_slice %parallel_loop3A_692 {offsets = [10], sizes = [1], strides = [1]} : vector<16xf32> to vector<1xf32>
      %parallel_loop3A_778 = vector.extract %parallel_loop3A_777[0] : f32 from vector<1xf32>
      %parallel_loop3A_779 = vector.broadcast %parallel_loop3A_778 : f32 to vector<16xf32>
      %parallel_loop3A_780 = tpu.pack_subelements %parallel_loop3A_779, %parallel_loop3A_779 {pack_format = #tpu.pack_format<interleaved>, positions = array<i32: 0, 1>} : vector<16xf32>, vector<16xf32> -> vector<32xbf16>
      %parallel_loop3A_781 = arith.mulf %pack3A_371, %parallel_loop3A_780 : vector<32xbf16>
      %parallel_loop3A_782 = arith.addf %parallel_loop3A_774, %parallel_loop3A_781 : vector<32xbf16>
      %parallel_loop3A_783 = arith.mulf %pack3A_372, %parallel_loop3A_780 : vector<32xbf16>
      %parallel_loop3A_784 = arith.addf %parallel_loop3A_776, %parallel_loop3A_783 : vector<32xbf16>
      %parallel_loop3A_785 = vector.extract_strided_slice %parallel_loop3A_692 {offsets = [11], sizes = [1], strides = [1]} : vector<16xf32> to vector<1xf32>
      %parallel_loop3A_786 = vector.extract %parallel_loop3A_785[0] : f32 from vector<1xf32>
      %parallel_loop3A_787 = vector.broadcast %parallel_loop3A_786 : f32 to vector<16xf32>
      %parallel_loop3A_788 = tpu.pack_subelements %parallel_loop3A_787, %parallel_loop3A_787 {pack_format = #tpu.pack_format<interleaved>, positions = array<i32: 0, 1>} : vector<16xf32>, vector<16xf32> -> vector<32xbf16>
      %parallel_loop3A_789 = arith.mulf %pack3A_389, %parallel_loop3A_788 : vector<32xbf16>
      %parallel_loop3A_790 = arith.addf %parallel_loop3A_782, %parallel_loop3A_789 : vector<32xbf16>
      %parallel_loop3A_791 = arith.mulf %pack3A_390, %parallel_loop3A_788 : vector<32xbf16>
      %parallel_loop3A_792 = arith.addf %parallel_loop3A_784, %parallel_loop3A_791 : vector<32xbf16>
      %parallel_loop3A_793 = vector.extract_strided_slice %parallel_loop3A_692 {offsets = [12], sizes = [1], strides = [1]} : vector<16xf32> to vector<1xf32>
      %parallel_loop3A_794 = vector.extract %parallel_loop3A_793[0] : f32 from vector<1xf32>
      %parallel_loop3A_795 = vector.broadcast %parallel_loop3A_794 : f32 to vector<16xf32>
      %parallel_loop3A_796 = tpu.pack_subelements %parallel_loop3A_795, %parallel_loop3A_795 {pack_format = #tpu.pack_format<interleaved>, positions = array<i32: 0, 1>} : vector<16xf32>, vector<16xf32> -> vector<32xbf16>
      %parallel_loop3A_797 = arith.mulf %pack3A_407, %parallel_loop3A_796 : vector<32xbf16>
      %parallel_loop3A_798 = arith.addf %parallel_loop3A_790, %parallel_loop3A_797 : vector<32xbf16>
      %parallel_loop3A_799 = arith.mulf %pack3A_408, %parallel_loop3A_796 : vector<32xbf16>
      %parallel_loop3A_800 = arith.addf %parallel_loop3A_792, %parallel_loop3A_799 : vector<32xbf16>
      %parallel_loop3A_801 = vector.extract_strided_slice %parallel_loop3A_692 {offsets = [13], sizes = [1], strides = [1]} : vector<16xf32> to vector<1xf32>
      %parallel_loop3A_802 = vector.extract %parallel_loop3A_801[0] : f32 from vector<1xf32>
      %parallel_loop3A_803 = vector.broadcast %parallel_loop3A_802 : f32 to vector<16xf32>
      %parallel_loop3A_804 = tpu.pack_subelements %parallel_loop3A_803, %parallel_loop3A_803 {pack_format = #tpu.pack_format<interleaved>, positions = array<i32: 0, 1>} : vector<16xf32>, vector<16xf32> -> vector<32xbf16>
      %parallel_loop3A_805 = arith.mulf %pack3A_425, %parallel_loop3A_804 : vector<32xbf16>
      %parallel_loop3A_806 = arith.addf %parallel_loop3A_798, %parallel_loop3A_805 : vector<32xbf16>
      %parallel_loop3A_807 = arith.mulf %pack3A_426, %parallel_loop3A_804 : vector<32xbf16>
      %parallel_loop3A_808 = arith.addf %parallel_loop3A_800, %parallel_loop3A_807 : vector<32xbf16>
      %parallel_loop3A_809 = vector.extract_strided_slice %parallel_loop3A_692 {offsets = [14], sizes = [1], strides = [1]} : vector<16xf32> to vector<1xf32>
      %parallel_loop3A_810 = vector.extract %parallel_loop3A_809[0] : f32 from vector<1xf32>
      %parallel_loop3A_811 = vector.broadcast %parallel_loop3A_810 : f32 to vector<16xf32>
      %parallel_loop3A_812 = tpu.pack_subelements %parallel_loop3A_811, %parallel_loop3A_811 {pack_format = #tpu.pack_format<interleaved>, positions = array<i32: 0, 1>} : vector<16xf32>, vector<16xf32> -> vector<32xbf16>
      %parallel_loop3A_813 = arith.mulf %pack3A_443, %parallel_loop3A_812 : vector<32xbf16>
      %parallel_loop3A_814 = arith.addf %parallel_loop3A_806, %parallel_loop3A_813 : vector<32xbf16>
      %parallel_loop3A_815 = arith.mulf %pack3A_444, %parallel_loop3A_812 : vector<32xbf16>
      %parallel_loop3A_816 = arith.addf %parallel_loop3A_808, %parallel_loop3A_815 : vector<32xbf16>
      %parallel_loop3A_817 = vector.extract_strided_slice %parallel_loop3A_692 {offsets = [15], sizes = [1], strides = [1]} : vector<16xf32> to vector<1xf32>
      %parallel_loop3A_818 = vector.extract %parallel_loop3A_817[0] : f32 from vector<1xf32>
      %parallel_loop3A_819 = vector.broadcast %parallel_loop3A_818 : f32 to vector<16xf32>
      %parallel_loop3A_820 = tpu.pack_subelements %parallel_loop3A_819, %parallel_loop3A_819 {pack_format = #tpu.pack_format<interleaved>, positions = array<i32: 0, 1>} : vector<16xf32>, vector<16xf32> -> vector<32xbf16>
      %parallel_loop3A_821 = arith.mulf %pack3A_461, %parallel_loop3A_820 : vector<32xbf16>
      %parallel_loop3A_822 = arith.addf %parallel_loop3A_814, %parallel_loop3A_821 : vector<32xbf16>
      %parallel_loop3A_823 = arith.mulf %pack3A_462, %parallel_loop3A_820 : vector<32xbf16>
      %parallel_loop3A_824 = arith.addf %parallel_loop3A_816, %parallel_loop3A_823 : vector<32xbf16>
      %parallel_loop3A_825 = tpu.unpack_subelements %parallel_loop3A_822, 0 {pack_format = #tpu.pack_format<interleaved>} : vector<32xbf16> -> vector<16xf32>
      %parallel_loop3A_826 = tpu.unpack_subelements %parallel_loop3A_822, 1 {pack_format = #tpu.pack_format<interleaved>} : vector<32xbf16> -> vector<16xf32>
      %parallel_loop3A_827 = tpu.unpack_subelements %parallel_loop3A_824, 0 {pack_format = #tpu.pack_format<interleaved>} : vector<32xbf16> -> vector<16xf32>
      %parallel_loop3A_828 = tpu.unpack_subelements %parallel_loop3A_824, 1 {pack_format = #tpu.pack_format<interleaved>} : vector<32xbf16> -> vector<16xf32>
      %parallel_loop3A_829 = arith.index_cast %parallel_loop3A_689 : i32 to index
      %parallel_loop3A_830 = arith.constant 0 : index
      %parallel_loop3A_831 = tpu.vector_load %arg9[%parallel_loop3A_829, %parallel_loop3A_830] {strides = array<i32>} : memref<128x64xf32, #tpu.memory_space<vmem>>, vector<16xf32>,
      %parallel_loop3A_832 = arith.addf %parallel_loop3A_831, %parallel_loop3A_825 : vector<16xf32>
      %parallel_loop3A_833 = arith.index_cast %parallel_loop3A_689 : i32 to index
      %parallel_loop3A_834 = arith.constant 0 : index
      %parallel_loop3A_835 = tpu.vector_load %arg9[%parallel_loop3A_833, %parallel_loop3A_834] {strides = array<i32>} : memref<128x64xf32, #tpu.memory_space<vmem>>, vector<16xf32>,
      tpu.vector_store %arg9[%parallel_loop3A_833, %parallel_loop3A_834], %parallel_loop3A_832 {strides = array<i32>} : memref<128x64xf32, #tpu.memory_space<vmem>>, vector<16xf32>,
      %parallel_loop3A_836 = arith.index_cast %parallel_loop3A_689 : i32 to index
      %parallel_loop3A_837 = arith.constant 16 : index
      %parallel_loop3A_838 = tpu.vector_load %arg9[%parallel_loop3A_836, %parallel_loop3A_837] {strides = array<i32>} : memref<128x64xf32, #tpu.memory_space<vmem>>, vector<16xf32>,
      %parallel_loop3A_839 = arith.addf %parallel_loop3A_838, %parallel_loop3A_826 : vector<16xf32>
      %parallel_loop3A_840 = arith.index_cast %parallel_loop3A_689 : i32 to index
      %parallel_loop3A_841 = arith.constant 16 : index
      %parallel_loop3A_842 = tpu.vector_load %arg9[%parallel_loop3A_840, %parallel_loop3A_841] {strides = array<i32>} : memref<128x64xf32, #tpu.memory_space<vmem>>, vector<16xf32>,
      tpu.vector_store %arg9[%parallel_loop3A_840, %parallel_loop3A_841], %parallel_loop3A_839 {strides = array<i32>} : memref<128x64xf32, #tpu.memory_space<vmem>>, vector<16xf32>,
      %parallel_loop3A_843 = arith.index_cast %parallel_loop3A_689 : i32 to index
      %parallel_loop3A_844 = arith.constant 32 : index
      %parallel_loop3A_845 = tpu.vector_load %arg9[%parallel_loop3A_843, %parallel_loop3A_844] {strides = array<i32>} : memref<128x64xf32, #tpu.memory_space<vmem>>, vector<16xf32>,
      %parallel_loop3A_846 = arith.addf %parallel_loop3A_845, %parallel_loop3A_827 : vector<16xf32>
      %parallel_loop3A_847 = arith.index_cast %parallel_loop3A_689 : i32 to index
      %parallel_loop3A_848 = arith.constant 32 : index
      %parallel_loop3A_849 = tpu.vector_load %arg9[%parallel_loop3A_847, %parallel_loop3A_848] {strides = array<i32>} : memref<128x64xf32, #tpu.memory_space<vmem>>, vector<16xf32>,
      tpu.vector_store %arg9[%parallel_loop3A_847, %parallel_loop3A_848], %parallel_loop3A_846 {strides = array<i32>} : memref<128x64xf32, #tpu.memory_space<vmem>>, vector<16xf32>,
      %parallel_loop3A_850 = arith.index_cast %parallel_loop3A_689 : i32 to index
      %parallel_loop3A_851 = arith.constant 48 : index
      %parallel_loop3A_852 = tpu.vector_load %arg9[%parallel_loop3A_850, %parallel_loop3A_851] {strides = array<i32>} : memref<128x64xf32, #tpu.memory_space<vmem>>, vector<16xf32>,
      %parallel_loop3A_853 = arith.addf %parallel_loop3A_852, %parallel_loop3A_828 : vector<16xf32>
      %parallel_loop3A_854 = arith.index_cast %parallel_loop3A_689 : i32 to index
      %parallel_loop3A_855 = arith.constant 48 : index
      %parallel_loop3A_856 = tpu.vector_load %arg9[%parallel_loop3A_854, %parallel_loop3A_855] {strides = array<i32>} : memref<128x64xf32, #tpu.memory_space<vmem>>, vector<16xf32>,
      tpu.vector_store %arg9[%parallel_loop3A_854, %parallel_loop3A_855], %parallel_loop3A_853 {strides = array<i32>} : memref<128x64xf32, #tpu.memory_space<vmem>>, vector<16xf32>,
    } {sc.loop_unroll_factor = 2 : i64, sc.parallel_access}
    %mul3A_628 = arith.constant 25600 : i32
    %mul3A_629 = arith.muli %add3A, %mul3A_628 : i32
    %add3A_630 = arith.constant 25344 : i32
    %add3A_631 = arith.addi %mul3A_629, %add3A_630 : i32
    %dma_start3A_632 = arith.constant 0 : i32
    %dma_start3A_633 = tpu.memref_slice %arg6[%add3A_631, %dma_start3A_632] : memref<819200x64xf32, #tpu.memory_space<hbm>> -> memref<128x64xf32, #tpu.memory_space<hbm>>
    %dma_start3A_634 = arith.constant 0 : i32
    %dma_start3A_635 = tpu.memref_slice %arg6[%add3A_631, %dma_start3A_634] : memref<819200x64xf32, #tpu.memory_space<hbm>> -> memref<128x64xf32, #tpu.memory_space<hbm>>
    tpu.enqueue_dma source(%arg9 : memref<128x64xf32, #tpu.memory_space<vmem>>) target(%dma_start3A_635 : memref<128x64xf32, #tpu.memory_space<hbm>>) target_semaphore(%arg22 : memref<!tpu.dma_semaphore, #tpu.memory_space<semaphore_mem>>)
    %dma_wait3A_636 = arith.constant 199 : i32
    %dma_wait3A_637 = arith.constant 0 : i32
    %dma_wait3A_638 = tpu.memref_slice %arg8[%dma_wait3A_636, %dma_wait3A_637] : memref<200x128xi32, #tpu.memory_space<vmem>> -> memref<1x128xi32, #tpu.memory_space<vmem>>
    %dma_wait3A_639 = tpu.memref_squeeze %dma_wait3A_638 : memref<1x128xi32, #tpu.memory_space<vmem>> -> memref<128xi32, #tpu.memory_space<vmem>>
    %dma_wait3A_640 = arith.constant 0 : i32
    %dma_wait3A_641 = arith.constant 0 : i32
    %dma_wait3A_642 = tpu.memref_slice %arg3[%dma_wait3A_640, %dma_wait3A_641] : memref<1000000x64xf32, #tpu.memory_space<hbm>> -> memref<1000000x64xf32, #tpu.memory_space<hbm>>
    tpu.wait_indirect_dma semaphore(%arg19 : memref<!tpu.dma_semaphore, #tpu.memory_space<semaphore_mem>>) src(%dma_wait3A_642 : memref<1000000x64xf32, #tpu.memory_space<hbm>>) dst(%arg10 : memref<128x64xf32, #tpu.memory_space<vmem>>)
    %dma_wait3A_643 = arith.constant 199 : i32
    %dma_wait3A_644 = arith.constant 0 : i32
    %dma_wait3A_645 = tpu.memref_slice %arg8[%dma_wait3A_643, %dma_wait3A_644] : memref<200x128xi32, #tpu.memory_space<vmem>> -> memref<1x128xi32, #tpu.memory_space<vmem>>
    %dma_wait3A_646 = tpu.memref_squeeze %dma_wait3A_645 : memref<1x128xi32, #tpu.memory_space<vmem>> -> memref<128xi32, #tpu.memory_space<vmem>>
    %dma_wait3A_647 = arith.constant 0 : i32
    %dma_wait3A_648 = arith.constant 0 : i32
    %dma_wait3A_649 = tpu.memref_slice %arg7[%arg0, %dma_wait3A_647, %dma_wait3A_648] : memref<2x1000000x16xf32, #tpu.memory_space<hbm>> -> memref<1x1000000x16xf32, #tpu.memory_space<hbm>>
    %dma_wait3A_650 = tpu.memref_squeeze %dma_wait3A_649 : memref<1x1000000x16xf32, #tpu.memory_space<hbm>> -> memref<1000000x16xf32, #tpu.memory_space<hbm>>
    %dma_wait3A_651 = arith.constant 0 : i32
    %dma_wait3A_652 = arith.constant 0 : i32
    %dma_wait3A_653 = tpu.memref_slice %dma_wait3A_650[%dma_wait3A_651, %dma_wait3A_652] : memref<1000000x16xf32, #tpu.memory_space<hbm>> -> memref<1000000x16xf32, #tpu.memory_space<hbm>>
    tpu.wait_indirect_dma semaphore(%arg21 : memref<!tpu.dma_semaphore, #tpu.memory_space<semaphore_mem>>) src(%dma_wait3A_653 : memref<1000000x16xf32, #tpu.memory_space<hbm>>) dst(%arg12 : memref<128x16xf32, #tpu.memory_space<vmem>>)
    %mul3A_654 = arith.constant 25600 : i32
    %mul3A_655 = arith.muli %add3A, %mul3A_654 : i32
    %add3A_656 = arith.constant 25472 : i32
    %add3A_657 = arith.addi %mul3A_655, %add3A_656 : i32
    %dma_wait3A_658 = arith.constant 0 : i32
    %dma_wait3A_659 = tpu.memref_slice %arg6[%add3A_657, %dma_wait3A_658] : memref<819200x64xf32, #tpu.memory_space<hbm>> -> memref<128x64xf32, #tpu.memory_space<hbm>>
    %dma_wait3A_660 = arith.constant 0 : i32
    %dma_wait3A_661 = tpu.memref_slice %arg6[%add3A_657, %dma_wait3A_660] : memref<819200x64xf32, #tpu.memory_space<hbm>> -> memref<128x64xf32, #tpu.memory_space<hbm>>
    tpu.wait_dma2 semaphore(%arg23 : memref<!tpu.dma_semaphore, #tpu.memory_space<semaphore_mem>>) src(%arg10 : memref<128x64xf32, #tpu.memory_space<vmem>>) dst(%dma_wait3A_661 : memref<128x64xf32, #tpu.memory_space<hbm>>)
    %parallel_loop3A_662 = arith.constant 0 : i32
    %parallel_loop3A_663 = arith.constant 128 : i32
    %parallel_loop3A_664 = arith.constant 1 : i32
    scf.for %parallel_loop3A_689 = %parallel_loop3A_662 to %parallel_loop3A_663 step %parallel_loop3A_664  : i32 {
      %parallel_loop3A_690 = arith.index_cast %parallel_loop3A_689 : i32 to index
      %parallel_loop3A_691 = arith.constant 0 : index
      %parallel_loop3A_692 = tpu.vector_load %arg12[%parallel_loop3A_690, %parallel_loop3A_691] {strides = array<i32>} : memref<128x16xf32, #tpu.memory_space<vmem>>, vector<16xf32>,
      %parallel_loop3A_693 = arith.constant 0.000000e+00 : bf16
      %parallel_loop3A_694 = vector.broadcast %parallel_loop3A_693 : bf16 to vector<32xbf16>
      %parallel_loop3A_695 = arith.constant 0.000000e+00 : bf16
      %parallel_loop3A_696 = vector.broadcast %parallel_loop3A_695 : bf16 to vector<32xbf16>
      %parallel_loop3A_697 = vector.extract_strided_slice %parallel_loop3A_692 {offsets = [0], sizes = [1], strides = [1]} : vector<16xf32> to vector<1xf32>
      %parallel_loop3A_698 = vector.extract %parallel_loop3A_697[0] : f32 from vector<1xf32>
      %parallel_loop3A_699 = vector.broadcast %parallel_loop3A_698 : f32 to vector<16xf32>
      %parallel_loop3A_700 = tpu.pack_subelements %parallel_loop3A_699, %parallel_loop3A_699 {pack_format = #tpu.pack_format<interleaved>, positions = array<i32: 0, 1>} : vector<16xf32>, vector<16xf32> -> vector<32xbf16>
      %parallel_loop3A_701 = arith.mulf %pack3A, %parallel_loop3A_700 : vector<32xbf16>
      %parallel_loop3A_702 = arith.addf %parallel_loop3A_694, %parallel_loop3A_701 : vector<32xbf16>
      %parallel_loop3A_703 = arith.mulf %pack3A_192, %parallel_loop3A_700 : vector<32xbf16>
      %parallel_loop3A_704 = arith.addf %parallel_loop3A_696, %parallel_loop3A_703 : vector<32xbf16>
      %parallel_loop3A_705 = vector.extract_strided_slice %parallel_loop3A_692 {offsets = [1], sizes = [1], strides = [1]} : vector<16xf32> to vector<1xf32>
      %parallel_loop3A_706 = vector.extract %parallel_loop3A_705[0] : f32 from vector<1xf32>
      %parallel_loop3A_707 = vector.broadcast %parallel_loop3A_706 : f32 to vector<16xf32>
      %parallel_loop3A_708 = tpu.pack_subelements %parallel_loop3A_707, %parallel_loop3A_707 {pack_format = #tpu.pack_format<interleaved>, positions = array<i32: 0, 1>} : vector<16xf32>, vector<16xf32> -> vector<32xbf16>
      %parallel_loop3A_709 = arith.mulf %pack3A_209, %parallel_loop3A_708 : vector<32xbf16>
      %parallel_loop3A_710 = arith.addf %parallel_loop3A_702, %parallel_loop3A_709 : vector<32xbf16>
      %parallel_loop3A_711 = arith.mulf %pack3A_210, %parallel_loop3A_708 : vector<32xbf16>
      %parallel_loop3A_712 = arith.addf %parallel_loop3A_704, %parallel_loop3A_711 : vector<32xbf16>
      %parallel_loop3A_713 = vector.extract_strided_slice %parallel_loop3A_692 {offsets = [2], sizes = [1], strides = [1]} : vector<16xf32> to vector<1xf32>
      %parallel_loop3A_714 = vector.extract %parallel_loop3A_713[0] : f32 from vector<1xf32>
      %parallel_loop3A_715 = vector.broadcast %parallel_loop3A_714 : f32 to vector<16xf32>
      %parallel_loop3A_716 = tpu.pack_subelements %parallel_loop3A_715, %parallel_loop3A_715 {pack_format = #tpu.pack_format<interleaved>, positions = array<i32: 0, 1>} : vector<16xf32>, vector<16xf32> -> vector<32xbf16>
      %parallel_loop3A_717 = arith.mulf %pack3A_227, %parallel_loop3A_716 : vector<32xbf16>
      %parallel_loop3A_718 = arith.addf %parallel_loop3A_710, %parallel_loop3A_717 : vector<32xbf16>
      %parallel_loop3A_719 = arith.mulf %pack3A_228, %parallel_loop3A_716 : vector<32xbf16>
      %parallel_loop3A_720 = arith.addf %parallel_loop3A_712, %parallel_loop3A_719 : vector<32xbf16>
      %parallel_loop3A_721 = vector.extract_strided_slice %parallel_loop3A_692 {offsets = [3], sizes = [1], strides = [1]} : vector<16xf32> to vector<1xf32>
      %parallel_loop3A_722 = vector.extract %parallel_loop3A_721[0] : f32 from vector<1xf32>
      %parallel_loop3A_723 = vector.broadcast %parallel_loop3A_722 : f32 to vector<16xf32>
      %parallel_loop3A_724 = tpu.pack_subelements %parallel_loop3A_723, %parallel_loop3A_723 {pack_format = #tpu.pack_format<interleaved>, positions = array<i32: 0, 1>} : vector<16xf32>, vector<16xf32> -> vector<32xbf16>
      %parallel_loop3A_725 = arith.mulf %pack3A_245, %parallel_loop3A_724 : vector<32xbf16>
      %parallel_loop3A_726 = arith.addf %parallel_loop3A_718, %parallel_loop3A_725 : vector<32xbf16>
      %parallel_loop3A_727 = arith.mulf %pack3A_246, %parallel_loop3A_724 : vector<32xbf16>
      %parallel_loop3A_728 = arith.addf %parallel_loop3A_720, %parallel_loop3A_727 : vector<32xbf16>
      %parallel_loop3A_729 = vector.extract_strided_slice %parallel_loop3A_692 {offsets = [4], sizes = [1], strides = [1]} : vector<16xf32> to vector<1xf32>
      %parallel_loop3A_730 = vector.extract %parallel_loop3A_729[0] : f32 from vector<1xf32>
      %parallel_loop3A_731 = vector.broadcast %parallel_loop3A_730 : f32 to vector<16xf32>
      %parallel_loop3A_732 = tpu.pack_subelements %parallel_loop3A_731, %parallel_loop3A_731 {pack_format = #tpu.pack_format<interleaved>, positions = array<i32: 0, 1>} : vector<16xf32>, vector<16xf32> -> vector<32xbf16>
      %parallel_loop3A_733 = arith.mulf %pack3A_263, %parallel_loop3A_732 : vector<32xbf16>
      %parallel_loop3A_734 = arith.addf %parallel_loop3A_726, %parallel_loop3A_733 : vector<32xbf16>
      %parallel_loop3A_735 = arith.mulf %pack3A_264, %parallel_loop3A_732 : vector<32xbf16>
      %parallel_loop3A_736 = arith.addf %parallel_loop3A_728, %parallel_loop3A_735 : vector<32xbf16>
      %parallel_loop3A_737 = vector.extract_strided_slice %parallel_loop3A_692 {offsets = [5], sizes = [1], strides = [1]} : vector<16xf32> to vector<1xf32>
      %parallel_loop3A_738 = vector.extract %parallel_loop3A_737[0] : f32 from vector<1xf32>
      %parallel_loop3A_739 = vector.broadcast %parallel_loop3A_738 : f32 to vector<16xf32>
      %parallel_loop3A_740 = tpu.pack_subelements %parallel_loop3A_739, %parallel_loop3A_739 {pack_format = #tpu.pack_format<interleaved>, positions = array<i32: 0, 1>} : vector<16xf32>, vector<16xf32> -> vector<32xbf16>
      %parallel_loop3A_741 = arith.mulf %pack3A_281, %parallel_loop3A_740 : vector<32xbf16>
      %parallel_loop3A_742 = arith.addf %parallel_loop3A_734, %parallel_loop3A_741 : vector<32xbf16>
      %parallel_loop3A_743 = arith.mulf %pack3A_282, %parallel_loop3A_740 : vector<32xbf16>
      %parallel_loop3A_744 = arith.addf %parallel_loop3A_736, %parallel_loop3A_743 : vector<32xbf16>
      %parallel_loop3A_745 = vector.extract_strided_slice %parallel_loop3A_692 {offsets = [6], sizes = [1], strides = [1]} : vector<16xf32> to vector<1xf32>
      %parallel_loop3A_746 = vector.extract %parallel_loop3A_745[0] : f32 from vector<1xf32>
      %parallel_loop3A_747 = vector.broadcast %parallel_loop3A_746 : f32 to vector<16xf32>
      %parallel_loop3A_748 = tpu.pack_subelements %parallel_loop3A_747, %parallel_loop3A_747 {pack_format = #tpu.pack_format<interleaved>, positions = array<i32: 0, 1>} : vector<16xf32>, vector<16xf32> -> vector<32xbf16>
      %parallel_loop3A_749 = arith.mulf %pack3A_299, %parallel_loop3A_748 : vector<32xbf16>
      %parallel_loop3A_750 = arith.addf %parallel_loop3A_742, %parallel_loop3A_749 : vector<32xbf16>
      %parallel_loop3A_751 = arith.mulf %pack3A_300, %parallel_loop3A_748 : vector<32xbf16>
      %parallel_loop3A_752 = arith.addf %parallel_loop3A_744, %parallel_loop3A_751 : vector<32xbf16>
      %parallel_loop3A_753 = vector.extract_strided_slice %parallel_loop3A_692 {offsets = [7], sizes = [1], strides = [1]} : vector<16xf32> to vector<1xf32>
      %parallel_loop3A_754 = vector.extract %parallel_loop3A_753[0] : f32 from vector<1xf32>
      %parallel_loop3A_755 = vector.broadcast %parallel_loop3A_754 : f32 to vector<16xf32>
      %parallel_loop3A_756 = tpu.pack_subelements %parallel_loop3A_755, %parallel_loop3A_755 {pack_format = #tpu.pack_format<interleaved>, positions = array<i32: 0, 1>} : vector<16xf32>, vector<16xf32> -> vector<32xbf16>
      %parallel_loop3A_757 = arith.mulf %pack3A_317, %parallel_loop3A_756 : vector<32xbf16>
      %parallel_loop3A_758 = arith.addf %parallel_loop3A_750, %parallel_loop3A_757 : vector<32xbf16>
      %parallel_loop3A_759 = arith.mulf %pack3A_318, %parallel_loop3A_756 : vector<32xbf16>
      %parallel_loop3A_760 = arith.addf %parallel_loop3A_752, %parallel_loop3A_759 : vector<32xbf16>
      %parallel_loop3A_761 = vector.extract_strided_slice %parallel_loop3A_692 {offsets = [8], sizes = [1], strides = [1]} : vector<16xf32> to vector<1xf32>
      %parallel_loop3A_762 = vector.extract %parallel_loop3A_761[0] : f32 from vector<1xf32>
      %parallel_loop3A_763 = vector.broadcast %parallel_loop3A_762 : f32 to vector<16xf32>
      %parallel_loop3A_764 = tpu.pack_subelements %parallel_loop3A_763, %parallel_loop3A_763 {pack_format = #tpu.pack_format<interleaved>, positions = array<i32: 0, 1>} : vector<16xf32>, vector<16xf32> -> vector<32xbf16>
      %parallel_loop3A_765 = arith.mulf %pack3A_335, %parallel_loop3A_764 : vector<32xbf16>
      %parallel_loop3A_766 = arith.addf %parallel_loop3A_758, %parallel_loop3A_765 : vector<32xbf16>
      %parallel_loop3A_767 = arith.mulf %pack3A_336, %parallel_loop3A_764 : vector<32xbf16>
      %parallel_loop3A_768 = arith.addf %parallel_loop3A_760, %parallel_loop3A_767 : vector<32xbf16>
      %parallel_loop3A_769 = vector.extract_strided_slice %parallel_loop3A_692 {offsets = [9], sizes = [1], strides = [1]} : vector<16xf32> to vector<1xf32>
      %parallel_loop3A_770 = vector.extract %parallel_loop3A_769[0] : f32 from vector<1xf32>
      %parallel_loop3A_771 = vector.broadcast %parallel_loop3A_770 : f32 to vector<16xf32>
      %parallel_loop3A_772 = tpu.pack_subelements %parallel_loop3A_771, %parallel_loop3A_771 {pack_format = #tpu.pack_format<interleaved>, positions = array<i32: 0, 1>} : vector<16xf32>, vector<16xf32> -> vector<32xbf16>
      %parallel_loop3A_773 = arith.mulf %pack3A_353, %parallel_loop3A_772 : vector<32xbf16>
      %parallel_loop3A_774 = arith.addf %parallel_loop3A_766, %parallel_loop3A_773 : vector<32xbf16>
      %parallel_loop3A_775 = arith.mulf %pack3A_354, %parallel_loop3A_772 : vector<32xbf16>
      %parallel_loop3A_776 = arith.addf %parallel_loop3A_768, %parallel_loop3A_775 : vector<32xbf16>
      %parallel_loop3A_777 = vector.extract_strided_slice %parallel_loop3A_692 {offsets = [10], sizes = [1], strides = [1]} : vector<16xf32> to vector<1xf32>
      %parallel_loop3A_778 = vector.extract %parallel_loop3A_777[0] : f32 from vector<1xf32>
      %parallel_loop3A_779 = vector.broadcast %parallel_loop3A_778 : f32 to vector<16xf32>
      %parallel_loop3A_780 = tpu.pack_subelements %parallel_loop3A_779, %parallel_loop3A_779 {pack_format = #tpu.pack_format<interleaved>, positions = array<i32: 0, 1>} : vector<16xf32>, vector<16xf32> -> vector<32xbf16>
      %parallel_loop3A_781 = arith.mulf %pack3A_371, %parallel_loop3A_780 : vector<32xbf16>
      %parallel_loop3A_782 = arith.addf %parallel_loop3A_774, %parallel_loop3A_781 : vector<32xbf16>
      %parallel_loop3A_783 = arith.mulf %pack3A_372, %parallel_loop3A_780 : vector<32xbf16>
      %parallel_loop3A_784 = arith.addf %parallel_loop3A_776, %parallel_loop3A_783 : vector<32xbf16>
      %parallel_loop3A_785 = vector.extract_strided_slice %parallel_loop3A_692 {offsets = [11], sizes = [1], strides = [1]} : vector<16xf32> to vector<1xf32>
      %parallel_loop3A_786 = vector.extract %parallel_loop3A_785[0] : f32 from vector<1xf32>
      %parallel_loop3A_787 = vector.broadcast %parallel_loop3A_786 : f32 to vector<16xf32>
      %parallel_loop3A_788 = tpu.pack_subelements %parallel_loop3A_787, %parallel_loop3A_787 {pack_format = #tpu.pack_format<interleaved>, positions = array<i32: 0, 1>} : vector<16xf32>, vector<16xf32> -> vector<32xbf16>
      %parallel_loop3A_789 = arith.mulf %pack3A_389, %parallel_loop3A_788 : vector<32xbf16>
      %parallel_loop3A_790 = arith.addf %parallel_loop3A_782, %parallel_loop3A_789 : vector<32xbf16>
      %parallel_loop3A_791 = arith.mulf %pack3A_390, %parallel_loop3A_788 : vector<32xbf16>
      %parallel_loop3A_792 = arith.addf %parallel_loop3A_784, %parallel_loop3A_791 : vector<32xbf16>
      %parallel_loop3A_793 = vector.extract_strided_slice %parallel_loop3A_692 {offsets = [12], sizes = [1], strides = [1]} : vector<16xf32> to vector<1xf32>
      %parallel_loop3A_794 = vector.extract %parallel_loop3A_793[0] : f32 from vector<1xf32>
      %parallel_loop3A_795 = vector.broadcast %parallel_loop3A_794 : f32 to vector<16xf32>
      %parallel_loop3A_796 = tpu.pack_subelements %parallel_loop3A_795, %parallel_loop3A_795 {pack_format = #tpu.pack_format<interleaved>, positions = array<i32: 0, 1>} : vector<16xf32>, vector<16xf32> -> vector<32xbf16>
      %parallel_loop3A_797 = arith.mulf %pack3A_407, %parallel_loop3A_796 : vector<32xbf16>
      %parallel_loop3A_798 = arith.addf %parallel_loop3A_790, %parallel_loop3A_797 : vector<32xbf16>
      %parallel_loop3A_799 = arith.mulf %pack3A_408, %parallel_loop3A_796 : vector<32xbf16>
      %parallel_loop3A_800 = arith.addf %parallel_loop3A_792, %parallel_loop3A_799 : vector<32xbf16>
      %parallel_loop3A_801 = vector.extract_strided_slice %parallel_loop3A_692 {offsets = [13], sizes = [1], strides = [1]} : vector<16xf32> to vector<1xf32>
      %parallel_loop3A_802 = vector.extract %parallel_loop3A_801[0] : f32 from vector<1xf32>
      %parallel_loop3A_803 = vector.broadcast %parallel_loop3A_802 : f32 to vector<16xf32>
      %parallel_loop3A_804 = tpu.pack_subelements %parallel_loop3A_803, %parallel_loop3A_803 {pack_format = #tpu.pack_format<interleaved>, positions = array<i32: 0, 1>} : vector<16xf32>, vector<16xf32> -> vector<32xbf16>
      %parallel_loop3A_805 = arith.mulf %pack3A_425, %parallel_loop3A_804 : vector<32xbf16>
      %parallel_loop3A_806 = arith.addf %parallel_loop3A_798, %parallel_loop3A_805 : vector<32xbf16>
      %parallel_loop3A_807 = arith.mulf %pack3A_426, %parallel_loop3A_804 : vector<32xbf16>
      %parallel_loop3A_808 = arith.addf %parallel_loop3A_800, %parallel_loop3A_807 : vector<32xbf16>
      %parallel_loop3A_809 = vector.extract_strided_slice %parallel_loop3A_692 {offsets = [14], sizes = [1], strides = [1]} : vector<16xf32> to vector<1xf32>
      %parallel_loop3A_810 = vector.extract %parallel_loop3A_809[0] : f32 from vector<1xf32>
      %parallel_loop3A_811 = vector.broadcast %parallel_loop3A_810 : f32 to vector<16xf32>
      %parallel_loop3A_812 = tpu.pack_subelements %parallel_loop3A_811, %parallel_loop3A_811 {pack_format = #tpu.pack_format<interleaved>, positions = array<i32: 0, 1>} : vector<16xf32>, vector<16xf32> -> vector<32xbf16>
      %parallel_loop3A_813 = arith.mulf %pack3A_443, %parallel_loop3A_812 : vector<32xbf16>
      %parallel_loop3A_814 = arith.addf %parallel_loop3A_806, %parallel_loop3A_813 : vector<32xbf16>
      %parallel_loop3A_815 = arith.mulf %pack3A_444, %parallel_loop3A_812 : vector<32xbf16>
      %parallel_loop3A_816 = arith.addf %parallel_loop3A_808, %parallel_loop3A_815 : vector<32xbf16>
      %parallel_loop3A_817 = vector.extract_strided_slice %parallel_loop3A_692 {offsets = [15], sizes = [1], strides = [1]} : vector<16xf32> to vector<1xf32>
      %parallel_loop3A_818 = vector.extract %parallel_loop3A_817[0] : f32 from vector<1xf32>
      %parallel_loop3A_819 = vector.broadcast %parallel_loop3A_818 : f32 to vector<16xf32>
      %parallel_loop3A_820 = tpu.pack_subelements %parallel_loop3A_819, %parallel_loop3A_819 {pack_format = #tpu.pack_format<interleaved>, positions = array<i32: 0, 1>} : vector<16xf32>, vector<16xf32> -> vector<32xbf16>
      %parallel_loop3A_821 = arith.mulf %pack3A_461, %parallel_loop3A_820 : vector<32xbf16>
      %parallel_loop3A_822 = arith.addf %parallel_loop3A_814, %parallel_loop3A_821 : vector<32xbf16>
      %parallel_loop3A_823 = arith.mulf %pack3A_462, %parallel_loop3A_820 : vector<32xbf16>
      %parallel_loop3A_824 = arith.addf %parallel_loop3A_816, %parallel_loop3A_823 : vector<32xbf16>
      %parallel_loop3A_825 = tpu.unpack_subelements %parallel_loop3A_822, 0 {pack_format = #tpu.pack_format<interleaved>} : vector<32xbf16> -> vector<16xf32>
      %parallel_loop3A_826 = tpu.unpack_subelements %parallel_loop3A_822, 1 {pack_format = #tpu.pack_format<interleaved>} : vector<32xbf16> -> vector<16xf32>
      %parallel_loop3A_827 = tpu.unpack_subelements %parallel_loop3A_824, 0 {pack_format = #tpu.pack_format<interleaved>} : vector<32xbf16> -> vector<16xf32>
      %parallel_loop3A_828 = tpu.unpack_subelements %parallel_loop3A_824, 1 {pack_format = #tpu.pack_format<interleaved>} : vector<32xbf16> -> vector<16xf32>
      %parallel_loop3A_829 = arith.index_cast %parallel_loop3A_689 : i32 to index
      %parallel_loop3A_830 = arith.constant 0 : index
      %parallel_loop3A_831 = tpu.vector_load %arg10[%parallel_loop3A_829, %parallel_loop3A_830] {strides = array<i32>} : memref<128x64xf32, #tpu.memory_space<vmem>>, vector<16xf32>,
      %parallel_loop3A_832 = arith.addf %parallel_loop3A_831, %parallel_loop3A_825 : vector<16xf32>
      %parallel_loop3A_833 = arith.index_cast %parallel_loop3A_689 : i32 to index
      %parallel_loop3A_834 = arith.constant 0 : index
      %parallel_loop3A_835 = tpu.vector_load %arg10[%parallel_loop3A_833, %parallel_loop3A_834] {strides = array<i32>} : memref<128x64xf32, #tpu.memory_space<vmem>>, vector<16xf32>,
      tpu.vector_store %arg10[%parallel_loop3A_833, %parallel_loop3A_834], %parallel_loop3A_832 {strides = array<i32>} : memref<128x64xf32, #tpu.memory_space<vmem>>, vector<16xf32>,
      %parallel_loop3A_836 = arith.index_cast %parallel_loop3A_689 : i32 to index
      %parallel_loop3A_837 = arith.constant 16 : index
      %parallel_loop3A_838 = tpu.vector_load %arg10[%parallel_loop3A_836, %parallel_loop3A_837] {strides = array<i32>} : memref<128x64xf32, #tpu.memory_space<vmem>>, vector<16xf32>,
      %parallel_loop3A_839 = arith.addf %parallel_loop3A_838, %parallel_loop3A_826 : vector<16xf32>
      %parallel_loop3A_840 = arith.index_cast %parallel_loop3A_689 : i32 to index
      %parallel_loop3A_841 = arith.constant 16 : index
      %parallel_loop3A_842 = tpu.vector_load %arg10[%parallel_loop3A_840, %parallel_loop3A_841] {strides = array<i32>} : memref<128x64xf32, #tpu.memory_space<vmem>>, vector<16xf32>,
      tpu.vector_store %arg10[%parallel_loop3A_840, %parallel_loop3A_841], %parallel_loop3A_839 {strides = array<i32>} : memref<128x64xf32, #tpu.memory_space<vmem>>, vector<16xf32>,
      %parallel_loop3A_843 = arith.index_cast %parallel_loop3A_689 : i32 to index
      %parallel_loop3A_844 = arith.constant 32 : index
      %parallel_loop3A_845 = tpu.vector_load %arg10[%parallel_loop3A_843, %parallel_loop3A_844] {strides = array<i32>} : memref<128x64xf32, #tpu.memory_space<vmem>>, vector<16xf32>,
      %parallel_loop3A_846 = arith.addf %parallel_loop3A_845, %parallel_loop3A_827 : vector<16xf32>
      %parallel_loop3A_847 = arith.index_cast %parallel_loop3A_689 : i32 to index
      %parallel_loop3A_848 = arith.constant 32 : index
      %parallel_loop3A_849 = tpu.vector_load %arg10[%parallel_loop3A_847, %parallel_loop3A_848] {strides = array<i32>} : memref<128x64xf32, #tpu.memory_space<vmem>>, vector<16xf32>,
      tpu.vector_store %arg10[%parallel_loop3A_847, %parallel_loop3A_848], %parallel_loop3A_846 {strides = array<i32>} : memref<128x64xf32, #tpu.memory_space<vmem>>, vector<16xf32>,
      %parallel_loop3A_850 = arith.index_cast %parallel_loop3A_689 : i32 to index
      %parallel_loop3A_851 = arith.constant 48 : index
      %parallel_loop3A_852 = tpu.vector_load %arg10[%parallel_loop3A_850, %parallel_loop3A_851] {strides = array<i32>} : memref<128x64xf32, #tpu.memory_space<vmem>>, vector<16xf32>,
      %parallel_loop3A_853 = arith.addf %parallel_loop3A_852, %parallel_loop3A_828 : vector<16xf32>
      %parallel_loop3A_854 = arith.index_cast %parallel_loop3A_689 : i32 to index
      %parallel_loop3A_855 = arith.constant 48 : index
      %parallel_loop3A_856 = tpu.vector_load %arg10[%parallel_loop3A_854, %parallel_loop3A_855] {strides = array<i32>} : memref<128x64xf32, #tpu.memory_space<vmem>>, vector<16xf32>,
      tpu.vector_store %arg10[%parallel_loop3A_854, %parallel_loop3A_855], %parallel_loop3A_853 {strides = array<i32>} : memref<128x64xf32, #tpu.memory_space<vmem>>, vector<16xf32>,
    } {sc.loop_unroll_factor = 2 : i64, sc.parallel_access}
    %mul3A_665 = arith.constant 25600 : i32
    %mul3A_666 = arith.muli %add3A, %mul3A_665 : i32
    %add3A_667 = arith.constant 25472 : i32
    %add3A_668 = arith.addi %mul3A_666, %add3A_667 : i32
    %dma_start3A_669 = arith.constant 0 : i32
    %dma_start3A_670 = tpu.memref_slice %arg6[%add3A_668, %dma_start3A_669] : memref<819200x64xf32, #tpu.memory_space<hbm>> -> memref<128x64xf32, #tpu.memory_space<hbm>>
    %dma_start3A_671 = arith.constant 0 : i32
    %dma_start3A_672 = tpu.memref_slice %arg6[%add3A_668, %dma_start3A_671] : memref<819200x64xf32, #tpu.memory_space<hbm>> -> memref<128x64xf32, #tpu.memory_space<hbm>>
    tpu.enqueue_dma source(%arg10 : memref<128x64xf32, #tpu.memory_space<vmem>>) target(%dma_start3A_672 : memref<128x64xf32, #tpu.memory_space<hbm>>) target_semaphore(%arg23 : memref<!tpu.dma_semaphore, #tpu.memory_space<semaphore_mem>>)
    %mul3A_673 = arith.constant 25600 : i32
    %mul3A_674 = arith.muli %add3A, %mul3A_673 : i32
    %add3A_675 = arith.constant 25344 : i32
    %add3A_676 = arith.addi %mul3A_674, %add3A_675 : i32
    %dma_wait3A_677 = arith.constant 0 : i32
    %dma_wait3A_678 = tpu.memref_slice %arg6[%add3A_676, %dma_wait3A_677] : memref<819200x64xf32, #tpu.memory_space<hbm>> -> memref<128x64xf32, #tpu.memory_space<hbm>>
    %dma_wait3A_679 = arith.constant 0 : i32
    %dma_wait3A_680 = tpu.memref_slice %arg6[%add3A_676, %dma_wait3A_679] : memref<819200x64xf32, #tpu.memory_space<hbm>> -> memref<128x64xf32, #tpu.memory_space<hbm>>
    tpu.wait_dma2 semaphore(%arg22 : memref<!tpu.dma_semaphore, #tpu.memory_space<semaphore_mem>>) src(%arg9 : memref<128x64xf32, #tpu.memory_space<vmem>>) dst(%dma_wait3A_680 : memref<128x64xf32, #tpu.memory_space<hbm>>)
    %mul3A_681 = arith.constant 25600 : i32
    %mul3A_682 = arith.muli %add3A, %mul3A_681 : i32
    %add3A_683 = arith.constant 25472 : i32
    %add3A_684 = arith.addi %mul3A_682, %add3A_683 : i32
    %dma_wait3A_685 = arith.constant 0 : i32
    %dma_wait3A_686 = tpu.memref_slice %arg6[%add3A_684, %dma_wait3A_685] : memref<819200x64xf32, #tpu.memory_space<hbm>> -> memref<128x64xf32, #tpu.memory_space<hbm>>
    %dma_wait3A_687 = arith.constant 0 : i32
    %dma_wait3A_688 = tpu.memref_slice %arg6[%add3A_684, %dma_wait3A_687] : memref<819200x64xf32, #tpu.memory_space<hbm>> -> memref<128x64xf32, #tpu.memory_space<hbm>>
    tpu.wait_dma2 semaphore(%arg23 : memref<!tpu.dma_semaphore, #tpu.memory_space<semaphore_mem>>) src(%arg10 : memref<128x64xf32, #tpu.memory_space<vmem>>) dst(%dma_wait3A_688 : memref<128x64xf32, #tpu.memory_space<hbm>>)
    return
  }
}

</mosaic_0001>

<sc_bundles>
// kernel: kernel.3.cloned.1.call-start
scs
__scs_entry_jumppad:
0x0: {  	(pc) =	sbr.rel $0x88, $3  }
0x1: {  	(tag) =	ssettag $0x0;
	lr =	simm.s32 $0x1  }
0x2: {  	[smem:$0x3F9D] =	sst lr;
	_ =	strace $0xD0000000  }
0x3: {  	_ = 	snop  }
0x4: {  	_ = 	snop  }
0x5: {  	_ = 	snop  }
0x6: {  	_ = 	snop  }
0x7: {  	_ = 	snop  }
__scs_overlays_trampoline_lowered:
0x8: {  	[smem:$0x3FAC] =	sst s0  }
0x9: {  	[smem:$0x3FAD] =	sst s1  }
0xa: {  	[smem:$0x3FAE] =	sst s2  }
0xb: {  	[smem:$0x3FAF] =	sst s3  }
0xc: {  	[smem:$0x3FB0] =	sst s4  }
0xd: {  	[smem:$0x3FB1] =	sst s5  }
0xe: {  	[smem:$0x3FB2] =	sst s6  }
0xf: {  	[smem:$0x3FB3] =	sst s7  }
0x10: {  	[smem:$0x3FB4] =	sst s8  }
0x11: {  	[smem:$0x3FB5] =	sst s9;
	s0 =	simm.s32 @!p0 $0x0  }
0x12: {  	s1 =	sld [smem:$0x3F9B];
	s0 =	simm.s32 @p0 $0x1  }
0x13: {  	[smem:$0x3FB6] =	sst s0;
	s0 =	simm.s32 @!p1 $0x0  }
0x14: {  	s2 =	sld [smem:$0x3F9A];
	s0 =	simm.s32 @p1 $0x1  }
0x15: {  	[smem:$0x3FB7] =	sst s0;
	s0 =	simm.s32 @!p2 $0x0  }
0x16: {  	s3 =	sld [smem:$0x3FDB];
	s0 =	simm.s32 @p2 $0x1  }
0x17: {  	s4 =	simm.s32 $0x1BF5;
	[smem:$0x3FB9] =	sst s0  }
0x18: {  	s0 =	sld [smem:$0x3F9C];
	_ =	swait.ge [sflag:s4], $0x0  }
0x19: {  	s7 =	sld [smem:$0x3F9D]  }
0x1a: {  	s8 =	sadd.s32 $0xFFFFE003, lr  }
0x1b: {  	s9 =	sadd.s32 $0xFFFFFEF7, lr;
	s5 =	simm.s32 $0xFFFFFFFF;
	p2 =	slt.u32 s8, $0xFFFFF086  }
0x1c: {  	p1 =	slt.u32 s9, $0xF7A;
	s5 =	simm.s32 @!p2 $0x0  }
0x1d: {  	s5 =	simm.s32 @p1 $0x1;
	p0 =	seq.s32 s7, s2  }
0x1e: {  	s7 =	smul.u32 @!p0 $0xF7A, s2;
	p2 =	seq.s32 @!p0 s5, $0x0  }
0x1f: {  	s9 =	smul.u32 $0xF7A, s1;
	s8 =	simm.s32 @!p0 $0x1BF5;
	p2 =	por !p2, p0  }
0x20: {  	[sflag:s8] =	ssyncset.s32 @!p0 $0xFFFFF086;
	s6 =	sadd.s32 @!p0 s3, s7;
	s7 =	simm.s32 @!p0 $0x108  }
0x21: {  	s3 =	sadd.s32 s3, s9;
	s6 =	sadd.s32 @!p0 $0x88, s6;
	s7 =	simm.s32 @p2 $0x1082  }
0x22: {  	[simem:s7], [sflag:s8] =	dma.local @!p0 [hbm:s6], $0xF7A  }
0x23: {  	s9 =	sor.u32 $0xD0000000, s2;
	s6 =	simm.s32 $0x108;
	_ =	swait.ge @!p0 [sflag:s8], $0x0  }
0x24: {  	s3 =	sadd.s32 $0x88, s3;
	s6 =	simm.s32 @!p1 $0x1082;
	[sflag:s4] =	ssyncset.s32 $0xFFFFF086  }
0x25: {  	[simem:s6], [sflag:s4] =	dma.local [hbm:s3], $0xF7A  }
0x26: {  	[smem:$0x3F9D] =	sst s1;
	(tag) =	ssettag s2;
	_ =	strace s9  }
0x27: {  	s1 =	sld [smem:$0x3FAD]  }
0x28: {  	s2 =	sld [smem:$0x3FAE]  }
0x29: {  	s4 =	sld [smem:$0x3FB0]  }
0x2a: {  	p0 =	seq.s32 s5, $0x0;
	s5 =	sld [smem:$0x3FB1]  }
0x2b: {  	s6 =	sld [smem:$0x3FB2]  }
0x2c: {  	s7 =	sld [smem:$0x3FB3]  }
0x2d: {  	s3 =	simm.s32 $0x108;
	s8 =	sld [smem:$0x3FB4]  }
0x2e: {  	s3 =	simm.s32 @!p0 $0x1082;
	s9 =	sld [smem:$0x3FB5]  }
0x2f: {  	lr =	sadd.s32 s0, s3;
	s0 =	sld [smem:$0x3FAC]  }
0x30: {  	s3 =	sld [smem:$0x3FAF]  }
0x31: {  	[smem:$0x3FB8] =	sst s10  }
0x32: {  	s10 =	sld [smem:$0x3FB6];
	_ =	sdelay $0x3  }
0x33: {  	p0 =	seq.s32 s10, $0x1;
	s10 =	sld [smem:$0x3FB8];
	_ =	sdelay $0x3  }
0x34: {  	[smem:$0x3FB8] =	sst s10  }
0x35: {  	s10 =	sld [smem:$0x3FB7];
	_ =	sdelay $0x3  }
0x36: {  	p1 =	seq.s32 s10, $0x1;
	s10 =	sld [smem:$0x3FB8];
	_ =	sdelay $0x3  }
0x37: {  	[smem:$0x3FB8] =	sst s10  }
0x38: {  	s10 =	sld [smem:$0x3FB9]  }
0x39: {  	_ = 	snop;
	(pc) =	sbr.ind lr, $3  }
0x3a: {  	_ = 	snop  }
0x3b: {  	_ = 	snop  }
0x3c: {  	p2 =	seq.s32 s10, $0x1;
	s10 =	sld [smem:$0x3FB8]  }
0x3d: {  	_ =	shalt  }
0x3e: {  	_ =	shalt  }
0x3f: {  	_ =	shalt  }
0x40: {  	_ =	shalt  }
0x41: {  	_ =	shalt  }
0x42: {  	_ =	shalt  }
0x43: {  	_ =	shalt  }
0x44: {  	_ =	shalt  }
0x45: {  	_ =	shalt  }
0x46: {  	_ =	shalt  }
0x47: {  	_ =	shalt  }
0x48: {  	_ =	shalt  }
0x49: {  	_ =	shalt  }
0x4a: {  	_ =	shalt  }
0x4b: {  	_ =	shalt  }
0x4c: {  	_ =	shalt  }
0x4d: {  	_ =	shalt  }
0x4e: {  	_ =	shalt  }
0x4f: {  	_ =	shalt  }
0x50: {  	_ =	shalt  }
0x51: {  	_ =	shalt  }
0x52: {  	_ =	shalt  }
0x53: {  	_ =	shalt  }
0x54: {  	_ =	shalt  }
0x55: {  	_ =	shalt  }
0x56: {  	_ =	shalt  }
0x57: {  	_ =	shalt  }
0x58: {  	_ =	shalt  }
0x59: {  	_ =	shalt  }
0x5a: {  	_ =	shalt  }
0x5b: {  	_ =	shalt  }
0x5c: {  	_ =	shalt  }
0x5d: {  	_ =	shalt  }
0x5e: {  	_ =	shalt  }
0x5f: {  	_ =	shalt  }
0x60: {  	_ =	shalt  }
0x61: {  	_ =	shalt  }
0x62: {  	_ =	shalt  }
0x63: {  	_ =	shalt  }
0x64: {  	_ =	shalt  }
0x65: {  	_ =	shalt  }
0x66: {  	_ =	shalt  }
0x67: {  	_ =	shalt  }
0x68: {  	_ =	shalt  }
0x69: {  	_ =	shalt  }
0x6a: {  	_ =	shalt  }
0x6b: {  	_ =	shalt  }
0x6c: {  	_ =	shalt  }
0x6d: {  	_ =	shalt  }
0x6e: {  	_ =	shalt  }
0x6f: {  	_ =	shalt  }
0x70: {  	_ =	shalt  }
0x71: {  	_ =	shalt  }
0x72: {  	_ =	shalt  }
0x73: {  	_ =	shalt  }
0x74: {  	_ =	shalt  }
0x75: {  	_ =	shalt  }
0x76: {  	_ =	shalt  }
0x77: {  	_ =	shalt  }
0x78: {  	_ =	shalt  }
0x79: {  	_ =	shalt  }
0x7a: {  	_ =	shalt  }
0x7b: {  	_ =	shalt  }
0x7c: {  	_ =	shalt  }
0x7d: {  	_ =	shalt  }
0x7e: {  	_ =	shalt  }
0x7f: {  	_ =	shalt  }
0x80: {  	_ =	shalt  }
0x81: {  	_ =	shalt  }
0x82: {  	_ =	shalt  }
0x83: {  	_ =	shalt  }
0x84: {  	_ =	shalt  }
0x85: {  	_ =	shalt  }
0x86: {  	_ =	shalt  }
0x87: {  	_ =	shalt  }
.Lfunc_end0:
.L_simem_size_0:
called_computation.2_lowered:
.L_overlay_start_0:
0x88: {  	s2 =	sld [smem:$0x3FD9]  }
0x89: {  	s3 =	sld [smem:$0x3FFE];
	_ =	sdelay $0x1  }
0x8a: {  	s1 =	srdreg.scid  }
0x8b: {  	s0 =	sand.u32 $0x1, s1  }
0x8c: {  	s17 =	sshll.u32 s0, $0xA;
	s2 =	sadd.s32 s3, s2  }
0x8d: {  	s2 =	sadd.s32 s2, s17  }
0x8e: {  	[smem:$0x3FC4] =	sst s2  }
0x8f: {  	_ = 	snop  }
0x90: {  	s2 =	sld [smem:$0x3FD0];
	(tm) =	ssettm $0x1  }
0x91: {  	s18 =	sld [smem:$0x3FFB];
	_ =	sdelay $0x3  }
0x92: {  	_ =	strace s18  }
0x93: {  	s3 =	sld [smem:$0x3FFC];
	_ =	sdelay $0x3  }
0x94: {  	_ =	strace s3  }
0x95: {  	s3 =	sld [smem:$0x3FFD];
	_ =	sdelay $0x3  }
0x96: {  	_ =	strace s3  }
0x97: {  	_ =	strace $0x8FFFFFFF  }
0x98: {  	s19 =	sld [smem:$0x3FDB];
	_ =	sdelay $0x1  }
0x99: {  	s4 =	simm.s32 $_scs_section_size  }
0x9a: {  	s5 =	simm.s32 $_size__tile_overlayer_lowered;
	s6 =	simm.s32 $_tile_overlayer_lowered  }
0x9b: {  	s22 =	simm.s32 $0x1BFF;
	s21 =	sshll.u32 s6, $0x1;
	s3 =	sadd.s32 s4, s19  }
0x9c: {  	s7 =	simm.s32 $0x0;
	s20 =	sshll.u32 s5, $0x1;
	s5 =	sadd.s32 s21, s3  }
0x9d: {  	[timem:s7], [sflag:s22] =	dma.local [hbm:s5], s20  }
0x9e: {  	_ =	swait.ge [sflag:s22], s20  }
0x9f: {  	s4 =	ssub.s32 $0x0, s20;
	[sflag:s22] =	ssyncset.done $0x0  }
0xa0: {  	[sflag:s22] =	ssyncadd.s32 s4;
	_ =	sdelay $0x1  }
0xa1: {  	s23 =	simm.s32 $0x1B8B  }
0xa2: {  	_ =	swait.ge [sflag:s23], $0x1  }
0xa3: {  	[sflag:s23] =	ssyncset.done $0x0  }
0xa4: {  	s25 =	simm.s32 $0x1B8E;
	s24 =	sld [smem:$0x3FFE];
	[sflag:s23] =	ssyncadd.s32 $0xFFFFFFFF  }
0xa5: {  	s26 =	simm.s32 $execute0_lowered;
	[smem:$0x3FD2] =	sst s25  }
0xa6: {  	s5 =	sshll.u32 s26, $0x1;
	_ =	strace $0x80000049;
	[dreg:$0x1] =	wrdreg $0xFFFFFFFF  }
0xa7: {  	s28 =	simm.s32 $_size_execute0_lowered;
	s3 =	sadd.s32 s3, s5;
	[dreg:$0x0] =	wrdreg $0x0  }
0xa8: {  	s5 =	sshll.u32 s28, $0x1;
	[dreg:$0x2] =	wrdreg s3  }
0xa9: {  	[dreg:$0x3] =	wrdreg s5  }
0xaa: {  	[dreg:$0x4] =	wrdreg $0xC0  }
0xab: {  	_ =	task [dreg:s7], $0x5FFFF  }
0xac: {  	[dreg:$0x1] =	wrdreg $0xFFFFFFFF  }
0xad: {  	[dreg:$0x0] =	wrdreg $0x60  }
0xae: {  	[dreg:$0x2] =	wrdreg s24  }
0xaf: {  	[dreg:$0x3] =	wrdreg s2  }
0xb0: {  	[dreg:$0x4] =	wrdreg $0x9  }
0xb1: {  	_ =	task.clear_ibuf [dreg:s7], $0x5FFFF;
	_ =	strace $0x90000049  }
0xb2: {  	s29 =	simm.s32 $0x9;
	_ =	strace $0x8000004B  }
0xb3: {  	_ =	swait.ge [sflag:s29], $0x1  }
0xb4: {  	[sflag:s29] =	ssyncadd.s32 $0xFFFFFFFF  }
0xb5: {  	_ =	strace $0x9000004B  }
0xb6: {  	_ =	sfence  }
0xb7: {  	s30 =	sld [smem:$0x0];
	_ =	sdelay $0x2  }
0xb8: {  	s31 =	sshll.u32 s1, $0xD;
	s1 =	sshrl.u32 s1, $0x2  }
0xb9: {  	s3 =	sand.u32 $0x4000, s31;
	s1 =	sadd.s32 s1, s30  }
0xba: {  	s0 =	sor.u32 s3, s0;
	s1 =	sshll.u32 s1, $0x11  }
0xbb: {  	s0 =	sor.u32 s1, s0  }
0xbc: {  	s0 =	sadd.s32 $0x8F2B, s0  }
0xbd: {  	[sflag:s0] =	ssyncadd.remote.s32 $0x1  }
0xbe: {  	_ =	sfence.sel $0xFFFF  }
0xbf: {  	[dreg:$0x0] =	wrdreg $0xFFFFFFFF;
	(pc) =	sbr.abs _section_cstart, $3  }
0xc0: {  	[dreg:$0x1] =	wrdreg $0xFFFFFFFF  }
0xc1: {  	_ =	task.clear_ibuf [dreg:s7], $0x2FFFF;
	_ =	strace $0x9FFFFFFF  }
0xc2: {  	(tm) =	ssettm $0x7FFFFFFF  }
0xc3: {  	_ =	shalt  }
tec
execute0_lowered:
.L_overlay_start_1:
0x0: {  	(tag) =	ssettag $0x1  }
0x1: {  	s0 =	rddreg [dreg:$0x0]  }
0x2: {  	s15 =	rddreg [dreg:$0x1]  }
0x3: {  	s1 =	srdreg.scid;
	s14 =	stileid.u32  }
0x4: {  	s3 =	simm.s32 $0x0;
	s31 =	simm.s32 $0x100;
	s29 =	simm.s32 $0x8400  }
0x5: {  	s28 =	simm.s32 $0x6;
	s4 =	sadd.s32 $0x132B800, s0;
	s9 =	smul.u32 $0xFA, s14  }
0x6: {  	s1 =	sand.u32 $0x1, s1;
	s5 =	sadd.s32 $0x1F5400, s0;
	s10 =	smul.u32 $0x1F40, s14  }
0x7: {  	s2 =	sshll.u32 s14, $0x1;
	s20 =	sadd.s32 $0x402400, s0;
	s22 =	smul.u32 $0xF4240, s14  }
0x8: {  	[smem:$0x7FF] =	sst s3;
	s8 =	sadd.s32 $0x402600, s0;
	s14 =	smul.u32 $0xFA00, s14  }
0x9: {  	s2 =	sor.u32 s1, s2;
	_ =	strace $0x8000004A;
	s21 =	ssub.s32 $0x2, s1  }
0xa: {  	[dreg:$0x3] =	wrdreg s20;
	s6 =	smul.u32 $0x6400, s2;
	s12 =	sshrl.u32 s21, $0x1  }
0xb: {  	s13 =	sor.u32 $0x1, s9;
	s10 =	sadd.s32 s5, s10;
	s25 =	sshrl.u32 s14, $0x3  }
0xc: {  	s18 =	sadd.s32 $0x2, s9;
	s19 =	sadd.s32 $0x4, s9;
	s20 =	smul.u32 $0x190000, s2  }
0xd: {  	s2 =	smul.u32 $0x32000, s2;
	s23 =	sshll.u32 s13, $0x5;
	[dreg:$0x4] =	wrdreg s10  }
0xe: {  	s13 =	smul.u32 $0xFA0, s13;
	s14 =	sadd.s32 s5, s25;
	[dreg:$0xa] =	wrdreg s18  }
0xf: {  	[dreg:$0xb] =	wrdreg s19;
	s19 =	simm.s32 $0xA;
	s24 =	sadd.s32 s5, s23  }
0x10: {  	s7 =	sshrl.u32 s6, $0x3;
	s17 =	sadd.s32 $0x40, s14;
	[dreg:$0x5] =	wrdreg s24  }
0x11: {  	s2 =	sadd.s32 s15, s2;
	s11 =	sadd.s32 s7, s0;
	[dreg:$0x7] =	wrdreg s17  }
0x12: {  	s0 =	ssub.s32 s21, s12;
	s21 =	sadd.s32 $0x3, s9;
	[dreg:$0xf] =	wrdreg s2  }
0x13: {  	s7 =	smul.u32 $0xF42400, s1;
	s9 =	sadd.s32 $0x5, s9;
	[dreg:$0xc] =	wrdreg s21  }
0x14: {  	s12 =	simm.s32 $0x8;
	[dreg:$0xd] =	wrdreg s9;
	s0 =	smax.u32 s0, $0x1  }
0x15: {  	s9 =	simm.s32 $0x7;
	s21 =	simm.s32 $0x1;
	s1 =	sadd.s32 s22, s7  }
0x16: {  	s26 =	sadd.s32 s7, s13;
	s22 =	sadd.s32 $0x3E9400, s11;
	s23 =	sshrl.u32 s7, $0x3  }
0x17: {  	[dreg:$0x14] =	wrdreg s0;
	s11 =	simm.s32 $0x3;
	s16 =	sshrl.u32 s26, $0x3  }
0x18: {  	s1 =	sshrl.u32 s1, $0x3;
	[dreg:$0xe] =	wrdreg s22;
	s10 =	sadd.s32 s8, s16  }
0x19: {  	s30 =	sadd.s32 s8, s1;
	s1 =	sadd.s32 $0x60, s14;
	[dreg:$0x8] =	wrdreg s10  }
0x1a: {  	[dreg:$0x9] =	wrdreg s1;
	s1 =	sshrl.u32 s20, $0x3;
	s20 =	sadd.s32 s8, s23  }
0x1b: {  	s23 =	sor.u32 $0x100, s6;
	s6 =	sor.u32 $0x180, s6;
	[dreg:$0x6] =	wrdreg s30  }
0x1c: {  	s13 =	simm.s32 $0x5;
	s25 =	sadd.s32 $0x1E460, s30;
	[dreg:$0x11] =	wrdreg s6  }
0x1d: {  	s14 =	simm.s32 $0x9;
	s26 =	sadd.s32 $0x1E654, s30;
	[dreg:$0x15] =	wrdreg s25  }
0x1e: {  	s30 =	sadd.s32 $0x400, s2;
	s10 =	simm.s32 $0x4;
	[dreg:$0x16] =	wrdreg s26  }
0x1f: {  	s2 =	simm.s32 $0x0;
	s1 =	sadd.s32 s15, s1;
	[dreg:$0x17] =	wrdreg s30  }
0x20: {  	s6 =	simm.s32 $0xC800;
	[dreg:$0x10] =	wrdreg s23;
	s24 =	sadd.s32 $0x31800, s1  }
0x21: {  	v0 =	vlaneseq.u32;
	s25 =	simm.s32 $0x80;
	s1 =	sadd.s32 $0x31C00, s1;
	[dreg:$0x12] =	wrdreg s24  }
0x22: {  	v1 =	vimm.bf16 $0.0e+00;
	v0 =	vmul.u32 $0x100, v0;
	[dreg:$0x13] =	wrdreg s1;
	s1 =	simm.s32 $0xB800;
	s24 =	simm.s32 $0x2  }
.LBB2_1:
0x23: {  	s23 =	simm.s32 $0x3  }
0x24: {  	s15 =	simm.s32 $0x1;
	v2 =	vmov s23  }
0x25: {  	[dreg:$0x18] =	wrdreg s2;
	s26 =	simm.s32 $0x2;
	v3 =	vmov s15;
	v2 =	vand.u32 $0xFF, v2  }
0x26: {  	s0 =	rddreg [dreg:$0x4];
	s30 =	simm.s32 $0xFA000;
	v4 =	vmov s26;
	v3 =	vand.u32 $0xFD, v3;
	v2 =	vbroadcast v2, $0x0  }
0x27: {  	v5 =	vmov s3;
	[tilespmem:s1], [sflag:$0x7] =	stream.strided.gather [hbm4b:s0+s31], $0x1000, s30, s31, $0x38;
	v4 =	vand.u32 $0xFE, v4;
	v3 =	vbroadcast v3, $0x0;
	[tilespmem:$0xF740] =	vst v63  }
0x28: {  	s2 =	rddreg [dreg:$0x5];
	s16 =	simm.s32 $0x5;
	v5 =	vand.u32 $0xFC, v5;
	s15 =	simm.s32 $0x7;
	v4 =	vbroadcast v4, $0x0;
	v2 =	vor.u32 v0, v2  }
0x29: {  	v5 =	vbroadcast v5, $0x0;
	v6 =	vmov s15;
	[tilespmem:s6], [sflag:$0x8] =	stream.strided.gather [hbm4b:s2+s31], $0x1000, s30, s31, $0x38;
	v3 =	vor.u32 v0, v3;
	[tilespmem:$0xF740] =	vst v63  }
0x2a: {  	v6 =	vand.u32 $0xFF, v6;
	_ =	swait.ge [sflag:s9], $0x1000;
	v7 =	vor.u32 v0, v4;
	v4 =	vmov s16  }
0x2b: {  	s17 =	simm.s32 $0x6;
	v6 =	vbroadcast v6, $0x0;
	[sflag:s9] =	ssyncset.done $0x0;
	v4 =	vand.u32 $0xFD, v4  }
0x2c: {  	s18 =	simm.s32 $0x4;
	v8 =	vor.u32 v0, v5;
	v5 =	vmov s17;
	[sflag:s9] =	ssyncadd.s32 $0xFFFFF000;
	v4 =	vbroadcast v4, $0x0  }
0x2d: {  	v9 =	vmov s18;
	v5 =	vand.u32 $0xFE, v5;
	v6 =	vor.u32 v0, v6;
	v10 =	vld.idx.msk [tilespmem:v2+s1+$0x0], $0xffff  }
0x2e: {  	s22 =	simm.s32 $0xB;
	s23 =	simm.s32 $0x9;
	v5 =	vbroadcast v5, $0x0;
	v13 =	vor.u32 v0, v4;
	v2 =	vand.u32 $0xFC, v9;
	v12 =	vld.idx.msk [tilespmem:v3+s1+$0x0], $0xffff  }
0x2f: {  	v9 =	vmov s22;
	v3 =	vbroadcast v2, $0x0;
	v2 =	vld.idx.msk [tilespmem:v7+s1+$0x0], $0xffff;
	v7 =	vmov s23  }
0x30: {  	s30 =	simm.s32 $0xA;
	v4 =	vor.u32 v0, v5;
	v9 =	vand.u32 $0xFF, v9;
	v7 =	vand.u32 $0xFD, v7  }
0x31: {  	s2 =	simm.s32 $0xD820;
	s16 =	simm.s32 $0x8;
	v14 =	vbroadcast v9, $0x0;
	v5 =	vor.u32 v0, v3;
	v3 =	vld.idx.msk [tilespmem:v8+s1+$0x0], $0xffff;
	v8 =	vmov s30  }
0x32: {  	v11 =	vmov s16;
	v6 =	vld.idx.msk [tilespmem:v6+s1+$0x0], $0xffff;
	v9 =	vbroadcast v7, $0x0;
	v7 =	vand.u32 $0xFE, v8;
	[tilespmem:s2+$0x10] =	vst v10  }
0x33: {  	s26 =	simm.s32 $0xFA000;
	s15 =	simm.s32 $0xC;
	v11 =	vand.u32 $0xFC, v11;
	v8 =	vor.u32 v0, v14;
	v10 =	vbroadcast v7, $0x0;
	v7 =	vld.idx.msk [tilespmem:v13+s1+$0x0], $0xffff;
	[tilespmem:s2+$0xFFFFFFF0] =	vst v12  }
.LBB2_2:
0x34: {  	s16 =	sadd.s32 $0x3, s15  }
0x35: {  	p0 =	slt.u32 s15, $0xF4;
	v11 =	vbroadcast v11, $0x0;
	v12 =	vor.u32 v0, v9;
	[tilespmem:s2+$0x0] =	vst v2;
	v2 =	vld.idx.msk [tilespmem:v4+s1+$0x0], $0xffff;
	s17 =	smov.u32 s15;
	s15 =	sadd.s32 $0x4, s15  }
.Ltmp0:
0x36: {  	s18 =	sadd.s32 $0x1, s17;
	v9 =	vmov s16;
	v4 =	vor.u32 v0, v10;
	[tilespmem:s2+$0xFFFFFFE0] =	vst v3;
	v3 =	vld.idx.msk [tilespmem:v5+s1+$0x0], $0xffff;
	(pc) =	sbr.rel @p0 .LBB2_2-.Ltmp0, $4  }
0x37: {  	s16 =	sadd.s32 $0x2, s17;
	v10 =	vmov s18;
	v9 =	vand.u32 $0xFF, v9;
	v5 =	vor.u32 v0, v11  }
0x38: {  	s2 =	sadd.s32 $0x40, s2;
	v11 =	vmov s16;
	v10 =	vand.u32 $0xFD, v10;
	v13 =	vbroadcast v9, $0x0  }
0x39: {  	v14 =	vmov s17;
	v9 =	vbroadcast v10, $0x0;
	v10 =	vand.u32 $0xFE, v11;
	[tilespmem:s2+$0x10] =	vst v6;
	v6 =	vld.idx.msk [tilespmem:v8+s1+$0x0], $0xffff  }
0x3a: {  	v11 =	vand.u32 $0xFC, v14;
	v10 =	vbroadcast v10, $0x0;
	v8 =	vor.u32 v0, v13;
	[tilespmem:s2+$0xFFFFFFF0] =	vst v7;
	v7 =	vld.idx.msk [tilespmem:v12+s1+$0x0], $0xffff  }
0x3b: {  	_ =	sdelay $0x1  }
0x3c: {  	v11 =	vbroadcast v11, $0x0;
	v9 =	vor.u32 v0, v9  }
0x3d: {  	v10 =	vor.u32 v0, v10  }
0x3e: {  	v4 =	vld.idx.msk [tilespmem:v4+s1+$0x0], $0xffff;
	v11 =	vor.u32 v0, v11  }
0x3f: {  	[tilespmem:s2+$0x0] =	vst v2;
	v2 =	vld.idx.msk [tilespmem:v5+s1+$0x0], $0xffff  }
0x40: {  	[tilespmem:s2+$0xFFFFFFE0] =	vst v3;
	s30 =	sadd.s32 $0x40, s2;
	v3 =	vld.idx.msk [tilespmem:v8+s1+$0x0], $0xffff  }
0x41: {  	[tilespmem:s30+$0x10] =	vst v6;
	v61 =	vld.idx.msk [tilespmem:v9+s1+$0x0], $0xffff  }
0x42: {  	[tilespmem:s30+$0xFFFFFFF0] =	vst v7;
	v62 =	vld.idx.msk [tilespmem:v10+s1+$0x0], $0xffff  }
0x43: {  	[tilespmem:s30+$0x0] =	vst v4;
	v63 =	vld.idx.msk [tilespmem:v11+s1+$0x0], $0xffff  }
0x44: {  	s16 =	sadd.s32 $0x40, s30;
	[tilespmem:s30+$0xFFFFFFE0] =	vst v2  }
0x45: {  	[tilespmem:s16+$0x10] =	vst v3  }
0x46: {  	[tilespmem:s16+$0xFFFFFFF0] =	vst v61  }
0x47: {  	[tilespmem:s16+$0x0] =	vst v62  }
0x48: {  	s2 =	simm.s32 $0xF8;
	s15 =	simm.s32 $0xE780;
	[tilespmem:s16+$0xFFFFFFE0] =	vst v63  }
.LBB2_4:
0x49: {  	v2 =	vmov s2  }
0x4a: {  	v2 =	vand.u32 $0xFF, v2  }
0x4b: {  	v2 =	vbroadcast v2, $0x0;
	_ =	sdelay $0x1  }
0x4c: {  	v2 =	vor.u32 v0, v2;
	_ =	sdelay $0x4  }
0x4d: {  	p0 =	sne.s32 s2, $0xF9;
	v2 =	vld.idx.msk [tilespmem:v2+s1+$0x0], $0xffff  }
.Ltmp1:
0x4e: {  	_ = 	snop;
	(pc) =	sbr.rel @p0 .LBB2_4-.Ltmp1, $2  }
0x4f: {  	_ =	sdelay $0x2  }
0x50: {  	s2 =	sadd.s32 $0x1, s2;
	[tilespmem:s15+$0x0] =	vst v2;
	s15 =	sadd.s32 $0x10, s15  }
0x51: {  	s2 =	simm.s32 $0x3  }
0x52: {  	s15 =	simm.s32 $0x1;
	v2 =	vmov s2  }
0x53: {  	s16 =	simm.s32 $0x0;
	s18 =	simm.s32 $0x2;
	v3 =	vmov s15;
	v2 =	vand.u32 $0xFF, v2  }
0x54: {  	s0 =	rddreg [dreg:$0x6];
	s22 =	simm.s32 $0xD800;
	s30 =	simm.s32 $0x7;
	v4 =	vmov s18;
	v3 =	vand.u32 $0xFD, v3;
	v2 =	vbroadcast v2, $0x0  }
0x55: {  	[hbm4b:s0+s16] =	stream.linear.scatter [tilespmem:s22], [sflag:$0x9], $0xFA0, $0x38;
	v5 =	vmov s16;
	v4 =	vand.u32 $0xFE, v4;
	v3 =	vbroadcast v3, $0x0;
	[tilespmem:$0xF740] =	vst v63  }
0x56: {  	s23 =	rddreg [dreg:$0x7];
	s0 =	simm.s32 $0x5;
	v6 =	vmov s30;
	v4 =	vbroadcast v4, $0x0;
	v2 =	vor.u32 v0, v2  }
0x57: {  	v5 =	vand.u32 $0xFC, v5;
	v6 =	vand.u32 $0xFF, v6;
	[tilespmem:s1], [sflag:$0x7] =	stream.strided.gather [hbm4b:s23+s31], $0x1000, s26, s31, $0x38;
	v3 =	vor.u32 v0, v3;
	[tilespmem:$0xF740] =	vst v63  }
0x58: {  	v5 =	vbroadcast v5, $0x0;
	_ =	swait.ge [sflag:s12], $0x1000;
	v7 =	vor.u32 v0, v4;
	v4 =	vmov s0  }
0x59: {  	s16 =	simm.s32 $0x6;
	v6 =	vbroadcast v6, $0x0;
	[sflag:s12] =	ssyncset.done $0x0;
	v4 =	vand.u32 $0xFD, v4  }
0x5a: {  	s17 =	simm.s32 $0x4;
	v8 =	vor.u32 v0, v5;
	v5 =	vmov s16;
	[sflag:s12] =	ssyncadd.s32 $0xFFFFF000;
	v4 =	vbroadcast v4, $0x0  }
0x5b: {  	v9 =	vmov s17;
	v6 =	vor.u32 v0, v6;
	v5 =	vand.u32 $0xFE, v5;
	v10 =	vld.idx.msk [tilespmem:v2+s6+$0x0], $0xffff  }
0x5c: {  	s18 =	simm.s32 $0xB;
	s22 =	simm.s32 $0x9;
	v5 =	vbroadcast v5, $0x0;
	v13 =	vor.u32 v0, v4;
	v2 =	vand.u32 $0xFC, v9;
	v12 =	vld.idx.msk [tilespmem:v3+s6+$0x0], $0xffff  }
0x5d: {  	v9 =	vmov s18;
	v3 =	vbroadcast v2, $0x0;
	v2 =	vld.idx.msk [tilespmem:v7+s6+$0x0], $0xffff;
	v7 =	vmov s22  }
0x5e: {  	s23 =	simm.s32 $0xA;
	v4 =	vor.u32 v0, v5;
	v9 =	vand.u32 $0xFF, v9;
	v7 =	vand.u32 $0xFD, v7  }
0x5f: {  	s2 =	simm.s32 $0xE7C0;
	s30 =	simm.s32 $0x8;
	v14 =	vbroadcast v9, $0x0;
	v5 =	vor.u32 v0, v3;
	v3 =	vld.idx.msk [tilespmem:v8+s6+$0x0], $0xffff;
	v8 =	vmov s23  }
0x60: {  	v11 =	vmov s30;
	v6 =	vld.idx.msk [tilespmem:v6+s6+$0x0], $0xffff;
	v9 =	vbroadcast v7, $0x0;
	v7 =	vand.u32 $0xFE, v8;
	[tilespmem:s2+$0x10] =	vst v10  }
0x61: {  	s15 =	simm.s32 $0xC;
	v11 =	vand.u32 $0xFC, v11;
	v8 =	vor.u32 v0, v14;
	v10 =	vbroadcast v7, $0x0;
	v7 =	vld.idx.msk [tilespmem:v13+s6+$0x0], $0xffff;
	[tilespmem:s2+$0xFFFFFFF0] =	vst v12  }
.LBB2_6:
0x62: {  	s16 =	sadd.s32 $0x3, s15  }
0x63: {  	p0 =	slt.u32 s15, $0xF4;
	v11 =	vbroadcast v11, $0x0;
	v12 =	vor.u32 v0, v9;
	[tilespmem:s2+$0x0] =	vst v2;
	v2 =	vld.idx.msk [tilespmem:v4+s6+$0x0], $0xffff;
	s17 =	smov.u32 s15;
	s15 =	sadd.s32 $0x4, s15  }
.Ltmp2:
0x64: {  	s18 =	sadd.s32 $0x1, s17;
	v9 =	vmov s16;
	v4 =	vor.u32 v0, v10;
	[tilespmem:s2+$0xFFFFFFE0] =	vst v3;
	v3 =	vld.idx.msk [tilespmem:v5+s6+$0x0], $0xffff;
	(pc) =	sbr.rel @p0 .LBB2_6-.Ltmp2, $4  }
0x65: {  	s16 =	sadd.s32 $0x2, s17;
	v10 =	vmov s18;
	v9 =	vand.u32 $0xFF, v9;
	v5 =	vor.u32 v0, v11  }
0x66: {  	s2 =	sadd.s32 $0x40, s2;
	v11 =	vmov s16;
	v10 =	vand.u32 $0xFD, v10;
	v13 =	vbroadcast v9, $0x0  }
0x67: {  	v14 =	vmov s17;
	v9 =	vbroadcast v10, $0x0;
	v10 =	vand.u32 $0xFE, v11;
	[tilespmem:s2+$0x10] =	vst v6;
	v6 =	vld.idx.msk [tilespmem:v8+s6+$0x0], $0xffff  }
0x68: {  	v11 =	vand.u32 $0xFC, v14;
	v10 =	vbroadcast v10, $0x0;
	v8 =	vor.u32 v0, v13;
	[tilespmem:s2+$0xFFFFFFF0] =	vst v7;
	v7 =	vld.idx.msk [tilespmem:v12+s6+$0x0], $0xffff  }
0x69: {  	_ =	sdelay $0x1  }
0x6a: {  	v11 =	vbroadcast v11, $0x0;
	v9 =	vor.u32 v0, v9  }
0x6b: {  	v10 =	vor.u32 v0, v10  }
0x6c: {  	v4 =	vld.idx.msk [tilespmem:v4+s6+$0x0], $0xffff;
	v11 =	vor.u32 v0, v11  }
0x6d: {  	[tilespmem:s2+$0x0] =	vst v2;
	v2 =	vld.idx.msk [tilespmem:v5+s6+$0x0], $0xffff  }
0x6e: {  	[tilespmem:s2+$0xFFFFFFE0] =	vst v3;
	s30 =	sadd.s32 $0x40, s2;
	v3 =	vld.idx.msk [tilespmem:v8+s6+$0x0], $0xffff  }
0x6f: {  	[tilespmem:s30+$0x10] =	vst v6;
	v61 =	vld.idx.msk [tilespmem:v9+s6+$0x0], $0xffff  }
0x70: {  	[tilespmem:s30+$0xFFFFFFF0] =	vst v7;
	v62 =	vld.idx.msk [tilespmem:v10+s6+$0x0], $0xffff  }
0x71: {  	[tilespmem:s30+$0x0] =	vst v4;
	v63 =	vld.idx.msk [tilespmem:v11+s6+$0x0], $0xffff  }
0x72: {  	s16 =	sadd.s32 $0x40, s30;
	[tilespmem:s30+$0xFFFFFFE0] =	vst v2  }
0x73: {  	[tilespmem:s16+$0x10] =	vst v3  }
0x74: {  	[tilespmem:s16+$0xFFFFFFF0] =	vst v61  }
0x75: {  	[tilespmem:s16+$0x0] =	vst v62  }
0x76: {  	s2 =	simm.s32 $0xF8;
	s15 =	simm.s32 $0xF720;
	[tilespmem:s16+$0xFFFFFFE0] =	vst v63  }
.LBB2_8:
0x77: {  	v2 =	vmov s2  }
0x78: {  	v2 =	vand.u32 $0xFF, v2  }
0x79: {  	v2 =	vbroadcast v2, $0x0;
	_ =	sdelay $0x1  }
0x7a: {  	v2 =	vor.u32 v0, v2;
	_ =	sdelay $0x4  }
0x7b: {  	p0 =	sne.s32 s2, $0xF9;
	v2 =	vld.idx.msk [tilespmem:v2+s6+$0x0], $0xffff  }
.Ltmp3:
0x7c: {  	_ = 	snop;
	(pc) =	sbr.rel @p0 .LBB2_8-.Ltmp3, $2  }
0x7d: {  	_ =	sdelay $0x2  }
0x7e: {  	s2 =	sadd.s32 $0x1, s2;
	[tilespmem:s15+$0x0] =	vst v2;
	s15 =	sadd.s32 $0x10, s15  }
0x7f: {  	s2 =	simm.s32 $0x0;
	s0 =	rddreg [dreg:$0x8];
	s15 =	simm.s32 $0xE7A0  }
0x80: {  	[hbm4b:s0+s2] =	stream.linear.scatter [tilespmem:s15], [sflag:$0xA], $0xFA0, $0x38;
	[tilespmem:$0xF740] =	vst v63  }
0x81: {  	s30 =	rddreg [dreg:$0x9];
	s15 =	simm.s32 $0x0  }
0x82: {  	[tilespmem:s6], [sflag:$0x8] =	stream.strided.gather [hbm4b:s30+s31], $0x1000, s26, s31, $0x38;
	[tilespmem:$0xF740] =	vst v63  }
.LBB2_10:
0x83: {  	s16 =	simm.s32 $0x3  }
0x84: {  	s17 =	simm.s32 $0x1;
	v2 =	vmov s16  }
0x85: {  	s22 =	simm.s32 $0x2;
	v5 =	vmov s2;
	v3 =	vmov s17;
	v2 =	vand.u32 $0xFF, v2  }
0x86: {  	s23 =	simm.s32 $0x7;
	v4 =	vmov s22;
	v3 =	vand.u32 $0xFD, v3;
	v2 =	vbroadcast v2, $0x0  }
0x87: {  	_ =	swait.ge [sflag:s9], $0x1000;
	v5 =	vand.u32 $0xFC, v5;
	v6 =	vmov s23;
	v3 =	vbroadcast v3, $0x0  }
0x88: {  	[sflag:s9] =	ssyncset.done $0x0;
	v4 =	vand.u32 $0xFE, v4;
	v5 =	vbroadcast v5, $0x0;
	v2 =	vor.u32 v0, v2  }
0x89: {  	s0 =	simm.s32 $0x5;
	[sflag:s9] =	ssyncadd.s32 $0xFFFFF000;
	v6 =	vand.u32 $0xFF, v6;
	v4 =	vbroadcast v4, $0x0;
	v3 =	vor.u32 v0, v3  }
0x8a: {  	s18 =	simm.s32 $0x6;
	v7 =	vmov s0;
	_ =	swait.ge [sflag:s14], $0xFA0;
	v6 =	vbroadcast v6, $0x0;
	v8 =	vor.u32 v0, v5  }
0x8b: {  	[sflag:s14] =	ssyncset.done $0x0;
	v5 =	vand.u32 $0xFD, v7;
	v7 =	vmov s18;
	v4 =	vor.u32 v0, v4  }
0x8c: {  	s22 =	simm.s32 $0x4;
	[sflag:s14] =	ssyncadd.s32 $0xFFFFF060;
	v5 =	vbroadcast v5, $0x0;
	v7 =	vand.u32 $0xFE, v7  }
0x8d: {  	s16 =	sshll.u32 s15, $0x1;
	v9 =	vmov s22;
	s0 =	rddreg [dreg:$0xa];
	s18 =	simm.s32 $0xB;
	v6 =	vor.u32 v0, v6;
	v7 =	vbroadcast v7, $0x0;
	v10 =	vld.idx.msk [tilespmem:v2+s1+$0x0], $0xffff  }
0x8e: {  	s23 =	sadd.s32 s16, s0;
	v13 =	vor.u32 v0, v5;
	v5 =	vmov s18;
	v2 =	vand.u32 $0xFC, v9;
	v12 =	vld.idx.msk [tilespmem:v3+s1+$0x0], $0xffff  }
0x8f: {  	s30 =	simm.s32 $0x9;
	s17 =	smul.u32 $0xFA0, s23;
	v11 =	vand.u32 $0xFF, v5;
	v9 =	vbroadcast v2, $0x0  }
0x90: {  	v14 =	vbroadcast v11, $0x0;
	v3 =	vor.u32 v0, v7;
	v7 =	vmov s30;
	s30 =	simm.s32 $0xA;
	v2 =	vld.idx.msk [tilespmem:v4+s1+$0x0], $0xffff  }
0x91: {  	s22 =	simm.s32 $0x8;
	s18 =	simm.s32 $0xD820;
	s17 =	sadd.s32 s7, s17;
	v4 =	vld.idx.msk [tilespmem:v8+s1+$0x0], $0xffff;
	v7 =	vand.u32 $0xFD, v7;
	v8 =	vmov s30;
	v5 =	vor.u32 v0, v9  }
0x92: {  	s17 =	sshrl.u32 s17, $0x3;
	v11 =	vmov s22;
	v6 =	vld.idx.msk [tilespmem:v6+s1+$0x0], $0xffff;
	v9 =	vbroadcast v7, $0x0;
	v7 =	vand.u32 $0xFE, v8;
	[tilespmem:s18+$0x10] =	vst v10  }
0x93: {  	s17 =	sadd.s32 s8, s17;
	v11 =	vand.u32 $0xFC, v11;
	s30 =	simm.s32 $0xC;
	v8 =	vor.u32 v0, v14;
	v10 =	vbroadcast v7, $0x0;
	v7 =	vld.idx.msk [tilespmem:v13+s1+$0x0], $0xffff;
	[tilespmem:s18+$0xFFFFFFF0] =	vst v12  }
.LBB2_11:
0x94: {  	s22 =	sadd.s32 $0x3, s30  }
0x95: {  	p0 =	slt.u32 s30, $0xF4;
	v11 =	vbroadcast v11, $0x0;
	v12 =	vor.u32 v0, v9;
	[tilespmem:s18+$0x0] =	vst v2;
	v2 =	vld.idx.msk [tilespmem:v3+s1+$0x0], $0xffff;
	s23 =	smov.u32 s30;
	s30 =	sadd.s32 $0x4, s30  }
.Ltmp4:
0x96: {  	s0 =	sadd.s32 $0x1, s23;
	v9 =	vmov s22;
	v3 =	vor.u32 v0, v10;
	[tilespmem:s18+$0xFFFFFFE0] =	vst v4;
	v4 =	vld.idx.msk [tilespmem:v5+s1+$0x0], $0xffff;
	(pc) =	sbr.rel @p0 .LBB2_11-.Ltmp4, $4  }
0x97: {  	v10 =	vmov s0;
	s0 =	sadd.s32 $0x2, s23;
	v9 =	vand.u32 $0xFF, v9;
	v5 =	vor.u32 v0, v11  }
0x98: {  	s18 =	sadd.s32 $0x40, s18;
	v10 =	vand.u32 $0xFD, v10;
	v11 =	vmov s0;
	v13 =	vbroadcast v9, $0x0  }
0x99: {  	v14 =	vmov s23;
	v9 =	vbroadcast v10, $0x0;
	v10 =	vand.u32 $0xFE, v11;
	[tilespmem:s18+$0x10] =	vst v6;
	v6 =	vld.idx.msk [tilespmem:v8+s1+$0x0], $0xffff  }
0x9a: {  	v11 =	vand.u32 $0xFC, v14;
	v10 =	vbroadcast v10, $0x0;
	v8 =	vor.u32 v0, v13;
	[tilespmem:s18+$0xFFFFFFF0] =	vst v7;
	v7 =	vld.idx.msk [tilespmem:v12+s1+$0x0], $0xffff  }
0x9b: {  	_ =	sdelay $0x1  }
0x9c: {  	v11 =	vbroadcast v11, $0x0;
	v9 =	vor.u32 v0, v9  }
0x9d: {  	v10 =	vor.u32 v0, v10  }
0x9e: {  	v3 =	vld.idx.msk [tilespmem:v3+s1+$0x0], $0xffff;
	v11 =	vor.u32 v0, v11  }
0x9f: {  	[tilespmem:s18+$0x0] =	vst v2;
	v2 =	vld.idx.msk [tilespmem:v5+s1+$0x0], $0xffff  }
0xa0: {  	[tilespmem:s18+$0xFFFFFFE0] =	vst v4;
	s0 =	sadd.s32 $0x40, s18;
	v61 =	vld.idx.msk [tilespmem:v8+s1+$0x0], $0xffff  }
0xa1: {  	[tilespmem:s0+$0x10] =	vst v6;
	v62 =	vld.idx.msk [tilespmem:v9+s1+$0x0], $0xffff  }
0xa2: {  	[tilespmem:s0+$0xFFFFFFF0] =	vst v7;
	v63 =	vld.idx.msk [tilespmem:v10+s1+$0x0], $0xffff  }
0xa3: {  	[tilespmem:s0+$0x0] =	vst v3;
	v3 =	vld.idx.msk [tilespmem:v11+s1+$0x0], $0xffff  }
0xa4: {  	[tilespmem:s0+$0xFFFFFFE0] =	vst v2;
	s0 =	sadd.s32 $0x40, s0  }
0xa5: {  	[tilespmem:s0+$0x10] =	vst v61  }
0xa6: {  	[tilespmem:s0+$0xFFFFFFF0] =	vst v62  }
0xa7: {  	[tilespmem:s0+$0x0] =	vst v63  }
0xa8: {  	s18 =	simm.s32 $0xF8;
	s30 =	simm.s32 $0xE780;
	[tilespmem:s0+$0xFFFFFFE0] =	vst v3  }
.LBB2_13:
0xa9: {  	v2 =	vmov s18  }
0xaa: {  	v2 =	vand.u32 $0xFF, v2  }
0xab: {  	v2 =	vbroadcast v2, $0x0;
	_ =	sdelay $0x1  }
0xac: {  	v2 =	vor.u32 v0, v2;
	_ =	sdelay $0x4  }
0xad: {  	p0 =	sne.s32 s18, $0xF9;
	v2 =	vld.idx.msk [tilespmem:v2+s1+$0x0], $0xffff  }
.Ltmp5:
0xae: {  	_ = 	snop;
	(pc) =	sbr.rel @p0 .LBB2_13-.Ltmp5, $2  }
0xaf: {  	_ =	sdelay $0x2  }
0xb0: {  	s18 =	sadd.s32 $0x1, s18;
	[tilespmem:s30+$0x0] =	vst v2;
	s30 =	sadd.s32 $0x10, s30  }
0xb1: {  	s0 =	simm.s32 $0x0;
	s18 =	simm.s32 $0xD800;
	s22 =	rddreg [dreg:$0xb]  }
0xb2: {  	[hbm4b:s17+s0] =	stream.linear.scatter [tilespmem:s18], [sflag:$0x9], $0xFA0, $0x38;
	[tilespmem:$0xF740] =	vst v63  }
0xb3: {  	s23 =	simm.s32 $0x3;
	s17 =	sadd.s32 s16, s22  }
0xb4: {  	s22 =	simm.s32 $0x1;
	v2 =	vmov s23;
	s17 =	sshll.u32 s17, $0x5  }
0xb5: {  	s23 =	simm.s32 $0x2;
	v5 =	vmov s0;
	s18 =	simm.s32 $0x5;
	v3 =	vmov s22;
	v2 =	vand.u32 $0xFF, v2;
	s17 =	sadd.s32 s5, s17  }
0xb6: {  	v4 =	vmov s23;
	v3 =	vand.u32 $0xFD, v3;
	v2 =	vbroadcast v2, $0x0;
	[tilespmem:s1], [sflag:$0x7] =	stream.strided.gather [hbm4b:s17+s31], $0x1000, s26, s31, $0x38;
	[tilespmem:$0xF740] =	vst v63  }
0xb7: {  	v5 =	vand.u32 $0xFC, v5;
	v7 =	vmov s18;
	v3 =	vbroadcast v3, $0x0;
	_ =	swait.ge [sflag:s12], $0x1000  }
0xb8: {  	v4 =	vand.u32 $0xFE, v4;
	v5 =	vbroadcast v5, $0x0;
	s17 =	simm.s32 $0x7;
	v2 =	vor.u32 v0, v2;
	[sflag:s12] =	ssyncset.done $0x0  }
0xb9: {  	v4 =	vbroadcast v4, $0x0;
	v6 =	vmov s17;
	v3 =	vor.u32 v0, v3;
	[sflag:s12] =	ssyncadd.s32 $0xFFFFF000  }
0xba: {  	s22 =	simm.s32 $0x6;
	v8 =	vor.u32 v0, v5;
	v5 =	vand.u32 $0xFD, v7;
	v6 =	vand.u32 $0xFF, v6;
	_ =	swait.ge [sflag:s19], $0xFA0  }
0xbb: {  	v7 =	vmov s22;
	v4 =	vor.u32 v0, v4;
	v6 =	vbroadcast v6, $0x0;
	[sflag:s19] =	ssyncset.done $0x0  }
0xbc: {  	s23 =	simm.s32 $0x4;
	v5 =	vbroadcast v5, $0x0;
	v7 =	vand.u32 $0xFE, v7;
	[sflag:s19] =	ssyncadd.s32 $0xFFFFF060  }
0xbd: {  	v9 =	vmov s23;
	s22 =	simm.s32 $0xB;
	v7 =	vbroadcast v7, $0x0;
	v6 =	vor.u32 v0, v6;
	s18 =	rddreg [dreg:$0xc];
	v10 =	vld.idx.msk [tilespmem:v2+s6+$0x0], $0xffff  }
0xbe: {  	v13 =	vor.u32 v0, v5;
	v5 =	vmov s22;
	s0 =	sadd.s32 s16, s18;
	v2 =	vand.u32 $0xFC, v9;
	v12 =	vld.idx.msk [tilespmem:v3+s6+$0x0], $0xffff  }
0xbf: {  	s23 =	simm.s32 $0x9;
	v11 =	vand.u32 $0xFF, v5;
	s0 =	smul.u32 $0xFA0, s0;
	v9 =	vbroadcast v2, $0x0  }
0xc0: {  	s22 =	simm.s32 $0xA;
	v14 =	vbroadcast v11, $0x0;
	v3 =	vor.u32 v0, v7;
	v7 =	vmov s23;
	v2 =	vld.idx.msk [tilespmem:v4+s6+$0x0], $0xffff  }
0xc1: {  	s18 =	simm.s32 $0xE7C0;
	s23 =	simm.s32 $0x8;
	v4 =	vld.idx.msk [tilespmem:v8+s6+$0x0], $0xffff;
	v7 =	vand.u32 $0xFD, v7;
	v8 =	vmov s22;
	s0 =	sadd.s32 s7, s0;
	v5 =	vor.u32 v0, v9  }
0xc2: {  	v11 =	vmov s23;
	s0 =	sshrl.u32 s0, $0x3;
	v9 =	vbroadcast v7, $0x0;
	v7 =	vand.u32 $0xFE, v8;
	v6 =	vld.idx.msk [tilespmem:v6+s6+$0x0], $0xffff;
	[tilespmem:s18+$0x10] =	vst v10  }
0xc3: {  	s30 =	simm.s32 $0xC;
	v11 =	vand.u32 $0xFC, v11;
	v8 =	vor.u32 v0, v14;
	s17 =	sadd.s32 s8, s0;
	v10 =	vbroadcast v7, $0x0;
	v7 =	vld.idx.msk [tilespmem:v13+s6+$0x0], $0xffff;
	[tilespmem:s18+$0xFFFFFFF0] =	vst v12  }
.LBB2_15:
0xc4: {  	s0 =	sadd.s32 $0x3, s30  }
0xc5: {  	p0 =	slt.u32 s30, $0xF4;
	v11 =	vbroadcast v11, $0x0;
	v12 =	vor.u32 v0, v9;
	[tilespmem:s18+$0x0] =	vst v2;
	v2 =	vld.idx.msk [tilespmem:v3+s6+$0x0], $0xffff;
	s22 =	smov.u32 s30;
	s30 =	sadd.s32 $0x4, s30  }
.Ltmp6:
0xc6: {  	s23 =	sadd.s32 $0x1, s22;
	v9 =	vmov s0;
	v3 =	vor.u32 v0, v10;
	[tilespmem:s18+$0xFFFFFFE0] =	vst v4;
	v4 =	vld.idx.msk [tilespmem:v5+s6+$0x0], $0xffff;
	(pc) =	sbr.rel @p0 .LBB2_15-.Ltmp6, $4  }
0xc7: {  	s0 =	sadd.s32 $0x2, s22;
	v10 =	vmov s23;
	v9 =	vand.u32 $0xFF, v9;
	v5 =	vor.u32 v0, v11  }
0xc8: {  	s18 =	sadd.s32 $0x40, s18;
	v11 =	vmov s0;
	v10 =	vand.u32 $0xFD, v10;
	v13 =	vbroadcast v9, $0x0  }
0xc9: {  	v14 =	vmov s22;
	v9 =	vbroadcast v10, $0x0;
	v10 =	vand.u32 $0xFE, v11;
	[tilespmem:s18+$0x10] =	vst v6;
	v6 =	vld.idx.msk [tilespmem:v8+s6+$0x0], $0xffff  }
0xca: {  	v11 =	vand.u32 $0xFC, v14;
	v10 =	vbroadcast v10, $0x0;
	v8 =	vor.u32 v0, v13;
	[tilespmem:s18+$0xFFFFFFF0] =	vst v7;
	v7 =	vld.idx.msk [tilespmem:v12+s6+$0x0], $0xffff  }
0xcb: {  	_ =	sdelay $0x1  }
0xcc: {  	v11 =	vbroadcast v11, $0x0;
	v9 =	vor.u32 v0, v9  }
0xcd: {  	v10 =	vor.u32 v0, v10  }
0xce: {  	v3 =	vld.idx.msk [tilespmem:v3+s6+$0x0], $0xffff;
	v11 =	vor.u32 v0, v11  }
0xcf: {  	[tilespmem:s18+$0x0] =	vst v2;
	v2 =	vld.idx.msk [tilespmem:v5+s6+$0x0], $0xffff  }
0xd0: {  	[tilespmem:s18+$0xFFFFFFE0] =	vst v4;
	s0 =	sadd.s32 $0x40, s18;
	v61 =	vld.idx.msk [tilespmem:v8+s6+$0x0], $0xffff  }
0xd1: {  	[tilespmem:s0+$0x10] =	vst v6;
	v62 =	vld.idx.msk [tilespmem:v9+s6+$0x0], $0xffff  }
0xd2: {  	[tilespmem:s0+$0xFFFFFFF0] =	vst v7;
	v63 =	vld.idx.msk [tilespmem:v10+s6+$0x0], $0xffff  }
0xd3: {  	[tilespmem:s0+$0x0] =	vst v3;
	v3 =	vld.idx.msk [tilespmem:v11+s6+$0x0], $0xffff  }
0xd4: {  	[tilespmem:s0+$0xFFFFFFE0] =	vst v2;
	s0 =	sadd.s32 $0x40, s0  }
0xd5: {  	[tilespmem:s0+$0x10] =	vst v61  }
0xd6: {  	[tilespmem:s0+$0xFFFFFFF0] =	vst v62  }
0xd7: {  	[tilespmem:s0+$0x0] =	vst v63  }
0xd8: {  	s18 =	simm.s32 $0xF8;
	s30 =	simm.s32 $0xF720;
	[tilespmem:s0+$0xFFFFFFE0] =	vst v3  }
.LBB2_17:
0xd9: {  	v2 =	vmov s18  }
0xda: {  	v2 =	vand.u32 $0xFF, v2  }
0xdb: {  	v2 =	vbroadcast v2, $0x0;
	_ =	sdelay $0x1  }
0xdc: {  	v2 =	vor.u32 v0, v2;
	_ =	sdelay $0x4  }
0xdd: {  	p0 =	sne.s32 s18, $0xF9;
	v2 =	vld.idx.msk [tilespmem:v2+s6+$0x0], $0xffff  }
.Ltmp7:
0xde: {  	_ = 	snop;
	(pc) =	sbr.rel @p0 .LBB2_17-.Ltmp7, $2  }
0xdf: {  	_ =	sdelay $0x2  }
0xe0: {  	s18 =	sadd.s32 $0x1, s18;
	[tilespmem:s30+$0x0] =	vst v2;
	s30 =	sadd.s32 $0x10, s30  }
0xe1: {  	s0 =	simm.s32 $0xE7A0;
	s15 =	sadd.s32 $0x1, s15  }
0xe2: {  	[hbm4b:s17+s3] =	stream.linear.scatter [tilespmem:s0], [sflag:$0xA], $0xFA0, $0x38;
	[tilespmem:$0xF740] =	vst v63  }
0xe3: {  	p0 =	sne.s32 s15, $0x7B  }
.Ltmp8:
0xe4: {  	s30 =	rddreg [dreg:$0xd];
	(pc) =	sbr.rel @p0 .LBB2_10-.Ltmp8, $4  }
0xe5: {  	s0 =	sadd.s32 s16, s30  }
0xe6: {  	s0 =	sshll.u32 s0, $0x5  }
0xe7: {  	s0 =	sadd.s32 s5, s0  }
0xe8: {  	[tilespmem:s6], [sflag:$0x8] =	stream.strided.gather [hbm4b:s0+s31], $0x1000, s26, s31, $0x38;
	[tilespmem:$0xF740] =	vst v63  }
0xe9: {  	s0 =	simm.s32 $0x3  }
0xea: {  	s2 =	simm.s32 $0x1;
	v2 =	vmov s0  }
0xeb: {  	v3 =	vmov s2;
	s2 =	simm.s32 $0x2;
	v2 =	vand.u32 $0xFF, v2  }
0xec: {  	s15 =	simm.s32 $0x0;
	v3 =	vand.u32 $0xFD, v3;
	v4 =	vmov s2;
	v2 =	vbroadcast v2, $0x0  }
0xed: {  	_ =	swait.ge [sflag:s9], $0x1000;
	s16 =	simm.s32 $0x7;
	v5 =	vmov s15;
	v4 =	vand.u32 $0xFE, v4;
	v3 =	vbroadcast v3, $0x0  }
0xee: {  	[sflag:s9] =	ssyncset.done $0x0;
	v6 =	vmov s16;
	v4 =	vbroadcast v4, $0x0;
	v2 =	vor.u32 v0, v2  }
0xef: {  	s17 =	simm.s32 $0x5;
	v5 =	vand.u32 $0xFC, v5;
	[sflag:s9] =	ssyncadd.s32 $0xFFFFF000;
	v6 =	vand.u32 $0xFF, v6;
	v3 =	vor.u32 v0, v3  }
0xf0: {  	v5 =	vbroadcast v5, $0x0;
	_ =	swait.ge [sflag:s14], $0xFA0;
	v7 =	vor.u32 v0, v4;
	v4 =	vmov s17  }
0xf1: {  	s18 =	simm.s32 $0x6;
	v6 =	vbroadcast v6, $0x0;
	[sflag:s14] =	ssyncset.done $0x0;
	v4 =	vand.u32 $0xFD, v4  }
0xf2: {  	s22 =	simm.s32 $0x4;
	v8 =	vor.u32 v0, v5;
	v5 =	vmov s18;
	[sflag:s14] =	ssyncadd.s32 $0xFFFFF060;
	v4 =	vbroadcast v4, $0x0  }
0xf3: {  	v9 =	vmov s22;
	v6 =	vor.u32 v0, v6;
	v5 =	vand.u32 $0xFE, v5;
	v10 =	vld.idx.msk [tilespmem:v2+s1+$0x0], $0xffff  }
0xf4: {  	s23 =	simm.s32 $0xB;
	s26 =	simm.s32 $0x9;
	v5 =	vbroadcast v5, $0x0;
	v2 =	vand.u32 $0xFC, v9;
	v12 =	vld.idx.msk [tilespmem:v3+s1+$0x0], $0xffff;
	v13 =	vor.u32 v0, v4  }
0xf5: {  	v9 =	vmov s23;
	v3 =	vbroadcast v2, $0x0;
	v2 =	vld.idx.msk [tilespmem:v7+s1+$0x0], $0xffff;
	v7 =	vmov s26  }
0xf6: {  	s30 =	simm.s32 $0xA;
	v4 =	vor.u32 v0, v5;
	v9 =	vand.u32 $0xFF, v9;
	v7 =	vand.u32 $0xFD, v7  }
0xf7: {  	s15 =	simm.s32 $0x8;
	s2 =	simm.s32 $0xD820;
	v14 =	vbroadcast v9, $0x0;
	v5 =	vor.u32 v0, v3;
	v3 =	vld.idx.msk [tilespmem:v8+s1+$0x0], $0xffff;
	v8 =	vmov s30  }
0xf8: {  	v11 =	vmov s15;
	v6 =	vld.idx.msk [tilespmem:v6+s1+$0x0], $0xffff;
	v9 =	vbroadcast v7, $0x0;
	v7 =	vand.u32 $0xFE, v8;
	[tilespmem:s2+$0x10] =	vst v10  }
0xf9: {  	s15 =	simm.s32 $0xC;
	v11 =	vand.u32 $0xFC, v11;
	v8 =	vor.u32 v0, v14;
	v10 =	vbroadcast v7, $0x0;
	v7 =	vld.idx.msk [tilespmem:v13+s1+$0x0], $0xffff;
	[tilespmem:s2+$0xFFFFFFF0] =	vst v12  }
.LBB2_20:
0xfa: {  	s0 =	sadd.s32 $0x3, s15  }
0xfb: {  	p0 =	slt.u32 s15, $0xF4;
	v11 =	vbroadcast v11, $0x0;
	v12 =	vor.u32 v0, v9;
	[tilespmem:s2+$0x0] =	vst v2;
	v2 =	vld.idx.msk [tilespmem:v4+s1+$0x0], $0xffff;
	s16 =	smov.u32 s15;
	s15 =	sadd.s32 $0x4, s15  }
.Ltmp9:
0xfc: {  	s17 =	sadd.s32 $0x1, s16;
	v9 =	vmov s0;
	v4 =	vor.u32 v0, v10;
	[tilespmem:s2+$0xFFFFFFE0] =	vst v3;
	v3 =	vld.idx.msk [tilespmem:v5+s1+$0x0], $0xffff;
	(pc) =	sbr.rel @p0 .LBB2_20-.Ltmp9, $4  }
0xfd: {  	s0 =	sadd.s32 $0x2, s16;
	v10 =	vmov s17;
	v9 =	vand.u32 $0xFF, v9;
	v5 =	vor.u32 v0, v11  }
0xfe: {  	s2 =	sadd.s32 $0x40, s2;
	v11 =	vmov s0;
	v10 =	vand.u32 $0xFD, v10;
	v13 =	vbroadcast v9, $0x0  }
0xff: {  	v14 =	vmov s16;
	v9 =	vbroadcast v10, $0x0;
	v10 =	vand.u32 $0xFE, v11;
	[tilespmem:s2+$0x10] =	vst v6;
	v6 =	vld.idx.msk [tilespmem:v8+s1+$0x0], $0xffff  }
0x100: {  	v11 =	vand.u32 $0xFC, v14;
	v10 =	vbroadcast v10, $0x0;
	v8 =	vor.u32 v0, v13;
	[tilespmem:s2+$0xFFFFFFF0] =	vst v7;
	v7 =	vld.idx.msk [tilespmem:v12+s1+$0x0], $0xffff  }
0x101: {  	_ =	sdelay $0x1  }
0x102: {  	v11 =	vbroadcast v11, $0x0;
	v9 =	vor.u32 v0, v9  }
0x103: {  	v10 =	vor.u32 v0, v10  }
0x104: {  	v4 =	vld.idx.msk [tilespmem:v4+s1+$0x0], $0xffff;
	v11 =	vor.u32 v0, v11  }
0x105: {  	[tilespmem:s2+$0x0] =	vst v2;
	v2 =	vld.idx.msk [tilespmem:v5+s1+$0x0], $0xffff  }
0x106: {  	[tilespmem:s2+$0xFFFFFFE0] =	vst v3;
	s0 =	sadd.s32 $0x40, s2;
	v3 =	vld.idx.msk [tilespmem:v8+s1+$0x0], $0xffff  }
0x107: {  	[tilespmem:s0+$0x10] =	vst v6;
	v61 =	vld.idx.msk [tilespmem:v9+s1+$0x0], $0xffff  }
0x108: {  	[tilespmem:s0+$0xFFFFFFF0] =	vst v7;
	v62 =	vld.idx.msk [tilespmem:v10+s1+$0x0], $0xffff  }
0x109: {  	[tilespmem:s0+$0x0] =	vst v4;
	v63 =	vld.idx.msk [tilespmem:v11+s1+$0x0], $0xffff  }
0x10a: {  	[tilespmem:s0+$0xFFFFFFE0] =	vst v2;
	s0 =	sadd.s32 $0x40, s0  }
0x10b: {  	[tilespmem:s0+$0x10] =	vst v3  }
0x10c: {  	[tilespmem:s0+$0xFFFFFFF0] =	vst v61  }
0x10d: {  	[tilespmem:s0+$0x0] =	vst v62  }
0x10e: {  	s2 =	simm.s32 $0xF8;
	s22 =	rddreg [dreg:$0x1];
	[tilespmem:s0+$0xFFFFFFE0] =	vst v63  }
0x10f: {  	s15 =	simm.s32 $0xE780;
	s26 =	simm.s32 $0x6400;
	s23 =	rddreg [dreg:$0x10]  }
.LBB2_22:
0x110: {  	v2 =	vmov s2  }
0x111: {  	v2 =	vand.u32 $0xFF, v2  }
0x112: {  	v2 =	vbroadcast v2, $0x0;
	_ =	sdelay $0x1  }
0x113: {  	v2 =	vor.u32 v0, v2;
	_ =	sdelay $0x4  }
0x114: {  	p0 =	sne.s32 s2, $0xF9;
	v2 =	vld.idx.msk [tilespmem:v2+s1+$0x0], $0xffff  }
.Ltmp10:
0x115: {  	_ = 	snop;
	(pc) =	sbr.rel @p0 .LBB2_22-.Ltmp10, $2  }
0x116: {  	_ =	sdelay $0x2  }
0x117: {  	s2 =	sadd.s32 $0x1, s2;
	[tilespmem:s15+$0x0] =	vst v2;
	s15 =	sadd.s32 $0x10, s15  }
0x118: {  	s0 =	simm.s32 $0x3  }
0x119: {  	s2 =	simm.s32 $0x1;
	s15 =	simm.s32 $0x2;
	v2 =	vmov s0  }
0x11a: {  	s16 =	simm.s32 $0x0;
	s17 =	rddreg [dreg:$0x15];
	v3 =	vmov s2;
	v4 =	vmov s15;
	s15 =	simm.s32 $0xD800;
	v2 =	vand.u32 $0xFF, v2  }
0x11b: {  	v3 =	vand.u32 $0xFD, v3;
	[hbm4b:s17+s16] =	stream.linear.scatter [tilespmem:s15], [sflag:$0x9], $0xFA0, $0x38;
	v2 =	vbroadcast v2, $0x0;
	[tilespmem:$0xF740] =	vst v63  }
0x11c: {  	s18 =	simm.s32 $0x7;
	v5 =	vmov s16;
	v4 =	vand.u32 $0xFE, v4;
	_ =	swait.ge [sflag:s12], $0x1000;
	v3 =	vbroadcast v3, $0x0  }
0x11d: {  	v6 =	vmov s18;
	v4 =	vbroadcast v4, $0x0;
	[sflag:s12] =	ssyncset.done $0x0;
	v2 =	vor.u32 v0, v2  }
0x11e: {  	s30 =	simm.s32 $0x5;
	v5 =	vand.u32 $0xFC, v5;
	v6 =	vand.u32 $0xFF, v6;
	[sflag:s12] =	ssyncadd.s32 $0xFFFFF000;
	v3 =	vor.u32 v0, v3  }
0x11f: {  	v5 =	vbroadcast v5, $0x0;
	v7 =	vor.u32 v0, v4;
	v4 =	vmov s30;
	_ =	swait.ge [sflag:s19], $0xFA0  }
0x120: {  	s2 =	simm.s32 $0x6;
	v6 =	vbroadcast v6, $0x0;
	v4 =	vand.u32 $0xFD, v4;
	[sflag:s19] =	ssyncset.done $0x0  }
0x121: {  	s15 =	simm.s32 $0x4;
	v8 =	vor.u32 v0, v5;
	v5 =	vmov s2;
	v4 =	vbroadcast v4, $0x0;
	[sflag:s19] =	ssyncadd.s32 $0xFFFFF060  }
0x122: {  	v9 =	vmov s15;
	v6 =	vor.u32 v0, v6;
	v5 =	vand.u32 $0xFE, v5;
	v10 =	vld.idx.msk [tilespmem:v2+s6+$0x0], $0xffff  }
0x123: {  	s16 =	simm.s32 $0xB;
	s17 =	simm.s32 $0x9;
	v5 =	vbroadcast v5, $0x0;
	v13 =	vor.u32 v0, v4;
	v2 =	vand.u32 $0xFC, v9;
	v12 =	vld.idx.msk [tilespmem:v3+s6+$0x0], $0xffff  }
0x124: {  	v9 =	vmov s16;
	v3 =	vbroadcast v2, $0x0;
	v2 =	vld.idx.msk [tilespmem:v7+s6+$0x0], $0xffff;
	v7 =	vmov s17  }
0x125: {  	s18 =	simm.s32 $0xA;
	v4 =	vor.u32 v0, v5;
	v9 =	vand.u32 $0xFF, v9;
	v7 =	vand.u32 $0xFD, v7  }
0x126: {  	s2 =	simm.s32 $0xE7C0;
	s30 =	simm.s32 $0x8;
	v14 =	vbroadcast v9, $0x0;
	v5 =	vor.u32 v0, v3;
	v3 =	vld.idx.msk [tilespmem:v8+s6+$0x0], $0xffff;
	v8 =	vmov s18  }
0x127: {  	v11 =	vmov s30;
	v6 =	vld.idx.msk [tilespmem:v6+s6+$0x0], $0xffff;
	v9 =	vbroadcast v7, $0x0;
	v7 =	vand.u32 $0xFE, v8;
	[tilespmem:s2+$0x10] =	vst v10  }
0x128: {  	s15 =	simm.s32 $0xC;
	v11 =	vand.u32 $0xFC, v11;
	v8 =	vor.u32 v0, v14;
	v10 =	vbroadcast v7, $0x0;
	v7 =	vld.idx.msk [tilespmem:v13+s6+$0x0], $0xffff;
	[tilespmem:s2+$0xFFFFFFF0] =	vst v12  }
.LBB2_24:
0x129: {  	s0 =	sadd.s32 $0x3, s15  }
0x12a: {  	p0 =	slt.u32 s15, $0xF4;
	v11 =	vbroadcast v11, $0x0;
	v12 =	vor.u32 v0, v9;
	[tilespmem:s2+$0x0] =	vst v2;
	v2 =	vld.idx.msk [tilespmem:v4+s6+$0x0], $0xffff;
	s16 =	smov.u32 s15;
	s15 =	sadd.s32 $0x4, s15  }
.Ltmp11:
0x12b: {  	s17 =	sadd.s32 $0x1, s16;
	v9 =	vmov s0;
	v4 =	vor.u32 v0, v10;
	[tilespmem:s2+$0xFFFFFFE0] =	vst v3;
	v3 =	vld.idx.msk [tilespmem:v5+s6+$0x0], $0xffff;
	(pc) =	sbr.rel @p0 .LBB2_24-.Ltmp11, $4  }
0x12c: {  	s0 =	sadd.s32 $0x2, s16;
	v10 =	vmov s17;
	v9 =	vand.u32 $0xFF, v9;
	v5 =	vor.u32 v0, v11  }
0x12d: {  	s2 =	sadd.s32 $0x40, s2;
	v11 =	vmov s0;
	v10 =	vand.u32 $0xFD, v10;
	v13 =	vbroadcast v9, $0x0  }
0x12e: {  	v14 =	vmov s16;
	v9 =	vbroadcast v10, $0x0;
	v10 =	vand.u32 $0xFE, v11;
	[tilespmem:s2+$0x10] =	vst v6;
	v6 =	vld.idx.msk [tilespmem:v8+s6+$0x0], $0xffff  }
0x12f: {  	v11 =	vand.u32 $0xFC, v14;
	v10 =	vbroadcast v10, $0x0;
	v8 =	vor.u32 v0, v13;
	[tilespmem:s2+$0xFFFFFFF0] =	vst v7;
	v7 =	vld.idx.msk [tilespmem:v12+s6+$0x0], $0xffff  }
0x130: {  	_ =	sdelay $0x1  }
0x131: {  	v11 =	vbroadcast v11, $0x0;
	v9 =	vor.u32 v0, v9  }
0x132: {  	v10 =	vor.u32 v0, v10  }
0x133: {  	v4 =	vld.idx.msk [tilespmem:v4+s6+$0x0], $0xffff;
	v11 =	vor.u32 v0, v11  }
0x134: {  	[tilespmem:s2+$0x0] =	vst v2;
	v2 =	vld.idx.msk [tilespmem:v5+s6+$0x0], $0xffff  }
0x135: {  	[tilespmem:s2+$0xFFFFFFE0] =	vst v3;
	s0 =	sadd.s32 $0x40, s2;
	v3 =	vld.idx.msk [tilespmem:v8+s6+$0x0], $0xffff  }
0x136: {  	[tilespmem:s0+$0x10] =	vst v6;
	v61 =	vld.idx.msk [tilespmem:v9+s6+$0x0], $0xffff  }
0x137: {  	[tilespmem:s0+$0xFFFFFFF0] =	vst v7;
	v62 =	vld.idx.msk [tilespmem:v10+s6+$0x0], $0xffff  }
0x138: {  	[tilespmem:s0+$0x0] =	vst v4;
	v63 =	vld.idx.msk [tilespmem:v11+s6+$0x0], $0xffff  }
0x139: {  	[tilespmem:s0+$0xFFFFFFE0] =	vst v2;
	s0 =	sadd.s32 $0x40, s0  }
0x13a: {  	[tilespmem:s0+$0x10] =	vst v3  }
0x13b: {  	[tilespmem:s0+$0xFFFFFFF0] =	vst v61  }
0x13c: {  	[tilespmem:s0+$0x0] =	vst v62  }
0x13d: {  	s2 =	simm.s32 $0xF8;
	s15 =	simm.s32 $0xF720;
	[tilespmem:s0+$0xFFFFFFE0] =	vst v63  }
.LBB2_26:
0x13e: {  	v2 =	vmov s2  }
0x13f: {  	v2 =	vand.u32 $0xFF, v2  }
0x140: {  	v2 =	vbroadcast v2, $0x0;
	_ =	sdelay $0x1  }
0x141: {  	v2 =	vor.u32 v0, v2;
	_ =	sdelay $0x4  }
0x142: {  	p0 =	sne.s32 s2, $0xF9;
	v2 =	vld.idx.msk [tilespmem:v2+s6+$0x0], $0xffff  }
.Ltmp12:
0x143: {  	_ = 	snop;
	(pc) =	sbr.rel @p0 .LBB2_26-.Ltmp12, $2  }
0x144: {  	_ =	sdelay $0x2  }
0x145: {  	s2 =	sadd.s32 $0x1, s2;
	[tilespmem:s15+$0x0] =	vst v2;
	s15 =	sadd.s32 $0x10, s15  }
0x146: {  	s0 =	rddreg [dreg:$0x16];
	s2 =	simm.s32 $0xE7A0  }
0x147: {  	[hbm4b:s0+s3] =	stream.linear.scatter [tilespmem:s2], [sflag:$0xA], $0xFA0, $0x38;
	[tilespmem:$0xF740] =	vst v63  }
0x148: {  	_ =	swait.ge [sflag:s14], $0xFA0  }
0x149: {  	[sflag:s14] =	ssyncset.done $0x0  }
0x14a: {  	[sflag:s14] =	ssyncadd.s32 $0xFFFFF060  }
0x14b: {  	_ =	swait.ge [sflag:s19], $0xFA0  }
0x14c: {  	[sflag:s19] =	ssyncset.done $0x0  }
0x14d: {  	[sflag:s19] =	ssyncadd.s32 $0xFFFFF060  }
0x14e: {  	[bflag:$0x0] =	sbarrier.arrive $0xFFFF  }
0x14f: {  	s30 =	simm.s32 $0xB400;
	s15 =	simm.s32 $0xB;
	s18 =	rddreg [dreg:$0x3]  }
0x150: {  	[tilespmem:s30], [sflag:$0xB] =	stream.linear.gather [hbm4b:s18+s3], $0x400, $0x38;
	[tilespmem:$0xF740] =	vst v63  }
0x151: {  	_ =	swait.ge [sflag:s15], $0x400  }
0x152: {  	[sflag:s15] =	ssyncset.done $0x0  }
0x153: {  	s16 =	rddreg [dreg:$0xe];
	[sflag:s15] =	ssyncadd.s32 $0xFFFFFC00  }
0x154: {  	[tilespmem:s3], [sflag:$0xB] =	stream.linear.gather [hbm4b:s16+s3], $0x6400, $0x38;
	[tilespmem:$0xF740] =	vst v63  }
0x155: {  	_ =	swait.ge [sflag:s15], $0x6400  }
0x156: {  	[sflag:s15] =	ssyncset.done $0x0  }
0x157: {  	[sflag:s15] =	ssyncadd.s32 $0xFFFF9C00  }
0x158: {  	v2 =	vld [tilespmem:$0xB400]  }
0x159: {  	v3 =	vld [tilespmem:$0xB430]  }
0x15a: {  	v7 =	vld [tilespmem:$0xB450]  }
0x15b: {  	v8 =	vld [tilespmem:$0xB460]  }
0x15c: {  	v5 =	vld [tilespmem:$0xB470]  }
0x15d: {  	v6 =	vld [tilespmem:$0xB480]  }
0x15e: {  	v11 =	vld [tilespmem:$0xB490]  }
0x15f: {  	v12 =	vld [tilespmem:$0xB4A0]  }
0x160: {  	v13 =	vld [tilespmem:$0xB4B0]  }
0x161: {  	v14 =	vld [tilespmem:$0xB4C0]  }
0x162: {  	v15 =	vld [tilespmem:$0xB4D0]  }
0x163: {  	v16 =	vld [tilespmem:$0xB4E0]  }
0x164: {  	v9 =	vld [tilespmem:$0xB4F0]  }
0x165: {  	v10 =	vld [tilespmem:$0xB500]  }
0x166: {  	v19 =	vld [tilespmem:$0xB510]  }
0x167: {  	v20 =	vld [tilespmem:$0xB520]  }
0x168: {  	v21 =	vld [tilespmem:$0xB530]  }
0x169: {  	v22 =	vld [tilespmem:$0xB540]  }
0x16a: {  	v23 =	vld [tilespmem:$0xB550]  }
0x16b: {  	v24 =	vld [tilespmem:$0xB560]  }
0x16c: {  	v25 =	vld [tilespmem:$0xB570]  }
0x16d: {  	v26 =	vld [tilespmem:$0xB580]  }
0x16e: {  	v27 =	vld [tilespmem:$0xB590]  }
0x16f: {  	v28 =	vld [tilespmem:$0xB5A0]  }
0x170: {  	v29 =	vld [tilespmem:$0xB5B0]  }
0x171: {  	v30 =	vld [tilespmem:$0xB5C0]  }
0x172: {  	v31 =	vld [tilespmem:$0xB5D0]  }
0x173: {  	v32 =	vld [tilespmem:$0xB5E0]  }
0x174: {  	v17 =	vld [tilespmem:$0xB5F0]  }
0x175: {  	v34 =	vld [tilespmem:$0xB600]  }
0x176: {  	v18 =	vld [tilespmem:$0xB610]  }
0x177: {  	v36 =	vld [tilespmem:$0xB620]  }
0x178: {  	v37 =	vld [tilespmem:$0xB630]  }
0x179: {  	v38 =	vld [tilespmem:$0xB640]  }
0x17a: {  	v39 =	vld [tilespmem:$0xB650]  }
0x17b: {  	v40 =	vld [tilespmem:$0xB660]  }
0x17c: {  	v41 =	vld [tilespmem:$0xB670]  }
0x17d: {  	v42 =	vld [tilespmem:$0xB680]  }
0x17e: {  	v43 =	vld [tilespmem:$0xB690]  }
0x17f: {  	v44 =	vld [tilespmem:$0xB6A0]  }
0x180: {  	v45 =	vld [tilespmem:$0xB6B0]  }
0x181: {  	v46 =	vld [tilespmem:$0xB6C0]  }
0x182: {  	v47 =	vld [tilespmem:$0xB6D0]  }
0x183: {  	v48 =	vld [tilespmem:$0xB6E0]  }
0x184: {  	v49 =	vld [tilespmem:$0xB6F0]  }
0x185: {  	v50 =	vld [tilespmem:$0xB700]  }
0x186: {  	v51 =	vld [tilespmem:$0xB710]  }
0x187: {  	v52 =	vld [tilespmem:$0xB720]  }
0x188: {  	v53 =	vld [tilespmem:$0xB730]  }
0x189: {  	v54 =	vld [tilespmem:$0xB740]  }
0x18a: {  	v55 =	vld [tilespmem:$0xB750]  }
0x18b: {  	v56 =	vld [tilespmem:$0xB760]  }
0x18c: {  	v57 =	vld [tilespmem:$0xB770]  }
0x18d: {  	[tilespmem:$0x1FFC0] =	vst v2;
	v2 =	vld [tilespmem:$0xB410]  }
0x18e: {  	v58 =	vld [tilespmem:$0xB780]  }
0x18f: {  	v59 =	vld [tilespmem:$0xB790]  }
0x190: {  	v60 =	vld [tilespmem:$0xB7A0]  }
0x191: {  	v61 =	vld [tilespmem:$0xB7B0]  }
0x192: {  	[tilespmem:$0x1FFD0] =	vst v2;
	v2 =	vld [tilespmem:$0xB420]  }
0x193: {  	v62 =	vld [tilespmem:$0xB7C0]  }
0x194: {  	v63 =	vld [tilespmem:$0xB7D0]  }
0x195: {  	v35 =	vld [tilespmem:$0xB7E0]  }
0x196: {  	v33 =	vld [tilespmem:$0xB7F0]  }
0x197: {  	[tilespmem:$0x1FFE0] =	vst v2;
	v2 =	vld [tilespmem:$0xB440];
	[tilespmem:s26], [sflag:$0x1] =	stream.indirect.gather [hbm4b:s4+s25], $0x40, s3, s25, $0xb8  }
0x198: {  	s17 =	simm.s32 $0xA400  }
0x199: {  	[tilespmem:s17], [sflag:$0x3] =	stream.indirect.gather [hbm4b:s20+s25], $0x10, s3, s25, $0xb8;
	[tilespmem:$0xF740] =	vst v63  }
0x19a: {  	_ = 	snop  }
0x19b: {  	[tilespmem:s29], [sflag:$0x2] =	stream.indirect.gather [hbm4b:s4+s25], $0x40, s25, s25, $0xb8;
	[tilespmem:$0xF740] =	vst v63  }
0x19c: {  	s18 =	simm.s32 $0xAC00;
	[tilespmem:$0x1FFF0] =	vst v2  }
0x19d: {  	[tilespmem:s18], [sflag:$0x4] =	stream.indirect.gather [hbm4b:s20+s25], $0x10, s25, s25, $0xb8;
	[tilespmem:$0xF740] =	vst v63  }
0x19e: {  	_ =	swait.ge [sflag:s21], $0x2000  }
0x19f: {  	v2 =	vld [tilespmem:$0x1FFC0]  }
0x1a0: {  	v4 =	vld [tilespmem:$0x1FFD0];
	_ =	sdelay $0x4  }
0x1a1: {  	v2 =	vpack.i.f32.bf16 v4, v2;
	v4 =	vld [tilespmem:$0x1FFE0];
	_ =	sdelay $0x2  }
0x1a2: {  	[sflag:s21] =	ssyncset.done $0x0  }
0x1a3: {  	v5 =	vpack.i.f32.bf16 v5, v8;
	[sflag:s21] =	ssyncadd.s32 $0xFFFFE000  }
0x1a4: {  	v6 =	vpack.i.f32.bf16 v11, v6;
	v8 =	vpack.i.f32.bf16 v15, v14;
	v3 =	vpack.i.f32.bf16 v3, v4;
	v4 =	vld [tilespmem:$0x1FFF0];
	_ =	swait.ge [sflag:s11], $0x800  }
0x1a5: {  	v9 =	vpack.i.f32.bf16 v9, v16;
	v10 =	vpack.i.f32.bf16 v19, v10;
	v11 =	vpack.i.f32.bf16 v21, v20;
	[sflag:s11] =	ssyncset.done $0x0  }
0x1a6: {  	s30 =	simm.s32 $0xA410;
	v14 =	vpack.i.f32.bf16 v27, v26;
	v15 =	vpack.i.f32.bf16 v29, v28;
	v16 =	vpack.i.f32.bf16 v31, v30;
	[sflag:s11] =	ssyncadd.s32 $0xFFFFF800  }
0x1a7: {  	v17 =	vpack.i.f32.bf16 v17, v32;
	v18 =	vpack.i.f32.bf16 v18, v34;
	v19 =	vpack.i.f32.bf16 v37, v36;
	v34 =	vld [tilespmem:s30+$0x0]  }
0x1a8: {  	v20 =	vpack.i.f32.bf16 v39, v38;
	v21 =	vpack.i.f32.bf16 v41, v40;
	v26 =	vpack.i.f32.bf16 v51, v50;
	v37 =	vld [tilespmem:s30+$0xFFFFFFF0]  }
0x1a9: {  	v27 =	vpack.i.f32.bf16 v53, v52;
	v28 =	vpack.i.f32.bf16 v55, v54;
	v29 =	vpack.i.f32.bf16 v57, v56  }
0x1aa: {  	v30 =	vpack.i.f32.bf16 v59, v58;
	v31 =	vpack.i.f32.bf16 v61, v60;
	v32 =	vpack.i.f32.bf16 v63, v62  }
0x1ab: {  	v33 =	vpack.i.f32.bf16 v33, v35;
	v4 =	vpack.i.f32.bf16 v7, v4;
	v7 =	vpack.i.f32.bf16 v13, v12  }
0x1ac: {  	v12 =	vpack.i.f32.bf16 v23, v22;
	v13 =	vpack.i.f32.bf16 v25, v24;
	v60 =	vbroadcast v34, $0x0  }
0x1ad: {  	v22 =	vpack.i.f32.bf16 v43, v42;
	v61 =	vbroadcast v37, $0x0;
	v62 =	vbroadcast v37, $0x1  }
0x1ae: {  	v25 =	vpack.i.f32.bf16 v49, v48;
	v63 =	vbroadcast v37, $0x2;
	v49 =	vbroadcast v34, $0x1  }
0x1af: {  	v23 =	vpack.i.f32.bf16 v45, v44;
	v52 =	vbroadcast v34, $0x2;
	v54 =	vbroadcast v34, $0x3  }
0x1b0: {  	v24 =	vpack.i.f32.bf16 v47, v46;
	v56 =	vbroadcast v34, $0x4;
	v59 =	vbroadcast v34, $0x5  }
0x1b1: {  	v36 =	vpack.i.f32.bf16 v60, v60;
	v35 =	vpack.i.f32.bf16 v61, v61;
	v45 =	vpack.i.f32.bf16 v54, v54  }
0x1b2: {  	v61 =	vbroadcast v34, $0x6;
	v39 =	vpack.i.f32.bf16 v63, v63;
	v63 =	vbroadcast v37, $0x3  }
0x1b3: {  	v46 =	vpack.i.f32.bf16 v56, v56;
	v54 =	vbroadcast v34, $0x7;
	v56 =	vbroadcast v34, $0x8  }
0x1b4: {  	v48 =	vpack.i.f32.bf16 v59, v59;
	v59 =	vbroadcast v34, $0x9;
	v50 =	vmul.bf16 v36, v2  }
0x1b5: {  	v40 =	vpack.i.f32.bf16 v49, v49;
	v36 =	vmul.bf16 v36, v3;
	v51 =	vmul.bf16 v35, v2  }
0x1b6: {  	v43 =	vpack.i.f32.bf16 v52, v52;
	v35 =	vmul.bf16 v35, v3;
	v53 =	vmul.bf16 v40, v5  }
0x1b7: {  	v38 =	vpack.i.f32.bf16 v62, v62;
	v55 =	vmul.bf16 v43, v7;
	v57 =	vmul.bf16 v45, v9  }
0x1b8: {  	v58 =	vmul.bf16 v38, v4;
	v38 =	vmul.bf16 v38, v5  }
0x1b9: {  	v60 =	vmul.bf16 v46, v11;
	v40 =	vmul.bf16 v40, v4;
	v36 =	vadd.bf16 v1, v36  }
0x1ba: {  	v62 =	vmul.bf16 v48, v13;
	v43 =	vmul.bf16 v43, v6  }
0x1bb: {  	v45 =	vmul.bf16 v45, v8;
	v46 =	vmul.bf16 v46, v10;
	v36 =	vadd.bf16 v53, v36  }
0x1bc: {  	v48 =	vmul.bf16 v48, v12;
	v49 =	vpack.i.f32.bf16 v61, v61;
	v47 =	vpack.i.f32.bf16 v56, v56  }
0x1bd: {  	v61 =	vbroadcast v34, $0xA;
	v42 =	vadd.bf16 v1, v51;
	v36 =	vadd.bf16 v55, v36  }
0x1be: {  	v56 =	vbroadcast v37, $0x5;
	v35 =	vadd.bf16 v1, v35;
	v41 =	vadd.bf16 v1, v50  }
0x1bf: {  	v51 =	vpack.i.f32.bf16 v59, v59;
	v50 =	vpack.i.f32.bf16 v63, v63;
	v36 =	vadd.bf16 v57, v36  }
0x1c0: {  	v63 =	vbroadcast v34, $0xB;
	v52 =	vpack.i.f32.bf16 v61, v61;
	v42 =	vadd.bf16 v58, v42  }
0x1c1: {  	v56 =	vpack.i.f32.bf16 v56, v56;
	v35 =	vadd.bf16 v38, v35;
	v36 =	vadd.bf16 v60, v36  }
0x1c2: {  	v38 =	vpack.i.f32.bf16 v54, v54;
	v58 =	vmul.bf16 v39, v6;
	v39 =	vmul.bf16 v39, v7  }
0x1c3: {  	v40 =	vadd.bf16 v40, v41;
	v55 =	vmul.bf16 v49, v15;
	v36 =	vadd.bf16 v62, v36  }
0x1c4: {  	v53 =	vbroadcast v37, $0x4;
	v42 =	vadd.bf16 v58, v42;
	v35 =	vadd.bf16 v39, v35  }
0x1c5: {  	v39 =	vpack.i.f32.bf16 v63, v63;
	v57 =	vmul.bf16 v38, v17;
	v36 =	vadd.bf16 v55, v36  }
0x1c6: {  	v58 =	vbroadcast v34, $0xC;
	v40 =	vadd.bf16 v43, v40;
	v43 =	vmul.bf16 v50, v8  }
0x1c7: {  	v50 =	vmul.bf16 v50, v9;
	v60 =	vmul.bf16 v47, v19;
	v36 =	vadd.bf16 v57, v36  }
0x1c8: {  	v53 =	vpack.i.f32.bf16 v53, v53;
	v59 =	vmul.bf16 v39, v25;
	v39 =	vmul.bf16 v39, v24  }
0x1c9: {  	v40 =	vadd.bf16 v45, v40;
	v62 =	vmul.bf16 v51, v21;
	v36 =	vadd.bf16 v60, v36  }
0x1ca: {  	v44 =	vpack.i.f32.bf16 v58, v58;
	v58 =	vmul.bf16 v56, v12;
	v38 =	vmul.bf16 v38, v16  }
0x1cb: {  	v40 =	vadd.bf16 v46, v40;
	v57 =	vmul.bf16 v52, v23;
	v36 =	vadd.bf16 v62, v36  }
0x1cc: {  	v35 =	vadd.bf16 v50, v35;
	v50 =	vmul.bf16 v51, v20;
	v61 =	vmul.bf16 v44, v27  }
0x1cd: {  	v40 =	vadd.bf16 v48, v40;
	v48 =	vbroadcast v37, $0xA;
	v36 =	vadd.bf16 v57, v36  }
0x1ce: {  	v42 =	vadd.bf16 v43, v42;
	v47 =	vmul.bf16 v47, v18;
	v60 =	vbroadcast v34, $0xD  }
0x1cf: {  	v51 =	vpack.i.f32.bf16 v48, v48;
	v62 =	vbroadcast v34, $0xE;
	v36 =	vadd.bf16 v59, v36  }
0x1d0: {  	v54 =	vpack.i.f32.bf16 v60, v60;
	v34 =	vbroadcast v34, $0xF;
	v60 =	vmul.bf16 v53, v10  }
0x1d1: {  	v63 =	vmul.bf16 v54, v29;
	v55 =	vpack.i.f32.bf16 v62, v62;
	v36 =	vadd.bf16 v61, v36  }
0x1d2: {  	v43 =	vpack.i.f32.bf16 v34, v34;
	v34 =	vadd.bf16 v60, v42;
	v57 =	vbroadcast v37, $0x6  }
0x1d3: {  	v59 =	vmul.bf16 v55, v31;
	v36 =	vadd.bf16 v63, v36;
	v63 =	vmul.bf16 v53, v11  }
0x1d4: {  	s2 =	simm.s32 $0x6440;
	v42 =	vpack.i.f32.bf16 v57, v57;
	v57 =	vbroadcast v37, $0x8;
	v61 =	vmul.bf16 v43, v33  }
0x1d5: {  	v62 =	vld [tilespmem:s2+$0x30];
	v36 =	vadd.bf16 v59, v36;
	v35 =	vadd.bf16 v63, v35;
	v59 =	vmul.bf16 v56, v13  }
0x1d6: {  	v34 =	vadd.bf16 v58, v34;
	v53 =	vbroadcast v37, $0xB;
	v63 =	vmul.bf16 v49, v14  }
0x1d7: {  	v41 =	vadd.bf16 v61, v36;
	v61 =	vbroadcast v37, $0x7;
	v35 =	vadd.bf16 v59, v35  }
0x1d8: {  	v40 =	vadd.bf16 v63, v40;
	v59 =	vpack.i.f32.bf16 v57, v57;
	v57 =	vpack.i.f32.bf16 v53, v53  }
0x1d9: {  	v60 =	vunpack.i.u.bf16.f32 v41;
	v56 =	vpack.i.f32.bf16 v61, v61;
	v61 =	vbroadcast v37, $0x9  }
0x1da: {  	v45 =	vadd.f32 v62, v60;
	v62 =	vmul.bf16 v42, v14;
	v42 =	vmul.bf16 v42, v15  }
0x1db: {  	v38 =	vadd.bf16 v38, v40;
	v58 =	vmul.bf16 v56, v16;
	v36 =	vmul.bf16 v56, v17  }
0x1dc: {  	v60 =	vmul.bf16 v59, v18;
	v56 =	vmul.bf16 v51, v22;
	v63 =	vpack.i.f32.bf16 v61, v61  }
0x1dd: {  	v61 =	vmul.bf16 v57, v25;
	v34 =	vadd.bf16 v62, v34;
	v35 =	vadd.bf16 v42, v35  }
0x1de: {  	v38 =	vadd.bf16 v47, v38;
	v62 =	vmul.bf16 v59, v19;
	v49 =	vmul.bf16 v63, v20  }
0x1df: {  	v40 =	vmul.bf16 v63, v21;
	v34 =	vadd.bf16 v58, v34;
	v35 =	vadd.bf16 v36, v35  }
0x1e0: {  	v59 =	vmul.bf16 v57, v24;
	v63 =	vbroadcast v37, $0xD;
	v38 =	vadd.bf16 v50, v38  }
0x1e1: {  	v36 =	vmul.bf16 v51, v23;
	v34 =	vadd.bf16 v60, v34;
	v35 =	vadd.bf16 v62, v35  }
0x1e2: {  	v58 =	vmul.bf16 v52, v22;
	v50 =	vpack.i.f32.bf16 v63, v63;
	v51 =	vbroadcast v37, $0xE  }
0x1e3: {  	v60 =	vbroadcast v37, $0xC;
	v34 =	vadd.bf16 v49, v34;
	v35 =	vadd.bf16 v40, v35  }
0x1e4: {  	v52 =	vmul.bf16 v50, v28;
	v53 =	vmul.bf16 v50, v29  }
0x1e5: {  	v62 =	vpack.i.f32.bf16 v60, v60;
	v34 =	vadd.bf16 v56, v34;
	v35 =	vadd.bf16 v36, v35  }
0x1e6: {  	v38 =	vadd.bf16 v58, v38;
	v42 =	vpack.i.f32.bf16 v51, v51;
	v47 =	vmul.bf16 v62, v26  }
0x1e7: {  	v48 =	vmul.bf16 v62, v27;
	v34 =	vadd.bf16 v59, v34;
	v35 =	vadd.bf16 v61, v35  }
0x1e8: {  	v58 =	vbroadcast v37, $0xF;
	v38 =	vadd.bf16 v39, v38;
	v49 =	vmul.bf16 v44, v26  }
0x1e9: {  	v46 =	vld [tilespmem:s2+$0x20];
	v57 =	vmul.bf16 v42, v30;
	v34 =	vadd.bf16 v47, v34;
	v40 =	vadd.bf16 v48, v35  }
0x1ea: {  	v37 =	vld [tilespmem:s2+$0xFFFFFFE0];
	v42 =	vmul.bf16 v42, v31;
	v38 =	vadd.bf16 v49, v38;
	v56 =	vmul.bf16 v54, v28  }
0x1eb: {  	v60 =	vpack.i.f32.bf16 v58, v58;
	v39 =	vld [tilespmem:s2+$0x10];
	v34 =	vadd.bf16 v52, v34;
	v40 =	vadd.bf16 v53, v40  }
0x1ec: {  	v62 =	vmul.bf16 v60, v32;
	v36 =	vld [tilespmem:s2+$0xFFFFFFD0];
	v59 =	vadd.bf16 v56, v38;
	v61 =	vmul.bf16 v55, v30  }
0x1ed: {  	v63 =	vmul.bf16 v60, v33;
	v38 =	vld [tilespmem:s2+$0x0];
	v44 =	vadd.bf16 v57, v34;
	v42 =	vadd.bf16 v42, v40  }
0x1ee: {  	v43 =	vmul.bf16 v43, v32;
	v35 =	vld [tilespmem:s2+$0xFFFFFFC0];
	v34 =	vadd.bf16 v61, v59  }
0x1ef: {  	s16 =	simm.s32 $0xA430;
	s15 =	simm.s32 $0x0;
	[tilespmem:s2+$0x30] =	vst v45;
	v45 =	vunpack.i.l.bf16.f32 v41;
	v40 =	vld [tilespmem:s2+$0xFFFFFFF0];
	v44 =	vadd.bf16 v62, v44;
	v42 =	vadd.bf16 v63, v42  }
.LBB2_28:
0x1f0: {  	v41 =	vld [tilespmem:s16+$0x0];
	s15 =	sadd.s32 $0x2, s15;
	v43 =	vadd.bf16 v43, v34;
	v45 =	vadd.f32 v46, v45  }
0x1f1: {  	v34 =	vld [tilespmem:s16+$0xFFFFFFF0];
	p0 =	slt.u32 s15, $0x7E;
	v46 =	vunpack.i.u.bf16.f32 v44;
	v44 =	vunpack.i.l.bf16.f32 v44;
	v47 =	vunpack.i.u.bf16.f32 v42  }
0x1f2: {  	v42 =	vunpack.i.l.bf16.f32 v42;
	v48 =	vunpack.i.u.bf16.f32 v43;
	v43 =	vunpack.i.l.bf16.f32 v43;
	[tilespmem:s2+$0x20] =	vst v45  }
0x1f3: {  	v35 =	vadd.f32 v35, v44;
	v36 =	vadd.f32 v36, v46  }
0x1f4: {  	v37 =	vadd.f32 v37, v42;
	v40 =	vadd.f32 v40, v47  }
0x1f5: {  	v42 =	vbroadcast v41, $0x0;
	[tilespmem:s2+$0xFFFFFFC0] =	vst v35;
	v35 =	vadd.f32 v38, v43;
	v38 =	vadd.f32 v39, v48  }
0x1f6: {  	v39 =	vbroadcast v34, $0x0;
	v43 =	vbroadcast v34, $0x1;
	[tilespmem:s2+$0xFFFFFFD0] =	vst v36  }
0x1f7: {  	v44 =	vbroadcast v41, $0x1;
	v36 =	vbroadcast v34, $0x2;
	v42 =	vpack.i.f32.bf16 v42, v42;
	[tilespmem:s2+$0xFFFFFFE0] =	vst v37  }
0x1f8: {  	v37 =	vpack.i.f32.bf16 v39, v39;
	v39 =	vmul.bf16 v42, v2;
	v42 =	vmul.bf16 v42, v3;
	[tilespmem:s2+$0xFFFFFFF0] =	vst v40  }
0x1f9: {  	v45 =	vbroadcast v41, $0x2;
	v44 =	vpack.i.f32.bf16 v44, v44;
	v40 =	vmul.bf16 v37, v2;
	[tilespmem:s2+$0x0] =	vst v35  }
0x1fa: {  	v35 =	vmul.bf16 v37, v3;
	v37 =	vadd.bf16 v1, v42;
	v42 =	vmul.bf16 v44, v5;
	[tilespmem:s2+$0x10] =	vst v38  }
0x1fb: {  	v38 =	vpack.i.f32.bf16 v43, v43;
	v43 =	vpack.i.f32.bf16 v45, v45;
	v45 =	vbroadcast v41, $0x3  }
0x1fc: {  	v40 =	vadd.bf16 v1, v40;
	v37 =	vadd.bf16 v42, v37;
	v42 =	vmul.bf16 v43, v7  }
0x1fd: {  	v35 =	vadd.bf16 v1, v35;
	v46 =	vpack.i.f32.bf16 v45, v45;
	v45 =	vbroadcast v41, $0x4  }
0x1fe: {  	v39 =	vadd.bf16 v1, v39;
	v37 =	vadd.bf16 v42, v37;
	v42 =	vmul.bf16 v46, v9  }
0x1ff: {  	v47 =	vmul.bf16 v38, v4;
	v48 =	vpack.i.f32.bf16 v45, v45;
	v45 =	vbroadcast v41, $0x5  }
0x200: {  	v38 =	vmul.bf16 v38, v5;
	v37 =	vadd.bf16 v42, v37;
	v42 =	vmul.bf16 v48, v11  }
0x201: {  	v44 =	vmul.bf16 v44, v4;
	v49 =	vpack.i.f32.bf16 v45, v45;
	v45 =	vbroadcast v41, $0x6  }
0x202: {  	v36 =	vpack.i.f32.bf16 v36, v36;
	v37 =	vadd.bf16 v42, v37;
	v42 =	vmul.bf16 v49, v13  }
0x203: {  	v50 =	vbroadcast v34, $0x3;
	v51 =	vpack.i.f32.bf16 v45, v45;
	v45 =	vbroadcast v41, $0x7  }
0x204: {  	v40 =	vadd.bf16 v47, v40;
	v37 =	vadd.bf16 v42, v37;
	v42 =	vmul.bf16 v51, v15  }
0x205: {  	v35 =	vadd.bf16 v38, v35;
	v38 =	vbroadcast v41, $0x8;
	v47 =	vpack.i.f32.bf16 v45, v45  }
0x206: {  	v39 =	vadd.bf16 v44, v39;
	v37 =	vadd.bf16 v42, v37;
	v42 =	vmul.bf16 v47, v17  }
0x207: {  	v44 =	vmul.bf16 v36, v6;
	v52 =	vpack.i.f32.bf16 v38, v38;
	v38 =	vbroadcast v41, $0x9  }
0x208: {  	v36 =	vmul.bf16 v36, v7;
	v37 =	vadd.bf16 v42, v37;
	v42 =	vmul.bf16 v52, v19  }
0x209: {  	v43 =	vmul.bf16 v43, v6;
	v53 =	vpack.i.f32.bf16 v38, v38;
	v38 =	vbroadcast v41, $0xA  }
0x20a: {  	v50 =	vpack.i.f32.bf16 v50, v50;
	v37 =	vadd.bf16 v42, v37;
	v42 =	vmul.bf16 v53, v21  }
0x20b: {  	v54 =	vbroadcast v34, $0x4;
	v55 =	vpack.i.f32.bf16 v38, v38;
	v38 =	vbroadcast v41, $0xB  }
0x20c: {  	v40 =	vadd.bf16 v44, v40;
	v37 =	vadd.bf16 v42, v37;
	v42 =	vmul.bf16 v55, v23  }
0x20d: {  	v35 =	vadd.bf16 v36, v35;
	v36 =	vbroadcast v41, $0xC;
	v44 =	vpack.i.f32.bf16 v38, v38  }
0x20e: {  	v38 =	vadd.bf16 v43, v39;
	v39 =	vmul.bf16 v44, v25;
	v37 =	vadd.bf16 v42, v37  }
0x20f: {  	v56 =	vmul.bf16 v50, v8;
	v45 =	vpack.i.f32.bf16 v36, v36;
	v36 =	vbroadcast v41, $0xD  }
0x210: {  	v50 =	vmul.bf16 v50, v9;
	v37 =	vadd.bf16 v39, v37;
	v39 =	vmul.bf16 v45, v27  }
0x211: {  	v46 =	vmul.bf16 v46, v8;
	v43 =	vpack.i.f32.bf16 v36, v36;
	v36 =	vbroadcast v41, $0xE  }
0x212: {  	v54 =	vpack.i.f32.bf16 v54, v54;
	v37 =	vadd.bf16 v39, v37;
	v39 =	vmul.bf16 v43, v29  }
0x213: {  	v57 =	vbroadcast v34, $0x5;
	v42 =	vpack.i.f32.bf16 v36, v36;
	v36 =	vbroadcast v41, $0xF  }
0x214: {  	v40 =	vadd.bf16 v56, v40;
	v37 =	vadd.bf16 v39, v37;
	v39 =	vmul.bf16 v42, v31  }
0x215: {  	s2 =	sadd.s32 $0x80, s2;
	v50 =	vadd.bf16 v50, v35;
	v38 =	vadd.bf16 v46, v38;
	v41 =	vpack.i.f32.bf16 v36, v36  }
0x216: {  	v36 =	vmul.bf16 v54, v10;
	v37 =	vadd.bf16 v39, v37;
	v39 =	vmul.bf16 v41, v33;
	v46 =	vld [tilespmem:s2+$0x30]  }
0x217: {  	v48 =	vmul.bf16 v48, v10;
	v56 =	vpack.i.f32.bf16 v57, v57;
	v54 =	vmul.bf16 v54, v11;
	v35 =	vld [tilespmem:s2+$0xFFFFFFC0]  }
0x218: {  	v58 =	vbroadcast v34, $0x6;
	v57 =	vadd.bf16 v36, v40;
	v36 =	vld [tilespmem:s2+$0xFFFFFFD0];
	v59 =	vadd.bf16 v39, v37  }
0x219: {  	v48 =	vadd.bf16 v48, v38;
	v39 =	vadd.bf16 v54, v50;
	v50 =	vmul.bf16 v56, v12;
	v37 =	vld [tilespmem:s2+$0xFFFFFFE0]  }
0x21a: {  	v49 =	vmul.bf16 v49, v12;
	v54 =	vmul.bf16 v56, v13;
	v40 =	vld [tilespmem:s2+$0xFFFFFFF0];
	v56 =	vunpack.i.u.bf16.f32 v59  }
0x21b: {  	v60 =	vbroadcast v34, $0x7;
	v58 =	vpack.i.f32.bf16 v58, v58;
	v38 =	vld [tilespmem:s2+$0x0];
	v56 =	vadd.f32 v46, v56  }
0x21c: {  	v50 =	vadd.bf16 v50, v57;
	v54 =	vadd.bf16 v54, v39;
	v57 =	vmul.bf16 v58, v14;
	v39 =	vld [tilespmem:s2+$0x10]  }
0x21d: {  	v48 =	vadd.bf16 v49, v48;
	v49 =	vmul.bf16 v51, v14;
	v58 =	vmul.bf16 v58, v15;
	v46 =	vld [tilespmem:s2+$0x20];
	[tilespmem:s2+$0x30] =	vst v56  }
0x21e: {  	v51 =	vpack.i.f32.bf16 v60, v60;
	v50 =	vadd.bf16 v57, v50;
	v56 =	vbroadcast v34, $0x8  }
0x21f: {  	v48 =	vadd.bf16 v49, v48;
	v54 =	vadd.bf16 v58, v54;
	v57 =	vmul.bf16 v51, v16  }
0x220: {  	v47 =	vmul.bf16 v47, v16;
	v49 =	vmul.bf16 v51, v17;
	v51 =	vpack.i.f32.bf16 v56, v56  }
0x221: {  	v50 =	vadd.bf16 v57, v50;
	v57 =	vbroadcast v34, $0x9;
	v56 =	vmul.bf16 v51, v18  }
0x222: {  	v47 =	vadd.bf16 v47, v48;
	v49 =	vadd.bf16 v49, v54;
	v51 =	vmul.bf16 v51, v19  }
0x223: {  	v52 =	vmul.bf16 v52, v18;
	v54 =	vbroadcast v34, $0xA;
	v48 =	vpack.i.f32.bf16 v57, v57  }
0x224: {  	v50 =	vadd.bf16 v56, v50;
	v49 =	vadd.bf16 v51, v49;
	v51 =	vmul.bf16 v48, v20  }
0x225: {  	v47 =	vadd.bf16 v52, v47;
	v52 =	vmul.bf16 v53, v20;
	v48 =	vmul.bf16 v48, v21  }
0x226: {  	v53 =	vbroadcast v34, $0xB;
	v50 =	vadd.bf16 v51, v50;
	v51 =	vpack.i.f32.bf16 v54, v54  }
0x227: {  	v47 =	vadd.bf16 v52, v47;
	v48 =	vadd.bf16 v48, v49;
	v49 =	vmul.bf16 v51, v22  }
0x228: {  	v52 =	vpack.i.f32.bf16 v53, v53;
	v53 =	vmul.bf16 v55, v22;
	v51 =	vmul.bf16 v51, v23  }
0x229: {  	v54 =	vbroadcast v34, $0xC;
	v49 =	vadd.bf16 v49, v50;
	v50 =	vmul.bf16 v52, v24  }
0x22a: {  	v47 =	vadd.bf16 v53, v47;
	v48 =	vadd.bf16 v51, v48;
	v51 =	vmul.bf16 v52, v25  }
0x22b: {  	v44 =	vmul.bf16 v44, v24;
	v53 =	vbroadcast v34, $0xD;
	v52 =	vpack.i.f32.bf16 v54, v54  }
0x22c: {  	v49 =	vadd.bf16 v50, v49;
	v48 =	vadd.bf16 v51, v48;
	v50 =	vmul.bf16 v52, v26  }
0x22d: {  	v45 =	vmul.bf16 v45, v26;
	v44 =	vadd.bf16 v44, v47;
	v51 =	vmul.bf16 v52, v27  }
0x22e: {  	v47 =	vadd.bf16 v50, v49;
	v49 =	vpack.i.f32.bf16 v53, v53;
	v50 =	vbroadcast v34, $0xE  }
0x22f: {  	v44 =	vadd.bf16 v45, v44;
	v48 =	vadd.bf16 v51, v48;
	v51 =	vmul.bf16 v49, v28  }
0x230: {  	v43 =	vmul.bf16 v43, v28;
	v45 =	vmul.bf16 v49, v29;
	v49 =	vpack.i.f32.bf16 v50, v50  }
0x231: {  	v34 =	vbroadcast v34, $0xF;
	v47 =	vadd.bf16 v51, v47;
	v50 =	vmul.bf16 v49, v30  }
.Ltmp13:
0x232: {  	v43 =	vadd.bf16 v43, v44;
	v45 =	vadd.bf16 v45, v48;
	v48 =	vmul.bf16 v49, v31;
	(pc) =	sbr.rel @p0 .LBB2_28-.Ltmp13, $4  }
0x233: {  	v42 =	vmul.bf16 v42, v30;
	v34 =	vpack.i.f32.bf16 v34, v34;
	v44 =	vadd.bf16 v50, v47  }
0x234: {  	v49 =	vmul.bf16 v34, v33;
	v47 =	vadd.bf16 v48, v45;
	v48 =	vmul.bf16 v34, v32  }
0x235: {  	v34 =	vadd.bf16 v42, v43;
	v43 =	vmul.bf16 v41, v32;
	v45 =	vunpack.i.l.bf16.f32 v59  }
0x236: {  	s16 =	sadd.s32 $0x20, s16;
	v44 =	vadd.bf16 v48, v44;
	v42 =	vadd.bf16 v49, v47  }
0x237: {  	_ = 	snop  }
0x238: {  	v41 =	vadd.f32 v46, v45;
	v53 =	vunpack.i.l.bf16.f32 v44  }
0x239: {  	v54 =	vunpack.i.u.bf16.f32 v44;
	v35 =	vadd.f32 v35, v53  }
0x23a: {  	v34 =	vadd.bf16 v43, v34;
	v55 =	vunpack.i.l.bf16.f32 v42;
	[tilespmem:s2+$0x20] =	vst v41;
	v36 =	vadd.f32 v36, v54  }
0x23b: {  	v56 =	vunpack.i.u.bf16.f32 v42;
	v37 =	vadd.f32 v37, v55;
	[tilespmem:s2+$0xFFFFFFC0] =	vst v35  }
0x23c: {  	v57 =	vunpack.i.l.bf16.f32 v34;
	v40 =	vadd.f32 v40, v56;
	v34 =	vunpack.i.u.bf16.f32 v34;
	[tilespmem:s2+$0xFFFFFFD0] =	vst v36  }
0x23d: {  	v34 =	vadd.f32 v39, v34;
	[tilespmem:s2+$0xFFFFFFE0] =	vst v37  }
0x23e: {  	v35 =	vadd.f32 v38, v57;
	[tilespmem:s2+$0xFFFFFFF0] =	vst v40  }
0x23f: {  	[tilespmem:s2+$0x10] =	vst v34  }
0x240: {  	[tilespmem:s2+$0x0] =	vst v35  }
0x241: {  	s0 =	rddreg [dreg:$0xf]  }
0x242: {  	[hbm4b:s0+s3] =	stream.linear.scatter [tilespmem:s26], [sflag:$0x5], $0x2000, $0x38;
	[tilespmem:$0xF740] =	vst v63  }
0x243: {  	_ = 	snop  }
0x244: {  	[tilespmem:s26], [sflag:$0x1] =	stream.indirect.gather [hbm4b:s4+s25], $0x40, s31, s25, $0xb8;
	[tilespmem:$0xF740] =	vst v63  }
0x245: {  	s18 =	simm.s32 $0xA400  }
0x246: {  	[tilespmem:s18], [sflag:$0x3] =	stream.indirect.gather [hbm4b:s20+s25], $0x10, s31, s25, $0xb8;
	[tilespmem:$0xF740] =	vst v63  }
0x247: {  	_ =	swait.ge [sflag:s24], $0x2000  }
0x248: {  	[sflag:s24] =	ssyncset.done $0x0  }
0x249: {  	[sflag:s24] =	ssyncadd.s32 $0xFFFFE000  }
0x24a: {  	_ =	swait.ge [sflag:s10], $0x800  }
0x24b: {  	[sflag:s10] =	ssyncset.done $0x0  }
0x24c: {  	s30 =	simm.s32 $0xAC10;
	[sflag:s10] =	ssyncadd.s32 $0xFFFFF800  }
0x24d: {  	v35 =	vld [tilespmem:s30+$0x0]  }
0x24e: {  	v34 =	vld [tilespmem:s30+$0xFFFFFFF0];
	_ =	sdelay $0x4  }
0x24f: {  	v58 =	vbroadcast v35, $0x0;
	v59 =	vbroadcast v34, $0x0  }
0x250: {  	v60 =	vbroadcast v34, $0x1;
	v61 =	vbroadcast v34, $0x2  }
0x251: {  	v49 =	vbroadcast v35, $0x2;
	v51 =	vbroadcast v35, $0x3  }
0x252: {  	v62 =	vbroadcast v35, $0x1;
	v53 =	vbroadcast v35, $0x4;
	v36 =	vpack.i.f32.bf16 v58, v58  }
0x253: {  	v43 =	vpack.i.f32.bf16 v49, v49;
	v45 =	vpack.i.f32.bf16 v51, v51;
	v49 =	vbroadcast v35, $0x6  }
0x254: {  	v46 =	vpack.i.f32.bf16 v53, v53;
	v51 =	vbroadcast v35, $0x7;
	v58 =	vbroadcast v35, $0x8  }
0x255: {  	v39 =	vpack.i.f32.bf16 v61, v61;
	v61 =	vbroadcast v35, $0x9;
	v53 =	vbroadcast v34, $0x4  }
0x256: {  	v37 =	vpack.i.f32.bf16 v59, v59;
	v63 =	vmul.bf16 v36, v2;
	v36 =	vmul.bf16 v36, v3  }
0x257: {  	v40 =	vpack.i.f32.bf16 v62, v62;
	v48 =	vmul.bf16 v37, v2;
	v37 =	vmul.bf16 v37, v3  }
0x258: {  	v38 =	vpack.i.f32.bf16 v60, v60;
	v50 =	vmul.bf16 v40, v5;
	v52 =	vmul.bf16 v43, v7  }
0x259: {  	v54 =	vmul.bf16 v45, v9;
	v47 =	vmul.bf16 v38, v4  }
0x25a: {  	v38 =	vmul.bf16 v38, v5;
	v55 =	vmul.bf16 v46, v11  }
0x25b: {  	v40 =	vmul.bf16 v40, v4;
	v60 =	vmul.bf16 v39, v6  }
0x25c: {  	v39 =	vmul.bf16 v39, v7;
	v43 =	vmul.bf16 v43, v6  }
0x25d: {  	v45 =	vmul.bf16 v45, v8;
	v46 =	vmul.bf16 v46, v10;
	v49 =	vpack.i.f32.bf16 v49, v49  }
0x25e: {  	v36 =	vadd.bf16 v1, v36;
	v42 =	vadd.bf16 v1, v48;
	v48 =	vbroadcast v35, $0x5  }
0x25f: {  	v53 =	vpack.i.f32.bf16 v53, v53;
	v37 =	vadd.bf16 v1, v37;
	v41 =	vadd.bf16 v1, v63  }
0x260: {  	v57 =	vmul.bf16 v49, v15;
	v36 =	vadd.bf16 v50, v36;
	v48 =	vpack.i.f32.bf16 v48, v48  }
0x261: {  	v50 =	vbroadcast v34, $0x3;
	v42 =	vadd.bf16 v47, v42;
	v37 =	vadd.bf16 v38, v37  }
0x262: {  	v38 =	vpack.i.f32.bf16 v51, v51;
	v47 =	vpack.i.f32.bf16 v58, v58;
	v36 =	vadd.bf16 v52, v36  }
0x263: {  	v51 =	vpack.i.f32.bf16 v61, v61;
	v58 =	vbroadcast v35, $0xC;
	v61 =	vbroadcast v35, $0xD  }
0x264: {  	v56 =	vmul.bf16 v48, v13;
	v59 =	vmul.bf16 v38, v17;
	v36 =	vadd.bf16 v54, v36  }
0x265: {  	v40 =	vadd.bf16 v40, v41;
	v62 =	vmul.bf16 v47, v19;
	v63 =	vmul.bf16 v51, v21  }
0x266: {  	v48 =	vmul.bf16 v48, v12;
	v38 =	vmul.bf16 v38, v16;
	v36 =	vadd.bf16 v55, v36  }
0x267: {  	v47 =	vmul.bf16 v47, v18;
	v52 =	vbroadcast v35, $0xA;
	v42 =	vadd.bf16 v60, v42  }
0x268: {  	v50 =	vpack.i.f32.bf16 v50, v50;
	v37 =	vadd.bf16 v39, v37;
	v36 =	vadd.bf16 v56, v36  }
0x269: {  	v40 =	vadd.bf16 v43, v40;
	v44 =	vpack.i.f32.bf16 v58, v58;
	v60 =	vmul.bf16 v50, v8  }
0x26a: {  	v58 =	vbroadcast v34, $0x6;
	v50 =	vmul.bf16 v50, v9;
	v36 =	vadd.bf16 v57, v36  }
0x26b: {  	v54 =	vbroadcast v35, $0xB;
	v40 =	vadd.bf16 v45, v40;
	v42 =	vadd.bf16 v60, v42  }
0x26c: {  	v52 =	vpack.i.f32.bf16 v52, v52;
	v37 =	vadd.bf16 v50, v37;
	v36 =	vadd.bf16 v59, v36  }
0x26d: {  	v39 =	vpack.i.f32.bf16 v54, v54;
	v54 =	vpack.i.f32.bf16 v61, v61;
	v55 =	vbroadcast v35, $0xE  }
0x26e: {  	v35 =	vbroadcast v35, $0xF;
	v61 =	vmul.bf16 v53, v10;
	v36 =	vadd.bf16 v62, v36  }
0x26f: {  	v40 =	vadd.bf16 v46, v40;
	v56 =	vbroadcast v34, $0x5;
	v55 =	vpack.i.f32.bf16 v55, v55  }
0x270: {  	v43 =	vpack.i.f32.bf16 v35, v35;
	v57 =	vmul.bf16 v52, v23;
	v36 =	vadd.bf16 v63, v36  }
0x271: {  	v35 =	vadd.bf16 v61, v42;
	v42 =	vpack.i.f32.bf16 v58, v58;
	v58 =	vbroadcast v34, $0x8  }
0x272: {  	v60 =	vmul.bf16 v55, v31;
	v59 =	vmul.bf16 v39, v25;
	v36 =	vadd.bf16 v57, v36  }
0x273: {  	v40 =	vadd.bf16 v48, v40;
	v50 =	vmul.bf16 v42, v14;
	v62 =	vmul.bf16 v44, v27  }
0x274: {  	v57 =	vpack.i.f32.bf16 v56, v56;
	v56 =	vmul.bf16 v49, v14;
	v36 =	vadd.bf16 v59, v36  }
0x275: {  	v42 =	vmul.bf16 v42, v15;
	v49 =	vbroadcast v34, $0xA  }
0x276: {  	v63 =	vmul.bf16 v54, v29;
	v40 =	vadd.bf16 v56, v40;
	v36 =	vadd.bf16 v62, v36  }
0x277: {  	v39 =	vmul.bf16 v39, v24;
	v61 =	vmul.bf16 v57, v13;
	v56 =	vpack.i.f32.bf16 v49, v49  }
0x278: {  	v49 =	vbroadcast v34, $0xD;
	v38 =	vadd.bf16 v38, v40;
	v36 =	vadd.bf16 v63, v36  }
0x279: {  	v62 =	vmul.bf16 v43, v33;
	v63 =	vmul.bf16 v53, v11  }
0x27a: {  	s2 =	simm.s32 $0x8440;
	v38 =	vadd.bf16 v47, v38;
	v53 =	vmul.bf16 v51, v20;
	v36 =	vadd.bf16 v60, v36  }
0x27b: {  	v45 =	vld [tilespmem:s2+$0x30];
	v59 =	vadd.bf16 v63, v37;
	v60 =	vmul.bf16 v57, v12;
	v63 =	vbroadcast v34, $0x7  }
0x27c: {  	v38 =	vadd.bf16 v53, v38;
	v53 =	vpack.i.f32.bf16 v49, v49;
	v41 =	vadd.bf16 v62, v36  }
0x27d: {  	v46 =	vmul.bf16 v53, v28;
	v35 =	vadd.bf16 v60, v35;
	v36 =	vadd.bf16 v61, v59  }
0x27e: {  	v57 =	vpack.i.f32.bf16 v63, v63;
	v60 =	vpack.i.f32.bf16 v58, v58;
	v58 =	vmul.bf16 v56, v22  }
0x27f: {  	v59 =	vmul.bf16 v57, v16;
	v62 =	vunpack.i.u.bf16.f32 v41;
	v35 =	vadd.bf16 v50, v35  }
0x280: {  	v37 =	vmul.bf16 v57, v17;
	v45 =	vadd.f32 v45, v62;
	v62 =	vbroadcast v34, $0x9  }
0x281: {  	v61 =	vmul.bf16 v60, v18;
	v36 =	vadd.bf16 v42, v36;
	v35 =	vadd.bf16 v59, v35  }
0x282: {  	v63 =	vmul.bf16 v60, v19;
	v57 =	vbroadcast v34, $0xB;
	v48 =	vpack.i.f32.bf16 v62, v62  }
0x283: {  	v36 =	vadd.bf16 v37, v36;
	v35 =	vadd.bf16 v61, v35;
	v50 =	vmul.bf16 v48, v20  }
0x284: {  	v60 =	vmul.bf16 v52, v22;
	v52 =	vmul.bf16 v44, v26  }
0x285: {  	v36 =	vadd.bf16 v63, v36;
	v40 =	vmul.bf16 v48, v21;
	v35 =	vadd.bf16 v50, v35  }
0x286: {  	v37 =	vmul.bf16 v56, v23;
	v59 =	vpack.i.f32.bf16 v57, v57;
	v62 =	vbroadcast v34, $0xC  }
0x287: {  	v61 =	vmul.bf16 v59, v24;
	v36 =	vadd.bf16 v40, v36;
	v35 =	vadd.bf16 v58, v35  }
0x288: {  	v38 =	vadd.bf16 v60, v38;
	v63 =	vmul.bf16 v59, v25;
	v48 =	vpack.i.f32.bf16 v62, v62  }
0x289: {  	v50 =	vmul.bf16 v48, v26;
	v36 =	vadd.bf16 v37, v36;
	v35 =	vadd.bf16 v61, v35  }
0x28a: {  	v56 =	vbroadcast v34, $0xE;
	v57 =	vmul.bf16 v53, v29;
	v38 =	vadd.bf16 v39, v38  }
0x28b: {  	v51 =	vmul.bf16 v48, v27;
	v36 =	vadd.bf16 v63, v36;
	v37 =	vadd.bf16 v50, v35  }
0x28c: {  	v59 =	vmul.bf16 v54, v28;
	v38 =	vadd.bf16 v52, v38;
	v58 =	vpack.i.f32.bf16 v56, v56  }
0x28d: {  	v39 =	vld [tilespmem:s2+$0x10];
	v60 =	vmul.bf16 v58, v30;
	v40 =	vadd.bf16 v51, v36;
	v46 =	vadd.bf16 v46, v37  }
0x28e: {  	v34 =	vbroadcast v34, $0xF;
	v44 =	vadd.bf16 v59, v38;
	v38 =	vld [tilespmem:s2+$0x0]  }
0x28f: {  	v42 =	vmul.bf16 v58, v31;
	v40 =	vadd.bf16 v57, v40;
	v47 =	vadd.bf16 v60, v46;
	v46 =	vld [tilespmem:s2+$0x20]  }
0x290: {  	v34 =	vpack.i.f32.bf16 v34, v34;
	v61 =	vmul.bf16 v55, v30;
	v35 =	vld [tilespmem:s2+$0xFFFFFFC0]  }
0x291: {  	v62 =	vmul.bf16 v34, v32;
	v63 =	vmul.bf16 v34, v33;
	v36 =	vld [tilespmem:s2+$0xFFFFFFD0];
	v42 =	vadd.bf16 v42, v40  }
0x292: {  	v43 =	vmul.bf16 v43, v32;
	v34 =	vadd.bf16 v61, v44;
	v37 =	vld [tilespmem:s2+$0xFFFFFFE0]  }
0x293: {  	s15 =	simm.s32 $0x0;
	s16 =	simm.s32 $0xAC30;
	[tilespmem:s2+$0x30] =	vst v45;
	v45 =	vunpack.i.l.bf16.f32 v41;
	v40 =	vld [tilespmem:s2+$0xFFFFFFF0];
	v44 =	vadd.bf16 v62, v47;
	v42 =	vadd.bf16 v63, v42  }
.LBB2_30:
0x294: {  	v41 =	vld [tilespmem:s16+$0x0];
	s15 =	sadd.s32 $0x2, s15;
	v43 =	vadd.bf16 v43, v34;
	v45 =	vadd.f32 v46, v45  }
0x295: {  	v34 =	vld [tilespmem:s16+$0xFFFFFFF0];
	p0 =	slt.u32 s15, $0x7E;
	v46 =	vunpack.i.u.bf16.f32 v44;
	v44 =	vunpack.i.l.bf16.f32 v44;
	v47 =	vunpack.i.u.bf16.f32 v42  }
0x296: {  	v42 =	vunpack.i.l.bf16.f32 v42;
	v48 =	vunpack.i.u.bf16.f32 v43;
	v43 =	vunpack.i.l.bf16.f32 v43;
	[tilespmem:s2+$0x20] =	vst v45  }
0x297: {  	v35 =	vadd.f32 v35, v44;
	v36 =	vadd.f32 v36, v46  }
0x298: {  	v37 =	vadd.f32 v37, v42;
	v40 =	vadd.f32 v40, v47  }
0x299: {  	v42 =	vbroadcast v41, $0x0;
	[tilespmem:s2+$0xFFFFFFC0] =	vst v35;
	v35 =	vadd.f32 v38, v43;
	v38 =	vadd.f32 v39, v48  }
0x29a: {  	v39 =	vbroadcast v34, $0x0;
	v43 =	vbroadcast v34, $0x1;
	[tilespmem:s2+$0xFFFFFFD0] =	vst v36  }
0x29b: {  	v44 =	vbroadcast v41, $0x1;
	v36 =	vbroadcast v34, $0x2;
	v42 =	vpack.i.f32.bf16 v42, v42;
	[tilespmem:s2+$0xFFFFFFE0] =	vst v37  }
0x29c: {  	v37 =	vpack.i.f32.bf16 v39, v39;
	v39 =	vmul.bf16 v42, v2;
	v42 =	vmul.bf16 v42, v3;
	[tilespmem:s2+$0xFFFFFFF0] =	vst v40  }
0x29d: {  	v45 =	vbroadcast v41, $0x2;
	v44 =	vpack.i.f32.bf16 v44, v44;
	v40 =	vmul.bf16 v37, v2;
	[tilespmem:s2+$0x0] =	vst v35  }
0x29e: {  	v35 =	vmul.bf16 v37, v3;
	v37 =	vadd.bf16 v1, v42;
	v42 =	vmul.bf16 v44, v5;
	[tilespmem:s2+$0x10] =	vst v38  }
0x29f: {  	v38 =	vpack.i.f32.bf16 v43, v43;
	v43 =	vpack.i.f32.bf16 v45, v45;
	v45 =	vbroadcast v41, $0x3  }
0x2a0: {  	v40 =	vadd.bf16 v1, v40;
	v37 =	vadd.bf16 v42, v37;
	v42 =	vmul.bf16 v43, v7  }
0x2a1: {  	v35 =	vadd.bf16 v1, v35;
	v46 =	vpack.i.f32.bf16 v45, v45;
	v45 =	vbroadcast v41, $0x4  }
0x2a2: {  	v39 =	vadd.bf16 v1, v39;
	v37 =	vadd.bf16 v42, v37;
	v42 =	vmul.bf16 v46, v9  }
0x2a3: {  	v47 =	vmul.bf16 v38, v4;
	v48 =	vpack.i.f32.bf16 v45, v45;
	v45 =	vbroadcast v41, $0x5  }
0x2a4: {  	v38 =	vmul.bf16 v38, v5;
	v37 =	vadd.bf16 v42, v37;
	v42 =	vmul.bf16 v48, v11  }
0x2a5: {  	v44 =	vmul.bf16 v44, v4;
	v49 =	vpack.i.f32.bf16 v45, v45;
	v45 =	vbroadcast v41, $0x6  }
0x2a6: {  	v36 =	vpack.i.f32.bf16 v36, v36;
	v37 =	vadd.bf16 v42, v37;
	v42 =	vmul.bf16 v49, v13  }
0x2a7: {  	v50 =	vbroadcast v34, $0x3;
	v51 =	vpack.i.f32.bf16 v45, v45;
	v45 =	vbroadcast v41, $0x7  }
0x2a8: {  	v40 =	vadd.bf16 v47, v40;
	v37 =	vadd.bf16 v42, v37;
	v42 =	vmul.bf16 v51, v15  }
0x2a9: {  	v35 =	vadd.bf16 v38, v35;
	v38 =	vbroadcast v41, $0x8;
	v47 =	vpack.i.f32.bf16 v45, v45  }
0x2aa: {  	v39 =	vadd.bf16 v44, v39;
	v37 =	vadd.bf16 v42, v37;
	v42 =	vmul.bf16 v47, v17  }
0x2ab: {  	v44 =	vmul.bf16 v36, v6;
	v52 =	vpack.i.f32.bf16 v38, v38;
	v38 =	vbroadcast v41, $0x9  }
0x2ac: {  	v36 =	vmul.bf16 v36, v7;
	v37 =	vadd.bf16 v42, v37;
	v42 =	vmul.bf16 v52, v19  }
0x2ad: {  	v43 =	vmul.bf16 v43, v6;
	v53 =	vpack.i.f32.bf16 v38, v38;
	v38 =	vbroadcast v41, $0xA  }
0x2ae: {  	v50 =	vpack.i.f32.bf16 v50, v50;
	v37 =	vadd.bf16 v42, v37;
	v42 =	vmul.bf16 v53, v21  }
0x2af: {  	v54 =	vbroadcast v34, $0x4;
	v55 =	vpack.i.f32.bf16 v38, v38;
	v38 =	vbroadcast v41, $0xB  }
0x2b0: {  	v40 =	vadd.bf16 v44, v40;
	v37 =	vadd.bf16 v42, v37;
	v42 =	vmul.bf16 v55, v23  }
0x2b1: {  	v35 =	vadd.bf16 v36, v35;
	v36 =	vbroadcast v41, $0xC;
	v44 =	vpack.i.f32.bf16 v38, v38  }
0x2b2: {  	v38 =	vadd.bf16 v43, v39;
	v39 =	vmul.bf16 v44, v25;
	v37 =	vadd.bf16 v42, v37  }
0x2b3: {  	v56 =	vmul.bf16 v50, v8;
	v45 =	vpack.i.f32.bf16 v36, v36;
	v36 =	vbroadcast v41, $0xD  }
0x2b4: {  	v50 =	vmul.bf16 v50, v9;
	v37 =	vadd.bf16 v39, v37;
	v39 =	vmul.bf16 v45, v27  }
0x2b5: {  	v46 =	vmul.bf16 v46, v8;
	v43 =	vpack.i.f32.bf16 v36, v36;
	v36 =	vbroadcast v41, $0xE  }
0x2b6: {  	v54 =	vpack.i.f32.bf16 v54, v54;
	v37 =	vadd.bf16 v39, v37;
	v39 =	vmul.bf16 v43, v29  }
0x2b7: {  	v57 =	vbroadcast v34, $0x5;
	v42 =	vpack.i.f32.bf16 v36, v36;
	v36 =	vbroadcast v41, $0xF  }
0x2b8: {  	v40 =	vadd.bf16 v56, v40;
	v37 =	vadd.bf16 v39, v37;
	v39 =	vmul.bf16 v42, v31  }
0x2b9: {  	s2 =	sadd.s32 $0x80, s2;
	v50 =	vadd.bf16 v50, v35;
	v38 =	vadd.bf16 v46, v38;
	v41 =	vpack.i.f32.bf16 v36, v36  }
0x2ba: {  	v36 =	vmul.bf16 v54, v10;
	v37 =	vadd.bf16 v39, v37;
	v39 =	vmul.bf16 v41, v33;
	v46 =	vld [tilespmem:s2+$0x30]  }
0x2bb: {  	v48 =	vmul.bf16 v48, v10;
	v56 =	vpack.i.f32.bf16 v57, v57;
	v54 =	vmul.bf16 v54, v11;
	v35 =	vld [tilespmem:s2+$0xFFFFFFC0]  }
0x2bc: {  	v58 =	vbroadcast v34, $0x6;
	v57 =	vadd.bf16 v36, v40;
	v36 =	vld [tilespmem:s2+$0xFFFFFFD0];
	v59 =	vadd.bf16 v39, v37  }
0x2bd: {  	v48 =	vadd.bf16 v48, v38;
	v39 =	vadd.bf16 v54, v50;
	v50 =	vmul.bf16 v56, v12;
	v37 =	vld [tilespmem:s2+$0xFFFFFFE0]  }
0x2be: {  	v49 =	vmul.bf16 v49, v12;
	v54 =	vmul.bf16 v56, v13;
	v40 =	vld [tilespmem:s2+$0xFFFFFFF0];
	v56 =	vunpack.i.u.bf16.f32 v59  }
0x2bf: {  	v60 =	vbroadcast v34, $0x7;
	v58 =	vpack.i.f32.bf16 v58, v58;
	v38 =	vld [tilespmem:s2+$0x0];
	v56 =	vadd.f32 v46, v56  }
0x2c0: {  	v50 =	vadd.bf16 v50, v57;
	v54 =	vadd.bf16 v54, v39;
	v57 =	vmul.bf16 v58, v14;
	v39 =	vld [tilespmem:s2+$0x10]  }
0x2c1: {  	v48 =	vadd.bf16 v49, v48;
	v49 =	vmul.bf16 v51, v14;
	v58 =	vmul.bf16 v58, v15;
	v46 =	vld [tilespmem:s2+$0x20];
	[tilespmem:s2+$0x30] =	vst v56  }
0x2c2: {  	v51 =	vpack.i.f32.bf16 v60, v60;
	v50 =	vadd.bf16 v57, v50;
	v56 =	vbroadcast v34, $0x8  }
0x2c3: {  	v48 =	vadd.bf16 v49, v48;
	v54 =	vadd.bf16 v58, v54;
	v57 =	vmul.bf16 v51, v16  }
0x2c4: {  	v47 =	vmul.bf16 v47, v16;
	v49 =	vmul.bf16 v51, v17;
	v51 =	vpack.i.f32.bf16 v56, v56  }
0x2c5: {  	v50 =	vadd.bf16 v57, v50;
	v57 =	vbroadcast v34, $0x9;
	v56 =	vmul.bf16 v51, v18  }
0x2c6: {  	v47 =	vadd.bf16 v47, v48;
	v49 =	vadd.bf16 v49, v54;
	v51 =	vmul.bf16 v51, v19  }
0x2c7: {  	v52 =	vmul.bf16 v52, v18;
	v54 =	vbroadcast v34, $0xA;
	v48 =	vpack.i.f32.bf16 v57, v57  }
0x2c8: {  	v50 =	vadd.bf16 v56, v50;
	v49 =	vadd.bf16 v51, v49;
	v51 =	vmul.bf16 v48, v20  }
0x2c9: {  	v47 =	vadd.bf16 v52, v47;
	v52 =	vmul.bf16 v53, v20;
	v48 =	vmul.bf16 v48, v21  }
0x2ca: {  	v53 =	vbroadcast v34, $0xB;
	v50 =	vadd.bf16 v51, v50;
	v51 =	vpack.i.f32.bf16 v54, v54  }
0x2cb: {  	v47 =	vadd.bf16 v52, v47;
	v48 =	vadd.bf16 v48, v49;
	v49 =	vmul.bf16 v51, v22  }
0x2cc: {  	v52 =	vpack.i.f32.bf16 v53, v53;
	v53 =	vmul.bf16 v55, v22;
	v51 =	vmul.bf16 v51, v23  }
0x2cd: {  	v54 =	vbroadcast v34, $0xC;
	v49 =	vadd.bf16 v49, v50;
	v50 =	vmul.bf16 v52, v24  }
0x2ce: {  	v47 =	vadd.bf16 v53, v47;
	v48 =	vadd.bf16 v51, v48;
	v51 =	vmul.bf16 v52, v25  }
0x2cf: {  	v44 =	vmul.bf16 v44, v24;
	v53 =	vbroadcast v34, $0xD;
	v52 =	vpack.i.f32.bf16 v54, v54  }
0x2d0: {  	v49 =	vadd.bf16 v50, v49;
	v48 =	vadd.bf16 v51, v48;
	v50 =	vmul.bf16 v52, v26  }
0x2d1: {  	v45 =	vmul.bf16 v45, v26;
	v44 =	vadd.bf16 v44, v47;
	v51 =	vmul.bf16 v52, v27  }
0x2d2: {  	v47 =	vadd.bf16 v50, v49;
	v49 =	vpack.i.f32.bf16 v53, v53;
	v50 =	vbroadcast v34, $0xE  }
0x2d3: {  	v44 =	vadd.bf16 v45, v44;
	v48 =	vadd.bf16 v51, v48;
	v51 =	vmul.bf16 v49, v28  }
0x2d4: {  	v43 =	vmul.bf16 v43, v28;
	v45 =	vmul.bf16 v49, v29;
	v49 =	vpack.i.f32.bf16 v50, v50  }
0x2d5: {  	v34 =	vbroadcast v34, $0xF;
	v47 =	vadd.bf16 v51, v47;
	v50 =	vmul.bf16 v49, v30  }
.Ltmp14:
0x2d6: {  	v43 =	vadd.bf16 v43, v44;
	v45 =	vadd.bf16 v45, v48;
	v48 =	vmul.bf16 v49, v31;
	(pc) =	sbr.rel @p0 .LBB2_30-.Ltmp14, $4  }
0x2d7: {  	v42 =	vmul.bf16 v42, v30;
	v34 =	vpack.i.f32.bf16 v34, v34;
	v44 =	vadd.bf16 v50, v47  }
0x2d8: {  	v49 =	vmul.bf16 v34, v33;
	v47 =	vadd.bf16 v48, v45;
	v48 =	vmul.bf16 v34, v32  }
0x2d9: {  	v34 =	vadd.bf16 v42, v43;
	v43 =	vmul.bf16 v41, v32;
	v45 =	vunpack.i.l.bf16.f32 v59  }
0x2da: {  	s16 =	sadd.s32 $0x20, s16;
	v44 =	vadd.bf16 v48, v44;
	v42 =	vadd.bf16 v49, v47  }
0x2db: {  	_ = 	snop  }
0x2dc: {  	v41 =	vadd.f32 v46, v45;
	v59 =	vunpack.i.l.bf16.f32 v44  }
0x2dd: {  	v60 =	vunpack.i.u.bf16.f32 v44;
	v35 =	vadd.f32 v35, v59  }
0x2de: {  	v34 =	vadd.bf16 v43, v34;
	v61 =	vunpack.i.l.bf16.f32 v42;
	[tilespmem:s2+$0x20] =	vst v41;
	v36 =	vadd.f32 v36, v60  }
0x2df: {  	v62 =	vunpack.i.u.bf16.f32 v42;
	v37 =	vadd.f32 v37, v61;
	[tilespmem:s2+$0xFFFFFFC0] =	vst v35  }
0x2e0: {  	v63 =	vunpack.i.l.bf16.f32 v34;
	v40 =	vadd.f32 v40, v62;
	v34 =	vunpack.i.u.bf16.f32 v34;
	[tilespmem:s2+$0xFFFFFFD0] =	vst v36  }
0x2e1: {  	v34 =	vadd.f32 v39, v34;
	[tilespmem:s2+$0xFFFFFFE0] =	vst v37  }
0x2e2: {  	v35 =	vadd.f32 v38, v63;
	[tilespmem:s2+$0xFFFFFFF0] =	vst v40  }
0x2e3: {  	[tilespmem:s2+$0x10] =	vst v34  }
0x2e4: {  	[tilespmem:s2+$0x0] =	vst v35  }
0x2e5: {  	s30 =	simm.s32 $0x0;
	s0 =	rddreg [dreg:$0x17]  }
0x2e6: {  	[hbm4b:s0+s30] =	stream.linear.scatter [tilespmem:s29], [sflag:$0x6], $0x2000, $0x38;
	[tilespmem:$0xF740] =	vst v63  }
0x2e7: {  	s17 =	simm.s32 $0x180  }
0x2e8: {  	[tilespmem:s29], [sflag:$0x2] =	stream.indirect.gather [hbm4b:s4+s25], $0x40, s17, s25, $0xb8;
	[tilespmem:$0xF740] =	vst v63  }
0x2e9: {  	s18 =	simm.s32 $0xAC00  }
0x2ea: {  	[tilespmem:s18], [sflag:$0x4] =	stream.indirect.gather [hbm4b:s20+s25], $0x10, s17, s25, $0xb8;
	[tilespmem:$0xF740] =	vst v63  }
.LBB2_32:
0x2eb: {  	_ =	swait.ge [sflag:s21], $0x2000  }
0x2ec: {  	[sflag:s21] =	ssyncset.done $0x0  }
0x2ed: {  	[sflag:s21] =	ssyncadd.s32 $0xFFFFE000  }
0x2ee: {  	_ =	swait.ge [sflag:s11], $0x800  }
0x2ef: {  	[sflag:s11] =	ssyncset.done $0x0  }
0x2f0: {  	[sflag:s11] =	ssyncadd.s32 $0xFFFFF800  }
0x2f1: {  	_ =	swait.ge [sflag:s13], $0x2000  }
0x2f2: {  	[sflag:s13] =	ssyncset.done $0x0  }
0x2f3: {  	s0 =	simm.s32 $0xA410;
	[sflag:s13] =	ssyncadd.s32 $0xFFFFE000  }
0x2f4: {  	v35 =	vld [tilespmem:s0+$0x0]  }
0x2f5: {  	v34 =	vld [tilespmem:s0+$0xFFFFFFF0];
	_ =	sdelay $0x4  }
0x2f6: {  	v36 =	vbroadcast v35, $0x0;
	v37 =	vbroadcast v34, $0x0  }
0x2f7: {  	v38 =	vbroadcast v34, $0x1;
	v39 =	vbroadcast v34, $0x2  }
0x2f8: {  	v40 =	vbroadcast v35, $0x1;
	v43 =	vbroadcast v35, $0x2  }
0x2f9: {  	v45 =	vbroadcast v35, $0x3;
	v46 =	vbroadcast v35, $0x4  }
0x2fa: {  	v48 =	vbroadcast v35, $0x5;
	v49 =	vbroadcast v35, $0x6  }
0x2fb: {  	v50 =	vbroadcast v34, $0x3;
	v51 =	vbroadcast v35, $0x7  }
0x2fc: {  	v58 =	vbroadcast v35, $0x8;
	v61 =	vbroadcast v35, $0x9  }
0x2fd: {  	v52 =	vbroadcast v35, $0xA;
	v36 =	vpack.i.f32.bf16 v36, v36;
	v37 =	vpack.i.f32.bf16 v37, v37  }
0x2fe: {  	v40 =	vpack.i.f32.bf16 v40, v40;
	v38 =	vpack.i.f32.bf16 v38, v38;
	v43 =	vpack.i.f32.bf16 v43, v43  }
0x2ff: {  	v45 =	vpack.i.f32.bf16 v45, v45;
	v41 =	vmul.bf16 v36, v2;
	v36 =	vmul.bf16 v36, v3  }
0x300: {  	v46 =	vpack.i.f32.bf16 v46, v46;
	v42 =	vmul.bf16 v37, v2;
	v37 =	vmul.bf16 v37, v3  }
0x301: {  	v48 =	vpack.i.f32.bf16 v48, v48;
	v44 =	vmul.bf16 v40, v5;
	v53 =	vmul.bf16 v43, v7  }
0x302: {  	v39 =	vpack.i.f32.bf16 v39, v39;
	v54 =	vmul.bf16 v45, v9;
	v47 =	vmul.bf16 v38, v4  }
0x303: {  	v49 =	vpack.i.f32.bf16 v49, v49;
	v38 =	vmul.bf16 v38, v5;
	v55 =	vmul.bf16 v46, v11  }
0x304: {  	v50 =	vpack.i.f32.bf16 v50, v50;
	v40 =	vmul.bf16 v40, v4;
	v56 =	vmul.bf16 v48, v13  }
0x305: {  	v57 =	vmul.bf16 v49, v15;
	v60 =	vmul.bf16 v39, v6;
	v36 =	vadd.bf16 v1, v36  }
0x306: {  	v52 =	vpack.i.f32.bf16 v52, v52;
	v39 =	vmul.bf16 v39, v7;
	v43 =	vmul.bf16 v43, v6  }
0x307: {  	v45 =	vmul.bf16 v45, v8;
	v42 =	vadd.bf16 v1, v42;
	v36 =	vadd.bf16 v44, v36  }
0x308: {  	v46 =	vmul.bf16 v46, v10;
	v37 =	vadd.bf16 v1, v37;
	v41 =	vadd.bf16 v1, v41  }
0x309: {  	v48 =	vmul.bf16 v48, v12;
	v42 =	vadd.bf16 v47, v42;
	v36 =	vadd.bf16 v53, v36  }
0x30a: {  	v37 =	vadd.bf16 v38, v37;
	v38 =	vpack.i.f32.bf16 v51, v51;
	v40 =	vadd.bf16 v40, v41  }
0x30b: {  	v47 =	vpack.i.f32.bf16 v58, v58;
	v58 =	vbroadcast v35, $0xC;
	v36 =	vadd.bf16 v54, v36  }
0x30c: {  	v51 =	vpack.i.f32.bf16 v61, v61;
	v61 =	vbroadcast v35, $0xD;
	v59 =	vmul.bf16 v38, v17  }
0x30d: {  	v62 =	vmul.bf16 v47, v19;
	v63 =	vmul.bf16 v51, v21;
	v36 =	vadd.bf16 v55, v36  }
0x30e: {  	v38 =	vmul.bf16 v38, v16;
	v47 =	vmul.bf16 v47, v18;
	v42 =	vadd.bf16 v60, v42  }
0x30f: {  	v53 =	vbroadcast v34, $0x4;
	v37 =	vadd.bf16 v39, v37;
	v36 =	vadd.bf16 v56, v36  }
0x310: {  	v40 =	vadd.bf16 v43, v40;
	v60 =	vmul.bf16 v50, v8;
	v50 =	vmul.bf16 v50, v9  }
0x311: {  	v44 =	vpack.i.f32.bf16 v58, v58;
	v58 =	vbroadcast v34, $0x6;
	v36 =	vadd.bf16 v57, v36  }
0x312: {  	v54 =	vbroadcast v35, $0xB;
	v42 =	vadd.bf16 v60, v42;
	v37 =	vadd.bf16 v50, v37  }
0x313: {  	v53 =	vpack.i.f32.bf16 v53, v53;
	v40 =	vadd.bf16 v45, v40;
	v36 =	vadd.bf16 v59, v36  }
0x314: {  	v39 =	vpack.i.f32.bf16 v54, v54;
	v54 =	vpack.i.f32.bf16 v61, v61;
	v55 =	vbroadcast v35, $0xE  }
0x315: {  	v35 =	vbroadcast v35, $0xF;
	v61 =	vmul.bf16 v53, v10;
	v36 =	vadd.bf16 v62, v36  }
0x316: {  	v40 =	vadd.bf16 v46, v40;
	v56 =	vbroadcast v34, $0x5;
	v55 =	vpack.i.f32.bf16 v55, v55  }
0x317: {  	v43 =	vpack.i.f32.bf16 v35, v35;
	v57 =	vmul.bf16 v52, v23;
	v36 =	vadd.bf16 v63, v36  }
0x318: {  	v35 =	vadd.bf16 v61, v42;
	v42 =	vpack.i.f32.bf16 v58, v58;
	v58 =	vbroadcast v34, $0x8  }
0x319: {  	v60 =	vmul.bf16 v55, v31;
	v59 =	vmul.bf16 v39, v25;
	v36 =	vadd.bf16 v57, v36  }
0x31a: {  	v40 =	vadd.bf16 v48, v40;
	v50 =	vmul.bf16 v42, v14;
	v62 =	vmul.bf16 v44, v27  }
0x31b: {  	v57 =	vpack.i.f32.bf16 v56, v56;
	v56 =	vmul.bf16 v49, v14;
	v36 =	vadd.bf16 v59, v36  }
0x31c: {  	v42 =	vmul.bf16 v42, v15;
	v49 =	vbroadcast v34, $0xA  }
0x31d: {  	v63 =	vmul.bf16 v54, v29;
	v40 =	vadd.bf16 v56, v40;
	v36 =	vadd.bf16 v62, v36  }
0x31e: {  	v39 =	vmul.bf16 v39, v24;
	v61 =	vmul.bf16 v57, v13;
	v56 =	vpack.i.f32.bf16 v49, v49  }
0x31f: {  	v49 =	vbroadcast v34, $0xD;
	v38 =	vadd.bf16 v38, v40;
	v36 =	vadd.bf16 v63, v36  }
0x320: {  	v62 =	vmul.bf16 v43, v33;
	v63 =	vmul.bf16 v53, v11  }
0x321: {  	s15 =	simm.s32 $0x6440;
	v38 =	vadd.bf16 v47, v38;
	v53 =	vmul.bf16 v51, v20;
	v36 =	vadd.bf16 v60, v36  }
0x322: {  	v45 =	vld [tilespmem:s15+$0x30];
	v59 =	vadd.bf16 v63, v37;
	v60 =	vmul.bf16 v57, v12;
	v63 =	vbroadcast v34, $0x7  }
0x323: {  	v38 =	vadd.bf16 v53, v38;
	v53 =	vpack.i.f32.bf16 v49, v49;
	v41 =	vadd.bf16 v62, v36  }
0x324: {  	v46 =	vmul.bf16 v53, v28;
	v35 =	vadd.bf16 v60, v35;
	v36 =	vadd.bf16 v61, v59  }
0x325: {  	v57 =	vpack.i.f32.bf16 v63, v63;
	v60 =	vpack.i.f32.bf16 v58, v58;
	v58 =	vmul.bf16 v56, v22  }
0x326: {  	v59 =	vmul.bf16 v57, v16;
	v62 =	vunpack.i.u.bf16.f32 v41;
	v35 =	vadd.bf16 v50, v35  }
0x327: {  	v37 =	vmul.bf16 v57, v17;
	v45 =	vadd.f32 v45, v62;
	v62 =	vbroadcast v34, $0x9  }
0x328: {  	v61 =	vmul.bf16 v60, v18;
	v36 =	vadd.bf16 v42, v36;
	v35 =	vadd.bf16 v59, v35  }
0x329: {  	v63 =	vmul.bf16 v60, v19;
	v57 =	vbroadcast v34, $0xB;
	v48 =	vpack.i.f32.bf16 v62, v62  }
0x32a: {  	v36 =	vadd.bf16 v37, v36;
	v35 =	vadd.bf16 v61, v35;
	v50 =	vmul.bf16 v48, v20  }
0x32b: {  	v60 =	vmul.bf16 v52, v22;
	v52 =	vmul.bf16 v44, v26  }
0x32c: {  	v36 =	vadd.bf16 v63, v36;
	v40 =	vmul.bf16 v48, v21;
	v35 =	vadd.bf16 v50, v35  }
0x32d: {  	v37 =	vmul.bf16 v56, v23;
	v59 =	vpack.i.f32.bf16 v57, v57;
	v62 =	vbroadcast v34, $0xC  }
0x32e: {  	v61 =	vmul.bf16 v59, v24;
	v36 =	vadd.bf16 v40, v36;
	v35 =	vadd.bf16 v58, v35  }
0x32f: {  	v38 =	vadd.bf16 v60, v38;
	v63 =	vmul.bf16 v59, v25;
	v48 =	vpack.i.f32.bf16 v62, v62  }
0x330: {  	v50 =	vmul.bf16 v48, v26;
	v36 =	vadd.bf16 v37, v36;
	v35 =	vadd.bf16 v61, v35  }
0x331: {  	v56 =	vbroadcast v34, $0xE;
	v57 =	vmul.bf16 v53, v29;
	v38 =	vadd.bf16 v39, v38  }
0x332: {  	v51 =	vmul.bf16 v48, v27;
	v36 =	vadd.bf16 v63, v36;
	v37 =	vadd.bf16 v50, v35  }
0x333: {  	v59 =	vmul.bf16 v54, v28;
	v38 =	vadd.bf16 v52, v38;
	v58 =	vpack.i.f32.bf16 v56, v56  }
0x334: {  	v39 =	vld [tilespmem:s15+$0x10];
	v60 =	vmul.bf16 v58, v30;
	v40 =	vadd.bf16 v51, v36;
	v46 =	vadd.bf16 v46, v37  }
0x335: {  	v34 =	vbroadcast v34, $0xF;
	v44 =	vadd.bf16 v59, v38;
	v38 =	vld [tilespmem:s15+$0x0]  }
0x336: {  	s2 =	sshll.u32 s30, $0x8;
	v42 =	vmul.bf16 v58, v31;
	v40 =	vadd.bf16 v57, v40;
	v47 =	vadd.bf16 v60, v46;
	v46 =	vld [tilespmem:s15+$0x20]  }
0x337: {  	s18 =	sadd.s32 s2, s23;
	v34 =	vpack.i.f32.bf16 v34, v34;
	v61 =	vmul.bf16 v55, v30;
	v35 =	vld [tilespmem:s15+$0xFFFFFFC0]  }
0x338: {  	s0 =	sshll.u32 s18, $0x3;
	v62 =	vmul.bf16 v34, v32;
	v63 =	vmul.bf16 v34, v33;
	v36 =	vld [tilespmem:s15+$0xFFFFFFD0];
	v42 =	vadd.bf16 v42, v40  }
0x339: {  	s0 =	sand.u32 $0x1FFFF800, s0;
	v43 =	vmul.bf16 v43, v32;
	v34 =	vadd.bf16 v61, v44;
	v37 =	vld [tilespmem:s15+$0xFFFFFFE0]  }
0x33a: {  	s17 =	simm.s32 $0x0;
	s18 =	simm.s32 $0xA430;
	s16 =	sadd.s32 s22, s0;
	[tilespmem:s15+$0x30] =	vst v45;
	v45 =	vunpack.i.l.bf16.f32 v41;
	v40 =	vld [tilespmem:s15+$0xFFFFFFF0];
	v44 =	vadd.bf16 v62, v47;
	v42 =	vadd.bf16 v63, v42  }
.LBB2_33:
0x33b: {  	v41 =	vld [tilespmem:s18+$0x0];
	s17 =	sadd.s32 $0x2, s17;
	v43 =	vadd.bf16 v43, v34;
	v45 =	vadd.f32 v46, v45  }
0x33c: {  	v34 =	vld [tilespmem:s18+$0xFFFFFFF0];
	p0 =	slt.u32 s17, $0x7E;
	v46 =	vunpack.i.u.bf16.f32 v44;
	v44 =	vunpack.i.l.bf16.f32 v44;
	v47 =	vunpack.i.u.bf16.f32 v42  }
0x33d: {  	v42 =	vunpack.i.l.bf16.f32 v42;
	v48 =	vunpack.i.u.bf16.f32 v43;
	v43 =	vunpack.i.l.bf16.f32 v43;
	[tilespmem:s15+$0x20] =	vst v45  }
0x33e: {  	v35 =	vadd.f32 v35, v44;
	v36 =	vadd.f32 v36, v46  }
0x33f: {  	v37 =	vadd.f32 v37, v42;
	v40 =	vadd.f32 v40, v47  }
0x340: {  	v42 =	vbroadcast v41, $0x0;
	[tilespmem:s15+$0xFFFFFFC0] =	vst v35;
	v35 =	vadd.f32 v38, v43;
	v38 =	vadd.f32 v39, v48  }
0x341: {  	v39 =	vbroadcast v34, $0x0;
	v43 =	vbroadcast v34, $0x1;
	[tilespmem:s15+$0xFFFFFFD0] =	vst v36  }
0x342: {  	v44 =	vbroadcast v41, $0x1;
	v36 =	vbroadcast v34, $0x2;
	v42 =	vpack.i.f32.bf16 v42, v42;
	[tilespmem:s15+$0xFFFFFFE0] =	vst v37  }
0x343: {  	v37 =	vpack.i.f32.bf16 v39, v39;
	v39 =	vmul.bf16 v42, v2;
	v42 =	vmul.bf16 v42, v3;
	[tilespmem:s15+$0xFFFFFFF0] =	vst v40  }
0x344: {  	v45 =	vbroadcast v41, $0x2;
	v44 =	vpack.i.f32.bf16 v44, v44;
	v40 =	vmul.bf16 v37, v2;
	[tilespmem:s15+$0x0] =	vst v35  }
0x345: {  	v35 =	vmul.bf16 v37, v3;
	v37 =	vadd.bf16 v1, v42;
	v42 =	vmul.bf16 v44, v5;
	[tilespmem:s15+$0x10] =	vst v38  }
0x346: {  	v38 =	vpack.i.f32.bf16 v43, v43;
	v43 =	vpack.i.f32.bf16 v45, v45;
	v45 =	vbroadcast v41, $0x3  }
0x347: {  	v40 =	vadd.bf16 v1, v40;
	v37 =	vadd.bf16 v42, v37;
	v42 =	vmul.bf16 v43, v7  }
0x348: {  	v35 =	vadd.bf16 v1, v35;
	v46 =	vpack.i.f32.bf16 v45, v45;
	v45 =	vbroadcast v41, $0x4  }
0x349: {  	v39 =	vadd.bf16 v1, v39;
	v37 =	vadd.bf16 v42, v37;
	v42 =	vmul.bf16 v46, v9  }
0x34a: {  	v47 =	vmul.bf16 v38, v4;
	v48 =	vpack.i.f32.bf16 v45, v45;
	v45 =	vbroadcast v41, $0x5  }
0x34b: {  	v38 =	vmul.bf16 v38, v5;
	v37 =	vadd.bf16 v42, v37;
	v42 =	vmul.bf16 v48, v11  }
0x34c: {  	v44 =	vmul.bf16 v44, v4;
	v49 =	vpack.i.f32.bf16 v45, v45;
	v45 =	vbroadcast v41, $0x6  }
0x34d: {  	v36 =	vpack.i.f32.bf16 v36, v36;
	v37 =	vadd.bf16 v42, v37;
	v42 =	vmul.bf16 v49, v13  }
0x34e: {  	v50 =	vbroadcast v34, $0x3;
	v51 =	vpack.i.f32.bf16 v45, v45;
	v45 =	vbroadcast v41, $0x7  }
0x34f: {  	v40 =	vadd.bf16 v47, v40;
	v37 =	vadd.bf16 v42, v37;
	v42 =	vmul.bf16 v51, v15  }
0x350: {  	v35 =	vadd.bf16 v38, v35;
	v38 =	vbroadcast v41, $0x8;
	v47 =	vpack.i.f32.bf16 v45, v45  }
0x351: {  	v39 =	vadd.bf16 v44, v39;
	v37 =	vadd.bf16 v42, v37;
	v42 =	vmul.bf16 v47, v17  }
0x352: {  	v44 =	vmul.bf16 v36, v6;
	v52 =	vpack.i.f32.bf16 v38, v38;
	v38 =	vbroadcast v41, $0x9  }
0x353: {  	v36 =	vmul.bf16 v36, v7;
	v37 =	vadd.bf16 v42, v37;
	v42 =	vmul.bf16 v52, v19  }
0x354: {  	v43 =	vmul.bf16 v43, v6;
	v53 =	vpack.i.f32.bf16 v38, v38;
	v38 =	vbroadcast v41, $0xA  }
0x355: {  	v50 =	vpack.i.f32.bf16 v50, v50;
	v37 =	vadd.bf16 v42, v37;
	v42 =	vmul.bf16 v53, v21  }
0x356: {  	v54 =	vbroadcast v34, $0x4;
	v55 =	vpack.i.f32.bf16 v38, v38;
	v38 =	vbroadcast v41, $0xB  }
0x357: {  	v40 =	vadd.bf16 v44, v40;
	v37 =	vadd.bf16 v42, v37;
	v42 =	vmul.bf16 v55, v23  }
0x358: {  	v35 =	vadd.bf16 v36, v35;
	v36 =	vbroadcast v41, $0xC;
	v44 =	vpack.i.f32.bf16 v38, v38  }
0x359: {  	v38 =	vadd.bf16 v43, v39;
	v39 =	vmul.bf16 v44, v25;
	v37 =	vadd.bf16 v42, v37  }
0x35a: {  	v56 =	vmul.bf16 v50, v8;
	v45 =	vpack.i.f32.bf16 v36, v36;
	v36 =	vbroadcast v41, $0xD  }
0x35b: {  	v50 =	vmul.bf16 v50, v9;
	v37 =	vadd.bf16 v39, v37;
	v39 =	vmul.bf16 v45, v27  }
0x35c: {  	v46 =	vmul.bf16 v46, v8;
	v43 =	vpack.i.f32.bf16 v36, v36;
	v36 =	vbroadcast v41, $0xE  }
0x35d: {  	v54 =	vpack.i.f32.bf16 v54, v54;
	v37 =	vadd.bf16 v39, v37;
	v39 =	vmul.bf16 v43, v29  }
0x35e: {  	v57 =	vbroadcast v34, $0x5;
	v42 =	vpack.i.f32.bf16 v36, v36;
	v36 =	vbroadcast v41, $0xF  }
0x35f: {  	v40 =	vadd.bf16 v56, v40;
	v37 =	vadd.bf16 v39, v37;
	v39 =	vmul.bf16 v42, v31  }
0x360: {  	s15 =	sadd.s32 $0x80, s15;
	v50 =	vadd.bf16 v50, v35;
	v38 =	vadd.bf16 v46, v38;
	v41 =	vpack.i.f32.bf16 v36, v36  }
0x361: {  	v36 =	vmul.bf16 v54, v10;
	v37 =	vadd.bf16 v39, v37;
	v39 =	vmul.bf16 v41, v33;
	v46 =	vld [tilespmem:s15+$0x30]  }
0x362: {  	v48 =	vmul.bf16 v48, v10;
	v56 =	vpack.i.f32.bf16 v57, v57;
	v54 =	vmul.bf16 v54, v11;
	v35 =	vld [tilespmem:s15+$0xFFFFFFC0]  }
0x363: {  	v58 =	vbroadcast v34, $0x6;
	v57 =	vadd.bf16 v36, v40;
	v36 =	vld [tilespmem:s15+$0xFFFFFFD0];
	v59 =	vadd.bf16 v39, v37  }
0x364: {  	v48 =	vadd.bf16 v48, v38;
	v39 =	vadd.bf16 v54, v50;
	v50 =	vmul.bf16 v56, v12;
	v37 =	vld [tilespmem:s15+$0xFFFFFFE0]  }
0x365: {  	v49 =	vmul.bf16 v49, v12;
	v54 =	vmul.bf16 v56, v13;
	v40 =	vld [tilespmem:s15+$0xFFFFFFF0];
	v56 =	vunpack.i.u.bf16.f32 v59  }
0x366: {  	v60 =	vbroadcast v34, $0x7;
	v58 =	vpack.i.f32.bf16 v58, v58;
	v38 =	vld [tilespmem:s15+$0x0];
	v56 =	vadd.f32 v46, v56  }
0x367: {  	v50 =	vadd.bf16 v50, v57;
	v54 =	vadd.bf16 v54, v39;
	v57 =	vmul.bf16 v58, v14;
	v39 =	vld [tilespmem:s15+$0x10]  }
0x368: {  	v48 =	vadd.bf16 v49, v48;
	v49 =	vmul.bf16 v51, v14;
	v58 =	vmul.bf16 v58, v15;
	v46 =	vld [tilespmem:s15+$0x20];
	[tilespmem:s15+$0x30] =	vst v56  }
0x369: {  	v51 =	vpack.i.f32.bf16 v60, v60;
	v50 =	vadd.bf16 v57, v50;
	v56 =	vbroadcast v34, $0x8  }
0x36a: {  	v48 =	vadd.bf16 v49, v48;
	v54 =	vadd.bf16 v58, v54;
	v57 =	vmul.bf16 v51, v16  }
0x36b: {  	v47 =	vmul.bf16 v47, v16;
	v49 =	vmul.bf16 v51, v17;
	v51 =	vpack.i.f32.bf16 v56, v56  }
0x36c: {  	v50 =	vadd.bf16 v57, v50;
	v57 =	vbroadcast v34, $0x9;
	v56 =	vmul.bf16 v51, v18  }
0x36d: {  	v47 =	vadd.bf16 v47, v48;
	v49 =	vadd.bf16 v49, v54;
	v51 =	vmul.bf16 v51, v19  }
0x36e: {  	v52 =	vmul.bf16 v52, v18;
	v54 =	vbroadcast v34, $0xA;
	v48 =	vpack.i.f32.bf16 v57, v57  }
0x36f: {  	v50 =	vadd.bf16 v56, v50;
	v49 =	vadd.bf16 v51, v49;
	v51 =	vmul.bf16 v48, v20  }
0x370: {  	v47 =	vadd.bf16 v52, v47;
	v52 =	vmul.bf16 v53, v20;
	v48 =	vmul.bf16 v48, v21  }
0x371: {  	v53 =	vbroadcast v34, $0xB;
	v50 =	vadd.bf16 v51, v50;
	v51 =	vpack.i.f32.bf16 v54, v54  }
0x372: {  	v47 =	vadd.bf16 v52, v47;
	v48 =	vadd.bf16 v48, v49;
	v49 =	vmul.bf16 v51, v22  }
0x373: {  	v52 =	vpack.i.f32.bf16 v53, v53;
	v53 =	vmul.bf16 v55, v22;
	v51 =	vmul.bf16 v51, v23  }
0x374: {  	v54 =	vbroadcast v34, $0xC;
	v49 =	vadd.bf16 v49, v50;
	v50 =	vmul.bf16 v52, v24  }
0x375: {  	v47 =	vadd.bf16 v53, v47;
	v48 =	vadd.bf16 v51, v48;
	v51 =	vmul.bf16 v52, v25  }
0x376: {  	v44 =	vmul.bf16 v44, v24;
	v53 =	vbroadcast v34, $0xD;
	v52 =	vpack.i.f32.bf16 v54, v54  }
0x377: {  	v49 =	vadd.bf16 v50, v49;
	v48 =	vadd.bf16 v51, v48;
	v50 =	vmul.bf16 v52, v26  }
0x378: {  	v45 =	vmul.bf16 v45, v26;
	v44 =	vadd.bf16 v44, v47;
	v51 =	vmul.bf16 v52, v27  }
0x379: {  	v47 =	vadd.bf16 v50, v49;
	v49 =	vpack.i.f32.bf16 v53, v53;
	v50 =	vbroadcast v34, $0xE  }
0x37a: {  	v44 =	vadd.bf16 v45, v44;
	v48 =	vadd.bf16 v51, v48;
	v51 =	vmul.bf16 v49, v28  }
0x37b: {  	v43 =	vmul.bf16 v43, v28;
	v45 =	vmul.bf16 v49, v29;
	v49 =	vpack.i.f32.bf16 v50, v50  }
0x37c: {  	v34 =	vbroadcast v34, $0xF;
	v47 =	vadd.bf16 v51, v47;
	v50 =	vmul.bf16 v49, v30  }
.Ltmp15:
0x37d: {  	v43 =	vadd.bf16 v43, v44;
	v45 =	vadd.bf16 v45, v48;
	v48 =	vmul.bf16 v49, v31;
	(pc) =	sbr.rel @p0 .LBB2_33-.Ltmp15, $4  }
0x37e: {  	v42 =	vmul.bf16 v42, v30;
	v34 =	vpack.i.f32.bf16 v34, v34;
	v44 =	vadd.bf16 v50, v47  }
0x37f: {  	v49 =	vmul.bf16 v34, v33;
	v47 =	vadd.bf16 v48, v45;
	v48 =	vmul.bf16 v34, v32  }
0x380: {  	v34 =	vadd.bf16 v42, v43;
	v43 =	vmul.bf16 v41, v32;
	v45 =	vunpack.i.l.bf16.f32 v59  }
0x381: {  	s18 =	sadd.s32 $0x20, s18;
	v44 =	vadd.bf16 v48, v44;
	v42 =	vadd.bf16 v49, v47  }
0x382: {  	_ = 	snop  }
0x383: {  	v41 =	vadd.f32 v46, v45;
	v53 =	vunpack.i.l.bf16.f32 v44  }
0x384: {  	v54 =	vunpack.i.u.bf16.f32 v44;
	v35 =	vadd.f32 v35, v53  }
0x385: {  	v34 =	vadd.bf16 v43, v34;
	v55 =	vunpack.i.l.bf16.f32 v42;
	[tilespmem:s15+$0x20] =	vst v41;
	v36 =	vadd.f32 v36, v54  }
0x386: {  	v56 =	vunpack.i.u.bf16.f32 v42;
	v37 =	vadd.f32 v37, v55;
	[tilespmem:s15+$0xFFFFFFC0] =	vst v35  }
0x387: {  	v57 =	vunpack.i.l.bf16.f32 v34;
	v40 =	vadd.f32 v40, v56;
	v34 =	vunpack.i.u.bf16.f32 v34;
	[tilespmem:s15+$0xFFFFFFD0] =	vst v36  }
0x388: {  	v34 =	vadd.f32 v39, v34;
	[tilespmem:s15+$0xFFFFFFE0] =	vst v37  }
0x389: {  	v35 =	vadd.f32 v38, v57;
	[tilespmem:s15+$0xFFFFFFF0] =	vst v40  }
0x38a: {  	[tilespmem:s15+$0x10] =	vst v34  }
0x38b: {  	[tilespmem:s15+$0x0] =	vst v35;
	s15 =	sand.u32 $0x3FFFFF00, s2  }
0x38c: {  	[hbm4b:s16+s3] =	stream.linear.scatter [tilespmem:s26], [sflag:$0x5], $0x2000, $0x38;
	[tilespmem:$0xF740] =	vst v63  }
0x38d: {  	s0 =	sadd.s32 $0x200, s15  }
0x38e: {  	[tilespmem:s26], [sflag:$0x1] =	stream.indirect.gather [hbm4b:s4+s25], $0x40, s0, s25, $0xb8;
	[tilespmem:$0xF740] =	vst v63  }
0x38f: {  	s18 =	simm.s32 $0xA400  }
0x390: {  	[tilespmem:s18], [sflag:$0x3] =	stream.indirect.gather [hbm4b:s20+s25], $0x10, s0, s25, $0xb8;
	[tilespmem:$0xF740] =	vst v63  }
0x391: {  	_ =	swait.ge [sflag:s24], $0x2000  }
0x392: {  	[sflag:s24] =	ssyncset.done $0x0  }
0x393: {  	[sflag:s24] =	ssyncadd.s32 $0xFFFFE000  }
0x394: {  	_ =	swait.ge [sflag:s10], $0x800  }
0x395: {  	[sflag:s10] =	ssyncset.done $0x0  }
0x396: {  	[sflag:s10] =	ssyncadd.s32 $0xFFFFF800  }
0x397: {  	_ =	swait.ge [sflag:s28], $0x2000  }
0x398: {  	[sflag:s28] =	ssyncset.done $0x0  }
0x399: {  	s17 =	simm.s32 $0xAC10;
	[sflag:s28] =	ssyncadd.s32 $0xFFFFE000  }
0x39a: {  	v35 =	vld [tilespmem:s17+$0x0]  }
0x39b: {  	v34 =	vld [tilespmem:s17+$0xFFFFFFF0];
	_ =	sdelay $0x4  }
0x39c: {  	v58 =	vbroadcast v35, $0x0;
	v59 =	vbroadcast v34, $0x0  }
0x39d: {  	v60 =	vbroadcast v34, $0x1;
	v61 =	vbroadcast v34, $0x2  }
0x39e: {  	v49 =	vbroadcast v35, $0x2;
	v51 =	vbroadcast v35, $0x3  }
0x39f: {  	v62 =	vbroadcast v35, $0x1;
	v53 =	vbroadcast v35, $0x4;
	v36 =	vpack.i.f32.bf16 v58, v58  }
0x3a0: {  	v43 =	vpack.i.f32.bf16 v49, v49;
	v45 =	vpack.i.f32.bf16 v51, v51;
	v49 =	vbroadcast v35, $0x6  }
0x3a1: {  	v46 =	vpack.i.f32.bf16 v53, v53;
	v51 =	vbroadcast v35, $0x7;
	v58 =	vbroadcast v35, $0x8  }
0x3a2: {  	v39 =	vpack.i.f32.bf16 v61, v61;
	v61 =	vbroadcast v35, $0x9;
	v53 =	vbroadcast v34, $0x4  }
0x3a3: {  	v37 =	vpack.i.f32.bf16 v59, v59;
	v63 =	vmul.bf16 v36, v2;
	v36 =	vmul.bf16 v36, v3  }
0x3a4: {  	v40 =	vpack.i.f32.bf16 v62, v62;
	v48 =	vmul.bf16 v37, v2;
	v37 =	vmul.bf16 v37, v3  }
0x3a5: {  	v38 =	vpack.i.f32.bf16 v60, v60;
	v50 =	vmul.bf16 v40, v5;
	v52 =	vmul.bf16 v43, v7  }
0x3a6: {  	v54 =	vmul.bf16 v45, v9;
	v47 =	vmul.bf16 v38, v4  }
0x3a7: {  	v38 =	vmul.bf16 v38, v5;
	v55 =	vmul.bf16 v46, v11  }
0x3a8: {  	v40 =	vmul.bf16 v40, v4;
	v60 =	vmul.bf16 v39, v6  }
0x3a9: {  	v39 =	vmul.bf16 v39, v7;
	v43 =	vmul.bf16 v43, v6  }
0x3aa: {  	v45 =	vmul.bf16 v45, v8;
	v46 =	vmul.bf16 v46, v10;
	v49 =	vpack.i.f32.bf16 v49, v49  }
0x3ab: {  	v36 =	vadd.bf16 v1, v36;
	v42 =	vadd.bf16 v1, v48;
	v48 =	vbroadcast v35, $0x5  }
0x3ac: {  	v53 =	vpack.i.f32.bf16 v53, v53;
	v37 =	vadd.bf16 v1, v37;
	v41 =	vadd.bf16 v1, v63  }
0x3ad: {  	v57 =	vmul.bf16 v49, v15;
	v36 =	vadd.bf16 v50, v36;
	v48 =	vpack.i.f32.bf16 v48, v48  }
0x3ae: {  	v50 =	vbroadcast v34, $0x3;
	v42 =	vadd.bf16 v47, v42;
	v37 =	vadd.bf16 v38, v37  }
0x3af: {  	v38 =	vpack.i.f32.bf16 v51, v51;
	v47 =	vpack.i.f32.bf16 v58, v58;
	v36 =	vadd.bf16 v52, v36  }
0x3b0: {  	v51 =	vpack.i.f32.bf16 v61, v61;
	v58 =	vbroadcast v35, $0xC;
	v61 =	vbroadcast v35, $0xD  }
0x3b1: {  	v56 =	vmul.bf16 v48, v13;
	v59 =	vmul.bf16 v38, v17;
	v36 =	vadd.bf16 v54, v36  }
0x3b2: {  	v40 =	vadd.bf16 v40, v41;
	v62 =	vmul.bf16 v47, v19;
	v63 =	vmul.bf16 v51, v21  }
0x3b3: {  	v48 =	vmul.bf16 v48, v12;
	v38 =	vmul.bf16 v38, v16;
	v36 =	vadd.bf16 v55, v36  }
0x3b4: {  	v47 =	vmul.bf16 v47, v18;
	v52 =	vbroadcast v35, $0xA;
	v42 =	vadd.bf16 v60, v42  }
0x3b5: {  	v50 =	vpack.i.f32.bf16 v50, v50;
	v37 =	vadd.bf16 v39, v37;
	v36 =	vadd.bf16 v56, v36  }
0x3b6: {  	v40 =	vadd.bf16 v43, v40;
	v44 =	vpack.i.f32.bf16 v58, v58;
	v60 =	vmul.bf16 v50, v8  }
0x3b7: {  	v58 =	vbroadcast v34, $0x6;
	v50 =	vmul.bf16 v50, v9;
	v36 =	vadd.bf16 v57, v36  }
0x3b8: {  	v54 =	vbroadcast v35, $0xB;
	v40 =	vadd.bf16 v45, v40;
	v42 =	vadd.bf16 v60, v42  }
0x3b9: {  	v52 =	vpack.i.f32.bf16 v52, v52;
	v37 =	vadd.bf16 v50, v37;
	v36 =	vadd.bf16 v59, v36  }
0x3ba: {  	v39 =	vpack.i.f32.bf16 v54, v54;
	v54 =	vpack.i.f32.bf16 v61, v61;
	v55 =	vbroadcast v35, $0xE  }
0x3bb: {  	v35 =	vbroadcast v35, $0xF;
	v61 =	vmul.bf16 v53, v10;
	v36 =	vadd.bf16 v62, v36  }
0x3bc: {  	v40 =	vadd.bf16 v46, v40;
	v56 =	vbroadcast v34, $0x5;
	v55 =	vpack.i.f32.bf16 v55, v55  }
0x3bd: {  	v43 =	vpack.i.f32.bf16 v35, v35;
	v57 =	vmul.bf16 v52, v23;
	v36 =	vadd.bf16 v63, v36  }
0x3be: {  	v35 =	vadd.bf16 v61, v42;
	v42 =	vpack.i.f32.bf16 v58, v58;
	v58 =	vbroadcast v34, $0x8  }
0x3bf: {  	v60 =	vmul.bf16 v55, v31;
	v59 =	vmul.bf16 v39, v25;
	v36 =	vadd.bf16 v57, v36  }
0x3c0: {  	v40 =	vadd.bf16 v48, v40;
	v50 =	vmul.bf16 v42, v14;
	v62 =	vmul.bf16 v44, v27  }
0x3c1: {  	v57 =	vpack.i.f32.bf16 v56, v56;
	v56 =	vmul.bf16 v49, v14;
	v36 =	vadd.bf16 v59, v36  }
0x3c2: {  	v42 =	vmul.bf16 v42, v15;
	v49 =	vbroadcast v34, $0xA  }
0x3c3: {  	v63 =	vmul.bf16 v54, v29;
	v40 =	vadd.bf16 v56, v40;
	v36 =	vadd.bf16 v62, v36  }
0x3c4: {  	v39 =	vmul.bf16 v39, v24;
	v61 =	vmul.bf16 v57, v13;
	v56 =	vpack.i.f32.bf16 v49, v49  }
0x3c5: {  	v49 =	vbroadcast v34, $0xD;
	v38 =	vadd.bf16 v38, v40;
	v36 =	vadd.bf16 v63, v36  }
0x3c6: {  	v62 =	vmul.bf16 v43, v33;
	v63 =	vmul.bf16 v53, v11  }
0x3c7: {  	s16 =	simm.s32 $0x8440;
	v38 =	vadd.bf16 v47, v38;
	v53 =	vmul.bf16 v51, v20;
	v36 =	vadd.bf16 v60, v36  }
0x3c8: {  	v45 =	vld [tilespmem:s16+$0x30];
	v59 =	vadd.bf16 v63, v37;
	v60 =	vmul.bf16 v57, v12;
	v63 =	vbroadcast v34, $0x7  }
0x3c9: {  	v38 =	vadd.bf16 v53, v38;
	v53 =	vpack.i.f32.bf16 v49, v49;
	v41 =	vadd.bf16 v62, v36  }
0x3ca: {  	v46 =	vmul.bf16 v53, v28;
	v35 =	vadd.bf16 v60, v35;
	v36 =	vadd.bf16 v61, v59  }
0x3cb: {  	v57 =	vpack.i.f32.bf16 v63, v63;
	v60 =	vpack.i.f32.bf16 v58, v58;
	v58 =	vmul.bf16 v56, v22  }
0x3cc: {  	v59 =	vmul.bf16 v57, v16;
	v62 =	vunpack.i.u.bf16.f32 v41;
	v35 =	vadd.bf16 v50, v35  }
0x3cd: {  	v37 =	vmul.bf16 v57, v17;
	v45 =	vadd.f32 v45, v62;
	v62 =	vbroadcast v34, $0x9  }
0x3ce: {  	v61 =	vmul.bf16 v60, v18;
	v36 =	vadd.bf16 v42, v36;
	v35 =	vadd.bf16 v59, v35  }
0x3cf: {  	v63 =	vmul.bf16 v60, v19;
	v57 =	vbroadcast v34, $0xB;
	v48 =	vpack.i.f32.bf16 v62, v62  }
0x3d0: {  	v36 =	vadd.bf16 v37, v36;
	v35 =	vadd.bf16 v61, v35;
	v50 =	vmul.bf16 v48, v20  }
0x3d1: {  	v60 =	vmul.bf16 v52, v22;
	v52 =	vmul.bf16 v44, v26  }
0x3d2: {  	v36 =	vadd.bf16 v63, v36;
	v40 =	vmul.bf16 v48, v21;
	v35 =	vadd.bf16 v50, v35  }
0x3d3: {  	v37 =	vmul.bf16 v56, v23;
	v59 =	vpack.i.f32.bf16 v57, v57;
	v62 =	vbroadcast v34, $0xC  }
0x3d4: {  	v61 =	vmul.bf16 v59, v24;
	v36 =	vadd.bf16 v40, v36;
	v35 =	vadd.bf16 v58, v35  }
0x3d5: {  	v38 =	vadd.bf16 v60, v38;
	v63 =	vmul.bf16 v59, v25;
	v48 =	vpack.i.f32.bf16 v62, v62  }
0x3d6: {  	v50 =	vmul.bf16 v48, v26;
	v36 =	vadd.bf16 v37, v36;
	v35 =	vadd.bf16 v61, v35  }
0x3d7: {  	v56 =	vbroadcast v34, $0xE;
	v57 =	vmul.bf16 v53, v29;
	v38 =	vadd.bf16 v39, v38  }
0x3d8: {  	v51 =	vmul.bf16 v48, v27;
	v36 =	vadd.bf16 v63, v36;
	v37 =	vadd.bf16 v50, v35  }
0x3d9: {  	v59 =	vmul.bf16 v54, v28;
	v38 =	vadd.bf16 v52, v38;
	v58 =	vpack.i.f32.bf16 v56, v56  }
0x3da: {  	v39 =	vld [tilespmem:s16+$0x10];
	v60 =	vmul.bf16 v58, v30;
	v40 =	vadd.bf16 v51, v36;
	v46 =	vadd.bf16 v46, v37  }
0x3db: {  	v34 =	vbroadcast v34, $0xF;
	v44 =	vadd.bf16 v59, v38;
	v38 =	vld [tilespmem:s16+$0x0]  }
0x3dc: {  	s18 =	rddreg [dreg:$0x11];
	v42 =	vmul.bf16 v58, v31;
	v40 =	vadd.bf16 v57, v40;
	v47 =	vadd.bf16 v60, v46;
	v46 =	vld [tilespmem:s16+$0x20]  }
0x3dd: {  	s0 =	sadd.s32 s2, s18;
	v34 =	vpack.i.f32.bf16 v34, v34;
	v61 =	vmul.bf16 v55, v30;
	v35 =	vld [tilespmem:s16+$0xFFFFFFC0]  }
0x3de: {  	s0 =	sshll.u32 s0, $0x3;
	v62 =	vmul.bf16 v34, v32;
	v63 =	vmul.bf16 v34, v33;
	v36 =	vld [tilespmem:s16+$0xFFFFFFD0];
	v42 =	vadd.bf16 v42, v40  }
0x3df: {  	s0 =	sand.u32 $0x1FFFFC00, s0;
	v43 =	vmul.bf16 v43, v32;
	v34 =	vadd.bf16 v61, v44;
	v37 =	vld [tilespmem:s16+$0xFFFFFFE0]  }
0x3e0: {  	s18 =	simm.s32 $0xAC30;
	s17 =	simm.s32 $0x0;
	s2 =	sadd.s32 s22, s0;
	[tilespmem:s16+$0x30] =	vst v45;
	v45 =	vunpack.i.l.bf16.f32 v41;
	v40 =	vld [tilespmem:s16+$0xFFFFFFF0];
	v44 =	vadd.bf16 v62, v47;
	v42 =	vadd.bf16 v63, v42  }
.LBB2_35:
0x3e1: {  	v41 =	vld [tilespmem:s18+$0x0];
	s17 =	sadd.s32 $0x2, s17;
	v43 =	vadd.bf16 v43, v34;
	v45 =	vadd.f32 v46, v45  }
0x3e2: {  	v34 =	vld [tilespmem:s18+$0xFFFFFFF0];
	p0 =	slt.u32 s17, $0x7E;
	v46 =	vunpack.i.u.bf16.f32 v44;
	v44 =	vunpack.i.l.bf16.f32 v44;
	v47 =	vunpack.i.u.bf16.f32 v42  }
0x3e3: {  	v42 =	vunpack.i.l.bf16.f32 v42;
	v48 =	vunpack.i.u.bf16.f32 v43;
	v43 =	vunpack.i.l.bf16.f32 v43;
	[tilespmem:s16+$0x20] =	vst v45  }
0x3e4: {  	v35 =	vadd.f32 v35, v44;
	v36 =	vadd.f32 v36, v46  }
0x3e5: {  	v37 =	vadd.f32 v37, v42;
	v40 =	vadd.f32 v40, v47  }
0x3e6: {  	v42 =	vbroadcast v41, $0x0;
	[tilespmem:s16+$0xFFFFFFC0] =	vst v35;
	v35 =	vadd.f32 v38, v43;
	v38 =	vadd.f32 v39, v48  }
0x3e7: {  	v39 =	vbroadcast v34, $0x0;
	v43 =	vbroadcast v34, $0x1;
	[tilespmem:s16+$0xFFFFFFD0] =	vst v36  }
0x3e8: {  	v44 =	vbroadcast v41, $0x1;
	v36 =	vbroadcast v34, $0x2;
	v42 =	vpack.i.f32.bf16 v42, v42;
	[tilespmem:s16+$0xFFFFFFE0] =	vst v37  }
0x3e9: {  	v37 =	vpack.i.f32.bf16 v39, v39;
	v39 =	vmul.bf16 v42, v2;
	v42 =	vmul.bf16 v42, v3;
	[tilespmem:s16+$0xFFFFFFF0] =	vst v40  }
0x3ea: {  	v45 =	vbroadcast v41, $0x2;
	v44 =	vpack.i.f32.bf16 v44, v44;
	v40 =	vmul.bf16 v37, v2;
	[tilespmem:s16+$0x0] =	vst v35  }
0x3eb: {  	v35 =	vmul.bf16 v37, v3;
	v37 =	vadd.bf16 v1, v42;
	v42 =	vmul.bf16 v44, v5;
	[tilespmem:s16+$0x10] =	vst v38  }
0x3ec: {  	v38 =	vpack.i.f32.bf16 v43, v43;
	v43 =	vpack.i.f32.bf16 v45, v45;
	v45 =	vbroadcast v41, $0x3  }
0x3ed: {  	v40 =	vadd.bf16 v1, v40;
	v37 =	vadd.bf16 v42, v37;
	v42 =	vmul.bf16 v43, v7  }
0x3ee: {  	v35 =	vadd.bf16 v1, v35;
	v46 =	vpack.i.f32.bf16 v45, v45;
	v45 =	vbroadcast v41, $0x4  }
0x3ef: {  	v39 =	vadd.bf16 v1, v39;
	v37 =	vadd.bf16 v42, v37;
	v42 =	vmul.bf16 v46, v9  }
0x3f0: {  	v47 =	vmul.bf16 v38, v4;
	v48 =	vpack.i.f32.bf16 v45, v45;
	v45 =	vbroadcast v41, $0x5  }
0x3f1: {  	v38 =	vmul.bf16 v38, v5;
	v37 =	vadd.bf16 v42, v37;
	v42 =	vmul.bf16 v48, v11  }
0x3f2: {  	v44 =	vmul.bf16 v44, v4;
	v49 =	vpack.i.f32.bf16 v45, v45;
	v45 =	vbroadcast v41, $0x6  }
0x3f3: {  	v36 =	vpack.i.f32.bf16 v36, v36;
	v37 =	vadd.bf16 v42, v37;
	v42 =	vmul.bf16 v49, v13  }
0x3f4: {  	v50 =	vbroadcast v34, $0x3;
	v51 =	vpack.i.f32.bf16 v45, v45;
	v45 =	vbroadcast v41, $0x7  }
0x3f5: {  	v40 =	vadd.bf16 v47, v40;
	v37 =	vadd.bf16 v42, v37;
	v42 =	vmul.bf16 v51, v15  }
0x3f6: {  	v35 =	vadd.bf16 v38, v35;
	v38 =	vbroadcast v41, $0x8;
	v47 =	vpack.i.f32.bf16 v45, v45  }
0x3f7: {  	v39 =	vadd.bf16 v44, v39;
	v37 =	vadd.bf16 v42, v37;
	v42 =	vmul.bf16 v47, v17  }
0x3f8: {  	v44 =	vmul.bf16 v36, v6;
	v52 =	vpack.i.f32.bf16 v38, v38;
	v38 =	vbroadcast v41, $0x9  }
0x3f9: {  	v36 =	vmul.bf16 v36, v7;
	v37 =	vadd.bf16 v42, v37;
	v42 =	vmul.bf16 v52, v19  }
0x3fa: {  	v43 =	vmul.bf16 v43, v6;
	v53 =	vpack.i.f32.bf16 v38, v38;
	v38 =	vbroadcast v41, $0xA  }
0x3fb: {  	v50 =	vpack.i.f32.bf16 v50, v50;
	v37 =	vadd.bf16 v42, v37;
	v42 =	vmul.bf16 v53, v21  }
0x3fc: {  	v54 =	vbroadcast v34, $0x4;
	v55 =	vpack.i.f32.bf16 v38, v38;
	v38 =	vbroadcast v41, $0xB  }
0x3fd: {  	v40 =	vadd.bf16 v44, v40;
	v37 =	vadd.bf16 v42, v37;
	v42 =	vmul.bf16 v55, v23  }
0x3fe: {  	v35 =	vadd.bf16 v36, v35;
	v36 =	vbroadcast v41, $0xC;
	v44 =	vpack.i.f32.bf16 v38, v38  }
0x3ff: {  	v38 =	vadd.bf16 v43, v39;
	v39 =	vmul.bf16 v44, v25;
	v37 =	vadd.bf16 v42, v37  }
0x400: {  	v56 =	vmul.bf16 v50, v8;
	v45 =	vpack.i.f32.bf16 v36, v36;
	v36 =	vbroadcast v41, $0xD  }
0x401: {  	v50 =	vmul.bf16 v50, v9;
	v37 =	vadd.bf16 v39, v37;
	v39 =	vmul.bf16 v45, v27  }
0x402: {  	v46 =	vmul.bf16 v46, v8;
	v43 =	vpack.i.f32.bf16 v36, v36;
	v36 =	vbroadcast v41, $0xE  }
0x403: {  	v54 =	vpack.i.f32.bf16 v54, v54;
	v37 =	vadd.bf16 v39, v37;
	v39 =	vmul.bf16 v43, v29  }
0x404: {  	v57 =	vbroadcast v34, $0x5;
	v42 =	vpack.i.f32.bf16 v36, v36;
	v36 =	vbroadcast v41, $0xF  }
0x405: {  	v40 =	vadd.bf16 v56, v40;
	v37 =	vadd.bf16 v39, v37;
	v39 =	vmul.bf16 v42, v31  }
0x406: {  	s16 =	sadd.s32 $0x80, s16;
	v50 =	vadd.bf16 v50, v35;
	v38 =	vadd.bf16 v46, v38;
	v41 =	vpack.i.f32.bf16 v36, v36  }
0x407: {  	v36 =	vmul.bf16 v54, v10;
	v37 =	vadd.bf16 v39, v37;
	v39 =	vmul.bf16 v41, v33;
	v46 =	vld [tilespmem:s16+$0x30]  }
0x408: {  	v48 =	vmul.bf16 v48, v10;
	v56 =	vpack.i.f32.bf16 v57, v57;
	v54 =	vmul.bf16 v54, v11;
	v35 =	vld [tilespmem:s16+$0xFFFFFFC0]  }
0x409: {  	v58 =	vbroadcast v34, $0x6;
	v57 =	vadd.bf16 v36, v40;
	v36 =	vld [tilespmem:s16+$0xFFFFFFD0];
	v59 =	vadd.bf16 v39, v37  }
0x40a: {  	v48 =	vadd.bf16 v48, v38;
	v39 =	vadd.bf16 v54, v50;
	v50 =	vmul.bf16 v56, v12;
	v37 =	vld [tilespmem:s16+$0xFFFFFFE0]  }
0x40b: {  	v49 =	vmul.bf16 v49, v12;
	v54 =	vmul.bf16 v56, v13;
	v40 =	vld [tilespmem:s16+$0xFFFFFFF0];
	v56 =	vunpack.i.u.bf16.f32 v59  }
0x40c: {  	v60 =	vbroadcast v34, $0x7;
	v58 =	vpack.i.f32.bf16 v58, v58;
	v38 =	vld [tilespmem:s16+$0x0];
	v56 =	vadd.f32 v46, v56  }
0x40d: {  	v50 =	vadd.bf16 v50, v57;
	v54 =	vadd.bf16 v54, v39;
	v57 =	vmul.bf16 v58, v14;
	v39 =	vld [tilespmem:s16+$0x10]  }
0x40e: {  	v48 =	vadd.bf16 v49, v48;
	v49 =	vmul.bf16 v51, v14;
	v58 =	vmul.bf16 v58, v15;
	v46 =	vld [tilespmem:s16+$0x20];
	[tilespmem:s16+$0x30] =	vst v56  }
0x40f: {  	v51 =	vpack.i.f32.bf16 v60, v60;
	v50 =	vadd.bf16 v57, v50;
	v56 =	vbroadcast v34, $0x8  }
0x410: {  	v48 =	vadd.bf16 v49, v48;
	v54 =	vadd.bf16 v58, v54;
	v57 =	vmul.bf16 v51, v16  }
0x411: {  	v47 =	vmul.bf16 v47, v16;
	v49 =	vmul.bf16 v51, v17;
	v51 =	vpack.i.f32.bf16 v56, v56  }
0x412: {  	v50 =	vadd.bf16 v57, v50;
	v57 =	vbroadcast v34, $0x9;
	v56 =	vmul.bf16 v51, v18  }
0x413: {  	v47 =	vadd.bf16 v47, v48;
	v49 =	vadd.bf16 v49, v54;
	v51 =	vmul.bf16 v51, v19  }
0x414: {  	v52 =	vmul.bf16 v52, v18;
	v54 =	vbroadcast v34, $0xA;
	v48 =	vpack.i.f32.bf16 v57, v57  }
0x415: {  	v50 =	vadd.bf16 v56, v50;
	v49 =	vadd.bf16 v51, v49;
	v51 =	vmul.bf16 v48, v20  }
0x416: {  	v47 =	vadd.bf16 v52, v47;
	v52 =	vmul.bf16 v53, v20;
	v48 =	vmul.bf16 v48, v21  }
0x417: {  	v53 =	vbroadcast v34, $0xB;
	v50 =	vadd.bf16 v51, v50;
	v51 =	vpack.i.f32.bf16 v54, v54  }
0x418: {  	v47 =	vadd.bf16 v52, v47;
	v48 =	vadd.bf16 v48, v49;
	v49 =	vmul.bf16 v51, v22  }
0x419: {  	v52 =	vpack.i.f32.bf16 v53, v53;
	v53 =	vmul.bf16 v55, v22;
	v51 =	vmul.bf16 v51, v23  }
0x41a: {  	v54 =	vbroadcast v34, $0xC;
	v49 =	vadd.bf16 v49, v50;
	v50 =	vmul.bf16 v52, v24  }
0x41b: {  	v47 =	vadd.bf16 v53, v47;
	v48 =	vadd.bf16 v51, v48;
	v51 =	vmul.bf16 v52, v25  }
0x41c: {  	v44 =	vmul.bf16 v44, v24;
	v53 =	vbroadcast v34, $0xD;
	v52 =	vpack.i.f32.bf16 v54, v54  }
0x41d: {  	v49 =	vadd.bf16 v50, v49;
	v48 =	vadd.bf16 v51, v48;
	v50 =	vmul.bf16 v52, v26  }
0x41e: {  	v45 =	vmul.bf16 v45, v26;
	v44 =	vadd.bf16 v44, v47;
	v51 =	vmul.bf16 v52, v27  }
0x41f: {  	v47 =	vadd.bf16 v50, v49;
	v49 =	vpack.i.f32.bf16 v53, v53;
	v50 =	vbroadcast v34, $0xE  }
0x420: {  	v44 =	vadd.bf16 v45, v44;
	v48 =	vadd.bf16 v51, v48;
	v51 =	vmul.bf16 v49, v28  }
0x421: {  	v43 =	vmul.bf16 v43, v28;
	v45 =	vmul.bf16 v49, v29;
	v49 =	vpack.i.f32.bf16 v50, v50  }
0x422: {  	v34 =	vbroadcast v34, $0xF;
	v47 =	vadd.bf16 v51, v47;
	v50 =	vmul.bf16 v49, v30  }
.Ltmp16:
0x423: {  	v43 =	vadd.bf16 v43, v44;
	v45 =	vadd.bf16 v45, v48;
	v48 =	vmul.bf16 v49, v31;
	(pc) =	sbr.rel @p0 .LBB2_35-.Ltmp16, $4  }
0x424: {  	v42 =	vmul.bf16 v42, v30;
	v34 =	vpack.i.f32.bf16 v34, v34;
	v44 =	vadd.bf16 v50, v47  }
0x425: {  	v49 =	vmul.bf16 v34, v33;
	v47 =	vadd.bf16 v48, v45;
	v48 =	vmul.bf16 v34, v32  }
0x426: {  	v34 =	vadd.bf16 v42, v43;
	v43 =	vmul.bf16 v41, v32;
	v45 =	vunpack.i.l.bf16.f32 v59  }
0x427: {  	s18 =	sadd.s32 $0x20, s18;
	v44 =	vadd.bf16 v48, v44;
	v42 =	vadd.bf16 v49, v47  }
0x428: {  	_ = 	snop  }
0x429: {  	v41 =	vadd.f32 v46, v45;
	v59 =	vunpack.i.l.bf16.f32 v44  }
0x42a: {  	v60 =	vunpack.i.u.bf16.f32 v44;
	v35 =	vadd.f32 v35, v59  }
0x42b: {  	v34 =	vadd.bf16 v43, v34;
	v61 =	vunpack.i.l.bf16.f32 v42;
	[tilespmem:s16+$0x20] =	vst v41;
	v36 =	vadd.f32 v36, v60  }
0x42c: {  	v62 =	vunpack.i.u.bf16.f32 v42;
	v37 =	vadd.f32 v37, v61;
	[tilespmem:s16+$0xFFFFFFC0] =	vst v35  }
0x42d: {  	v63 =	vunpack.i.l.bf16.f32 v34;
	v40 =	vadd.f32 v40, v62;
	v34 =	vunpack.i.u.bf16.f32 v34;
	[tilespmem:s16+$0xFFFFFFD0] =	vst v36  }
0x42e: {  	v34 =	vadd.f32 v39, v34;
	[tilespmem:s16+$0xFFFFFFE0] =	vst v37  }
0x42f: {  	v35 =	vadd.f32 v38, v63;
	[tilespmem:s16+$0xFFFFFFF0] =	vst v40  }
0x430: {  	s30 =	sadd.s32 $0x1, s30;
	[tilespmem:s16+$0x10] =	vst v34  }
0x431: {  	p0 =	sne.s32 s30, $0x62;
	[tilespmem:s16+$0x0] =	vst v35  }
0x432: {  	[hbm4b:s2+s3] =	stream.linear.scatter [tilespmem:s29], [sflag:$0x6], $0x2000, $0x38;
	[tilespmem:$0xF740] =	vst v63  }
.Ltmp17:
0x433: {  	_ = 	snop;
	(pc) =	sbr.rel @p0 .LBB2_32-.Ltmp17, $4  }
0x434: {  	s0 =	sadd.s32 $0x280, s15  }
0x435: {  	[tilespmem:s29], [sflag:$0x2] =	stream.indirect.gather [hbm4b:s4+s25], $0x40, s0, s25, $0xb8;
	[tilespmem:$0xF740] =	vst v63  }
0x436: {  	s18 =	simm.s32 $0xAC00  }
0x437: {  	[tilespmem:s18], [sflag:$0x4] =	stream.indirect.gather [hbm4b:s20+s25], $0x10, s0, s25, $0xb8;
	[tilespmem:$0xF740] =	vst v63  }
0x438: {  	_ =	swait.ge [sflag:s21], $0x2000  }
0x439: {  	[sflag:s21] =	ssyncset.done $0x0  }
0x43a: {  	[sflag:s21] =	ssyncadd.s32 $0xFFFFE000  }
0x43b: {  	_ =	swait.ge [sflag:s11], $0x800  }
0x43c: {  	[sflag:s11] =	ssyncset.done $0x0  }
0x43d: {  	[sflag:s11] =	ssyncadd.s32 $0xFFFFF800  }
0x43e: {  	_ =	swait.ge [sflag:s13], $0x2000  }
0x43f: {  	[sflag:s13] =	ssyncset.done $0x0  }
0x440: {  	s0 =	simm.s32 $0xA410;
	[sflag:s13] =	ssyncadd.s32 $0xFFFFE000  }
0x441: {  	v35 =	vld [tilespmem:s0+$0x0]  }
0x442: {  	v34 =	vld [tilespmem:s0+$0xFFFFFFF0];
	_ =	sdelay $0x4  }
0x443: {  	v36 =	vbroadcast v35, $0x0;
	v37 =	vbroadcast v34, $0x0  }
0x444: {  	v38 =	vbroadcast v34, $0x1;
	v39 =	vbroadcast v34, $0x2  }
0x445: {  	v40 =	vbroadcast v35, $0x1;
	v43 =	vbroadcast v35, $0x2  }
0x446: {  	v45 =	vbroadcast v35, $0x3;
	v46 =	vbroadcast v35, $0x4  }
0x447: {  	v48 =	vbroadcast v35, $0x5;
	v49 =	vbroadcast v35, $0x6  }
0x448: {  	v50 =	vbroadcast v34, $0x3;
	v51 =	vbroadcast v35, $0x7  }
0x449: {  	v58 =	vbroadcast v35, $0x8;
	v61 =	vbroadcast v35, $0x9  }
0x44a: {  	v52 =	vbroadcast v35, $0xA;
	v36 =	vpack.i.f32.bf16 v36, v36;
	v37 =	vpack.i.f32.bf16 v37, v37  }
0x44b: {  	v40 =	vpack.i.f32.bf16 v40, v40;
	v38 =	vpack.i.f32.bf16 v38, v38;
	v43 =	vpack.i.f32.bf16 v43, v43  }
0x44c: {  	v45 =	vpack.i.f32.bf16 v45, v45;
	v41 =	vmul.bf16 v36, v2;
	v36 =	vmul.bf16 v36, v3  }
0x44d: {  	v46 =	vpack.i.f32.bf16 v46, v46;
	v42 =	vmul.bf16 v37, v2;
	v37 =	vmul.bf16 v37, v3  }
0x44e: {  	v48 =	vpack.i.f32.bf16 v48, v48;
	v44 =	vmul.bf16 v40, v5;
	v53 =	vmul.bf16 v43, v7  }
0x44f: {  	v39 =	vpack.i.f32.bf16 v39, v39;
	v54 =	vmul.bf16 v45, v9;
	v47 =	vmul.bf16 v38, v4  }
0x450: {  	v49 =	vpack.i.f32.bf16 v49, v49;
	v38 =	vmul.bf16 v38, v5;
	v55 =	vmul.bf16 v46, v11  }
0x451: {  	v50 =	vpack.i.f32.bf16 v50, v50;
	v40 =	vmul.bf16 v40, v4;
	v56 =	vmul.bf16 v48, v13  }
0x452: {  	v57 =	vmul.bf16 v49, v15;
	v60 =	vmul.bf16 v39, v6;
	v36 =	vadd.bf16 v1, v36  }
0x453: {  	v52 =	vpack.i.f32.bf16 v52, v52;
	v39 =	vmul.bf16 v39, v7;
	v43 =	vmul.bf16 v43, v6  }
0x454: {  	v45 =	vmul.bf16 v45, v8;
	v42 =	vadd.bf16 v1, v42;
	v36 =	vadd.bf16 v44, v36  }
0x455: {  	v46 =	vmul.bf16 v46, v10;
	v37 =	vadd.bf16 v1, v37;
	v41 =	vadd.bf16 v1, v41  }
0x456: {  	v48 =	vmul.bf16 v48, v12;
	v42 =	vadd.bf16 v47, v42;
	v36 =	vadd.bf16 v53, v36  }
0x457: {  	v37 =	vadd.bf16 v38, v37;
	v38 =	vpack.i.f32.bf16 v51, v51;
	v40 =	vadd.bf16 v40, v41  }
0x458: {  	v47 =	vpack.i.f32.bf16 v58, v58;
	v58 =	vbroadcast v35, $0xC;
	v36 =	vadd.bf16 v54, v36  }
0x459: {  	v51 =	vpack.i.f32.bf16 v61, v61;
	v61 =	vbroadcast v35, $0xD;
	v59 =	vmul.bf16 v38, v17  }
0x45a: {  	v62 =	vmul.bf16 v47, v19;
	v63 =	vmul.bf16 v51, v21;
	v36 =	vadd.bf16 v55, v36  }
0x45b: {  	v38 =	vmul.bf16 v38, v16;
	v47 =	vmul.bf16 v47, v18;
	v42 =	vadd.bf16 v60, v42  }
0x45c: {  	v53 =	vbroadcast v34, $0x4;
	v37 =	vadd.bf16 v39, v37;
	v36 =	vadd.bf16 v56, v36  }
0x45d: {  	v40 =	vadd.bf16 v43, v40;
	v60 =	vmul.bf16 v50, v8;
	v50 =	vmul.bf16 v50, v9  }
0x45e: {  	v44 =	vpack.i.f32.bf16 v58, v58;
	v58 =	vbroadcast v34, $0x6;
	v36 =	vadd.bf16 v57, v36  }
0x45f: {  	v54 =	vbroadcast v35, $0xB;
	v42 =	vadd.bf16 v60, v42;
	v37 =	vadd.bf16 v50, v37  }
0x460: {  	v53 =	vpack.i.f32.bf16 v53, v53;
	v40 =	vadd.bf16 v45, v40;
	v36 =	vadd.bf16 v59, v36  }
0x461: {  	v39 =	vpack.i.f32.bf16 v54, v54;
	v54 =	vpack.i.f32.bf16 v61, v61;
	v55 =	vbroadcast v35, $0xE  }
0x462: {  	v35 =	vbroadcast v35, $0xF;
	v61 =	vmul.bf16 v53, v10;
	v36 =	vadd.bf16 v62, v36  }
0x463: {  	v40 =	vadd.bf16 v46, v40;
	v56 =	vbroadcast v34, $0x5;
	v55 =	vpack.i.f32.bf16 v55, v55  }
0x464: {  	v43 =	vpack.i.f32.bf16 v35, v35;
	v57 =	vmul.bf16 v52, v23;
	v36 =	vadd.bf16 v63, v36  }
0x465: {  	v35 =	vadd.bf16 v61, v42;
	v42 =	vpack.i.f32.bf16 v58, v58;
	v58 =	vbroadcast v34, $0x8  }
0x466: {  	v60 =	vmul.bf16 v55, v31;
	v59 =	vmul.bf16 v39, v25;
	v36 =	vadd.bf16 v57, v36  }
0x467: {  	v40 =	vadd.bf16 v48, v40;
	v50 =	vmul.bf16 v42, v14;
	v62 =	vmul.bf16 v44, v27  }
0x468: {  	v57 =	vpack.i.f32.bf16 v56, v56;
	v56 =	vmul.bf16 v49, v14;
	v36 =	vadd.bf16 v59, v36  }
0x469: {  	v42 =	vmul.bf16 v42, v15;
	v49 =	vbroadcast v34, $0xA  }
0x46a: {  	v63 =	vmul.bf16 v54, v29;
	v40 =	vadd.bf16 v56, v40;
	v36 =	vadd.bf16 v62, v36  }
0x46b: {  	v39 =	vmul.bf16 v39, v24;
	v61 =	vmul.bf16 v57, v13;
	v56 =	vpack.i.f32.bf16 v49, v49  }
0x46c: {  	v49 =	vbroadcast v34, $0xD;
	v38 =	vadd.bf16 v38, v40;
	v36 =	vadd.bf16 v63, v36  }
0x46d: {  	v62 =	vmul.bf16 v43, v33;
	v63 =	vmul.bf16 v53, v11  }
0x46e: {  	s2 =	simm.s32 $0x6440;
	v38 =	vadd.bf16 v47, v38;
	v53 =	vmul.bf16 v51, v20;
	v36 =	vadd.bf16 v60, v36  }
0x46f: {  	v45 =	vld [tilespmem:s2+$0x30];
	v59 =	vadd.bf16 v63, v37;
	v60 =	vmul.bf16 v57, v12;
	v63 =	vbroadcast v34, $0x7  }
0x470: {  	v38 =	vadd.bf16 v53, v38;
	v53 =	vpack.i.f32.bf16 v49, v49;
	v41 =	vadd.bf16 v62, v36  }
0x471: {  	v46 =	vmul.bf16 v53, v28;
	v35 =	vadd.bf16 v60, v35;
	v36 =	vadd.bf16 v61, v59  }
0x472: {  	v57 =	vpack.i.f32.bf16 v63, v63;
	v60 =	vpack.i.f32.bf16 v58, v58;
	v58 =	vmul.bf16 v56, v22  }
0x473: {  	v59 =	vmul.bf16 v57, v16;
	v62 =	vunpack.i.u.bf16.f32 v41;
	v35 =	vadd.bf16 v50, v35  }
0x474: {  	v37 =	vmul.bf16 v57, v17;
	v45 =	vadd.f32 v45, v62;
	v62 =	vbroadcast v34, $0x9  }
0x475: {  	v61 =	vmul.bf16 v60, v18;
	v36 =	vadd.bf16 v42, v36;
	v35 =	vadd.bf16 v59, v35  }
0x476: {  	v63 =	vmul.bf16 v60, v19;
	v57 =	vbroadcast v34, $0xB;
	v48 =	vpack.i.f32.bf16 v62, v62  }
0x477: {  	v36 =	vadd.bf16 v37, v36;
	v35 =	vadd.bf16 v61, v35;
	v50 =	vmul.bf16 v48, v20  }
0x478: {  	v60 =	vmul.bf16 v52, v22;
	v52 =	vmul.bf16 v44, v26  }
0x479: {  	v36 =	vadd.bf16 v63, v36;
	v40 =	vmul.bf16 v48, v21;
	v35 =	vadd.bf16 v50, v35  }
0x47a: {  	v37 =	vmul.bf16 v56, v23;
	v59 =	vpack.i.f32.bf16 v57, v57;
	v62 =	vbroadcast v34, $0xC  }
0x47b: {  	v61 =	vmul.bf16 v59, v24;
	v36 =	vadd.bf16 v40, v36;
	v35 =	vadd.bf16 v58, v35  }
0x47c: {  	v38 =	vadd.bf16 v60, v38;
	v63 =	vmul.bf16 v59, v25;
	v48 =	vpack.i.f32.bf16 v62, v62  }
0x47d: {  	v50 =	vmul.bf16 v48, v26;
	v36 =	vadd.bf16 v37, v36;
	v35 =	vadd.bf16 v61, v35  }
0x47e: {  	v56 =	vbroadcast v34, $0xE;
	v57 =	vmul.bf16 v53, v29;
	v38 =	vadd.bf16 v39, v38  }
0x47f: {  	v51 =	vmul.bf16 v48, v27;
	v36 =	vadd.bf16 v63, v36;
	v37 =	vadd.bf16 v50, v35  }
0x480: {  	v59 =	vmul.bf16 v54, v28;
	v38 =	vadd.bf16 v52, v38;
	v58 =	vpack.i.f32.bf16 v56, v56  }
0x481: {  	v39 =	vld [tilespmem:s2+$0x10];
	v60 =	vmul.bf16 v58, v30;
	v40 =	vadd.bf16 v51, v36;
	v46 =	vadd.bf16 v46, v37  }
0x482: {  	v34 =	vbroadcast v34, $0xF;
	v44 =	vadd.bf16 v59, v38;
	v38 =	vld [tilespmem:s2+$0x0]  }
0x483: {  	v42 =	vmul.bf16 v58, v31;
	v40 =	vadd.bf16 v57, v40;
	v47 =	vadd.bf16 v60, v46;
	v46 =	vld [tilespmem:s2+$0x20]  }
0x484: {  	v34 =	vpack.i.f32.bf16 v34, v34;
	v61 =	vmul.bf16 v55, v30;
	v35 =	vld [tilespmem:s2+$0xFFFFFFC0]  }
0x485: {  	v62 =	vmul.bf16 v34, v32;
	v63 =	vmul.bf16 v34, v33;
	v36 =	vld [tilespmem:s2+$0xFFFFFFD0];
	v42 =	vadd.bf16 v42, v40  }
0x486: {  	v43 =	vmul.bf16 v43, v32;
	v34 =	vadd.bf16 v61, v44;
	v37 =	vld [tilespmem:s2+$0xFFFFFFE0]  }
0x487: {  	s15 =	simm.s32 $0x0;
	s16 =	simm.s32 $0xA430;
	[tilespmem:s2+$0x30] =	vst v45;
	v45 =	vunpack.i.l.bf16.f32 v41;
	v40 =	vld [tilespmem:s2+$0xFFFFFFF0];
	v44 =	vadd.bf16 v62, v47;
	v42 =	vadd.bf16 v63, v42  }
.LBB2_38:
0x488: {  	v41 =	vld [tilespmem:s16+$0x0];
	s15 =	sadd.s32 $0x2, s15;
	v43 =	vadd.bf16 v43, v34;
	v45 =	vadd.f32 v46, v45  }
0x489: {  	v34 =	vld [tilespmem:s16+$0xFFFFFFF0];
	p0 =	slt.u32 s15, $0x7E;
	v46 =	vunpack.i.u.bf16.f32 v44;
	v44 =	vunpack.i.l.bf16.f32 v44;
	v47 =	vunpack.i.u.bf16.f32 v42  }
0x48a: {  	v42 =	vunpack.i.l.bf16.f32 v42;
	v48 =	vunpack.i.u.bf16.f32 v43;
	v43 =	vunpack.i.l.bf16.f32 v43;
	[tilespmem:s2+$0x20] =	vst v45  }
0x48b: {  	v35 =	vadd.f32 v35, v44;
	v36 =	vadd.f32 v36, v46  }
0x48c: {  	v37 =	vadd.f32 v37, v42;
	v40 =	vadd.f32 v40, v47  }
0x48d: {  	v42 =	vbroadcast v41, $0x0;
	[tilespmem:s2+$0xFFFFFFC0] =	vst v35;
	v35 =	vadd.f32 v38, v43;
	v38 =	vadd.f32 v39, v48  }
0x48e: {  	v39 =	vbroadcast v34, $0x0;
	v43 =	vbroadcast v34, $0x1;
	[tilespmem:s2+$0xFFFFFFD0] =	vst v36  }
0x48f: {  	v44 =	vbroadcast v41, $0x1;
	v36 =	vbroadcast v34, $0x2;
	v42 =	vpack.i.f32.bf16 v42, v42;
	[tilespmem:s2+$0xFFFFFFE0] =	vst v37  }
0x490: {  	v37 =	vpack.i.f32.bf16 v39, v39;
	v39 =	vmul.bf16 v42, v2;
	v42 =	vmul.bf16 v42, v3;
	[tilespmem:s2+$0xFFFFFFF0] =	vst v40  }
0x491: {  	v45 =	vbroadcast v41, $0x2;
	v44 =	vpack.i.f32.bf16 v44, v44;
	v40 =	vmul.bf16 v37, v2;
	[tilespmem:s2+$0x0] =	vst v35  }
0x492: {  	v35 =	vmul.bf16 v37, v3;
	v37 =	vadd.bf16 v1, v42;
	v42 =	vmul.bf16 v44, v5;
	[tilespmem:s2+$0x10] =	vst v38  }
0x493: {  	v38 =	vpack.i.f32.bf16 v43, v43;
	v43 =	vpack.i.f32.bf16 v45, v45;
	v45 =	vbroadcast v41, $0x3  }
0x494: {  	v40 =	vadd.bf16 v1, v40;
	v37 =	vadd.bf16 v42, v37;
	v42 =	vmul.bf16 v43, v7  }
0x495: {  	v35 =	vadd.bf16 v1, v35;
	v46 =	vpack.i.f32.bf16 v45, v45;
	v45 =	vbroadcast v41, $0x4  }
0x496: {  	v39 =	vadd.bf16 v1, v39;
	v37 =	vadd.bf16 v42, v37;
	v42 =	vmul.bf16 v46, v9  }
0x497: {  	v47 =	vmul.bf16 v38, v4;
	v48 =	vpack.i.f32.bf16 v45, v45;
	v45 =	vbroadcast v41, $0x5  }
0x498: {  	v38 =	vmul.bf16 v38, v5;
	v37 =	vadd.bf16 v42, v37;
	v42 =	vmul.bf16 v48, v11  }
0x499: {  	v44 =	vmul.bf16 v44, v4;
	v49 =	vpack.i.f32.bf16 v45, v45;
	v45 =	vbroadcast v41, $0x6  }
0x49a: {  	v36 =	vpack.i.f32.bf16 v36, v36;
	v37 =	vadd.bf16 v42, v37;
	v42 =	vmul.bf16 v49, v13  }
0x49b: {  	v50 =	vbroadcast v34, $0x3;
	v51 =	vpack.i.f32.bf16 v45, v45;
	v45 =	vbroadcast v41, $0x7  }
0x49c: {  	v40 =	vadd.bf16 v47, v40;
	v37 =	vadd.bf16 v42, v37;
	v42 =	vmul.bf16 v51, v15  }
0x49d: {  	v35 =	vadd.bf16 v38, v35;
	v38 =	vbroadcast v41, $0x8;
	v47 =	vpack.i.f32.bf16 v45, v45  }
0x49e: {  	v39 =	vadd.bf16 v44, v39;
	v37 =	vadd.bf16 v42, v37;
	v42 =	vmul.bf16 v47, v17  }
0x49f: {  	v44 =	vmul.bf16 v36, v6;
	v52 =	vpack.i.f32.bf16 v38, v38;
	v38 =	vbroadcast v41, $0x9  }
0x4a0: {  	v36 =	vmul.bf16 v36, v7;
	v37 =	vadd.bf16 v42, v37;
	v42 =	vmul.bf16 v52, v19  }
0x4a1: {  	v43 =	vmul.bf16 v43, v6;
	v53 =	vpack.i.f32.bf16 v38, v38;
	v38 =	vbroadcast v41, $0xA  }
0x4a2: {  	v50 =	vpack.i.f32.bf16 v50, v50;
	v37 =	vadd.bf16 v42, v37;
	v42 =	vmul.bf16 v53, v21  }
0x4a3: {  	v54 =	vbroadcast v34, $0x4;
	v55 =	vpack.i.f32.bf16 v38, v38;
	v38 =	vbroadcast v41, $0xB  }
0x4a4: {  	v40 =	vadd.bf16 v44, v40;
	v37 =	vadd.bf16 v42, v37;
	v42 =	vmul.bf16 v55, v23  }
0x4a5: {  	v35 =	vadd.bf16 v36, v35;
	v36 =	vbroadcast v41, $0xC;
	v44 =	vpack.i.f32.bf16 v38, v38  }
0x4a6: {  	v38 =	vadd.bf16 v43, v39;
	v39 =	vmul.bf16 v44, v25;
	v37 =	vadd.bf16 v42, v37  }
0x4a7: {  	v56 =	vmul.bf16 v50, v8;
	v45 =	vpack.i.f32.bf16 v36, v36;
	v36 =	vbroadcast v41, $0xD  }
0x4a8: {  	v50 =	vmul.bf16 v50, v9;
	v37 =	vadd.bf16 v39, v37;
	v39 =	vmul.bf16 v45, v27  }
0x4a9: {  	v46 =	vmul.bf16 v46, v8;
	v43 =	vpack.i.f32.bf16 v36, v36;
	v36 =	vbroadcast v41, $0xE  }
0x4aa: {  	v54 =	vpack.i.f32.bf16 v54, v54;
	v37 =	vadd.bf16 v39, v37;
	v39 =	vmul.bf16 v43, v29  }
0x4ab: {  	v57 =	vbroadcast v34, $0x5;
	v42 =	vpack.i.f32.bf16 v36, v36;
	v36 =	vbroadcast v41, $0xF  }
0x4ac: {  	v40 =	vadd.bf16 v56, v40;
	v37 =	vadd.bf16 v39, v37;
	v39 =	vmul.bf16 v42, v31  }
0x4ad: {  	s2 =	sadd.s32 $0x80, s2;
	v50 =	vadd.bf16 v50, v35;
	v38 =	vadd.bf16 v46, v38;
	v41 =	vpack.i.f32.bf16 v36, v36  }
0x4ae: {  	v36 =	vmul.bf16 v54, v10;
	v37 =	vadd.bf16 v39, v37;
	v39 =	vmul.bf16 v41, v33;
	v46 =	vld [tilespmem:s2+$0x30]  }
0x4af: {  	v48 =	vmul.bf16 v48, v10;
	v56 =	vpack.i.f32.bf16 v57, v57;
	v54 =	vmul.bf16 v54, v11;
	v35 =	vld [tilespmem:s2+$0xFFFFFFC0]  }
0x4b0: {  	v58 =	vbroadcast v34, $0x6;
	v57 =	vadd.bf16 v36, v40;
	v36 =	vld [tilespmem:s2+$0xFFFFFFD0];
	v59 =	vadd.bf16 v39, v37  }
0x4b1: {  	v48 =	vadd.bf16 v48, v38;
	v39 =	vadd.bf16 v54, v50;
	v50 =	vmul.bf16 v56, v12;
	v37 =	vld [tilespmem:s2+$0xFFFFFFE0]  }
0x4b2: {  	v49 =	vmul.bf16 v49, v12;
	v54 =	vmul.bf16 v56, v13;
	v40 =	vld [tilespmem:s2+$0xFFFFFFF0];
	v56 =	vunpack.i.u.bf16.f32 v59  }
0x4b3: {  	v60 =	vbroadcast v34, $0x7;
	v58 =	vpack.i.f32.bf16 v58, v58;
	v38 =	vld [tilespmem:s2+$0x0];
	v56 =	vadd.f32 v46, v56  }
0x4b4: {  	v50 =	vadd.bf16 v50, v57;
	v54 =	vadd.bf16 v54, v39;
	v57 =	vmul.bf16 v58, v14;
	v39 =	vld [tilespmem:s2+$0x10]  }
0x4b5: {  	v48 =	vadd.bf16 v49, v48;
	v49 =	vmul.bf16 v51, v14;
	v58 =	vmul.bf16 v58, v15;
	v46 =	vld [tilespmem:s2+$0x20];
	[tilespmem:s2+$0x30] =	vst v56  }
0x4b6: {  	v51 =	vpack.i.f32.bf16 v60, v60;
	v50 =	vadd.bf16 v57, v50;
	v56 =	vbroadcast v34, $0x8  }
0x4b7: {  	v48 =	vadd.bf16 v49, v48;
	v54 =	vadd.bf16 v58, v54;
	v57 =	vmul.bf16 v51, v16  }
0x4b8: {  	v47 =	vmul.bf16 v47, v16;
	v49 =	vmul.bf16 v51, v17;
	v51 =	vpack.i.f32.bf16 v56, v56  }
0x4b9: {  	v50 =	vadd.bf16 v57, v50;
	v57 =	vbroadcast v34, $0x9;
	v56 =	vmul.bf16 v51, v18  }
0x4ba: {  	v47 =	vadd.bf16 v47, v48;
	v49 =	vadd.bf16 v49, v54;
	v51 =	vmul.bf16 v51, v19  }
0x4bb: {  	v52 =	vmul.bf16 v52, v18;
	v54 =	vbroadcast v34, $0xA;
	v48 =	vpack.i.f32.bf16 v57, v57  }
0x4bc: {  	v50 =	vadd.bf16 v56, v50;
	v49 =	vadd.bf16 v51, v49;
	v51 =	vmul.bf16 v48, v20  }
0x4bd: {  	v47 =	vadd.bf16 v52, v47;
	v52 =	vmul.bf16 v53, v20;
	v48 =	vmul.bf16 v48, v21  }
0x4be: {  	v53 =	vbroadcast v34, $0xB;
	v50 =	vadd.bf16 v51, v50;
	v51 =	vpack.i.f32.bf16 v54, v54  }
0x4bf: {  	v47 =	vadd.bf16 v52, v47;
	v48 =	vadd.bf16 v48, v49;
	v49 =	vmul.bf16 v51, v22  }
0x4c0: {  	v52 =	vpack.i.f32.bf16 v53, v53;
	v53 =	vmul.bf16 v55, v22;
	v51 =	vmul.bf16 v51, v23  }
0x4c1: {  	v54 =	vbroadcast v34, $0xC;
	v49 =	vadd.bf16 v49, v50;
	v50 =	vmul.bf16 v52, v24  }
0x4c2: {  	v47 =	vadd.bf16 v53, v47;
	v48 =	vadd.bf16 v51, v48;
	v51 =	vmul.bf16 v52, v25  }
0x4c3: {  	v44 =	vmul.bf16 v44, v24;
	v53 =	vbroadcast v34, $0xD;
	v52 =	vpack.i.f32.bf16 v54, v54  }
0x4c4: {  	v49 =	vadd.bf16 v50, v49;
	v48 =	vadd.bf16 v51, v48;
	v50 =	vmul.bf16 v52, v26  }
0x4c5: {  	v45 =	vmul.bf16 v45, v26;
	v44 =	vadd.bf16 v44, v47;
	v51 =	vmul.bf16 v52, v27  }
0x4c6: {  	v47 =	vadd.bf16 v50, v49;
	v49 =	vpack.i.f32.bf16 v53, v53;
	v50 =	vbroadcast v34, $0xE  }
0x4c7: {  	v44 =	vadd.bf16 v45, v44;
	v48 =	vadd.bf16 v51, v48;
	v51 =	vmul.bf16 v49, v28  }
0x4c8: {  	v43 =	vmul.bf16 v43, v28;
	v45 =	vmul.bf16 v49, v29;
	v49 =	vpack.i.f32.bf16 v50, v50  }
0x4c9: {  	v34 =	vbroadcast v34, $0xF;
	v47 =	vadd.bf16 v51, v47;
	v50 =	vmul.bf16 v49, v30  }
.Ltmp18:
0x4ca: {  	v43 =	vadd.bf16 v43, v44;
	v45 =	vadd.bf16 v45, v48;
	v48 =	vmul.bf16 v49, v31;
	(pc) =	sbr.rel @p0 .LBB2_38-.Ltmp18, $4  }
0x4cb: {  	v42 =	vmul.bf16 v42, v30;
	v34 =	vpack.i.f32.bf16 v34, v34;
	v44 =	vadd.bf16 v50, v47  }
0x4cc: {  	v49 =	vmul.bf16 v34, v33;
	v47 =	vadd.bf16 v48, v45;
	v48 =	vmul.bf16 v34, v32  }
0x4cd: {  	v34 =	vadd.bf16 v42, v43;
	v43 =	vmul.bf16 v41, v32;
	v45 =	vunpack.i.l.bf16.f32 v59  }
0x4ce: {  	s16 =	sadd.s32 $0x20, s16;
	v44 =	vadd.bf16 v48, v44;
	v42 =	vadd.bf16 v49, v47  }
0x4cf: {  	_ = 	snop  }
0x4d0: {  	v41 =	vadd.f32 v46, v45;
	v53 =	vunpack.i.l.bf16.f32 v44  }
0x4d1: {  	v54 =	vunpack.i.u.bf16.f32 v44;
	v35 =	vadd.f32 v35, v53  }
0x4d2: {  	v34 =	vadd.bf16 v43, v34;
	v55 =	vunpack.i.l.bf16.f32 v42;
	[tilespmem:s2+$0x20] =	vst v41;
	v36 =	vadd.f32 v36, v54  }
0x4d3: {  	v56 =	vunpack.i.u.bf16.f32 v42;
	v37 =	vadd.f32 v37, v55;
	[tilespmem:s2+$0xFFFFFFC0] =	vst v35  }
0x4d4: {  	v57 =	vunpack.i.l.bf16.f32 v34;
	v40 =	vadd.f32 v40, v56;
	v34 =	vunpack.i.u.bf16.f32 v34;
	[tilespmem:s2+$0xFFFFFFD0] =	vst v36  }
0x4d5: {  	v34 =	vadd.f32 v39, v34;
	[tilespmem:s2+$0xFFFFFFE0] =	vst v37  }
0x4d6: {  	v35 =	vadd.f32 v38, v57;
	[tilespmem:s2+$0xFFFFFFF0] =	vst v40  }
0x4d7: {  	[tilespmem:s2+$0x10] =	vst v34  }
0x4d8: {  	[tilespmem:s2+$0x0] =	vst v35  }
0x4d9: {  	s0 =	rddreg [dreg:$0x12]  }
0x4da: {  	[hbm4b:s0+s3] =	stream.linear.scatter [tilespmem:s26], [sflag:$0x5], $0x2000, $0x38;
	[tilespmem:$0xF740] =	vst v63  }
0x4db: {  	_ =	swait.ge [sflag:s24], $0x2000  }
0x4dc: {  	[sflag:s24] =	ssyncset.done $0x0  }
0x4dd: {  	[sflag:s24] =	ssyncadd.s32 $0xFFFFE000  }
0x4de: {  	_ =	swait.ge [sflag:s10], $0x800  }
0x4df: {  	[sflag:s10] =	ssyncset.done $0x0  }
0x4e0: {  	[sflag:s10] =	ssyncadd.s32 $0xFFFFF800  }
0x4e1: {  	_ =	swait.ge [sflag:s28], $0x2000  }
0x4e2: {  	[sflag:s28] =	ssyncset.done $0x0  }
0x4e3: {  	s30 =	simm.s32 $0xAC10;
	[sflag:s28] =	ssyncadd.s32 $0xFFFFE000  }
0x4e4: {  	v35 =	vld [tilespmem:s30+$0x0]  }
0x4e5: {  	v34 =	vld [tilespmem:s30+$0xFFFFFFF0];
	_ =	sdelay $0x4  }
0x4e6: {  	v58 =	vbroadcast v35, $0x0;
	v59 =	vbroadcast v34, $0x0  }
0x4e7: {  	v60 =	vbroadcast v34, $0x1;
	v61 =	vbroadcast v34, $0x2  }
0x4e8: {  	v49 =	vbroadcast v35, $0x2;
	v51 =	vbroadcast v35, $0x3  }
0x4e9: {  	v62 =	vbroadcast v35, $0x1;
	v53 =	vbroadcast v35, $0x4;
	v36 =	vpack.i.f32.bf16 v58, v58  }
0x4ea: {  	v43 =	vpack.i.f32.bf16 v49, v49;
	v45 =	vpack.i.f32.bf16 v51, v51;
	v49 =	vbroadcast v35, $0x6  }
0x4eb: {  	v46 =	vpack.i.f32.bf16 v53, v53;
	v51 =	vbroadcast v35, $0x7;
	v58 =	vbroadcast v35, $0x8  }
0x4ec: {  	v39 =	vpack.i.f32.bf16 v61, v61;
	v61 =	vbroadcast v35, $0x9;
	v53 =	vbroadcast v34, $0x4  }
0x4ed: {  	v37 =	vpack.i.f32.bf16 v59, v59;
	v63 =	vmul.bf16 v36, v2;
	v36 =	vmul.bf16 v36, v3  }
0x4ee: {  	v40 =	vpack.i.f32.bf16 v62, v62;
	v48 =	vmul.bf16 v37, v2;
	v37 =	vmul.bf16 v37, v3  }
0x4ef: {  	v38 =	vpack.i.f32.bf16 v60, v60;
	v50 =	vmul.bf16 v40, v5;
	v52 =	vmul.bf16 v43, v7  }
0x4f0: {  	v54 =	vmul.bf16 v45, v9;
	v47 =	vmul.bf16 v38, v4  }
0x4f1: {  	v38 =	vmul.bf16 v38, v5;
	v55 =	vmul.bf16 v46, v11  }
0x4f2: {  	v40 =	vmul.bf16 v40, v4;
	v60 =	vmul.bf16 v39, v6  }
0x4f3: {  	v39 =	vmul.bf16 v39, v7;
	v43 =	vmul.bf16 v43, v6  }
0x4f4: {  	v45 =	vmul.bf16 v45, v8;
	v46 =	vmul.bf16 v46, v10;
	v49 =	vpack.i.f32.bf16 v49, v49  }
0x4f5: {  	v36 =	vadd.bf16 v1, v36;
	v42 =	vadd.bf16 v1, v48;
	v48 =	vbroadcast v35, $0x5  }
0x4f6: {  	v53 =	vpack.i.f32.bf16 v53, v53;
	v37 =	vadd.bf16 v1, v37;
	v41 =	vadd.bf16 v1, v63  }
0x4f7: {  	v57 =	vmul.bf16 v49, v15;
	v36 =	vadd.bf16 v50, v36;
	v48 =	vpack.i.f32.bf16 v48, v48  }
0x4f8: {  	v50 =	vbroadcast v34, $0x3;
	v42 =	vadd.bf16 v47, v42;
	v37 =	vadd.bf16 v38, v37  }
0x4f9: {  	v38 =	vpack.i.f32.bf16 v51, v51;
	v47 =	vpack.i.f32.bf16 v58, v58;
	v36 =	vadd.bf16 v52, v36  }
0x4fa: {  	v51 =	vpack.i.f32.bf16 v61, v61;
	v58 =	vbroadcast v35, $0xC;
	v61 =	vbroadcast v35, $0xD  }
0x4fb: {  	v56 =	vmul.bf16 v48, v13;
	v59 =	vmul.bf16 v38, v17;
	v36 =	vadd.bf16 v54, v36  }
0x4fc: {  	v40 =	vadd.bf16 v40, v41;
	v62 =	vmul.bf16 v47, v19;
	v63 =	vmul.bf16 v51, v21  }
0x4fd: {  	v48 =	vmul.bf16 v48, v12;
	v38 =	vmul.bf16 v38, v16;
	v36 =	vadd.bf16 v55, v36  }
0x4fe: {  	v47 =	vmul.bf16 v47, v18;
	v52 =	vbroadcast v35, $0xA;
	v42 =	vadd.bf16 v60, v42  }
0x4ff: {  	v50 =	vpack.i.f32.bf16 v50, v50;
	v37 =	vadd.bf16 v39, v37;
	v36 =	vadd.bf16 v56, v36  }
0x500: {  	v40 =	vadd.bf16 v43, v40;
	v44 =	vpack.i.f32.bf16 v58, v58;
	v60 =	vmul.bf16 v50, v8  }
0x501: {  	v58 =	vbroadcast v34, $0x6;
	v50 =	vmul.bf16 v50, v9;
	v36 =	vadd.bf16 v57, v36  }
0x502: {  	v54 =	vbroadcast v35, $0xB;
	v40 =	vadd.bf16 v45, v40;
	v42 =	vadd.bf16 v60, v42  }
0x503: {  	v52 =	vpack.i.f32.bf16 v52, v52;
	v37 =	vadd.bf16 v50, v37;
	v36 =	vadd.bf16 v59, v36  }
0x504: {  	v39 =	vpack.i.f32.bf16 v54, v54;
	v54 =	vpack.i.f32.bf16 v61, v61;
	v55 =	vbroadcast v35, $0xE  }
0x505: {  	v35 =	vbroadcast v35, $0xF;
	v61 =	vmul.bf16 v53, v10;
	v36 =	vadd.bf16 v62, v36  }
0x506: {  	v40 =	vadd.bf16 v46, v40;
	v56 =	vbroadcast v34, $0x5;
	v55 =	vpack.i.f32.bf16 v55, v55  }
0x507: {  	v43 =	vpack.i.f32.bf16 v35, v35;
	v57 =	vmul.bf16 v52, v23;
	v36 =	vadd.bf16 v63, v36  }
0x508: {  	v35 =	vadd.bf16 v61, v42;
	v42 =	vpack.i.f32.bf16 v58, v58;
	v58 =	vbroadcast v34, $0x8  }
0x509: {  	v60 =	vmul.bf16 v55, v31;
	v59 =	vmul.bf16 v39, v25;
	v36 =	vadd.bf16 v57, v36  }
0x50a: {  	v40 =	vadd.bf16 v48, v40;
	v50 =	vmul.bf16 v42, v14;
	v62 =	vmul.bf16 v44, v27  }
0x50b: {  	v57 =	vpack.i.f32.bf16 v56, v56;
	v56 =	vmul.bf16 v49, v14;
	v36 =	vadd.bf16 v59, v36  }
0x50c: {  	v42 =	vmul.bf16 v42, v15;
	v49 =	vbroadcast v34, $0xA  }
0x50d: {  	v63 =	vmul.bf16 v54, v29;
	v40 =	vadd.bf16 v56, v40;
	v36 =	vadd.bf16 v62, v36  }
0x50e: {  	v39 =	vmul.bf16 v39, v24;
	v61 =	vmul.bf16 v57, v13;
	v56 =	vpack.i.f32.bf16 v49, v49  }
0x50f: {  	v49 =	vbroadcast v34, $0xD;
	v38 =	vadd.bf16 v38, v40;
	v36 =	vadd.bf16 v63, v36  }
0x510: {  	v62 =	vmul.bf16 v43, v33;
	v63 =	vmul.bf16 v53, v11  }
0x511: {  	s2 =	simm.s32 $0x8440;
	v38 =	vadd.bf16 v47, v38;
	v53 =	vmul.bf16 v51, v20;
	v36 =	vadd.bf16 v60, v36  }
0x512: {  	v45 =	vld [tilespmem:s2+$0x30];
	v59 =	vadd.bf16 v63, v37;
	v60 =	vmul.bf16 v57, v12;
	v63 =	vbroadcast v34, $0x7  }
0x513: {  	v38 =	vadd.bf16 v53, v38;
	v53 =	vpack.i.f32.bf16 v49, v49;
	v41 =	vadd.bf16 v62, v36  }
0x514: {  	v46 =	vmul.bf16 v53, v28;
	v35 =	vadd.bf16 v60, v35;
	v36 =	vadd.bf16 v61, v59  }
0x515: {  	v57 =	vpack.i.f32.bf16 v63, v63;
	v60 =	vpack.i.f32.bf16 v58, v58;
	v58 =	vmul.bf16 v56, v22  }
0x516: {  	v59 =	vmul.bf16 v57, v16;
	v62 =	vunpack.i.u.bf16.f32 v41;
	v35 =	vadd.bf16 v50, v35  }
0x517: {  	v37 =	vmul.bf16 v57, v17;
	v45 =	vadd.f32 v45, v62;
	v62 =	vbroadcast v34, $0x9  }
0x518: {  	v61 =	vmul.bf16 v60, v18;
	v36 =	vadd.bf16 v42, v36;
	v35 =	vadd.bf16 v59, v35  }
0x519: {  	v63 =	vmul.bf16 v60, v19;
	v57 =	vbroadcast v34, $0xB;
	v48 =	vpack.i.f32.bf16 v62, v62  }
0x51a: {  	v36 =	vadd.bf16 v37, v36;
	v35 =	vadd.bf16 v61, v35;
	v50 =	vmul.bf16 v48, v20  }
0x51b: {  	v60 =	vmul.bf16 v52, v22;
	v52 =	vmul.bf16 v44, v26  }
0x51c: {  	v36 =	vadd.bf16 v63, v36;
	v40 =	vmul.bf16 v48, v21;
	v35 =	vadd.bf16 v50, v35  }
0x51d: {  	v37 =	vmul.bf16 v56, v23;
	v59 =	vpack.i.f32.bf16 v57, v57;
	v62 =	vbroadcast v34, $0xC  }
0x51e: {  	v61 =	vmul.bf16 v59, v24;
	v36 =	vadd.bf16 v40, v36;
	v35 =	vadd.bf16 v58, v35  }
0x51f: {  	v38 =	vadd.bf16 v60, v38;
	v63 =	vmul.bf16 v59, v25;
	v48 =	vpack.i.f32.bf16 v62, v62  }
0x520: {  	v50 =	vmul.bf16 v48, v26;
	v36 =	vadd.bf16 v37, v36;
	v35 =	vadd.bf16 v61, v35  }
0x521: {  	v56 =	vbroadcast v34, $0xE;
	v57 =	vmul.bf16 v53, v29;
	v38 =	vadd.bf16 v39, v38  }
0x522: {  	v51 =	vmul.bf16 v48, v27;
	v36 =	vadd.bf16 v63, v36;
	v37 =	vadd.bf16 v50, v35  }
0x523: {  	v59 =	vmul.bf16 v54, v28;
	v38 =	vadd.bf16 v52, v38;
	v58 =	vpack.i.f32.bf16 v56, v56  }
0x524: {  	v39 =	vld [tilespmem:s2+$0x10];
	v60 =	vmul.bf16 v58, v30;
	v40 =	vadd.bf16 v51, v36;
	v46 =	vadd.bf16 v46, v37  }
0x525: {  	v34 =	vbroadcast v34, $0xF;
	v44 =	vadd.bf16 v59, v38;
	v38 =	vld [tilespmem:s2+$0x0]  }
0x526: {  	v42 =	vmul.bf16 v58, v31;
	v40 =	vadd.bf16 v57, v40;
	v47 =	vadd.bf16 v60, v46;
	v46 =	vld [tilespmem:s2+$0x20]  }
0x527: {  	v34 =	vpack.i.f32.bf16 v34, v34;
	v61 =	vmul.bf16 v55, v30;
	v35 =	vld [tilespmem:s2+$0xFFFFFFC0]  }
0x528: {  	v62 =	vmul.bf16 v34, v32;
	v63 =	vmul.bf16 v34, v33;
	v36 =	vld [tilespmem:s2+$0xFFFFFFD0];
	v42 =	vadd.bf16 v42, v40  }
0x529: {  	v43 =	vmul.bf16 v43, v32;
	v34 =	vadd.bf16 v61, v44;
	v37 =	vld [tilespmem:s2+$0xFFFFFFE0]  }
0x52a: {  	s15 =	simm.s32 $0x0;
	s16 =	simm.s32 $0xAC30;
	[tilespmem:s2+$0x30] =	vst v45;
	v45 =	vunpack.i.l.bf16.f32 v41;
	v40 =	vld [tilespmem:s2+$0xFFFFFFF0];
	v44 =	vadd.bf16 v62, v47;
	v42 =	vadd.bf16 v63, v42  }
.LBB2_40:
0x52b: {  	v41 =	vld [tilespmem:s16+$0x0];
	s15 =	sadd.s32 $0x2, s15;
	v43 =	vadd.bf16 v43, v34;
	v45 =	vadd.f32 v46, v45  }
0x52c: {  	v34 =	vld [tilespmem:s16+$0xFFFFFFF0];
	p0 =	slt.u32 s15, $0x7E;
	v46 =	vunpack.i.u.bf16.f32 v44;
	v44 =	vunpack.i.l.bf16.f32 v44;
	v47 =	vunpack.i.u.bf16.f32 v42  }
0x52d: {  	v42 =	vunpack.i.l.bf16.f32 v42;
	v48 =	vunpack.i.u.bf16.f32 v43;
	v43 =	vunpack.i.l.bf16.f32 v43;
	[tilespmem:s2+$0x20] =	vst v45  }
0x52e: {  	v35 =	vadd.f32 v35, v44;
	v36 =	vadd.f32 v36, v46  }
0x52f: {  	v37 =	vadd.f32 v37, v42;
	v40 =	vadd.f32 v40, v47  }
0x530: {  	v42 =	vbroadcast v41, $0x0;
	[tilespmem:s2+$0xFFFFFFC0] =	vst v35;
	v35 =	vadd.f32 v38, v43;
	v38 =	vadd.f32 v39, v48  }
0x531: {  	v39 =	vbroadcast v34, $0x0;
	v43 =	vbroadcast v34, $0x1;
	[tilespmem:s2+$0xFFFFFFD0] =	vst v36  }
0x532: {  	v44 =	vbroadcast v41, $0x1;
	v36 =	vbroadcast v34, $0x2;
	v42 =	vpack.i.f32.bf16 v42, v42;
	[tilespmem:s2+$0xFFFFFFE0] =	vst v37  }
0x533: {  	v37 =	vpack.i.f32.bf16 v39, v39;
	v39 =	vmul.bf16 v42, v2;
	v42 =	vmul.bf16 v42, v3;
	[tilespmem:s2+$0xFFFFFFF0] =	vst v40  }
0x534: {  	v45 =	vbroadcast v41, $0x2;
	v44 =	vpack.i.f32.bf16 v44, v44;
	v40 =	vmul.bf16 v37, v2;
	[tilespmem:s2+$0x0] =	vst v35  }
0x535: {  	v35 =	vmul.bf16 v37, v3;
	v37 =	vadd.bf16 v1, v42;
	v42 =	vmul.bf16 v44, v5;
	[tilespmem:s2+$0x10] =	vst v38  }
0x536: {  	v38 =	vpack.i.f32.bf16 v43, v43;
	v43 =	vpack.i.f32.bf16 v45, v45;
	v45 =	vbroadcast v41, $0x3  }
0x537: {  	v40 =	vadd.bf16 v1, v40;
	v37 =	vadd.bf16 v42, v37;
	v42 =	vmul.bf16 v43, v7  }
0x538: {  	v35 =	vadd.bf16 v1, v35;
	v46 =	vpack.i.f32.bf16 v45, v45;
	v45 =	vbroadcast v41, $0x4  }
0x539: {  	v39 =	vadd.bf16 v1, v39;
	v37 =	vadd.bf16 v42, v37;
	v42 =	vmul.bf16 v46, v9  }
0x53a: {  	v47 =	vmul.bf16 v38, v4;
	v48 =	vpack.i.f32.bf16 v45, v45;
	v45 =	vbroadcast v41, $0x5  }
0x53b: {  	v38 =	vmul.bf16 v38, v5;
	v37 =	vadd.bf16 v42, v37;
	v42 =	vmul.bf16 v48, v11  }
0x53c: {  	v44 =	vmul.bf16 v44, v4;
	v49 =	vpack.i.f32.bf16 v45, v45;
	v45 =	vbroadcast v41, $0x6  }
0x53d: {  	v36 =	vpack.i.f32.bf16 v36, v36;
	v37 =	vadd.bf16 v42, v37;
	v42 =	vmul.bf16 v49, v13  }
0x53e: {  	v50 =	vbroadcast v34, $0x3;
	v51 =	vpack.i.f32.bf16 v45, v45;
	v45 =	vbroadcast v41, $0x7  }
0x53f: {  	v40 =	vadd.bf16 v47, v40;
	v37 =	vadd.bf16 v42, v37;
	v42 =	vmul.bf16 v51, v15  }
0x540: {  	v35 =	vadd.bf16 v38, v35;
	v38 =	vbroadcast v41, $0x8;
	v47 =	vpack.i.f32.bf16 v45, v45  }
0x541: {  	v39 =	vadd.bf16 v44, v39;
	v37 =	vadd.bf16 v42, v37;
	v42 =	vmul.bf16 v47, v17  }
0x542: {  	v44 =	vmul.bf16 v36, v6;
	v52 =	vpack.i.f32.bf16 v38, v38;
	v38 =	vbroadcast v41, $0x9  }
0x543: {  	v36 =	vmul.bf16 v36, v7;
	v37 =	vadd.bf16 v42, v37;
	v42 =	vmul.bf16 v52, v19  }
0x544: {  	v43 =	vmul.bf16 v43, v6;
	v53 =	vpack.i.f32.bf16 v38, v38;
	v38 =	vbroadcast v41, $0xA  }
0x545: {  	v50 =	vpack.i.f32.bf16 v50, v50;
	v37 =	vadd.bf16 v42, v37;
	v42 =	vmul.bf16 v53, v21  }
0x546: {  	v54 =	vbroadcast v34, $0x4;
	v55 =	vpack.i.f32.bf16 v38, v38;
	v38 =	vbroadcast v41, $0xB  }
0x547: {  	v40 =	vadd.bf16 v44, v40;
	v37 =	vadd.bf16 v42, v37;
	v42 =	vmul.bf16 v55, v23  }
0x548: {  	v35 =	vadd.bf16 v36, v35;
	v36 =	vbroadcast v41, $0xC;
	v44 =	vpack.i.f32.bf16 v38, v38  }
0x549: {  	v38 =	vadd.bf16 v43, v39;
	v39 =	vmul.bf16 v44, v25;
	v37 =	vadd.bf16 v42, v37  }
0x54a: {  	v56 =	vmul.bf16 v50, v8;
	v45 =	vpack.i.f32.bf16 v36, v36;
	v36 =	vbroadcast v41, $0xD  }
0x54b: {  	v50 =	vmul.bf16 v50, v9;
	v37 =	vadd.bf16 v39, v37;
	v39 =	vmul.bf16 v45, v27  }
0x54c: {  	v46 =	vmul.bf16 v46, v8;
	v43 =	vpack.i.f32.bf16 v36, v36;
	v36 =	vbroadcast v41, $0xE  }
0x54d: {  	v54 =	vpack.i.f32.bf16 v54, v54;
	v37 =	vadd.bf16 v39, v37;
	v39 =	vmul.bf16 v43, v29  }
0x54e: {  	v57 =	vbroadcast v34, $0x5;
	v42 =	vpack.i.f32.bf16 v36, v36;
	v36 =	vbroadcast v41, $0xF  }
0x54f: {  	v40 =	vadd.bf16 v56, v40;
	v37 =	vadd.bf16 v39, v37;
	v39 =	vmul.bf16 v42, v31  }
0x550: {  	s2 =	sadd.s32 $0x80, s2;
	v50 =	vadd.bf16 v50, v35;
	v38 =	vadd.bf16 v46, v38;
	v41 =	vpack.i.f32.bf16 v36, v36  }
0x551: {  	v36 =	vmul.bf16 v54, v10;
	v37 =	vadd.bf16 v39, v37;
	v39 =	vmul.bf16 v41, v33;
	v46 =	vld [tilespmem:s2+$0x30]  }
0x552: {  	v48 =	vmul.bf16 v48, v10;
	v56 =	vpack.i.f32.bf16 v57, v57;
	v54 =	vmul.bf16 v54, v11;
	v35 =	vld [tilespmem:s2+$0xFFFFFFC0]  }
0x553: {  	v58 =	vbroadcast v34, $0x6;
	v57 =	vadd.bf16 v36, v40;
	v36 =	vld [tilespmem:s2+$0xFFFFFFD0];
	v59 =	vadd.bf16 v39, v37  }
0x554: {  	v48 =	vadd.bf16 v48, v38;
	v39 =	vadd.bf16 v54, v50;
	v50 =	vmul.bf16 v56, v12;
	v37 =	vld [tilespmem:s2+$0xFFFFFFE0]  }
0x555: {  	v49 =	vmul.bf16 v49, v12;
	v54 =	vmul.bf16 v56, v13;
	v40 =	vld [tilespmem:s2+$0xFFFFFFF0];
	v56 =	vunpack.i.u.bf16.f32 v59  }
0x556: {  	v60 =	vbroadcast v34, $0x7;
	v58 =	vpack.i.f32.bf16 v58, v58;
	v38 =	vld [tilespmem:s2+$0x0];
	v56 =	vadd.f32 v46, v56  }
0x557: {  	v50 =	vadd.bf16 v50, v57;
	v54 =	vadd.bf16 v54, v39;
	v57 =	vmul.bf16 v58, v14;
	v39 =	vld [tilespmem:s2+$0x10]  }
0x558: {  	v48 =	vadd.bf16 v49, v48;
	v49 =	vmul.bf16 v51, v14;
	v58 =	vmul.bf16 v58, v15;
	v46 =	vld [tilespmem:s2+$0x20];
	[tilespmem:s2+$0x30] =	vst v56  }
0x559: {  	v51 =	vpack.i.f32.bf16 v60, v60;
	v50 =	vadd.bf16 v57, v50;
	v56 =	vbroadcast v34, $0x8  }
0x55a: {  	v48 =	vadd.bf16 v49, v48;
	v54 =	vadd.bf16 v58, v54;
	v57 =	vmul.bf16 v51, v16  }
0x55b: {  	v47 =	vmul.bf16 v47, v16;
	v49 =	vmul.bf16 v51, v17;
	v51 =	vpack.i.f32.bf16 v56, v56  }
0x55c: {  	v50 =	vadd.bf16 v57, v50;
	v57 =	vbroadcast v34, $0x9;
	v56 =	vmul.bf16 v51, v18  }
0x55d: {  	v47 =	vadd.bf16 v47, v48;
	v49 =	vadd.bf16 v49, v54;
	v51 =	vmul.bf16 v51, v19  }
0x55e: {  	v52 =	vmul.bf16 v52, v18;
	v54 =	vbroadcast v34, $0xA;
	v48 =	vpack.i.f32.bf16 v57, v57  }
0x55f: {  	v50 =	vadd.bf16 v56, v50;
	v49 =	vadd.bf16 v51, v49;
	v51 =	vmul.bf16 v48, v20  }
0x560: {  	v47 =	vadd.bf16 v52, v47;
	v52 =	vmul.bf16 v53, v20;
	v48 =	vmul.bf16 v48, v21  }
0x561: {  	v53 =	vbroadcast v34, $0xB;
	v50 =	vadd.bf16 v51, v50;
	v51 =	vpack.i.f32.bf16 v54, v54  }
0x562: {  	v47 =	vadd.bf16 v52, v47;
	v48 =	vadd.bf16 v48, v49;
	v49 =	vmul.bf16 v51, v22  }
0x563: {  	v52 =	vpack.i.f32.bf16 v53, v53;
	v53 =	vmul.bf16 v55, v22;
	v51 =	vmul.bf16 v51, v23  }
0x564: {  	v54 =	vbroadcast v34, $0xC;
	v49 =	vadd.bf16 v49, v50;
	v50 =	vmul.bf16 v52, v24  }
0x565: {  	v47 =	vadd.bf16 v53, v47;
	v48 =	vadd.bf16 v51, v48;
	v51 =	vmul.bf16 v52, v25  }
0x566: {  	v44 =	vmul.bf16 v44, v24;
	v53 =	vbroadcast v34, $0xD;
	v52 =	vpack.i.f32.bf16 v54, v54  }
0x567: {  	v49 =	vadd.bf16 v50, v49;
	v48 =	vadd.bf16 v51, v48;
	v50 =	vmul.bf16 v52, v26  }
0x568: {  	v45 =	vmul.bf16 v45, v26;
	v44 =	vadd.bf16 v44, v47;
	v51 =	vmul.bf16 v52, v27  }
0x569: {  	v47 =	vadd.bf16 v50, v49;
	v49 =	vpack.i.f32.bf16 v53, v53;
	v50 =	vbroadcast v34, $0xE  }
0x56a: {  	v44 =	vadd.bf16 v45, v44;
	v48 =	vadd.bf16 v51, v48;
	v51 =	vmul.bf16 v49, v28  }
0x56b: {  	v43 =	vmul.bf16 v43, v28;
	v45 =	vmul.bf16 v49, v29;
	v49 =	vpack.i.f32.bf16 v50, v50  }
0x56c: {  	v34 =	vbroadcast v34, $0xF;
	v47 =	vadd.bf16 v51, v47;
	v50 =	vmul.bf16 v49, v30  }
.Ltmp19:
0x56d: {  	v43 =	vadd.bf16 v43, v44;
	v45 =	vadd.bf16 v45, v48;
	v48 =	vmul.bf16 v49, v31;
	(pc) =	sbr.rel @p0 .LBB2_40-.Ltmp19, $4  }
0x56e: {  	v42 =	vmul.bf16 v42, v30;
	v34 =	vpack.i.f32.bf16 v34, v34;
	v44 =	vadd.bf16 v50, v47  }
0x56f: {  	v49 =	vmul.bf16 v34, v33;
	v47 =	vadd.bf16 v48, v45;
	v48 =	vmul.bf16 v34, v32  }
0x570: {  	v34 =	vadd.bf16 v42, v43;
	v43 =	vmul.bf16 v41, v32;
	v45 =	vunpack.i.l.bf16.f32 v59  }
0x571: {  	s16 =	sadd.s32 $0x20, s16;
	v44 =	vadd.bf16 v48, v44;
	v42 =	vadd.bf16 v49, v47  }
0x572: {  	_ = 	snop  }
0x573: {  	v2 =	vadd.f32 v46, v45;
	v3 =	vunpack.i.l.bf16.f32 v44  }
0x574: {  	v4 =	vunpack.i.u.bf16.f32 v44;
	v3 =	vadd.f32 v35, v3  }
0x575: {  	v5 =	vadd.bf16 v43, v34;
	v6 =	vunpack.i.l.bf16.f32 v42;
	[tilespmem:s2+$0x20] =	vst v2;
	v2 =	vadd.f32 v36, v4  }
0x576: {  	v63 =	vunpack.i.u.bf16.f32 v42;
	v6 =	vadd.f32 v37, v6;
	[tilespmem:s2+$0xFFFFFFC0] =	vst v3  }
0x577: {  	v4 =	vadd.f32 v40, v63;
	v3 =	vunpack.i.l.bf16.f32 v5;
	[tilespmem:s2+$0xFFFFFFD0] =	vst v2  }
0x578: {  	v2 =	vunpack.i.u.bf16.f32 v5;
	[tilespmem:s2+$0xFFFFFFE0] =	vst v6;
	v3 =	vadd.f32 v38, v3  }
0x579: {  	[tilespmem:s2+$0xFFFFFFF0] =	vst v4;
	v2 =	vadd.f32 v39, v2  }
0x57a: {  	[tilespmem:s2+$0x0] =	vst v3  }
0x57b: {  	[tilespmem:s2+$0x10] =	vst v2  }
0x57c: {  	s0 =	rddreg [dreg:$0x13]  }
0x57d: {  	[hbm4b:s0+s3] =	stream.linear.scatter [tilespmem:s29], [sflag:$0x6], $0x2000, $0x38;
	[tilespmem:$0xF740] =	vst v63  }
0x57e: {  	_ =	swait.ge [sflag:s13], $0x2000  }
0x57f: {  	[sflag:s13] =	ssyncset.done $0x0  }
0x580: {  	[sflag:s13] =	ssyncadd.s32 $0xFFFFE000  }
0x581: {  	_ =	swait.ge [sflag:s28], $0x2000  }
0x582: {  	s26 =	rddreg [dreg:$0x18]  }
0x583: {  	s30 =	rddreg [dreg:$0x14];
	s2 =	sadd.s32 $0x1, s26  }
0x584: {  	p0 =	sne.s32 s2, s30  }
.Ltmp20:
0x585: {  	_ = 	snop;
	(pc) =	sbr.rel @p0 .LBB2_1-.Ltmp20, $3  }
0x586: {  	_ =	sdelay $0x1  }
0x587: {  	[sflag:s28] =	ssyncset.done $0x0  }
0x588: {  	[sflag:s28] =	ssyncadd.s32 $0xFFFFE000  }
0x589: {  	_ =	sfence.sel $0x180000  }
0x58a: {  	[bflag:$0x0] =	sbarrier.arrive $0xFFFF  }
0x58b: {  	_ =	strace $0x9000004A  }
0x58c: {  	s0 =	stileid.u32;
	[bflag:$0x2] =	sbarrier.arrive $0xFFFF  }
0x58d: {  	p0 =	sne.s32 s0, $0x0;
	s0 =	rddreg [dreg:$0x2]  }
0x58e: {  	s0 =	sadd.s32 @!p0 $0x100000, s0  }
0x58f: {  	[sflag:s0] =	ssyncadd.tile.s32 @!p0 $0x1;
	_ =	shalt  }
.Lfunc_end2:
_tile_overlayer_lowered:
.L_overlay_start_2:
0x590: {  	(tag) =	ssettag $0x2  }
0x591: {  	s0 =	rddreg [dreg:$0x0];
	s2 =	stileid.u32  }
0x592: {  	s1 =	rddreg [dreg:$0x1];
	p0 =	sne.s32 s2, $0x0  }
0x593: {  	s3 =	rddreg [dreg:$0x2];
	[bflag:$0x3] =	sbarrier.arrive $0xFFFF;
	s2 =	simm.s32 @!p0 $0x1C0B  }
0x594: {  	[timem:s3], [sflag:s2] =	dma.local @!p0 [hbm:s0], s1  }
0x595: {  	s0 =	simm.s32 @!p0 $0xB  }
0x596: {  	_ =	swait.ge @!p0 [sflag:s0], s1  }
0x597: {  	s1 =	ssub.s32 @!p0 $0x0, s1;
	[sflag:s0] =	ssyncset.done @!p0 $0x0  }
0x598: {  	[sflag:s0] =	ssyncadd.s32 @!p0 s1  }
0x599: {  	[bflag:$0x3] =	sbarrier.arrive $0xFFFF  }
0x59a: {  	_ =	shalt  }

// kernel: sparse-core-data-format-call.1.cloned.1.call-start
scs
called_computation.1_lowered:
.L_overlay_start_0:
0x0: {  	s1 =	sld [smem:$0x3FD9]  }
0x1: {  	s2 =	sld [smem:$0x3FFE];
	_ =	sdelay $0x1  }
0x2: {  	s3 =	srdreg.scid  }
0x3: {  	s0 =	sand.u32 $0x1, s3  }
0x4: {  	s17 =	sshll.u32 s0, $0xA;
	s1 =	sadd.s32 s2, s1  }
0x5: {  	s1 =	sadd.s32 s1, s17  }
0x6: {  	[smem:$0x3FC4] =	sst s1  }
0x7: {  	_ = 	snop  }
0x8: {  	(tm) =	ssettm $0x1  }
0x9: {  	s18 =	sld [smem:$0x3FFB];
	_ =	sdelay $0x3  }
0xa: {  	_ =	strace s18  }
0xb: {  	s1 =	sld [smem:$0x3FFC];
	_ =	sdelay $0x3  }
0xc: {  	_ =	strace s1  }
0xd: {  	s1 =	sld [smem:$0x3FFD];
	_ =	sdelay $0x3  }
0xe: {  	_ =	strace s1  }
0xf: {  	_ =	strace $0x8FFFFFFF  }
0x10: {  	s19 =	sld [smem:$0x3FDB];
	_ =	sdelay $0x1  }
0x11: {  	s20 =	simm.s32 $_scs_section_size  }
0x12: {  	s4 =	simm.s32 $_size__tile_overlayer_lowered;
	s5 =	simm.s32 $_tile_overlayer_lowered  }
0x13: {  	s23 =	simm.s32 $0x1BFF;
	s22 =	sshll.u32 s5, $0x1;
	s1 =	sadd.s32 s20, s19  }
0x14: {  	s6 =	simm.s32 $0x0;
	s21 =	sshll.u32 s4, $0x1;
	s4 =	sadd.s32 s22, s1  }
0x15: {  	[timem:s6], [sflag:s23] =	dma.local [hbm:s4], s21  }
0x16: {  	_ =	swait.ge [sflag:s23], s21  }
0x17: {  	s2 =	ssub.s32 $0x0, s21;
	[sflag:s23] =	ssyncset.done $0x0  }
0x18: {  	[sflag:s23] =	ssyncadd.s32 s2;
	_ =	sdelay $0x1  }
0x19: {  	s24 =	simm.s32 $0x1B8B  }
0x1a: {  	_ =	swait.ge [sflag:s24], $0x1  }
0x1b: {  	[sflag:s24] =	ssyncset.done $0x0  }
0x1c: {  	s26 =	simm.s32 $0x1B8E;
	s25 =	sld [smem:$0x3FFE];
	[sflag:s24] =	ssyncadd.s32 $0xFFFFFFFF  }
0x1d: {  	s27 =	simm.s32 $execute0_lowered;
	[smem:$0x3FD2] =	sst s26  }
0x1e: {  	s4 =	sshll.u32 s27, $0x1;
	_ =	strace $0x80000046;
	[dreg:$0x1] =	wrdreg $0xFFFFFFFF  }
0x1f: {  	s28 =	simm.s32 $_size_execute0_lowered;
	s1 =	sadd.s32 s1, s4;
	[dreg:$0x0] =	wrdreg $0x0  }
0x20: {  	s4 =	sshll.u32 s28, $0x1;
	[dreg:$0x2] =	wrdreg s1  }
0x21: {  	[dreg:$0x3] =	wrdreg s4  }
0x22: {  	[dreg:$0x4] =	wrdreg $0xC0  }
0x23: {  	_ =	task [dreg:s6], $0x5FFFF  }
0x24: {  	[dreg:$0x1] =	wrdreg $0xFFFFFFFF  }
0x25: {  	[dreg:$0x0] =	wrdreg $0x60  }
0x26: {  	[dreg:$0x2] =	wrdreg s25  }
0x27: {  	[dreg:$0x3] =	wrdreg $0x9  }
0x28: {  	_ =	task.clear_ibuf [dreg:s6], $0x4FFFF;
	_ =	strace $0x90000046  }
0x29: {  	s29 =	simm.s32 $0x9;
	_ =	strace $0x80000048  }
0x2a: {  	_ =	swait.ge [sflag:s29], $0x1  }
0x2b: {  	[sflag:s29] =	ssyncadd.s32 $0xFFFFFFFF  }
0x2c: {  	_ =	strace $0x90000048  }
0x2d: {  	_ =	sfence  }
0x2e: {  	s30 =	sld [smem:$0x0];
	_ =	sdelay $0x2  }
0x2f: {  	s31 =	sshll.u32 s3, $0xD;
	s3 =	sshrl.u32 s3, $0x2  }
0x30: {  	s2 =	sand.u32 $0x4000, s31;
	s1 =	sadd.s32 s3, s30  }
0x31: {  	s0 =	sor.u32 s2, s0;
	s1 =	sshll.u32 s1, $0x11  }
0x32: {  	s0 =	sor.u32 s1, s0  }
0x33: {  	s0 =	sadd.s32 $0x8F2B, s0  }
0x34: {  	[sflag:s0] =	ssyncadd.remote.s32 $0x1  }
0x35: {  	_ =	sfence.sel $0xFFFF  }
0x36: {  	[dreg:$0x0] =	wrdreg $0xFFFFFFFF;
	(pc) =	sbr.abs _section_cstart, $3  }
0x37: {  	[dreg:$0x1] =	wrdreg $0xFFFFFFFF  }
0x38: {  	_ =	task.clear_ibuf [dreg:s6], $0x2FFFF;
	_ =	strace $0x9FFFFFFF  }
0x39: {  	(tm) =	ssettm $0x7FFFFFFF  }
tec
execute0_lowered:
.L_overlay_start_1:
0x0: {  	(tag) =	ssettag $0x1  }
0x1: {  	s0 =	srdreg.scid  }
0x2: {  	s1 =	sshll.u32 s0, $0x4  }
0x3: {  	s4 =	rddreg [dreg:$0x0];
	s0 =	stileid.u32;
	s1 =	sand.u32 $0x10, s1  }
0x4: {  	s7 =	simm.s32 $0x1;
	s8 =	simm.s32 $0x2;
	s1 =	sor.u32 s0, s1  }
0x5: {  	s9 =	simm.s32 $0x0;
	s12 =	simm.s32 $0x0;
	s2 =	sshll.u32 s1, $0x3  }
0x6: {  	s11 =	simm.s32 $0x0;
	s3 =	sadd.s32 $0x1400, s4;
	s6 =	ssub.s32 $0x1F40, s2  }
.Ltmp0:
0x7: {  	s4 =	sadd.s32 $0x1F5400, s4;
	s5 =	sand.u32 $0xF8, s6;
	(pc) =	sbr.rel .LBB1_1-.Ltmp0, $4  }
0x8: {  	s1 =	rddreg [dreg:$0x1];
	_ =	strace $0x80000047;
	p0 =	sne.s32 s5, $0x0  }
0x9: {  	s6 =	sshrl.u32 s6, $0x8;
	s5 =	simm.s32 $0x1;
	s7 =	simm.s32 @!p0 $0x0  }
0xa: {  	s10 =	smov.u32 s2;
	[sflag:s5] =	ssyncpa.u1 $0x0;
	s6 =	sadd.s32 s7, s6  }
0xb: {  	[sflag:s8] =	ssyncpa.u1 $0x0;
	s8 =	simm.s32 $0x0;
	s7 =	sadd.s32 $0x1, s6  }
.LBB1_9:
0xc: {  	s14 =	sadd.s32 $0x100, s10  }
0xd: {  	p1 =	sgt.s32 s14, $0x1F3F  }
0xe: {  	s14 =	smov.u32 @p1 s2;
	p1 =	sne.s32 s11, s7  }
.Ltmp1:
0xf: {  	p0 =	slt.u32 s11, $0x2;
	(pc) =	sbr.rel @!p1 .LBB1_10-.Ltmp1, $4  }
0x10: {  	s13 =	simm.s32 @!p0 $0x2  }
0x11: {  	s15 =	sadd.s32 $0x1, s11;
	_ =	swait.ge @!p0 [sflag:s13], $0x4000  }
0x12: {  	s12 =	smov.u32 s10;
	s9 =	sadd.s32 $0x4000, s9;
	[sflag:s13] =	ssyncset.done @!p0 $0x0  }
0x13: {  	s11 =	smov.u32 s15;
	s10 =	smov.u32 s14;
	[sflag:s13] =	ssyncadd.s32 @!p0 $0xFFFFC000  }
.LBB1_1:
0x14: {  	p0 =	sge.u32 s11, s6  }
0x15: {  	s13 =	sxor.u32 @!p0 $0xFFFFFFFF, s11  }
0x16: {  	s31 =	sadd.s32 $0xFFFFFFFF, s11;
	s14 =	sshll.u32 @!p0 s10, $0x8;
	s13 =	sshll.u32 @!p0 s13, $0xE  }
0x17: {  	s15 =	simm.s32 @!p0 $0x0;
	s14 =	sadd.s32 @!p0 s3, s14;
	s13 =	sand.u32 @!p0 $0x4000, s13  }
0x18: {  	[tilespmem:s13], [sflag:$0x1] =	stream.linear.gather @!p0 [hbm4b:s14+s15], $0x4000, $0x38;
	[tilespmem:$0x10000] =	vst v63  }
0x19: {  	p0 =	sge.u32 s31, s6  }
.Ltmp2:
0x1a: {  	_ = 	snop;
	(pc) =	sbr.rel @p0 .LBB1_9-.Ltmp2, $1  }
0x1b: {  	_ =	sdelay $0x3  }
0x1c: {  	s13 =	sshll.u32 s9, $0x2;
	_ =	swait.ge [sflag:s5], $0x4000;
	s14 =	sshll.u32 s11, $0xE  }
0x1d: {  	s16 =	simm.s32 $0x0;
	s17 =	simm.s32 $0x0;
	s15 =	sand.u32 $0x10000, s13  }
0x1e: {  	[sflag:s5] =	ssyncset.done $0x0;
	s31 =	sand.u32 $0x4000, s14;
	s14 =	sshrl.u32 s15, $0x2  }
0x1f: {  	[sflag:s5] =	ssyncadd.s32 $0xFFFFC000;
	s13 =	sor.u32 $0x8000, s31;
	s15 =	sor.u32 $0x8000, s14  }
.LBB1_3:
0x20: {  	s18 =	sshra.s32 s16, $0x2  }
0x21: {  	v0 =	vmov s18;
	_ =	sdelay $0x3  }
0x22: {  	p1 =	por $0x1, $0x1;
	s18 =	simm.s32 $0x0  }
.LBB1_4:
0x23: {  	_ = 	snop  }
0x24: {  	s19 =	sshll.u32 s18, $0xA  }
0x25: {  	s19 =	sand.u32 $0x3FFFFC00, s19  }
0x26: {  	s19 =	sadd.s32 s19, s14  }
0x27: {  	v5 =	vld.idx.msk [tilespmem:v0+s19+$0x70 ss:$0x1], $0xffff  }
0x28: {  	v6 =	vld.idx.msk [tilespmem:v0+s19+$0x10 ss:$0x1], $0xffff  }
0x29: {  	v7 =	vld.idx.msk [tilespmem:v0+s19+$0x20 ss:$0x1], $0xffff  }
0x2a: {  	s31 =	sshll.u32 s18, $0x7;
	v1 =	vld.idx.msk [tilespmem:v0+s19+$0x30 ss:$0x1], $0xffff  }
0x2b: {  	s18 =	sand.u32 $0x3FFFFF80, s31;
	v2 =	vld.idx.msk [tilespmem:v0+s19+$0x40 ss:$0x1], $0xffff  }
0x2c: {  	s18 =	sadd.s32 s18, s15;
	v3 =	vld.idx.msk [tilespmem:v0+s19+$0x50 ss:$0x1], $0xffff  }
0x2d: {  	v4 =	vld.idx.msk [tilespmem:v0+s19+$0x60 ss:$0x1], $0xffff;
	[tilespmem:v0+s18+$0x70 ss:$0x1] =	vst.idx.msk $0xffff, v5  }
0x2e: {  	v5 =	vld.idx.msk [tilespmem:v0+s19+$0x0 ss:$0x1], $0xffff;
	[tilespmem:v0+s18+$0x10 ss:$0x1] =	vst.idx.msk $0xffff, v6;
	s19 =	sadd.s32 $0x80, s19  }
0x2f: {  	p0 =	por p1, p1;
	s20 =	simm.s32 $0x6;
	[tilespmem:v0+s18+$0x20 ss:$0x1] =	vst.idx.msk $0xffff, v7;
	v6 =	vld.idx.msk [tilespmem:v0+s19+$0x70 ss:$0x1], $0xffff  }
.LBB1_5:
0x30: {  	p1 =	sne.s32 s20, $0x1;
	v7 =	vld.idx.msk [tilespmem:v0+s19+$0x10 ss:$0x1], $0xffff;
	[tilespmem:v0+s18+$0x30 ss:$0x1] =	vst.idx.msk $0xffff, v1  }
0x31: {  	v8 =	vld.idx.msk [tilespmem:v0+s19+$0x20 ss:$0x1], $0xffff;
	[tilespmem:v0+s18+$0x40 ss:$0x1] =	vst.idx.msk $0xffff, v2  }
0x32: {  	v1 =	vld.idx.msk [tilespmem:v0+s19+$0x30 ss:$0x1], $0xffff;
	[tilespmem:v0+s18+$0x50 ss:$0x1] =	vst.idx.msk $0xffff, v3  }
.Ltmp3:
0x33: {  	v2 =	vld.idx.msk [tilespmem:v0+s19+$0x40 ss:$0x1], $0xffff;
	[tilespmem:v0+s18+$0x60 ss:$0x1] =	vst.idx.msk $0xffff, v4;
	(pc) =	sbr.rel @p1 .LBB1_5-.Ltmp3, $4  }
0x34: {  	v3 =	vld.idx.msk [tilespmem:v0+s19+$0x50 ss:$0x1], $0xffff;
	[tilespmem:v0+s18+$0x0 ss:$0x1] =	vst.idx.msk $0xffff, v5;
	s18 =	sadd.s32 $0x100, s18  }
0x35: {  	v4 =	vld.idx.msk [tilespmem:v0+s19+$0x60 ss:$0x1], $0xffff;
	[tilespmem:v0+s18+$0x70 ss:$0x1] =	vst.idx.msk $0xffff, v6  }
0x36: {  	v5 =	vld.idx.msk [tilespmem:v0+s19+$0x0 ss:$0x1], $0xffff;
	[tilespmem:v0+s18+$0x10 ss:$0x1] =	vst.idx.msk $0xffff, v7;
	s19 =	sadd.s32 $0x80, s19  }
0x37: {  	s20 =	sadd.s32 $0xFFFFFFFF, s20;
	v6 =	vld.idx.msk [tilespmem:v0+s19+$0x70 ss:$0x1], $0xffff;
	[tilespmem:v0+s18+$0x20 ss:$0x1] =	vst.idx.msk $0xffff, v8  }
0x38: {  	_ =	sdelay $0x3  }
0x39: {  	[tilespmem:v0+s18+$0x30 ss:$0x1] =	vst.idx.msk $0xffff, v1  }
0x3a: {  	v1 =	vld.idx.msk [tilespmem:v0+s19+$0x10 ss:$0x1], $0xffff;
	[tilespmem:v0+s18+$0x40 ss:$0x1] =	vst.idx.msk $0xffff, v2  }
0x3b: {  	v2 =	vld.idx.msk [tilespmem:v0+s19+$0x20 ss:$0x1], $0xffff;
	[tilespmem:v0+s18+$0x50 ss:$0x1] =	vst.idx.msk $0xffff, v3  }
0x3c: {  	v61 =	vld.idx.msk [tilespmem:v0+s19+$0x40 ss:$0x1], $0xffff;
	[tilespmem:v0+s18+$0x60 ss:$0x1] =	vst.idx.msk $0xffff, v4  }
0x3d: {  	s31 =	sadd.s32 $0x100, s18;
	v62 =	vld.idx.msk [tilespmem:v0+s19+$0x50 ss:$0x1], $0xffff;
	[tilespmem:v0+s18+$0x0 ss:$0x1] =	vst.idx.msk $0xffff, v5  }
0x3e: {  	v63 =	vld.idx.msk [tilespmem:v0+s19+$0x60 ss:$0x1], $0xffff;
	[tilespmem:v0+s31+$0x70 ss:$0x1] =	vst.idx.msk $0xffff, v6  }
0x3f: {  	v3 =	vld.idx.msk [tilespmem:v0+s19+$0x30 ss:$0x1], $0xffff;
	[tilespmem:v0+s31+$0x10 ss:$0x1] =	vst.idx.msk $0xffff, v1  }
0x40: {  	v1 =	vld.idx.msk [tilespmem:v0+s19+$0x0 ss:$0x1], $0xffff;
	[tilespmem:v0+s31+$0x20 ss:$0x1] =	vst.idx.msk $0xffff, v2  }
.Ltmp4:
0x41: {  	[tilespmem:v0+s31+$0x40 ss:$0x1] =	vst.idx.msk $0xffff, v61;
	(pc) =	sbr.rel @p0 .LBB1_4-.Ltmp4, $4  }
0x42: {  	[tilespmem:v0+s31+$0x50 ss:$0x1] =	vst.idx.msk $0xffff, v62  }
0x43: {  	[tilespmem:v0+s31+$0x60 ss:$0x1] =	vst.idx.msk $0xffff, v63  }
0x44: {  	[tilespmem:v0+s31+$0x30 ss:$0x1] =	vst.idx.msk $0xffff, v3  }
0x45: {  	p1 =	por $0x0, $0x0;
	s18 =	simm.s32 $0x1;
	[tilespmem:v0+s31+$0x0 ss:$0x1] =	vst.idx.msk $0xffff, v1  }
0x46: {  	s17 =	sadd.s32 $0x1, s17  }
0x47: {  	p0 =	sne.s32 s17, $0x8  }
.Ltmp5:
0x48: {  	_ = 	snop;
	(pc) =	sbr.rel @p0 .LBB1_3-.Ltmp5, $2  }
0x49: {  	_ =	sdelay $0x2  }
0x4a: {  	s16 =	sadd.s32 $0x2000, s16  }
.Ltmp6:
0x4b: {  	(pc) =	sbr.rel .LBB1_9-.Ltmp6, $4  }
0x4c: {  	_ = 	snop  }
0x4d: {  	s12 =	sshll.u32 s12, $0x8  }
0x4e: {  	s12 =	sadd.s32 s4, s12  }
0x4f: {  	[hbm4b:s12+s8] =	stream.linear.scatter [tilespmem:s13], [sflag:$0x2], $0x4000, $0x38;
	[tilespmem:$0x10000] =	vst v63  }
.LBB1_10:
0x50: {  	_ =	sfence.sel $0x180000  }
0x51: {  	s2 =	simm.s32 $0x1;
	[bflag:$0x0] =	sbarrier.arrive $0xFFFF  }
0x52: {  	s31 =	simm.s32 $0x2;
	[sflag:s2] =	ssyncpa.u1 $0x1  }
0x53: {  	[sflag:s31] =	ssyncpa.u1 $0x1  }
0x54: {  	p0 =	sne.s32 s0, $0x0;
	_ =	strace $0x90000047  }
0x55: {  	s0 =	sadd.s32 @!p0 $0x100000, s1;
	[bflag:$0x2] =	sbarrier.arrive $0xFFFF  }
0x56: {  	[sflag:s0] =	ssyncadd.tile.s32 @!p0 $0x1;
	_ =	shalt  }
.Lfunc_end1:
_tile_overlayer_lowered:
.L_overlay_start_2:
0x57: {  	(tag) =	ssettag $0x2  }
0x58: {  	s0 =	rddreg [dreg:$0x0];
	s2 =	stileid.u32  }
0x59: {  	s1 =	rddreg [dreg:$0x1];
	p0 =	sne.s32 s2, $0x0  }
0x5a: {  	s3 =	rddreg [dreg:$0x2];
	[bflag:$0x3] =	sbarrier.arrive $0xFFFF;
	s2 =	simm.s32 @!p0 $0x1C01  }
0x5b: {  	[timem:s3], [sflag:s2] =	dma.local @!p0 [hbm:s0], s1  }
0x5c: {  	s0 =	simm.s32 @!p0 $0x1  }
0x5d: {  	_ =	swait.ge @!p0 [sflag:s0], s1  }
0x5e: {  	s1 =	ssub.s32 @!p0 $0x0, s1;
	[sflag:s0] =	ssyncset.done @!p0 $0x0  }
0x5f: {  	[sflag:s0] =	ssyncadd.s32 @!p0 s1  }
0x60: {  	[bflag:$0x3] =	sbarrier.arrive $0xFFFF  }
0x61: {  	_ =	shalt  }

// kernel: sparse-core-data-format-call.cloned.1.call-start
scs
called_computation_lowered:
.L_overlay_start_0:
0x0: {  	s2 =	sld [smem:$0x3FD9]  }
0x1: {  	s3 =	sld [smem:$0x3FFE];
	_ =	sdelay $0x1  }
0x2: {  	s1 =	srdreg.scid  }
0x3: {  	s0 =	sand.u32 $0x1, s1  }
0x4: {  	s18 =	sshll.u32 s0, $0xA;
	s2 =	sadd.s32 s3, s2  }
0x5: {  	s2 =	sadd.s32 s2, s18  }
0x6: {  	[smem:$0x3FC4] =	sst s2  }
0x7: {  	_ = 	snop  }
0x8: {  	s2 =	sld [smem:$0x3FD0];
	(tm) =	ssettm $0x1  }
0x9: {  	s19 =	sld [smem:$0x3FFB];
	_ =	sdelay $0x3  }
0xa: {  	_ =	strace s19  }
0xb: {  	s3 =	sld [smem:$0x3FFC];
	_ =	sdelay $0x3  }
0xc: {  	_ =	strace s3  }
0xd: {  	s3 =	sld [smem:$0x3FFD];
	_ =	sdelay $0x3  }
0xe: {  	_ =	strace s3  }
0xf: {  	_ =	strace $0x8FFFFFFF  }
0x10: {  	s20 =	sld [smem:$0x3FDB];
	_ =	sdelay $0x1  }
0x11: {  	s4 =	simm.s32 $_scs_section_size  }
0x12: {  	s5 =	simm.s32 $_size__tile_overlayer_lowered;
	s6 =	simm.s32 $_tile_overlayer_lowered  }
0x13: {  	s23 =	simm.s32 $0x1BFF;
	s22 =	sshll.u32 s6, $0x1;
	s3 =	sadd.s32 s4, s20  }
0x14: {  	s7 =	simm.s32 $0x0;
	s21 =	sshll.u32 s5, $0x1;
	s5 =	sadd.s32 s22, s3  }
0x15: {  	[timem:s7], [sflag:s23] =	dma.local [hbm:s5], s21  }
0x16: {  	_ =	swait.ge [sflag:s23], s21  }
0x17: {  	s4 =	ssub.s32 $0x0, s21;
	[sflag:s23] =	ssyncset.done $0x0  }
0x18: {  	[sflag:s23] =	ssyncadd.s32 s4;
	_ =	sdelay $0x1  }
0x19: {  	s24 =	simm.s32 $0x1B8B  }
0x1a: {  	_ =	swait.ge [sflag:s24], $0x1  }
0x1b: {  	[sflag:s24] =	ssyncset.done $0x0  }
0x1c: {  	s26 =	simm.s32 $0x1B8E;
	s25 =	sld [smem:$0x3FFE];
	[sflag:s24] =	ssyncadd.s32 $0xFFFFFFFF  }
0x1d: {  	s27 =	simm.s32 $execute0_lowered;
	[smem:$0x3FD2] =	sst s26  }
0x1e: {  	s5 =	sshll.u32 s27, $0x1;
	_ =	strace $0x8000004C;
	[dreg:$0x1] =	wrdreg $0xFFFFFFFF  }
0x1f: {  	s28 =	simm.s32 $_size_execute0_lowered;
	s3 =	sadd.s32 s3, s5;
	[dreg:$0x0] =	wrdreg $0x0  }
0x20: {  	s5 =	sshll.u32 s28, $0x1;
	[dreg:$0x2] =	wrdreg s3  }
0x21: {  	[dreg:$0x3] =	wrdreg s5  }
0x22: {  	[dreg:$0x4] =	wrdreg $0xC0  }
0x23: {  	_ =	task [dreg:s7], $0x5FFFF  }
0x24: {  	[dreg:$0x1] =	wrdreg $0xFFFFFFFF  }
0x25: {  	[dreg:$0x0] =	wrdreg $0x60  }
0x26: {  	[dreg:$0x2] =	wrdreg s25  }
0x27: {  	[dreg:$0x3] =	wrdreg s2  }
0x28: {  	[dreg:$0x4] =	wrdreg $0x9  }
0x29: {  	_ =	task.clear_ibuf [dreg:s7], $0x5FFFF;
	_ =	strace $0x9000004C  }
0x2a: {  	s29 =	simm.s32 $0x9;
	_ =	strace $0x8000004E  }
0x2b: {  	_ =	swait.ge [sflag:s29], $0x1  }
0x2c: {  	[sflag:s29] =	ssyncadd.s32 $0xFFFFFFFF  }
0x2d: {  	_ =	strace $0x9000004E  }
0x2e: {  	_ =	sfence  }
0x2f: {  	s30 =	sld [smem:$0x0];
	_ =	sdelay $0x2  }
0x30: {  	s31 =	sshll.u32 s1, $0xD;
	s1 =	sshrl.u32 s1, $0x2  }
0x31: {  	s3 =	sand.u32 $0x4000, s31;
	s1 =	sadd.s32 s1, s30  }
0x32: {  	s0 =	sor.u32 s3, s0;
	s1 =	sshll.u32 s1, $0x11  }
0x33: {  	s0 =	sor.u32 s1, s0  }
0x34: {  	s0 =	sadd.s32 $0x8F2B, s0  }
0x35: {  	[sflag:s0] =	ssyncadd.remote.s32 $0x1  }
0x36: {  	_ =	sfence.sel $0xFFFF  }
0x37: {  	[dreg:$0x0] =	wrdreg $0xFFFFFFFF;
	(pc) =	sbr.abs _section_cstart, $3  }
0x38: {  	[dreg:$0x1] =	wrdreg $0xFFFFFFFF  }
0x39: {  	_ =	task.clear_ibuf [dreg:s7], $0x2FFFF;
	_ =	strace $0x9FFFFFFF  }
0x3a: {  	(tm) =	ssettm $0x7FFFFFFF  }
0x3b: {  	_ =	shalt  }
tec
execute0_lowered:
.L_overlay_start_1:
0x0: {  	(tag) =	ssettag $0x1  }
0x1: {  	s0 =	srdreg.scid  }
0x2: {  	s1 =	sshll.u32 s0, $0x4  }
0x3: {  	s0 =	stileid.u32;
	s1 =	sand.u32 $0x10, s1  }
0x4: {  	s1 =	sor.u32 s0, s1  }
0x5: {  	s6 =	rddreg [dreg:$0x0];
	s4 =	simm.s32 $0x1;
	s2 =	sshll.u32 s1, $0x7  }
0x6: {  	s7 =	simm.s32 $0x2;
	s12 =	simm.s32 $0x0;
	s1 =	ssub.s32 $0x4000, s2  }
0x7: {  	s8 =	simm.s32 $0x20000;
	s13 =	simm.s32 $0x0;
	s3 =	sand.u32 $0xF80, s1  }
0x8: {  	s9 =	simm.s32 $0x0;
	s5 =	sshrl.u32 s1, $0xC;
	p0 =	sne.s32 s3, $0x0  }
.Ltmp0:
0x9: {  	s1 =	rddreg [dreg:$0x2];
	s4 =	simm.s32 @!p0 $0x0;
	(pc) =	sbr.rel .LBB1_1-.Ltmp0, $4  }
0xa: {  	s11 =	simm.s32 $0x0;
	s3 =	rddreg [dreg:$0x1];
	s5 =	sadd.s32 s4, s5  }
0xb: {  	_ =	strace $0x8000004D;
	s4 =	simm.s32 $0x1;
	s5 =	smul.u32 $0x32, s5  }
0xc: {  	s6 =	sadd.s32 $0x1400, s6;
	s10 =	smov.u32 s2;
	[sflag:s4] =	ssyncpa.u1 $0x0  }
0xd: {  	p0 =	por $0x0, $0x0;
	[sflag:s7] =	ssyncpa.u1 $0x0;
	s7 =	sor.u32 $0x1, s5  }
.LBB1_4:
0xe: {  	s16 =	sshll.u32 s13, $0x3;
	s17 =	sand.u32 $0x78, s13  }
0xf: {  	s30 =	sand.u32 $0x1F800, s13;
	s12 =	sshll.u32 s12, $0x11;
	s16 =	sand.u32 $0x3C00, s16  }
0x10: {  	[tilespmem:s15+$0x810 ss:$0x81] =	vst.msk $0xffff, v2;
	s31 =	sand.u32 $0x7, s13;
	s16 =	sor.u32 s17, s16;
	s17 =	sadd.s32 s3, s30  }
0x11: {  	[tilespmem:s15+$0x1020 ss:$0x81] =	vst.msk $0xffff, v0;
	s13 =	sshll.u32 s31, $0x12;
	s12 =	sadd.s32 s12, s17;
	s16 =	sshrl.u32 s16, $0x3  }
0x12: {  	[tilespmem:s15+$0x0 ss:$0x81] =	vst.msk $0xffff, v1;
	s13 =	sor.u32 $0x400, s13;
	s12 =	sadd.s32 s16, s12  }
0x13: {  	[hbm4b:s12+s13] =	stream.strided.scatter [tilespmem:s14], [sflag:$0x2], $0x2000, s8, s13, $0x20;
	[tilespmem:$0x8080] =	vst v63  }
.LBB1_5:
0x14: {  	s14 =	sadd.s32 $0x1, s9  }
0x15: {  	s12 =	sadd.s32 $0x1000, s10;
	s16 =	smov.u32 s10;
	p2 =	sgt.s32 s14, $0x31  }
0x16: {  	s16 =	smov.u32 @p2 s12  }
0x17: {  	s14 =	simm.s32 @p2 $0x0;
	p2 =	sgt.s32 s16, $0x3FFF  }
0x18: {  	s16 =	smov.u32 @p2 s2;
	p2 =	sne.s32 s11, s7  }
.Ltmp1:
0x19: {  	p1 =	slt.u32 s11, $0x2;
	(pc) =	sbr.rel @!p2 .LBB1_6-.Ltmp1, $4  }
0x1a: {  	s15 =	simm.s32 @!p1 $0x2  }
0x1b: {  	s13 =	smov.u32 s10;
	p0 =	por !p0, !p0;
	_ =	swait.ge @!p1 [sflag:s15], $0x2000  }
0x1c: {  	s12 =	smov.u32 s9;
	[sflag:s15] =	ssyncset.done @!p1 $0x0;
	s9 =	smov.u32 s14  }
0x1d: {  	s11 =	sadd.s32 $0x1, s11;
	[sflag:s15] =	ssyncadd.s32 @!p1 $0xFFFFE000;
	s10 =	smov.u32 s16  }
.LBB1_1:
0x1e: {  	p1 =	sge.u32 s11, s5  }
0x1f: {  	s14 =	sand.u32 @!p1 $0x1FFFFFF, s9  }
0x20: {  	s15 =	smulhi.u32 @!p1 $0x4924925, s14;
	_ =	sdelay $0x1  }
0x21: {  	s15 =	smul.u32 @!p1 $0x38, s15  }
0x22: {  	s16 =	sxor.u32 @!p1 $0xFFFFFFFF, s11;
	s17 =	smul.u32 @!p1 $0x380, s10  }
0x23: {  	s31 =	sadd.s32 $0xFFFFFFFF, s11;
	s16 =	sshll.u32 @!p1 s16, $0xD;
	s14 =	ssub.s32 @!p1 s14, s15  }
0x24: {  	s15 =	sand.u32 @!p1 $0x2000, s16;
	s16 =	sadd.s32 @!p1 s6, s17;
	s14 =	sshll.u32 @!p1 s14, $0x4  }
0x25: {  	s17 =	simm.s32 @!p1 $0x1C00;
	s14 =	sadd.s32 @!p1 s14, s16;
	s16 =	simm.s32 @!p1 $0x40  }
0x26: {  	[tilespmem:s15], [sflag:$0x1] =	stream.strided.gather @!p1 [hbm4b:s14+s16], $0x2000, s17, s16, $0x38;
	[tilespmem:$0x8080] =	vst v63  }
0x27: {  	p1 =	sge.u32 s31, s5  }
.Ltmp2:
0x28: {  	_ = 	snop;
	(pc) =	sbr.rel @p1 .LBB1_5-.Ltmp2, $1  }
0x29: {  	_ =	sdelay $0x3  }
0x2a: {  	s14 =	simm.s32 $0x1  }
0x2b: {  	_ =	swait.ge [sflag:s4], $0x2000;
	s14 =	simm.s32 @!p0 $0x0  }
0x2c: {  	[sflag:s4] =	ssyncset.done $0x0;
	s15 =	sshll.u32 s14, $0xD  }
0x2d: {  	[sflag:s4] =	ssyncadd.s32 $0xFFFFE000;
	s18 =	sor.u32 $0x20, s15  }
0x2e: {  	s14 =	smul.u32 $0x8100, s14;
	v3 =	vld [tilespmem:s18+$0x10]  }
0x2f: {  	s30 =	sand.u32 $0x1, s11;
	v2 =	vld [tilespmem:s18+$0xFFFFFFF0]  }
0x30: {  	s15 =	smul.u32 $0x8100, s30;
	s14 =	sshrl.u32 s14, $0x2;
	v0 =	vld [tilespmem:s18+$0x0]  }
0x31: {  	v1 =	vld [tilespmem:s18+$0xFFFFFFE0];
	s16 =	sor.u32 $0x4000, s14  }
0x32: {  	s31 =	sshrl.u32 s15, $0x2;
	s15 =	sadd.s32 $0x0, s16  }
0x33: {  	s17 =	simm.s32 $0x4;
	s18 =	sadd.s32 $0x40, s18;
	s14 =	sor.u32 $0x4000, s31;
	[tilespmem:s15+$0x1830 ss:$0x81] =	vst.msk $0xffff, v3  }
.LBB1_3:
0x34: {  	v3 =	vld [tilespmem:s18+$0x10];
	p1 =	sne.s32 s17, $0x1FC;
	[tilespmem:s15+$0x810 ss:$0x81] =	vst.msk $0xffff, v2;
	s19 =	smov.u32 s17;
	s17 =	sadd.s32 $0x4, s17  }
.Ltmp3:
0x35: {  	v2 =	vld [tilespmem:s18+$0xFFFFFFF0];
	[tilespmem:s15+$0x1020 ss:$0x81] =	vst.msk $0xffff, v0;
	(pc) =	sbr.rel @p1 .LBB1_3-.Ltmp3, $4  }
0x36: {  	v0 =	vld [tilespmem:s18+$0x0];
	[tilespmem:s15+$0x0 ss:$0x81] =	vst.msk $0xffff, v1  }
0x37: {  	s15 =	sshra.s32 s19, $0x2;
	v1 =	vld [tilespmem:s18+$0xFFFFFFE0]  }
0x38: {  	s15 =	sadd.s32 s15, s16  }
0x39: {  	s18 =	sadd.s32 $0x40, s18;
	[tilespmem:s15+$0x1830 ss:$0x81] =	vst.msk $0xffff, v3  }
.Ltmp4:
0x3a: {  	_ = 	snop;
	(pc) =	sbr.rel .LBB1_4-.Ltmp4, $1  }
0x3b: {  	_ =	sdelay $0x3  }
.LBB1_6:
0x3c: {  	_ =	sfence.sel $0x180000  }
0x3d: {  	s2 =	simm.s32 $0x1;
	[bflag:$0x0] =	sbarrier.arrive $0xFFFF  }
0x3e: {  	s31 =	simm.s32 $0x2;
	[sflag:s2] =	ssyncpa.u1 $0x1  }
0x3f: {  	[sflag:s31] =	ssyncpa.u1 $0x1  }
0x40: {  	p0 =	sne.s32 s0, $0x0;
	_ =	strace $0x9000004D  }
0x41: {  	s0 =	sadd.s32 @!p0 $0x100000, s1;
	[bflag:$0x2] =	sbarrier.arrive $0xFFFF  }
0x42: {  	[sflag:s0] =	ssyncadd.tile.s32 @!p0 $0x1;
	_ =	shalt  }
.Lfunc_end1:
_tile_overlayer_lowered:
.L_overlay_start_2:
0x43: {  	(tag) =	ssettag $0x2  }
0x44: {  	s0 =	rddreg [dreg:$0x0];
	s2 =	stileid.u32  }
0x45: {  	s1 =	rddreg [dreg:$0x1];
	p0 =	sne.s32 s2, $0x0  }
0x46: {  	s3 =	rddreg [dreg:$0x2];
	[bflag:$0x3] =	sbarrier.arrive $0xFFFF;
	s2 =	simm.s32 @!p0 $0x1C01  }
0x47: {  	[timem:s3], [sflag:s2] =	dma.local @!p0 [hbm:s0], s1  }
0x48: {  	s0 =	simm.s32 @!p0 $0x1  }
0x49: {  	_ =	swait.ge @!p0 [sflag:s0], s1  }
0x4a: {  	s1 =	ssub.s32 @!p0 $0x0, s1;
	[sflag:s0] =	ssyncset.done @!p0 $0x0  }
0x4b: {  	[sflag:s0] =	ssyncadd.s32 @!p0 s1  }
0x4c: {  	[bflag:$0x3] =	sbarrier.arrive $0xFFFF  }
0x4d: {  	_ =	shalt  }

</sc_bundles>
